<compile_context>
chip_gen: v7x
topology: tpu7x:2x2x1
jax: 0.10.2.dev20260603
libtpu: 0.0.44.dev20260713+nightly
codegen_flags: <defaults>
</compile_context>

<pallas_src>
import functools

import jax
import jax.numpy as jnp
from jax import lax
from jax.experimental import pallas as pl
from jax.experimental.pallas import tpu as pltpu
from jax.experimental.pallas import tpu_sc as plsc

ROWS = 32768
COLS = 64
L = 16

RG = 8
NGRP = COLS // RG
KCH = 4
C_CHUNK = ROWS // KCH
NVREG = C_CHUNK // L

_mesh = plsc.VectorSubcoreMesh(core_axis_name="c", subcore_axis_name="s",
                               num_cores=2, num_subcores=16)
_params = pltpu.CompilerParams(use_tc_tiling_on_sc=True,
                               needs_layout_passes=False)

_GDN = lax.GatherDimensionNumbers(
    offset_dims=(), collapsed_slice_dims=(0,), start_index_map=(0,))


def _bcast_last(y):
    idx = jnp.full((L, 1), L - 1, jnp.int32)
    return lax.gather(y, idx, _GDN, (1,),
                      mode=lax.GatherScatterMode.PROMISE_IN_BOUNDS)


NPAN = 8
C_PAN = C_CHUNK // NPAN
NV_PAN = C_PAN // L


def _sc_body(x_hbm, out_hbm, buf, tv, at_buf, shared, in_sems, out_sems):
    c = lax.axis_index("c")
    s = lax.axis_index("s")
    g_local = s // KCH
    k = s % KCH
    r0 = (c * (NGRP // 2) + g_local) * RG
    c0 = k * C_CHUNK

    in_copies = []
    for p in range(NPAN):
        cp = pltpu.make_async_copy(
            x_hbm.at[pl.ds(r0, RG), pl.ds(c0 + p * C_PAN, C_PAN)],
            buf.at[:, pl.ds(p * C_PAN, C_PAN)],
            in_sems.at[p])
        cp.start()
        in_copies.append(cp)

    zero = jnp.zeros((L,), jnp.float32)
    tot = (zero,) * RG
    with jax.named_scope("passA"):
        for p in range(NPAN):
            in_copies[p].wait()

            def body_a(j, accs):
                return tuple(accs[r] + buf[r, pl.ds(p * C_PAN + j * L, L)]
                             for r in range(RG))

            tot = lax.fori_loop(0, NV_PAN, body_a, tot)

    with jax.named_scope("exchange"):
        for r in range(RG):
            tv[r, pl.ds(0, L)] = jnp.full((L,), jnp.sum(tot[r]), jnp.float32)

        pltpu.sync_copy(tv, shared.at[s])
        plsc.subcore_barrier()
        pltpu.sync_copy(shared.at[pl.ds(g_local * KCH, KCH - 1)], at_buf)

        offs = [jnp.full((L,), -1.0, jnp.float32) for _ in range(RG)]
        for kp in range(KCH - 1):
            m = (kp < k).astype(jnp.float32)
            for r in range(RG):
                offs[r] = offs[r] + at_buf[kp, r, pl.ds(0, L)] * m

    carrys = tuple(offs)
    out_copies = []
    with jax.named_scope("passB"):
        for p in range(NPAN):

            def body_b(j, cs):
                new = []
                for r in range(RG):
                    x = buf[r, pl.ds(p * C_PAN + j * L, L)]
                    y = plsc.cumsum(x) + cs[r]
                    buf[r, pl.ds(p * C_PAN + j * L, L)] = y
                    new.append(_bcast_last(y))
                return tuple(new)

            carrys = lax.fori_loop(0, NV_PAN, body_b, carrys)
            cp = pltpu.make_async_copy(
                buf.at[:, pl.ds(p * C_PAN, C_PAN)],
                out_hbm.at[pl.ds(r0, RG), pl.ds(c0 + p * C_PAN, C_PAN)],
                out_sems.at[p])
            cp.start()
            out_copies.append(cp)

    with jax.named_scope("drain"):
        for cp in out_copies:
            cp.wait()


def _build(interpret=False):
    return pl.kernel(
        _sc_body,
        out_type=jax.ShapeDtypeStruct((COLS, ROWS), jnp.float32),
        mesh=_mesh,
        scratch_types=[
            pltpu.VMEM((RG, C_CHUNK), jnp.float32),
            pltpu.VMEM((RG, 128), jnp.float32),
            pltpu.VMEM((KCH - 1, RG, 128), jnp.float32),
            pltpu.MemorySpace.VMEM_SHARED((16, RG, 128), jnp.float32),
            pltpu.SemaphoreType.DMA((NPAN,)),
            pltpu.SemaphoreType.DMA((NPAN,)),
        ],
        compiler_params=_params,
        interpret=interpret,
    )


_sc_cumsum_t = _build()


def kernel(mask_i):
    return _sc_cumsum_t(mask_i.T).T

# --- scband reference (transcript-rebuilt; emitter-appended) ---
"""Pipeline reference for scband-sanity01-cumsum-only-64278480552067 (READ-ONLY COPY).

The authoritative reference and input builder live on the scoring server;
editing this copy changes nothing except your own understanding.
"""

import jax, jax.numpy as jnp
import numpy as np


def setup_inputs(seed: int = 0) -> dict:
    key = jax.random.key(seed)
    mask_i = jax.random.uniform(key, (32768, 64), dtype=jnp.float32)
    return {"mask_i": mask_i}


def reference(mask_i):
    # torch.cumsum(mask_i, 0) - 1, then cast to float
    return (jnp.cumsum(mask_i, axis=0) - 1).astype(jnp.float32)

if __name__ == "__main__":
    import jax
    _d = setup_inputs()
    print(jax.jit(kernel)(*tuple(_d.values())))

</pallas_src>

<mosaic_0001>
#map = affine_map<(d0, d1) -> (0, 0)>
module attributes {stable_mosaic.version = 14 : i64} {
  func.func @_sc_body(%arg0: i32, %arg1: i32, %arg2: memref<64x32768xf32, #tpu.memory_space<hbm>>, %arg3: memref<64x32768xf32, #tpu.memory_space<hbm>>, %arg4: memref<8x8192xf32, #tpu.memory_space<vmem>>, %arg5: memref<8x128xf32, #tpu.memory_space<vmem>>, %arg6: memref<3x8x128xf32, #tpu.memory_space<vmem>>, %arg7: memref<16x8x128xf32, #tpu.memory_space<vmem_shared>>, %arg8: memref<8x!tpu.dma_semaphore, #tpu.memory_space<semaphore_mem>>, %arg9: memref<8x!tpu.dma_semaphore, #tpu.memory_space<semaphore_mem>>) attributes {dimension_semantics = [#tpu.dimension_semantics<core_parallel>, #tpu.dimension_semantics<subcore_parallel>], iteration_bounds = array<i64: 2, 16>, scalar_prefetch = 0 : i64, scratch_operands = 6 : i64, tpu.core_type = #tpu.core_type<sc_vector_subcore>, window_params = [{transform_indices = #map}, {transform_indices = #map}]} {
    %jit3A = arith.constant 4 : i32
    %div3A = arith.divsi %arg1, %jit3A : i32
    %sign3A = arith.constant 0 : i32
    %sign3A_0 = arith.cmpi sgt, %arg1, %sign3A : i32
    %sign3A_1 = arith.extui %sign3A_0 : i1 to i32
    %sign3A_2 = arith.constant 0 : i32
    %sign3A_3 = arith.cmpi slt, %arg1, %sign3A_2 : i32
    %sign3A_4 = arith.extui %sign3A_3 : i1 to i32
    %sign3A_5 = arith.subi %sign3A_1, %sign3A_4 : i32
    %sign3A_6 = arith.constant 0 : i32
    %sign3A_7 = arith.cmpi sgt, %jit3A, %sign3A_6 : i32
    %sign3A_8 = arith.extui %sign3A_7 : i1 to i32
    %sign3A_9 = arith.constant 0 : i32
    %sign3A_10 = arith.cmpi slt, %jit3A, %sign3A_9 : i32
    %sign3A_11 = arith.extui %sign3A_10 : i1 to i32
    %sign3A_12 = arith.subi %sign3A_8, %sign3A_11 : i32
    %ne3A = arith.cmpi ne, %sign3A_5, %sign3A_12 : i32
    %rem3A = arith.remsi %arg1, %jit3A : i32
    %ne3A_13 = arith.constant 0 : i32
    %ne3A_14 = arith.cmpi ne, %rem3A, %ne3A_13 : i32
    %and3A = arith.andi %ne3A, %ne3A_14 : i1
    %sub3A = arith.constant 1 : i32
    %sub3A_15 = arith.subi %div3A, %sub3A : i32
    %select_n3A = arith.select %and3A, %sub3A_15, %div3A : i32
    %jit3A_16 = arith.constant 4 : i32
    %eq3A = arith.constant 0 : i32
    %eq3A_17 = arith.cmpi eq, %jit3A_16, %eq3A : i32
    %jit3A_18 = arith.constant 1 : i32
    %select_n3A_19 = arith.select %eq3A_17, %jit3A_18, %jit3A_16 : i32
    %rem3A_20 = arith.remsi %arg1, %select_n3A_19 : i32
    %ne3A_21 = arith.constant 0 : i32
    %ne3A_22 = arith.cmpi ne, %rem3A_20, %ne3A_21 : i32
    %lt3A = arith.constant 0 : i32
    %lt3A_23 = arith.cmpi slt, %rem3A_20, %lt3A : i32
    %lt3A_24 = arith.constant 0 : i32
    %lt3A_25 = arith.cmpi slt, %select_n3A_19, %lt3A_24 : i32
    %ne3A_26 = arith.xori %lt3A_23, %lt3A_25 : i1
    %and3A_27 = arith.andi %ne3A_26, %ne3A_22 : i1
    %add3A = arith.addi %rem3A_20, %select_n3A_19 : i32
    %select_n3A_28 = arith.select %and3A_27, %add3A, %rem3A_20 : i32
    %mul3A = arith.constant 4 : i32
    %mul3A_29 = arith.muli %arg0, %mul3A : i32
    %add3A_30 = arith.addi %mul3A_29, %select_n3A : i32
    %mul3A_31 = arith.constant 8 : i32
    %mul3A_32 = arith.muli %add3A_30, %mul3A_31 : i32
    %mul3A_33 = arith.constant 8192 : i32
    %mul3A_34 = arith.muli %select_n3A_28, %mul3A_33 : i32
    %add3A_35 = arith.constant 0 : i32
    %add3A_36 = arith.addi %mul3A_34, %add3A_35 : i32
    %dma_start3A = arith.constant 0 : i32
    %dma_start3A_37 = arith.constant 0 : i32
    %dma_start3A_38 = arith.constant 0 : i32
    %dma_start3A_39 = tpu.memref_slice %arg4[%dma_start3A_37, %dma_start3A_38] : memref<8x8192xf32, #tpu.memory_space<vmem>> -> memref<8x1024xf32, #tpu.memory_space<vmem>>
    %dma_start3A_40 = tpu.memref_slice %arg2[%mul3A_32, %add3A_36] : memref<64x32768xf32, #tpu.memory_space<hbm>> -> memref<8x1024xf32, #tpu.memory_space<hbm>>
    %dma_start3A_41 = tpu.memref_slice %arg8[%dma_start3A] : memref<8x!tpu.dma_semaphore, #tpu.memory_space<semaphore_mem>> -> memref<1x!tpu.dma_semaphore, #tpu.memory_space<semaphore_mem>>
    %dma_start3A_42 = tpu.memref_squeeze %dma_start3A_41 : memref<1x!tpu.dma_semaphore, #tpu.memory_space<semaphore_mem>> -> memref<!tpu.dma_semaphore, #tpu.memory_space<semaphore_mem>>
    %dma_start3A_43 = arith.constant 0 : i32
    %dma_start3A_44 = arith.constant 0 : i32
    %dma_start3A_45 = tpu.memref_slice %arg4[%dma_start3A_43, %dma_start3A_44] : memref<8x8192xf32, #tpu.memory_space<vmem>> -> memref<8x1024xf32, #tpu.memory_space<vmem>>
    %dma_start3A_46 = tpu.memref_slice %arg2[%mul3A_32, %add3A_36] : memref<64x32768xf32, #tpu.memory_space<hbm>> -> memref<8x1024xf32, #tpu.memory_space<hbm>>
    tpu.enqueue_dma source(%dma_start3A_46 : memref<8x1024xf32, #tpu.memory_space<hbm>>) target(%dma_start3A_45 : memref<8x1024xf32, #tpu.memory_space<vmem>>) target_semaphore(%dma_start3A_42 : memref<!tpu.dma_semaphore, #tpu.memory_space<semaphore_mem>>)
    %add3A_47 = arith.constant 1024 : i32
    %add3A_48 = arith.addi %mul3A_34, %add3A_47 : i32
    %dma_start3A_49 = arith.constant 1 : i32
    %dma_start3A_50 = arith.constant 0 : i32
    %dma_start3A_51 = arith.constant 1024 : i32
    %dma_start3A_52 = tpu.memref_slice %arg4[%dma_start3A_50, %dma_start3A_51] : memref<8x8192xf32, #tpu.memory_space<vmem>> -> memref<8x1024xf32, #tpu.memory_space<vmem>>
    %dma_start3A_53 = tpu.memref_slice %arg2[%mul3A_32, %add3A_48] : memref<64x32768xf32, #tpu.memory_space<hbm>> -> memref<8x1024xf32, #tpu.memory_space<hbm>>
    %dma_start3A_54 = tpu.memref_slice %arg8[%dma_start3A_49] : memref<8x!tpu.dma_semaphore, #tpu.memory_space<semaphore_mem>> -> memref<1x!tpu.dma_semaphore, #tpu.memory_space<semaphore_mem>>
    %dma_start3A_55 = tpu.memref_squeeze %dma_start3A_54 : memref<1x!tpu.dma_semaphore, #tpu.memory_space<semaphore_mem>> -> memref<!tpu.dma_semaphore, #tpu.memory_space<semaphore_mem>>
    %dma_start3A_56 = arith.constant 0 : i32
    %dma_start3A_57 = arith.constant 1024 : i32
    %dma_start3A_58 = tpu.memref_slice %arg4[%dma_start3A_56, %dma_start3A_57] : memref<8x8192xf32, #tpu.memory_space<vmem>> -> memref<8x1024xf32, #tpu.memory_space<vmem>>
    %dma_start3A_59 = tpu.memref_slice %arg2[%mul3A_32, %add3A_48] : memref<64x32768xf32, #tpu.memory_space<hbm>> -> memref<8x1024xf32, #tpu.memory_space<hbm>>
    tpu.enqueue_dma source(%dma_start3A_59 : memref<8x1024xf32, #tpu.memory_space<hbm>>) target(%dma_start3A_58 : memref<8x1024xf32, #tpu.memory_space<vmem>>) target_semaphore(%dma_start3A_55 : memref<!tpu.dma_semaphore, #tpu.memory_space<semaphore_mem>>)
    %add3A_60 = arith.constant 2048 : i32
    %add3A_61 = arith.addi %mul3A_34, %add3A_60 : i32
    %dma_start3A_62 = arith.constant 2 : i32
    %dma_start3A_63 = arith.constant 0 : i32
    %dma_start3A_64 = arith.constant 2048 : i32
    %dma_start3A_65 = tpu.memref_slice %arg4[%dma_start3A_63, %dma_start3A_64] : memref<8x8192xf32, #tpu.memory_space<vmem>> -> memref<8x1024xf32, #tpu.memory_space<vmem>>
    %dma_start3A_66 = tpu.memref_slice %arg2[%mul3A_32, %add3A_61] : memref<64x32768xf32, #tpu.memory_space<hbm>> -> memref<8x1024xf32, #tpu.memory_space<hbm>>
    %dma_start3A_67 = tpu.memref_slice %arg8[%dma_start3A_62] : memref<8x!tpu.dma_semaphore, #tpu.memory_space<semaphore_mem>> -> memref<1x!tpu.dma_semaphore, #tpu.memory_space<semaphore_mem>>
    %dma_start3A_68 = tpu.memref_squeeze %dma_start3A_67 : memref<1x!tpu.dma_semaphore, #tpu.memory_space<semaphore_mem>> -> memref<!tpu.dma_semaphore, #tpu.memory_space<semaphore_mem>>
    %dma_start3A_69 = arith.constant 0 : i32
    %dma_start3A_70 = arith.constant 2048 : i32
    %dma_start3A_71 = tpu.memref_slice %arg4[%dma_start3A_69, %dma_start3A_70] : memref<8x8192xf32, #tpu.memory_space<vmem>> -> memref<8x1024xf32, #tpu.memory_space<vmem>>
    %dma_start3A_72 = tpu.memref_slice %arg2[%mul3A_32, %add3A_61] : memref<64x32768xf32, #tpu.memory_space<hbm>> -> memref<8x1024xf32, #tpu.memory_space<hbm>>
    tpu.enqueue_dma source(%dma_start3A_72 : memref<8x1024xf32, #tpu.memory_space<hbm>>) target(%dma_start3A_71 : memref<8x1024xf32, #tpu.memory_space<vmem>>) target_semaphore(%dma_start3A_68 : memref<!tpu.dma_semaphore, #tpu.memory_space<semaphore_mem>>)
    %add3A_73 = arith.constant 3072 : i32
    %add3A_74 = arith.addi %mul3A_34, %add3A_73 : i32
    %dma_start3A_75 = arith.constant 3 : i32
    %dma_start3A_76 = arith.constant 0 : i32
    %dma_start3A_77 = arith.constant 3072 : i32
    %dma_start3A_78 = tpu.memref_slice %arg4[%dma_start3A_76, %dma_start3A_77] : memref<8x8192xf32, #tpu.memory_space<vmem>> -> memref<8x1024xf32, #tpu.memory_space<vmem>>
    %dma_start3A_79 = tpu.memref_slice %arg2[%mul3A_32, %add3A_74] : memref<64x32768xf32, #tpu.memory_space<hbm>> -> memref<8x1024xf32, #tpu.memory_space<hbm>>
    %dma_start3A_80 = tpu.memref_slice %arg8[%dma_start3A_75] : memref<8x!tpu.dma_semaphore, #tpu.memory_space<semaphore_mem>> -> memref<1x!tpu.dma_semaphore, #tpu.memory_space<semaphore_mem>>
    %dma_start3A_81 = tpu.memref_squeeze %dma_start3A_80 : memref<1x!tpu.dma_semaphore, #tpu.memory_space<semaphore_mem>> -> memref<!tpu.dma_semaphore, #tpu.memory_space<semaphore_mem>>
    %dma_start3A_82 = arith.constant 0 : i32
    %dma_start3A_83 = arith.constant 3072 : i32
    %dma_start3A_84 = tpu.memref_slice %arg4[%dma_start3A_82, %dma_start3A_83] : memref<8x8192xf32, #tpu.memory_space<vmem>> -> memref<8x1024xf32, #tpu.memory_space<vmem>>
    %dma_start3A_85 = tpu.memref_slice %arg2[%mul3A_32, %add3A_74] : memref<64x32768xf32, #tpu.memory_space<hbm>> -> memref<8x1024xf32, #tpu.memory_space<hbm>>
    tpu.enqueue_dma source(%dma_start3A_85 : memref<8x1024xf32, #tpu.memory_space<hbm>>) target(%dma_start3A_84 : memref<8x1024xf32, #tpu.memory_space<vmem>>) target_semaphore(%dma_start3A_81 : memref<!tpu.dma_semaphore, #tpu.memory_space<semaphore_mem>>)
    %add3A_86 = arith.constant 4096 : i32
    %add3A_87 = arith.addi %mul3A_34, %add3A_86 : i32
    %dma_start3A_88 = arith.constant 4 : i32
    %dma_start3A_89 = arith.constant 0 : i32
    %dma_start3A_90 = arith.constant 4096 : i32
    %dma_start3A_91 = tpu.memref_slice %arg4[%dma_start3A_89, %dma_start3A_90] : memref<8x8192xf32, #tpu.memory_space<vmem>> -> memref<8x1024xf32, #tpu.memory_space<vmem>>
    %dma_start3A_92 = tpu.memref_slice %arg2[%mul3A_32, %add3A_87] : memref<64x32768xf32, #tpu.memory_space<hbm>> -> memref<8x1024xf32, #tpu.memory_space<hbm>>
    %dma_start3A_93 = tpu.memref_slice %arg8[%dma_start3A_88] : memref<8x!tpu.dma_semaphore, #tpu.memory_space<semaphore_mem>> -> memref<1x!tpu.dma_semaphore, #tpu.memory_space<semaphore_mem>>
    %dma_start3A_94 = tpu.memref_squeeze %dma_start3A_93 : memref<1x!tpu.dma_semaphore, #tpu.memory_space<semaphore_mem>> -> memref<!tpu.dma_semaphore, #tpu.memory_space<semaphore_mem>>
    %dma_start3A_95 = arith.constant 0 : i32
    %dma_start3A_96 = arith.constant 4096 : i32
    %dma_start3A_97 = tpu.memref_slice %arg4[%dma_start3A_95, %dma_start3A_96] : memref<8x8192xf32, #tpu.memory_space<vmem>> -> memref<8x1024xf32, #tpu.memory_space<vmem>>
    %dma_start3A_98 = tpu.memref_slice %arg2[%mul3A_32, %add3A_87] : memref<64x32768xf32, #tpu.memory_space<hbm>> -> memref<8x1024xf32, #tpu.memory_space<hbm>>
    tpu.enqueue_dma source(%dma_start3A_98 : memref<8x1024xf32, #tpu.memory_space<hbm>>) target(%dma_start3A_97 : memref<8x1024xf32, #tpu.memory_space<vmem>>) target_semaphore(%dma_start3A_94 : memref<!tpu.dma_semaphore, #tpu.memory_space<semaphore_mem>>)
    %add3A_99 = arith.constant 5120 : i32
    %add3A_100 = arith.addi %mul3A_34, %add3A_99 : i32
    %dma_start3A_101 = arith.constant 5 : i32
    %dma_start3A_102 = arith.constant 0 : i32
    %dma_start3A_103 = arith.constant 5120 : i32
    %dma_start3A_104 = tpu.memref_slice %arg4[%dma_start3A_102, %dma_start3A_103] : memref<8x8192xf32, #tpu.memory_space<vmem>> -> memref<8x1024xf32, #tpu.memory_space<vmem>>
    %dma_start3A_105 = tpu.memref_slice %arg2[%mul3A_32, %add3A_100] : memref<64x32768xf32, #tpu.memory_space<hbm>> -> memref<8x1024xf32, #tpu.memory_space<hbm>>
    %dma_start3A_106 = tpu.memref_slice %arg8[%dma_start3A_101] : memref<8x!tpu.dma_semaphore, #tpu.memory_space<semaphore_mem>> -> memref<1x!tpu.dma_semaphore, #tpu.memory_space<semaphore_mem>>
    %dma_start3A_107 = tpu.memref_squeeze %dma_start3A_106 : memref<1x!tpu.dma_semaphore, #tpu.memory_space<semaphore_mem>> -> memref<!tpu.dma_semaphore, #tpu.memory_space<semaphore_mem>>
    %dma_start3A_108 = arith.constant 0 : i32
    %dma_start3A_109 = arith.constant 5120 : i32
    %dma_start3A_110 = tpu.memref_slice %arg4[%dma_start3A_108, %dma_start3A_109] : memref<8x8192xf32, #tpu.memory_space<vmem>> -> memref<8x1024xf32, #tpu.memory_space<vmem>>
    %dma_start3A_111 = tpu.memref_slice %arg2[%mul3A_32, %add3A_100] : memref<64x32768xf32, #tpu.memory_space<hbm>> -> memref<8x1024xf32, #tpu.memory_space<hbm>>
    tpu.enqueue_dma source(%dma_start3A_111 : memref<8x1024xf32, #tpu.memory_space<hbm>>) target(%dma_start3A_110 : memref<8x1024xf32, #tpu.memory_space<vmem>>) target_semaphore(%dma_start3A_107 : memref<!tpu.dma_semaphore, #tpu.memory_space<semaphore_mem>>)
    %add3A_112 = arith.constant 6144 : i32
    %add3A_113 = arith.addi %mul3A_34, %add3A_112 : i32
    %dma_start3A_114 = arith.constant 6 : i32
    %dma_start3A_115 = arith.constant 0 : i32
    %dma_start3A_116 = arith.constant 6144 : i32
    %dma_start3A_117 = tpu.memref_slice %arg4[%dma_start3A_115, %dma_start3A_116] : memref<8x8192xf32, #tpu.memory_space<vmem>> -> memref<8x1024xf32, #tpu.memory_space<vmem>>
    %dma_start3A_118 = tpu.memref_slice %arg2[%mul3A_32, %add3A_113] : memref<64x32768xf32, #tpu.memory_space<hbm>> -> memref<8x1024xf32, #tpu.memory_space<hbm>>
    %dma_start3A_119 = tpu.memref_slice %arg8[%dma_start3A_114] : memref<8x!tpu.dma_semaphore, #tpu.memory_space<semaphore_mem>> -> memref<1x!tpu.dma_semaphore, #tpu.memory_space<semaphore_mem>>
    %dma_start3A_120 = tpu.memref_squeeze %dma_start3A_119 : memref<1x!tpu.dma_semaphore, #tpu.memory_space<semaphore_mem>> -> memref<!tpu.dma_semaphore, #tpu.memory_space<semaphore_mem>>
    %dma_start3A_121 = arith.constant 0 : i32
    %dma_start3A_122 = arith.constant 6144 : i32
    %dma_start3A_123 = tpu.memref_slice %arg4[%dma_start3A_121, %dma_start3A_122] : memref<8x8192xf32, #tpu.memory_space<vmem>> -> memref<8x1024xf32, #tpu.memory_space<vmem>>
    %dma_start3A_124 = tpu.memref_slice %arg2[%mul3A_32, %add3A_113] : memref<64x32768xf32, #tpu.memory_space<hbm>> -> memref<8x1024xf32, #tpu.memory_space<hbm>>
    tpu.enqueue_dma source(%dma_start3A_124 : memref<8x1024xf32, #tpu.memory_space<hbm>>) target(%dma_start3A_123 : memref<8x1024xf32, #tpu.memory_space<vmem>>) target_semaphore(%dma_start3A_120 : memref<!tpu.dma_semaphore, #tpu.memory_space<semaphore_mem>>)
    %add3A_125 = arith.constant 7168 : i32
    %add3A_126 = arith.addi %mul3A_34, %add3A_125 : i32
    %dma_start3A_127 = arith.constant 7 : i32
    %dma_start3A_128 = arith.constant 0 : i32
    %dma_start3A_129 = arith.constant 7168 : i32
    %dma_start3A_130 = tpu.memref_slice %arg4[%dma_start3A_128, %dma_start3A_129] : memref<8x8192xf32, #tpu.memory_space<vmem>> -> memref<8x1024xf32, #tpu.memory_space<vmem>>
    %dma_start3A_131 = tpu.memref_slice %arg2[%mul3A_32, %add3A_126] : memref<64x32768xf32, #tpu.memory_space<hbm>> -> memref<8x1024xf32, #tpu.memory_space<hbm>>
    %dma_start3A_132 = tpu.memref_slice %arg8[%dma_start3A_127] : memref<8x!tpu.dma_semaphore, #tpu.memory_space<semaphore_mem>> -> memref<1x!tpu.dma_semaphore, #tpu.memory_space<semaphore_mem>>
    %dma_start3A_133 = tpu.memref_squeeze %dma_start3A_132 : memref<1x!tpu.dma_semaphore, #tpu.memory_space<semaphore_mem>> -> memref<!tpu.dma_semaphore, #tpu.memory_space<semaphore_mem>>
    %dma_start3A_134 = arith.constant 0 : i32
    %dma_start3A_135 = arith.constant 7168 : i32
    %dma_start3A_136 = tpu.memref_slice %arg4[%dma_start3A_134, %dma_start3A_135] : memref<8x8192xf32, #tpu.memory_space<vmem>> -> memref<8x1024xf32, #tpu.memory_space<vmem>>
    %dma_start3A_137 = tpu.memref_slice %arg2[%mul3A_32, %add3A_126] : memref<64x32768xf32, #tpu.memory_space<hbm>> -> memref<8x1024xf32, #tpu.memory_space<hbm>>
    tpu.enqueue_dma source(%dma_start3A_137 : memref<8x1024xf32, #tpu.memory_space<hbm>>) target(%dma_start3A_136 : memref<8x1024xf32, #tpu.memory_space<vmem>>) target_semaphore(%dma_start3A_133 : memref<!tpu.dma_semaphore, #tpu.memory_space<semaphore_mem>>)
    %broadcast_in_dim3A = arith.constant 0.000000e+00 : f32
    %broadcast_in_dim3A_138 = vector.broadcast %broadcast_in_dim3A : f32 to vector<16xf32>
    %dma_wait3A = arith.constant 0 : i32
    "tpu.trace_start"() <{level = 10 : i32, message = "passA"}> : () -> ()
    %dma_wait3A_139 = arith.constant 0 : i32
    %dma_wait3A_140 = arith.constant 0 : i32
    %dma_wait3A_141 = tpu.memref_slice %arg4[%dma_wait3A_139, %dma_wait3A_140] : memref<8x8192xf32, #tpu.memory_space<vmem>> -> memref<8x1024xf32, #tpu.memory_space<vmem>>
    %dma_wait3A_142 = tpu.memref_slice %arg2[%mul3A_32, %add3A_36] : memref<64x32768xf32, #tpu.memory_space<hbm>> -> memref<8x1024xf32, #tpu.memory_space<hbm>>
    %dma_wait3A_143 = tpu.memref_slice %arg8[%dma_wait3A] : memref<8x!tpu.dma_semaphore, #tpu.memory_space<semaphore_mem>> -> memref<1x!tpu.dma_semaphore, #tpu.memory_space<semaphore_mem>>
    %dma_wait3A_144 = tpu.memref_squeeze %dma_wait3A_143 : memref<1x!tpu.dma_semaphore, #tpu.memory_space<semaphore_mem>> -> memref<!tpu.dma_semaphore, #tpu.memory_space<semaphore_mem>>
    %dma_wait3A_145 = arith.constant 0 : i32
    %dma_wait3A_146 = arith.constant 0 : i32
    %dma_wait3A_147 = tpu.memref_slice %arg4[%dma_wait3A_145, %dma_wait3A_146] : memref<8x8192xf32, #tpu.memory_space<vmem>> -> memref<8x1024xf32, #tpu.memory_space<vmem>>
    %dma_wait3A_148 = tpu.memref_slice %arg2[%mul3A_32, %add3A_36] : memref<64x32768xf32, #tpu.memory_space<hbm>> -> memref<8x1024xf32, #tpu.memory_space<hbm>>
    tpu.wait_dma2 semaphore(%dma_wait3A_144 : memref<!tpu.dma_semaphore, #tpu.memory_space<semaphore_mem>>) src(%dma_wait3A_148 : memref<8x1024xf32, #tpu.memory_space<hbm>>) dst(%dma_wait3A_147 : memref<8x1024xf32, #tpu.memory_space<vmem>>)
    %scan3A = arith.constant 0 : i32
    %scan3A_149 = arith.constant 64 : i32
    %scan3A_150 = arith.addi %scan3A, %scan3A_149 : i32
    %scan3A_151 = arith.constant 1 : i32
    %scan3A_152:8 = scf.for %scan3A_826 = %scan3A to %scan3A_150 step %scan3A_151 iter_args(%scan3A_827 = %broadcast_in_dim3A_138, %scan3A_828 = %broadcast_in_dim3A_138, %scan3A_829 = %broadcast_in_dim3A_138, %scan3A_830 = %broadcast_in_dim3A_138, %scan3A_831 = %broadcast_in_dim3A_138, %scan3A_832 = %broadcast_in_dim3A_138, %scan3A_833 = %broadcast_in_dim3A_138, %scan3A_834 = %broadcast_in_dim3A_138) -> (vector<16xf32>, vector<16xf32>, vector<16xf32>, vector<16xf32>, vector<16xf32>, vector<16xf32>, vector<16xf32>, vector<16xf32>)  : i32 {
      %mul3A_835 = arith.constant 16 : i32
      %mul3A_836 = arith.muli %scan3A_826, %mul3A_835 : i32
      %add3A_837 = arith.constant 0 : i32
      %add3A_838 = arith.addi %add3A_837, %mul3A_836 : i32
      %get3A_839 = arith.constant 0 : i32
      %get3A_840 = arith.index_cast %get3A_839 : i32 to index
      %get3A_841 = arith.index_cast %add3A_838 : i32 to index
      %get3A_842 = tpu.vector_load %arg4[%get3A_840, %get3A_841] {strides = array<i32>} : memref<8x8192xf32, #tpu.memory_space<vmem>>, vector<16xf32>,
      %add3A_843 = arith.addf %scan3A_827, %get3A_842 : vector<16xf32>
      %mul3A_844 = arith.constant 16 : i32
      %mul3A_845 = arith.muli %scan3A_826, %mul3A_844 : i32
      %add3A_846 = arith.constant 0 : i32
      %add3A_847 = arith.addi %add3A_846, %mul3A_845 : i32
      %get3A_848 = arith.constant 1 : i32
      %get3A_849 = arith.index_cast %get3A_848 : i32 to index
      %get3A_850 = arith.index_cast %add3A_847 : i32 to index
      %get3A_851 = tpu.vector_load %arg4[%get3A_849, %get3A_850] {strides = array<i32>} : memref<8x8192xf32, #tpu.memory_space<vmem>>, vector<16xf32>,
      %add3A_852 = arith.addf %scan3A_828, %get3A_851 : vector<16xf32>
      %mul3A_853 = arith.constant 16 : i32
      %mul3A_854 = arith.muli %scan3A_826, %mul3A_853 : i32
      %add3A_855 = arith.constant 0 : i32
      %add3A_856 = arith.addi %add3A_855, %mul3A_854 : i32
      %get3A_857 = arith.constant 2 : i32
      %get3A_858 = arith.index_cast %get3A_857 : i32 to index
      %get3A_859 = arith.index_cast %add3A_856 : i32 to index
      %get3A_860 = tpu.vector_load %arg4[%get3A_858, %get3A_859] {strides = array<i32>} : memref<8x8192xf32, #tpu.memory_space<vmem>>, vector<16xf32>,
      %add3A_861 = arith.addf %scan3A_829, %get3A_860 : vector<16xf32>
      %mul3A_862 = arith.constant 16 : i32
      %mul3A_863 = arith.muli %scan3A_826, %mul3A_862 : i32
      %add3A_864 = arith.constant 0 : i32
      %add3A_865 = arith.addi %add3A_864, %mul3A_863 : i32
      %get3A_866 = arith.constant 3 : i32
      %get3A_867 = arith.index_cast %get3A_866 : i32 to index
      %get3A_868 = arith.index_cast %add3A_865 : i32 to index
      %get3A_869 = tpu.vector_load %arg4[%get3A_867, %get3A_868] {strides = array<i32>} : memref<8x8192xf32, #tpu.memory_space<vmem>>, vector<16xf32>,
      %add3A_870 = arith.addf %scan3A_830, %get3A_869 : vector<16xf32>
      %mul3A_871 = arith.constant 16 : i32
      %mul3A_872 = arith.muli %scan3A_826, %mul3A_871 : i32
      %add3A_873 = arith.constant 0 : i32
      %add3A_874 = arith.addi %add3A_873, %mul3A_872 : i32
      %get3A_875 = arith.constant 4 : i32
      %get3A_876 = arith.index_cast %get3A_875 : i32 to index
      %get3A_877 = arith.index_cast %add3A_874 : i32 to index
      %get3A_878 = tpu.vector_load %arg4[%get3A_876, %get3A_877] {strides = array<i32>} : memref<8x8192xf32, #tpu.memory_space<vmem>>, vector<16xf32>,
      %add3A_879 = arith.addf %scan3A_831, %get3A_878 : vector<16xf32>
      %mul3A_880 = arith.constant 16 : i32
      %mul3A_881 = arith.muli %scan3A_826, %mul3A_880 : i32
      %add3A_882 = arith.constant 0 : i32
      %add3A_883 = arith.addi %add3A_882, %mul3A_881 : i32
      %get3A_884 = arith.constant 5 : i32
      %get3A_885 = arith.index_cast %get3A_884 : i32 to index
      %get3A_886 = arith.index_cast %add3A_883 : i32 to index
      %get3A_887 = tpu.vector_load %arg4[%get3A_885, %get3A_886] {strides = array<i32>} : memref<8x8192xf32, #tpu.memory_space<vmem>>, vector<16xf32>,
      %add3A_888 = arith.addf %scan3A_832, %get3A_887 : vector<16xf32>
      %mul3A_889 = arith.constant 16 : i32
      %mul3A_890 = arith.muli %scan3A_826, %mul3A_889 : i32
      %add3A_891 = arith.constant 0 : i32
      %add3A_892 = arith.addi %add3A_891, %mul3A_890 : i32
      %get3A_893 = arith.constant 6 : i32
      %get3A_894 = arith.index_cast %get3A_893 : i32 to index
      %get3A_895 = arith.index_cast %add3A_892 : i32 to index
      %get3A_896 = tpu.vector_load %arg4[%get3A_894, %get3A_895] {strides = array<i32>} : memref<8x8192xf32, #tpu.memory_space<vmem>>, vector<16xf32>,
      %add3A_897 = arith.addf %scan3A_833, %get3A_896 : vector<16xf32>
      %mul3A_898 = arith.constant 16 : i32
      %mul3A_899 = arith.muli %scan3A_826, %mul3A_898 : i32
      %add3A_900 = arith.constant 0 : i32
      %add3A_901 = arith.addi %add3A_900, %mul3A_899 : i32
      %get3A_902 = arith.constant 7 : i32
      %get3A_903 = arith.index_cast %get3A_902 : i32 to index
      %get3A_904 = arith.index_cast %add3A_901 : i32 to index
      %get3A_905 = tpu.vector_load %arg4[%get3A_903, %get3A_904] {strides = array<i32>} : memref<8x8192xf32, #tpu.memory_space<vmem>>, vector<16xf32>,
      %add3A_906 = arith.addf %scan3A_834, %get3A_905 : vector<16xf32>
      scf.yield %add3A_843, %add3A_852, %add3A_861, %add3A_870, %add3A_879, %add3A_888, %add3A_897, %add3A_906 : vector<16xf32>, vector<16xf32>, vector<16xf32>, vector<16xf32>, vector<16xf32>, vector<16xf32>, vector<16xf32>, vector<16xf32>
    }
    %scan3A_153 = arith.constant 64 : i32
    %dma_wait3A_154 = arith.constant 1 : i32
    %dma_wait3A_155 = arith.constant 0 : i32
    %dma_wait3A_156 = arith.constant 1024 : i32
    %dma_wait3A_157 = tpu.memref_slice %arg4[%dma_wait3A_155, %dma_wait3A_156] : memref<8x8192xf32, #tpu.memory_space<vmem>> -> memref<8x1024xf32, #tpu.memory_space<vmem>>
    %dma_wait3A_158 = tpu.memref_slice %arg2[%mul3A_32, %add3A_48] : memref<64x32768xf32, #tpu.memory_space<hbm>> -> memref<8x1024xf32, #tpu.memory_space<hbm>>
    %dma_wait3A_159 = tpu.memref_slice %arg8[%dma_wait3A_154] : memref<8x!tpu.dma_semaphore, #tpu.memory_space<semaphore_mem>> -> memref<1x!tpu.dma_semaphore, #tpu.memory_space<semaphore_mem>>
    %dma_wait3A_160 = tpu.memref_squeeze %dma_wait3A_159 : memref<1x!tpu.dma_semaphore, #tpu.memory_space<semaphore_mem>> -> memref<!tpu.dma_semaphore, #tpu.memory_space<semaphore_mem>>
    %dma_wait3A_161 = arith.constant 0 : i32
    %dma_wait3A_162 = arith.constant 1024 : i32
    %dma_wait3A_163 = tpu.memref_slice %arg4[%dma_wait3A_161, %dma_wait3A_162] : memref<8x8192xf32, #tpu.memory_space<vmem>> -> memref<8x1024xf32, #tpu.memory_space<vmem>>
    %dma_wait3A_164 = tpu.memref_slice %arg2[%mul3A_32, %add3A_48] : memref<64x32768xf32, #tpu.memory_space<hbm>> -> memref<8x1024xf32, #tpu.memory_space<hbm>>
    tpu.wait_dma2 semaphore(%dma_wait3A_160 : memref<!tpu.dma_semaphore, #tpu.memory_space<semaphore_mem>>) src(%dma_wait3A_164 : memref<8x1024xf32, #tpu.memory_space<hbm>>) dst(%dma_wait3A_163 : memref<8x1024xf32, #tpu.memory_space<vmem>>)
    %scan3A_165 = arith.constant 0 : i32
    %scan3A_166 = arith.constant 64 : i32
    %scan3A_167 = arith.addi %scan3A_165, %scan3A_166 : i32
    %scan3A_168 = arith.constant 1 : i32
    %scan3A_169:8 = scf.for %scan3A_826 = %scan3A_165 to %scan3A_167 step %scan3A_168 iter_args(%scan3A_827 = %scan3A_152#0, %scan3A_828 = %scan3A_152#1, %scan3A_829 = %scan3A_152#2, %scan3A_830 = %scan3A_152#3, %scan3A_831 = %scan3A_152#4, %scan3A_832 = %scan3A_152#5, %scan3A_833 = %scan3A_152#6, %scan3A_834 = %scan3A_152#7) -> (vector<16xf32>, vector<16xf32>, vector<16xf32>, vector<16xf32>, vector<16xf32>, vector<16xf32>, vector<16xf32>, vector<16xf32>)  : i32 {
      %mul3A_835 = arith.constant 16 : i32
      %mul3A_836 = arith.muli %scan3A_826, %mul3A_835 : i32
      %add3A_837 = arith.constant 1024 : i32
      %add3A_838 = arith.addi %add3A_837, %mul3A_836 : i32
      %get3A_839 = arith.constant 0 : i32
      %get3A_840 = arith.index_cast %get3A_839 : i32 to index
      %get3A_841 = arith.index_cast %add3A_838 : i32 to index
      %get3A_842 = tpu.vector_load %arg4[%get3A_840, %get3A_841] {strides = array<i32>} : memref<8x8192xf32, #tpu.memory_space<vmem>>, vector<16xf32>,
      %add3A_843 = arith.addf %scan3A_827, %get3A_842 : vector<16xf32>
      %mul3A_844 = arith.constant 16 : i32
      %mul3A_845 = arith.muli %scan3A_826, %mul3A_844 : i32
      %add3A_846 = arith.constant 1024 : i32
      %add3A_847 = arith.addi %add3A_846, %mul3A_845 : i32
      %get3A_848 = arith.constant 1 : i32
      %get3A_849 = arith.index_cast %get3A_848 : i32 to index
      %get3A_850 = arith.index_cast %add3A_847 : i32 to index
      %get3A_851 = tpu.vector_load %arg4[%get3A_849, %get3A_850] {strides = array<i32>} : memref<8x8192xf32, #tpu.memory_space<vmem>>, vector<16xf32>,
      %add3A_852 = arith.addf %scan3A_828, %get3A_851 : vector<16xf32>
      %mul3A_853 = arith.constant 16 : i32
      %mul3A_854 = arith.muli %scan3A_826, %mul3A_853 : i32
      %add3A_855 = arith.constant 1024 : i32
      %add3A_856 = arith.addi %add3A_855, %mul3A_854 : i32
      %get3A_857 = arith.constant 2 : i32
      %get3A_858 = arith.index_cast %get3A_857 : i32 to index
      %get3A_859 = arith.index_cast %add3A_856 : i32 to index
      %get3A_860 = tpu.vector_load %arg4[%get3A_858, %get3A_859] {strides = array<i32>} : memref<8x8192xf32, #tpu.memory_space<vmem>>, vector<16xf32>,
      %add3A_861 = arith.addf %scan3A_829, %get3A_860 : vector<16xf32>
      %mul3A_862 = arith.constant 16 : i32
      %mul3A_863 = arith.muli %scan3A_826, %mul3A_862 : i32
      %add3A_864 = arith.constant 1024 : i32
      %add3A_865 = arith.addi %add3A_864, %mul3A_863 : i32
      %get3A_866 = arith.constant 3 : i32
      %get3A_867 = arith.index_cast %get3A_866 : i32 to index
      %get3A_868 = arith.index_cast %add3A_865 : i32 to index
      %get3A_869 = tpu.vector_load %arg4[%get3A_867, %get3A_868] {strides = array<i32>} : memref<8x8192xf32, #tpu.memory_space<vmem>>, vector<16xf32>,
      %add3A_870 = arith.addf %scan3A_830, %get3A_869 : vector<16xf32>
      %mul3A_871 = arith.constant 16 : i32
      %mul3A_872 = arith.muli %scan3A_826, %mul3A_871 : i32
      %add3A_873 = arith.constant 1024 : i32
      %add3A_874 = arith.addi %add3A_873, %mul3A_872 : i32
      %get3A_875 = arith.constant 4 : i32
      %get3A_876 = arith.index_cast %get3A_875 : i32 to index
      %get3A_877 = arith.index_cast %add3A_874 : i32 to index
      %get3A_878 = tpu.vector_load %arg4[%get3A_876, %get3A_877] {strides = array<i32>} : memref<8x8192xf32, #tpu.memory_space<vmem>>, vector<16xf32>,
      %add3A_879 = arith.addf %scan3A_831, %get3A_878 : vector<16xf32>
      %mul3A_880 = arith.constant 16 : i32
      %mul3A_881 = arith.muli %scan3A_826, %mul3A_880 : i32
      %add3A_882 = arith.constant 1024 : i32
      %add3A_883 = arith.addi %add3A_882, %mul3A_881 : i32
      %get3A_884 = arith.constant 5 : i32
      %get3A_885 = arith.index_cast %get3A_884 : i32 to index
      %get3A_886 = arith.index_cast %add3A_883 : i32 to index
      %get3A_887 = tpu.vector_load %arg4[%get3A_885, %get3A_886] {strides = array<i32>} : memref<8x8192xf32, #tpu.memory_space<vmem>>, vector<16xf32>,
      %add3A_888 = arith.addf %scan3A_832, %get3A_887 : vector<16xf32>
      %mul3A_889 = arith.constant 16 : i32
      %mul3A_890 = arith.muli %scan3A_826, %mul3A_889 : i32
      %add3A_891 = arith.constant 1024 : i32
      %add3A_892 = arith.addi %add3A_891, %mul3A_890 : i32
      %get3A_893 = arith.constant 6 : i32
      %get3A_894 = arith.index_cast %get3A_893 : i32 to index
      %get3A_895 = arith.index_cast %add3A_892 : i32 to index
      %get3A_896 = tpu.vector_load %arg4[%get3A_894, %get3A_895] {strides = array<i32>} : memref<8x8192xf32, #tpu.memory_space<vmem>>, vector<16xf32>,
      %add3A_897 = arith.addf %scan3A_833, %get3A_896 : vector<16xf32>
      %mul3A_898 = arith.constant 16 : i32
      %mul3A_899 = arith.muli %scan3A_826, %mul3A_898 : i32
      %add3A_900 = arith.constant 1024 : i32
      %add3A_901 = arith.addi %add3A_900, %mul3A_899 : i32
      %get3A_902 = arith.constant 7 : i32
      %get3A_903 = arith.index_cast %get3A_902 : i32 to index
      %get3A_904 = arith.index_cast %add3A_901 : i32 to index
      %get3A_905 = tpu.vector_load %arg4[%get3A_903, %get3A_904] {strides = array<i32>} : memref<8x8192xf32, #tpu.memory_space<vmem>>, vector<16xf32>,
      %add3A_906 = arith.addf %scan3A_834, %get3A_905 : vector<16xf32>
      scf.yield %add3A_843, %add3A_852, %add3A_861, %add3A_870, %add3A_879, %add3A_888, %add3A_897, %add3A_906 : vector<16xf32>, vector<16xf32>, vector<16xf32>, vector<16xf32>, vector<16xf32>, vector<16xf32>, vector<16xf32>, vector<16xf32>
    }
    %scan3A_170 = arith.constant 64 : i32
    %dma_wait3A_171 = arith.constant 2 : i32
    %dma_wait3A_172 = arith.constant 0 : i32
    %dma_wait3A_173 = arith.constant 2048 : i32
    %dma_wait3A_174 = tpu.memref_slice %arg4[%dma_wait3A_172, %dma_wait3A_173] : memref<8x8192xf32, #tpu.memory_space<vmem>> -> memref<8x1024xf32, #tpu.memory_space<vmem>>
    %dma_wait3A_175 = tpu.memref_slice %arg2[%mul3A_32, %add3A_61] : memref<64x32768xf32, #tpu.memory_space<hbm>> -> memref<8x1024xf32, #tpu.memory_space<hbm>>
    %dma_wait3A_176 = tpu.memref_slice %arg8[%dma_wait3A_171] : memref<8x!tpu.dma_semaphore, #tpu.memory_space<semaphore_mem>> -> memref<1x!tpu.dma_semaphore, #tpu.memory_space<semaphore_mem>>
    %dma_wait3A_177 = tpu.memref_squeeze %dma_wait3A_176 : memref<1x!tpu.dma_semaphore, #tpu.memory_space<semaphore_mem>> -> memref<!tpu.dma_semaphore, #tpu.memory_space<semaphore_mem>>
    %dma_wait3A_178 = arith.constant 0 : i32
    %dma_wait3A_179 = arith.constant 2048 : i32
    %dma_wait3A_180 = tpu.memref_slice %arg4[%dma_wait3A_178, %dma_wait3A_179] : memref<8x8192xf32, #tpu.memory_space<vmem>> -> memref<8x1024xf32, #tpu.memory_space<vmem>>
    %dma_wait3A_181 = tpu.memref_slice %arg2[%mul3A_32, %add3A_61] : memref<64x32768xf32, #tpu.memory_space<hbm>> -> memref<8x1024xf32, #tpu.memory_space<hbm>>
    tpu.wait_dma2 semaphore(%dma_wait3A_177 : memref<!tpu.dma_semaphore, #tpu.memory_space<semaphore_mem>>) src(%dma_wait3A_181 : memref<8x1024xf32, #tpu.memory_space<hbm>>) dst(%dma_wait3A_180 : memref<8x1024xf32, #tpu.memory_space<vmem>>)
    %scan3A_182 = arith.constant 0 : i32
    %scan3A_183 = arith.constant 64 : i32
    %scan3A_184 = arith.addi %scan3A_182, %scan3A_183 : i32
    %scan3A_185 = arith.constant 1 : i32
    %scan3A_186:8 = scf.for %scan3A_826 = %scan3A_182 to %scan3A_184 step %scan3A_185 iter_args(%scan3A_827 = %scan3A_169#0, %scan3A_828 = %scan3A_169#1, %scan3A_829 = %scan3A_169#2, %scan3A_830 = %scan3A_169#3, %scan3A_831 = %scan3A_169#4, %scan3A_832 = %scan3A_169#5, %scan3A_833 = %scan3A_169#6, %scan3A_834 = %scan3A_169#7) -> (vector<16xf32>, vector<16xf32>, vector<16xf32>, vector<16xf32>, vector<16xf32>, vector<16xf32>, vector<16xf32>, vector<16xf32>)  : i32 {
      %mul3A_835 = arith.constant 16 : i32
      %mul3A_836 = arith.muli %scan3A_826, %mul3A_835 : i32
      %add3A_837 = arith.constant 2048 : i32
      %add3A_838 = arith.addi %add3A_837, %mul3A_836 : i32
      %get3A_839 = arith.constant 0 : i32
      %get3A_840 = arith.index_cast %get3A_839 : i32 to index
      %get3A_841 = arith.index_cast %add3A_838 : i32 to index
      %get3A_842 = tpu.vector_load %arg4[%get3A_840, %get3A_841] {strides = array<i32>} : memref<8x8192xf32, #tpu.memory_space<vmem>>, vector<16xf32>,
      %add3A_843 = arith.addf %scan3A_827, %get3A_842 : vector<16xf32>
      %mul3A_844 = arith.constant 16 : i32
      %mul3A_845 = arith.muli %scan3A_826, %mul3A_844 : i32
      %add3A_846 = arith.constant 2048 : i32
      %add3A_847 = arith.addi %add3A_846, %mul3A_845 : i32
      %get3A_848 = arith.constant 1 : i32
      %get3A_849 = arith.index_cast %get3A_848 : i32 to index
      %get3A_850 = arith.index_cast %add3A_847 : i32 to index
      %get3A_851 = tpu.vector_load %arg4[%get3A_849, %get3A_850] {strides = array<i32>} : memref<8x8192xf32, #tpu.memory_space<vmem>>, vector<16xf32>,
      %add3A_852 = arith.addf %scan3A_828, %get3A_851 : vector<16xf32>
      %mul3A_853 = arith.constant 16 : i32
      %mul3A_854 = arith.muli %scan3A_826, %mul3A_853 : i32
      %add3A_855 = arith.constant 2048 : i32
      %add3A_856 = arith.addi %add3A_855, %mul3A_854 : i32
      %get3A_857 = arith.constant 2 : i32
      %get3A_858 = arith.index_cast %get3A_857 : i32 to index
      %get3A_859 = arith.index_cast %add3A_856 : i32 to index
      %get3A_860 = tpu.vector_load %arg4[%get3A_858, %get3A_859] {strides = array<i32>} : memref<8x8192xf32, #tpu.memory_space<vmem>>, vector<16xf32>,
      %add3A_861 = arith.addf %scan3A_829, %get3A_860 : vector<16xf32>
      %mul3A_862 = arith.constant 16 : i32
      %mul3A_863 = arith.muli %scan3A_826, %mul3A_862 : i32
      %add3A_864 = arith.constant 2048 : i32
      %add3A_865 = arith.addi %add3A_864, %mul3A_863 : i32
      %get3A_866 = arith.constant 3 : i32
      %get3A_867 = arith.index_cast %get3A_866 : i32 to index
      %get3A_868 = arith.index_cast %add3A_865 : i32 to index
      %get3A_869 = tpu.vector_load %arg4[%get3A_867, %get3A_868] {strides = array<i32>} : memref<8x8192xf32, #tpu.memory_space<vmem>>, vector<16xf32>,
      %add3A_870 = arith.addf %scan3A_830, %get3A_869 : vector<16xf32>
      %mul3A_871 = arith.constant 16 : i32
      %mul3A_872 = arith.muli %scan3A_826, %mul3A_871 : i32
      %add3A_873 = arith.constant 2048 : i32
      %add3A_874 = arith.addi %add3A_873, %mul3A_872 : i32
      %get3A_875 = arith.constant 4 : i32
      %get3A_876 = arith.index_cast %get3A_875 : i32 to index
      %get3A_877 = arith.index_cast %add3A_874 : i32 to index
      %get3A_878 = tpu.vector_load %arg4[%get3A_876, %get3A_877] {strides = array<i32>} : memref<8x8192xf32, #tpu.memory_space<vmem>>, vector<16xf32>,
      %add3A_879 = arith.addf %scan3A_831, %get3A_878 : vector<16xf32>
      %mul3A_880 = arith.constant 16 : i32
      %mul3A_881 = arith.muli %scan3A_826, %mul3A_880 : i32
      %add3A_882 = arith.constant 2048 : i32
      %add3A_883 = arith.addi %add3A_882, %mul3A_881 : i32
      %get3A_884 = arith.constant 5 : i32
      %get3A_885 = arith.index_cast %get3A_884 : i32 to index
      %get3A_886 = arith.index_cast %add3A_883 : i32 to index
      %get3A_887 = tpu.vector_load %arg4[%get3A_885, %get3A_886] {strides = array<i32>} : memref<8x8192xf32, #tpu.memory_space<vmem>>, vector<16xf32>,
      %add3A_888 = arith.addf %scan3A_832, %get3A_887 : vector<16xf32>
      %mul3A_889 = arith.constant 16 : i32
      %mul3A_890 = arith.muli %scan3A_826, %mul3A_889 : i32
      %add3A_891 = arith.constant 2048 : i32
      %add3A_892 = arith.addi %add3A_891, %mul3A_890 : i32
      %get3A_893 = arith.constant 6 : i32
      %get3A_894 = arith.index_cast %get3A_893 : i32 to index
      %get3A_895 = arith.index_cast %add3A_892 : i32 to index
      %get3A_896 = tpu.vector_load %arg4[%get3A_894, %get3A_895] {strides = array<i32>} : memref<8x8192xf32, #tpu.memory_space<vmem>>, vector<16xf32>,
      %add3A_897 = arith.addf %scan3A_833, %get3A_896 : vector<16xf32>
      %mul3A_898 = arith.constant 16 : i32
      %mul3A_899 = arith.muli %scan3A_826, %mul3A_898 : i32
      %add3A_900 = arith.constant 2048 : i32
      %add3A_901 = arith.addi %add3A_900, %mul3A_899 : i32
      %get3A_902 = arith.constant 7 : i32
      %get3A_903 = arith.index_cast %get3A_902 : i32 to index
      %get3A_904 = arith.index_cast %add3A_901 : i32 to index
      %get3A_905 = tpu.vector_load %arg4[%get3A_903, %get3A_904] {strides = array<i32>} : memref<8x8192xf32, #tpu.memory_space<vmem>>, vector<16xf32>,
      %add3A_906 = arith.addf %scan3A_834, %get3A_905 : vector<16xf32>
      scf.yield %add3A_843, %add3A_852, %add3A_861, %add3A_870, %add3A_879, %add3A_888, %add3A_897, %add3A_906 : vector<16xf32>, vector<16xf32>, vector<16xf32>, vector<16xf32>, vector<16xf32>, vector<16xf32>, vector<16xf32>, vector<16xf32>
    }
    %scan3A_187 = arith.constant 64 : i32
    %dma_wait3A_188 = arith.constant 3 : i32
    %dma_wait3A_189 = arith.constant 0 : i32
    %dma_wait3A_190 = arith.constant 3072 : i32
    %dma_wait3A_191 = tpu.memref_slice %arg4[%dma_wait3A_189, %dma_wait3A_190] : memref<8x8192xf32, #tpu.memory_space<vmem>> -> memref<8x1024xf32, #tpu.memory_space<vmem>>
    %dma_wait3A_192 = tpu.memref_slice %arg2[%mul3A_32, %add3A_74] : memref<64x32768xf32, #tpu.memory_space<hbm>> -> memref<8x1024xf32, #tpu.memory_space<hbm>>
    %dma_wait3A_193 = tpu.memref_slice %arg8[%dma_wait3A_188] : memref<8x!tpu.dma_semaphore, #tpu.memory_space<semaphore_mem>> -> memref<1x!tpu.dma_semaphore, #tpu.memory_space<semaphore_mem>>
    %dma_wait3A_194 = tpu.memref_squeeze %dma_wait3A_193 : memref<1x!tpu.dma_semaphore, #tpu.memory_space<semaphore_mem>> -> memref<!tpu.dma_semaphore, #tpu.memory_space<semaphore_mem>>
    %dma_wait3A_195 = arith.constant 0 : i32
    %dma_wait3A_196 = arith.constant 3072 : i32
    %dma_wait3A_197 = tpu.memref_slice %arg4[%dma_wait3A_195, %dma_wait3A_196] : memref<8x8192xf32, #tpu.memory_space<vmem>> -> memref<8x1024xf32, #tpu.memory_space<vmem>>
    %dma_wait3A_198 = tpu.memref_slice %arg2[%mul3A_32, %add3A_74] : memref<64x32768xf32, #tpu.memory_space<hbm>> -> memref<8x1024xf32, #tpu.memory_space<hbm>>
    tpu.wait_dma2 semaphore(%dma_wait3A_194 : memref<!tpu.dma_semaphore, #tpu.memory_space<semaphore_mem>>) src(%dma_wait3A_198 : memref<8x1024xf32, #tpu.memory_space<hbm>>) dst(%dma_wait3A_197 : memref<8x1024xf32, #tpu.memory_space<vmem>>)
    %scan3A_199 = arith.constant 0 : i32
    %scan3A_200 = arith.constant 64 : i32
    %scan3A_201 = arith.addi %scan3A_199, %scan3A_200 : i32
    %scan3A_202 = arith.constant 1 : i32
    %scan3A_203:8 = scf.for %scan3A_826 = %scan3A_199 to %scan3A_201 step %scan3A_202 iter_args(%scan3A_827 = %scan3A_186#0, %scan3A_828 = %scan3A_186#1, %scan3A_829 = %scan3A_186#2, %scan3A_830 = %scan3A_186#3, %scan3A_831 = %scan3A_186#4, %scan3A_832 = %scan3A_186#5, %scan3A_833 = %scan3A_186#6, %scan3A_834 = %scan3A_186#7) -> (vector<16xf32>, vector<16xf32>, vector<16xf32>, vector<16xf32>, vector<16xf32>, vector<16xf32>, vector<16xf32>, vector<16xf32>)  : i32 {
      %mul3A_835 = arith.constant 16 : i32
      %mul3A_836 = arith.muli %scan3A_826, %mul3A_835 : i32
      %add3A_837 = arith.constant 3072 : i32
      %add3A_838 = arith.addi %add3A_837, %mul3A_836 : i32
      %get3A_839 = arith.constant 0 : i32
      %get3A_840 = arith.index_cast %get3A_839 : i32 to index
      %get3A_841 = arith.index_cast %add3A_838 : i32 to index
      %get3A_842 = tpu.vector_load %arg4[%get3A_840, %get3A_841] {strides = array<i32>} : memref<8x8192xf32, #tpu.memory_space<vmem>>, vector<16xf32>,
      %add3A_843 = arith.addf %scan3A_827, %get3A_842 : vector<16xf32>
      %mul3A_844 = arith.constant 16 : i32
      %mul3A_845 = arith.muli %scan3A_826, %mul3A_844 : i32
      %add3A_846 = arith.constant 3072 : i32
      %add3A_847 = arith.addi %add3A_846, %mul3A_845 : i32
      %get3A_848 = arith.constant 1 : i32
      %get3A_849 = arith.index_cast %get3A_848 : i32 to index
      %get3A_850 = arith.index_cast %add3A_847 : i32 to index
      %get3A_851 = tpu.vector_load %arg4[%get3A_849, %get3A_850] {strides = array<i32>} : memref<8x8192xf32, #tpu.memory_space<vmem>>, vector<16xf32>,
      %add3A_852 = arith.addf %scan3A_828, %get3A_851 : vector<16xf32>
      %mul3A_853 = arith.constant 16 : i32
      %mul3A_854 = arith.muli %scan3A_826, %mul3A_853 : i32
      %add3A_855 = arith.constant 3072 : i32
      %add3A_856 = arith.addi %add3A_855, %mul3A_854 : i32
      %get3A_857 = arith.constant 2 : i32
      %get3A_858 = arith.index_cast %get3A_857 : i32 to index
      %get3A_859 = arith.index_cast %add3A_856 : i32 to index
      %get3A_860 = tpu.vector_load %arg4[%get3A_858, %get3A_859] {strides = array<i32>} : memref<8x8192xf32, #tpu.memory_space<vmem>>, vector<16xf32>,
      %add3A_861 = arith.addf %scan3A_829, %get3A_860 : vector<16xf32>
      %mul3A_862 = arith.constant 16 : i32
      %mul3A_863 = arith.muli %scan3A_826, %mul3A_862 : i32
      %add3A_864 = arith.constant 3072 : i32
      %add3A_865 = arith.addi %add3A_864, %mul3A_863 : i32
      %get3A_866 = arith.constant 3 : i32
      %get3A_867 = arith.index_cast %get3A_866 : i32 to index
      %get3A_868 = arith.index_cast %add3A_865 : i32 to index
      %get3A_869 = tpu.vector_load %arg4[%get3A_867, %get3A_868] {strides = array<i32>} : memref<8x8192xf32, #tpu.memory_space<vmem>>, vector<16xf32>,
      %add3A_870 = arith.addf %scan3A_830, %get3A_869 : vector<16xf32>
      %mul3A_871 = arith.constant 16 : i32
      %mul3A_872 = arith.muli %scan3A_826, %mul3A_871 : i32
      %add3A_873 = arith.constant 3072 : i32
      %add3A_874 = arith.addi %add3A_873, %mul3A_872 : i32
      %get3A_875 = arith.constant 4 : i32
      %get3A_876 = arith.index_cast %get3A_875 : i32 to index
      %get3A_877 = arith.index_cast %add3A_874 : i32 to index
      %get3A_878 = tpu.vector_load %arg4[%get3A_876, %get3A_877] {strides = array<i32>} : memref<8x8192xf32, #tpu.memory_space<vmem>>, vector<16xf32>,
      %add3A_879 = arith.addf %scan3A_831, %get3A_878 : vector<16xf32>
      %mul3A_880 = arith.constant 16 : i32
      %mul3A_881 = arith.muli %scan3A_826, %mul3A_880 : i32
      %add3A_882 = arith.constant 3072 : i32
      %add3A_883 = arith.addi %add3A_882, %mul3A_881 : i32
      %get3A_884 = arith.constant 5 : i32
      %get3A_885 = arith.index_cast %get3A_884 : i32 to index
      %get3A_886 = arith.index_cast %add3A_883 : i32 to index
      %get3A_887 = tpu.vector_load %arg4[%get3A_885, %get3A_886] {strides = array<i32>} : memref<8x8192xf32, #tpu.memory_space<vmem>>, vector<16xf32>,
      %add3A_888 = arith.addf %scan3A_832, %get3A_887 : vector<16xf32>
      %mul3A_889 = arith.constant 16 : i32
      %mul3A_890 = arith.muli %scan3A_826, %mul3A_889 : i32
      %add3A_891 = arith.constant 3072 : i32
      %add3A_892 = arith.addi %add3A_891, %mul3A_890 : i32
      %get3A_893 = arith.constant 6 : i32
      %get3A_894 = arith.index_cast %get3A_893 : i32 to index
      %get3A_895 = arith.index_cast %add3A_892 : i32 to index
      %get3A_896 = tpu.vector_load %arg4[%get3A_894, %get3A_895] {strides = array<i32>} : memref<8x8192xf32, #tpu.memory_space<vmem>>, vector<16xf32>,
      %add3A_897 = arith.addf %scan3A_833, %get3A_896 : vector<16xf32>
      %mul3A_898 = arith.constant 16 : i32
      %mul3A_899 = arith.muli %scan3A_826, %mul3A_898 : i32
      %add3A_900 = arith.constant 3072 : i32
      %add3A_901 = arith.addi %add3A_900, %mul3A_899 : i32
      %get3A_902 = arith.constant 7 : i32
      %get3A_903 = arith.index_cast %get3A_902 : i32 to index
      %get3A_904 = arith.index_cast %add3A_901 : i32 to index
      %get3A_905 = tpu.vector_load %arg4[%get3A_903, %get3A_904] {strides = array<i32>} : memref<8x8192xf32, #tpu.memory_space<vmem>>, vector<16xf32>,
      %add3A_906 = arith.addf %scan3A_834, %get3A_905 : vector<16xf32>
      scf.yield %add3A_843, %add3A_852, %add3A_861, %add3A_870, %add3A_879, %add3A_888, %add3A_897, %add3A_906 : vector<16xf32>, vector<16xf32>, vector<16xf32>, vector<16xf32>, vector<16xf32>, vector<16xf32>, vector<16xf32>, vector<16xf32>
    }
    %scan3A_204 = arith.constant 64 : i32
    %dma_wait3A_205 = arith.constant 4 : i32
    %dma_wait3A_206 = arith.constant 0 : i32
    %dma_wait3A_207 = arith.constant 4096 : i32
    %dma_wait3A_208 = tpu.memref_slice %arg4[%dma_wait3A_206, %dma_wait3A_207] : memref<8x8192xf32, #tpu.memory_space<vmem>> -> memref<8x1024xf32, #tpu.memory_space<vmem>>
    %dma_wait3A_209 = tpu.memref_slice %arg2[%mul3A_32, %add3A_87] : memref<64x32768xf32, #tpu.memory_space<hbm>> -> memref<8x1024xf32, #tpu.memory_space<hbm>>
    %dma_wait3A_210 = tpu.memref_slice %arg8[%dma_wait3A_205] : memref<8x!tpu.dma_semaphore, #tpu.memory_space<semaphore_mem>> -> memref<1x!tpu.dma_semaphore, #tpu.memory_space<semaphore_mem>>
    %dma_wait3A_211 = tpu.memref_squeeze %dma_wait3A_210 : memref<1x!tpu.dma_semaphore, #tpu.memory_space<semaphore_mem>> -> memref<!tpu.dma_semaphore, #tpu.memory_space<semaphore_mem>>
    %dma_wait3A_212 = arith.constant 0 : i32
    %dma_wait3A_213 = arith.constant 4096 : i32
    %dma_wait3A_214 = tpu.memref_slice %arg4[%dma_wait3A_212, %dma_wait3A_213] : memref<8x8192xf32, #tpu.memory_space<vmem>> -> memref<8x1024xf32, #tpu.memory_space<vmem>>
    %dma_wait3A_215 = tpu.memref_slice %arg2[%mul3A_32, %add3A_87] : memref<64x32768xf32, #tpu.memory_space<hbm>> -> memref<8x1024xf32, #tpu.memory_space<hbm>>
    tpu.wait_dma2 semaphore(%dma_wait3A_211 : memref<!tpu.dma_semaphore, #tpu.memory_space<semaphore_mem>>) src(%dma_wait3A_215 : memref<8x1024xf32, #tpu.memory_space<hbm>>) dst(%dma_wait3A_214 : memref<8x1024xf32, #tpu.memory_space<vmem>>)
    %scan3A_216 = arith.constant 0 : i32
    %scan3A_217 = arith.constant 64 : i32
    %scan3A_218 = arith.addi %scan3A_216, %scan3A_217 : i32
    %scan3A_219 = arith.constant 1 : i32
    %scan3A_220:8 = scf.for %scan3A_826 = %scan3A_216 to %scan3A_218 step %scan3A_219 iter_args(%scan3A_827 = %scan3A_203#0, %scan3A_828 = %scan3A_203#1, %scan3A_829 = %scan3A_203#2, %scan3A_830 = %scan3A_203#3, %scan3A_831 = %scan3A_203#4, %scan3A_832 = %scan3A_203#5, %scan3A_833 = %scan3A_203#6, %scan3A_834 = %scan3A_203#7) -> (vector<16xf32>, vector<16xf32>, vector<16xf32>, vector<16xf32>, vector<16xf32>, vector<16xf32>, vector<16xf32>, vector<16xf32>)  : i32 {
      %mul3A_835 = arith.constant 16 : i32
      %mul3A_836 = arith.muli %scan3A_826, %mul3A_835 : i32
      %add3A_837 = arith.constant 4096 : i32
      %add3A_838 = arith.addi %add3A_837, %mul3A_836 : i32
      %get3A_839 = arith.constant 0 : i32
      %get3A_840 = arith.index_cast %get3A_839 : i32 to index
      %get3A_841 = arith.index_cast %add3A_838 : i32 to index
      %get3A_842 = tpu.vector_load %arg4[%get3A_840, %get3A_841] {strides = array<i32>} : memref<8x8192xf32, #tpu.memory_space<vmem>>, vector<16xf32>,
      %add3A_843 = arith.addf %scan3A_827, %get3A_842 : vector<16xf32>
      %mul3A_844 = arith.constant 16 : i32
      %mul3A_845 = arith.muli %scan3A_826, %mul3A_844 : i32
      %add3A_846 = arith.constant 4096 : i32
      %add3A_847 = arith.addi %add3A_846, %mul3A_845 : i32
      %get3A_848 = arith.constant 1 : i32
      %get3A_849 = arith.index_cast %get3A_848 : i32 to index
      %get3A_850 = arith.index_cast %add3A_847 : i32 to index
      %get3A_851 = tpu.vector_load %arg4[%get3A_849, %get3A_850] {strides = array<i32>} : memref<8x8192xf32, #tpu.memory_space<vmem>>, vector<16xf32>,
      %add3A_852 = arith.addf %scan3A_828, %get3A_851 : vector<16xf32>
      %mul3A_853 = arith.constant 16 : i32
      %mul3A_854 = arith.muli %scan3A_826, %mul3A_853 : i32
      %add3A_855 = arith.constant 4096 : i32
      %add3A_856 = arith.addi %add3A_855, %mul3A_854 : i32
      %get3A_857 = arith.constant 2 : i32
      %get3A_858 = arith.index_cast %get3A_857 : i32 to index
      %get3A_859 = arith.index_cast %add3A_856 : i32 to index
      %get3A_860 = tpu.vector_load %arg4[%get3A_858, %get3A_859] {strides = array<i32>} : memref<8x8192xf32, #tpu.memory_space<vmem>>, vector<16xf32>,
      %add3A_861 = arith.addf %scan3A_829, %get3A_860 : vector<16xf32>
      %mul3A_862 = arith.constant 16 : i32
      %mul3A_863 = arith.muli %scan3A_826, %mul3A_862 : i32
      %add3A_864 = arith.constant 4096 : i32
      %add3A_865 = arith.addi %add3A_864, %mul3A_863 : i32
      %get3A_866 = arith.constant 3 : i32
      %get3A_867 = arith.index_cast %get3A_866 : i32 to index
      %get3A_868 = arith.index_cast %add3A_865 : i32 to index
      %get3A_869 = tpu.vector_load %arg4[%get3A_867, %get3A_868] {strides = array<i32>} : memref<8x8192xf32, #tpu.memory_space<vmem>>, vector<16xf32>,
      %add3A_870 = arith.addf %scan3A_830, %get3A_869 : vector<16xf32>
      %mul3A_871 = arith.constant 16 : i32
      %mul3A_872 = arith.muli %scan3A_826, %mul3A_871 : i32
      %add3A_873 = arith.constant 4096 : i32
      %add3A_874 = arith.addi %add3A_873, %mul3A_872 : i32
      %get3A_875 = arith.constant 4 : i32
      %get3A_876 = arith.index_cast %get3A_875 : i32 to index
      %get3A_877 = arith.index_cast %add3A_874 : i32 to index
      %get3A_878 = tpu.vector_load %arg4[%get3A_876, %get3A_877] {strides = array<i32>} : memref<8x8192xf32, #tpu.memory_space<vmem>>, vector<16xf32>,
      %add3A_879 = arith.addf %scan3A_831, %get3A_878 : vector<16xf32>
      %mul3A_880 = arith.constant 16 : i32
      %mul3A_881 = arith.muli %scan3A_826, %mul3A_880 : i32
      %add3A_882 = arith.constant 4096 : i32
      %add3A_883 = arith.addi %add3A_882, %mul3A_881 : i32
      %get3A_884 = arith.constant 5 : i32
      %get3A_885 = arith.index_cast %get3A_884 : i32 to index
      %get3A_886 = arith.index_cast %add3A_883 : i32 to index
      %get3A_887 = tpu.vector_load %arg4[%get3A_885, %get3A_886] {strides = array<i32>} : memref<8x8192xf32, #tpu.memory_space<vmem>>, vector<16xf32>,
      %add3A_888 = arith.addf %scan3A_832, %get3A_887 : vector<16xf32>
      %mul3A_889 = arith.constant 16 : i32
      %mul3A_890 = arith.muli %scan3A_826, %mul3A_889 : i32
      %add3A_891 = arith.constant 4096 : i32
      %add3A_892 = arith.addi %add3A_891, %mul3A_890 : i32
      %get3A_893 = arith.constant 6 : i32
      %get3A_894 = arith.index_cast %get3A_893 : i32 to index
      %get3A_895 = arith.index_cast %add3A_892 : i32 to index
      %get3A_896 = tpu.vector_load %arg4[%get3A_894, %get3A_895] {strides = array<i32>} : memref<8x8192xf32, #tpu.memory_space<vmem>>, vector<16xf32>,
      %add3A_897 = arith.addf %scan3A_833, %get3A_896 : vector<16xf32>
      %mul3A_898 = arith.constant 16 : i32
      %mul3A_899 = arith.muli %scan3A_826, %mul3A_898 : i32
      %add3A_900 = arith.constant 4096 : i32
      %add3A_901 = arith.addi %add3A_900, %mul3A_899 : i32
      %get3A_902 = arith.constant 7 : i32
      %get3A_903 = arith.index_cast %get3A_902 : i32 to index
      %get3A_904 = arith.index_cast %add3A_901 : i32 to index
      %get3A_905 = tpu.vector_load %arg4[%get3A_903, %get3A_904] {strides = array<i32>} : memref<8x8192xf32, #tpu.memory_space<vmem>>, vector<16xf32>,
      %add3A_906 = arith.addf %scan3A_834, %get3A_905 : vector<16xf32>
      scf.yield %add3A_843, %add3A_852, %add3A_861, %add3A_870, %add3A_879, %add3A_888, %add3A_897, %add3A_906 : vector<16xf32>, vector<16xf32>, vector<16xf32>, vector<16xf32>, vector<16xf32>, vector<16xf32>, vector<16xf32>, vector<16xf32>
    }
    %scan3A_221 = arith.constant 64 : i32
    %dma_wait3A_222 = arith.constant 5 : i32
    %dma_wait3A_223 = arith.constant 0 : i32
    %dma_wait3A_224 = arith.constant 5120 : i32
    %dma_wait3A_225 = tpu.memref_slice %arg4[%dma_wait3A_223, %dma_wait3A_224] : memref<8x8192xf32, #tpu.memory_space<vmem>> -> memref<8x1024xf32, #tpu.memory_space<vmem>>
    %dma_wait3A_226 = tpu.memref_slice %arg2[%mul3A_32, %add3A_100] : memref<64x32768xf32, #tpu.memory_space<hbm>> -> memref<8x1024xf32, #tpu.memory_space<hbm>>
    %dma_wait3A_227 = tpu.memref_slice %arg8[%dma_wait3A_222] : memref<8x!tpu.dma_semaphore, #tpu.memory_space<semaphore_mem>> -> memref<1x!tpu.dma_semaphore, #tpu.memory_space<semaphore_mem>>
    %dma_wait3A_228 = tpu.memref_squeeze %dma_wait3A_227 : memref<1x!tpu.dma_semaphore, #tpu.memory_space<semaphore_mem>> -> memref<!tpu.dma_semaphore, #tpu.memory_space<semaphore_mem>>
    %dma_wait3A_229 = arith.constant 0 : i32
    %dma_wait3A_230 = arith.constant 5120 : i32
    %dma_wait3A_231 = tpu.memref_slice %arg4[%dma_wait3A_229, %dma_wait3A_230] : memref<8x8192xf32, #tpu.memory_space<vmem>> -> memref<8x1024xf32, #tpu.memory_space<vmem>>
    %dma_wait3A_232 = tpu.memref_slice %arg2[%mul3A_32, %add3A_100] : memref<64x32768xf32, #tpu.memory_space<hbm>> -> memref<8x1024xf32, #tpu.memory_space<hbm>>
    tpu.wait_dma2 semaphore(%dma_wait3A_228 : memref<!tpu.dma_semaphore, #tpu.memory_space<semaphore_mem>>) src(%dma_wait3A_232 : memref<8x1024xf32, #tpu.memory_space<hbm>>) dst(%dma_wait3A_231 : memref<8x1024xf32, #tpu.memory_space<vmem>>)
    %scan3A_233 = arith.constant 0 : i32
    %scan3A_234 = arith.constant 64 : i32
    %scan3A_235 = arith.addi %scan3A_233, %scan3A_234 : i32
    %scan3A_236 = arith.constant 1 : i32
    %scan3A_237:8 = scf.for %scan3A_826 = %scan3A_233 to %scan3A_235 step %scan3A_236 iter_args(%scan3A_827 = %scan3A_220#0, %scan3A_828 = %scan3A_220#1, %scan3A_829 = %scan3A_220#2, %scan3A_830 = %scan3A_220#3, %scan3A_831 = %scan3A_220#4, %scan3A_832 = %scan3A_220#5, %scan3A_833 = %scan3A_220#6, %scan3A_834 = %scan3A_220#7) -> (vector<16xf32>, vector<16xf32>, vector<16xf32>, vector<16xf32>, vector<16xf32>, vector<16xf32>, vector<16xf32>, vector<16xf32>)  : i32 {
      %mul3A_835 = arith.constant 16 : i32
      %mul3A_836 = arith.muli %scan3A_826, %mul3A_835 : i32
      %add3A_837 = arith.constant 5120 : i32
      %add3A_838 = arith.addi %add3A_837, %mul3A_836 : i32
      %get3A_839 = arith.constant 0 : i32
      %get3A_840 = arith.index_cast %get3A_839 : i32 to index
      %get3A_841 = arith.index_cast %add3A_838 : i32 to index
      %get3A_842 = tpu.vector_load %arg4[%get3A_840, %get3A_841] {strides = array<i32>} : memref<8x8192xf32, #tpu.memory_space<vmem>>, vector<16xf32>,
      %add3A_843 = arith.addf %scan3A_827, %get3A_842 : vector<16xf32>
      %mul3A_844 = arith.constant 16 : i32
      %mul3A_845 = arith.muli %scan3A_826, %mul3A_844 : i32
      %add3A_846 = arith.constant 5120 : i32
      %add3A_847 = arith.addi %add3A_846, %mul3A_845 : i32
      %get3A_848 = arith.constant 1 : i32
      %get3A_849 = arith.index_cast %get3A_848 : i32 to index
      %get3A_850 = arith.index_cast %add3A_847 : i32 to index
      %get3A_851 = tpu.vector_load %arg4[%get3A_849, %get3A_850] {strides = array<i32>} : memref<8x8192xf32, #tpu.memory_space<vmem>>, vector<16xf32>,
      %add3A_852 = arith.addf %scan3A_828, %get3A_851 : vector<16xf32>
      %mul3A_853 = arith.constant 16 : i32
      %mul3A_854 = arith.muli %scan3A_826, %mul3A_853 : i32
      %add3A_855 = arith.constant 5120 : i32
      %add3A_856 = arith.addi %add3A_855, %mul3A_854 : i32
      %get3A_857 = arith.constant 2 : i32
      %get3A_858 = arith.index_cast %get3A_857 : i32 to index
      %get3A_859 = arith.index_cast %add3A_856 : i32 to index
      %get3A_860 = tpu.vector_load %arg4[%get3A_858, %get3A_859] {strides = array<i32>} : memref<8x8192xf32, #tpu.memory_space<vmem>>, vector<16xf32>,
      %add3A_861 = arith.addf %scan3A_829, %get3A_860 : vector<16xf32>
      %mul3A_862 = arith.constant 16 : i32
      %mul3A_863 = arith.muli %scan3A_826, %mul3A_862 : i32
      %add3A_864 = arith.constant 5120 : i32
      %add3A_865 = arith.addi %add3A_864, %mul3A_863 : i32
      %get3A_866 = arith.constant 3 : i32
      %get3A_867 = arith.index_cast %get3A_866 : i32 to index
      %get3A_868 = arith.index_cast %add3A_865 : i32 to index
      %get3A_869 = tpu.vector_load %arg4[%get3A_867, %get3A_868] {strides = array<i32>} : memref<8x8192xf32, #tpu.memory_space<vmem>>, vector<16xf32>,
      %add3A_870 = arith.addf %scan3A_830, %get3A_869 : vector<16xf32>
      %mul3A_871 = arith.constant 16 : i32
      %mul3A_872 = arith.muli %scan3A_826, %mul3A_871 : i32
      %add3A_873 = arith.constant 5120 : i32
      %add3A_874 = arith.addi %add3A_873, %mul3A_872 : i32
      %get3A_875 = arith.constant 4 : i32
      %get3A_876 = arith.index_cast %get3A_875 : i32 to index
      %get3A_877 = arith.index_cast %add3A_874 : i32 to index
      %get3A_878 = tpu.vector_load %arg4[%get3A_876, %get3A_877] {strides = array<i32>} : memref<8x8192xf32, #tpu.memory_space<vmem>>, vector<16xf32>,
      %add3A_879 = arith.addf %scan3A_831, %get3A_878 : vector<16xf32>
      %mul3A_880 = arith.constant 16 : i32
      %mul3A_881 = arith.muli %scan3A_826, %mul3A_880 : i32
      %add3A_882 = arith.constant 5120 : i32
      %add3A_883 = arith.addi %add3A_882, %mul3A_881 : i32
      %get3A_884 = arith.constant 5 : i32
      %get3A_885 = arith.index_cast %get3A_884 : i32 to index
      %get3A_886 = arith.index_cast %add3A_883 : i32 to index
      %get3A_887 = tpu.vector_load %arg4[%get3A_885, %get3A_886] {strides = array<i32>} : memref<8x8192xf32, #tpu.memory_space<vmem>>, vector<16xf32>,
      %add3A_888 = arith.addf %scan3A_832, %get3A_887 : vector<16xf32>
      %mul3A_889 = arith.constant 16 : i32
      %mul3A_890 = arith.muli %scan3A_826, %mul3A_889 : i32
      %add3A_891 = arith.constant 5120 : i32
      %add3A_892 = arith.addi %add3A_891, %mul3A_890 : i32
      %get3A_893 = arith.constant 6 : i32
      %get3A_894 = arith.index_cast %get3A_893 : i32 to index
      %get3A_895 = arith.index_cast %add3A_892 : i32 to index
      %get3A_896 = tpu.vector_load %arg4[%get3A_894, %get3A_895] {strides = array<i32>} : memref<8x8192xf32, #tpu.memory_space<vmem>>, vector<16xf32>,
      %add3A_897 = arith.addf %scan3A_833, %get3A_896 : vector<16xf32>
      %mul3A_898 = arith.constant 16 : i32
      %mul3A_899 = arith.muli %scan3A_826, %mul3A_898 : i32
      %add3A_900 = arith.constant 5120 : i32
      %add3A_901 = arith.addi %add3A_900, %mul3A_899 : i32
      %get3A_902 = arith.constant 7 : i32
      %get3A_903 = arith.index_cast %get3A_902 : i32 to index
      %get3A_904 = arith.index_cast %add3A_901 : i32 to index
      %get3A_905 = tpu.vector_load %arg4[%get3A_903, %get3A_904] {strides = array<i32>} : memref<8x8192xf32, #tpu.memory_space<vmem>>, vector<16xf32>,
      %add3A_906 = arith.addf %scan3A_834, %get3A_905 : vector<16xf32>
      scf.yield %add3A_843, %add3A_852, %add3A_861, %add3A_870, %add3A_879, %add3A_888, %add3A_897, %add3A_906 : vector<16xf32>, vector<16xf32>, vector<16xf32>, vector<16xf32>, vector<16xf32>, vector<16xf32>, vector<16xf32>, vector<16xf32>
    }
    %scan3A_238 = arith.constant 64 : i32
    %dma_wait3A_239 = arith.constant 6 : i32
    %dma_wait3A_240 = arith.constant 0 : i32
    %dma_wait3A_241 = arith.constant 6144 : i32
    %dma_wait3A_242 = tpu.memref_slice %arg4[%dma_wait3A_240, %dma_wait3A_241] : memref<8x8192xf32, #tpu.memory_space<vmem>> -> memref<8x1024xf32, #tpu.memory_space<vmem>>
    %dma_wait3A_243 = tpu.memref_slice %arg2[%mul3A_32, %add3A_113] : memref<64x32768xf32, #tpu.memory_space<hbm>> -> memref<8x1024xf32, #tpu.memory_space<hbm>>
    %dma_wait3A_244 = tpu.memref_slice %arg8[%dma_wait3A_239] : memref<8x!tpu.dma_semaphore, #tpu.memory_space<semaphore_mem>> -> memref<1x!tpu.dma_semaphore, #tpu.memory_space<semaphore_mem>>
    %dma_wait3A_245 = tpu.memref_squeeze %dma_wait3A_244 : memref<1x!tpu.dma_semaphore, #tpu.memory_space<semaphore_mem>> -> memref<!tpu.dma_semaphore, #tpu.memory_space<semaphore_mem>>
    %dma_wait3A_246 = arith.constant 0 : i32
    %dma_wait3A_247 = arith.constant 6144 : i32
    %dma_wait3A_248 = tpu.memref_slice %arg4[%dma_wait3A_246, %dma_wait3A_247] : memref<8x8192xf32, #tpu.memory_space<vmem>> -> memref<8x1024xf32, #tpu.memory_space<vmem>>
    %dma_wait3A_249 = tpu.memref_slice %arg2[%mul3A_32, %add3A_113] : memref<64x32768xf32, #tpu.memory_space<hbm>> -> memref<8x1024xf32, #tpu.memory_space<hbm>>
    tpu.wait_dma2 semaphore(%dma_wait3A_245 : memref<!tpu.dma_semaphore, #tpu.memory_space<semaphore_mem>>) src(%dma_wait3A_249 : memref<8x1024xf32, #tpu.memory_space<hbm>>) dst(%dma_wait3A_248 : memref<8x1024xf32, #tpu.memory_space<vmem>>)
    %scan3A_250 = arith.constant 0 : i32
    %scan3A_251 = arith.constant 64 : i32
    %scan3A_252 = arith.addi %scan3A_250, %scan3A_251 : i32
    %scan3A_253 = arith.constant 1 : i32
    %scan3A_254:8 = scf.for %scan3A_826 = %scan3A_250 to %scan3A_252 step %scan3A_253 iter_args(%scan3A_827 = %scan3A_237#0, %scan3A_828 = %scan3A_237#1, %scan3A_829 = %scan3A_237#2, %scan3A_830 = %scan3A_237#3, %scan3A_831 = %scan3A_237#4, %scan3A_832 = %scan3A_237#5, %scan3A_833 = %scan3A_237#6, %scan3A_834 = %scan3A_237#7) -> (vector<16xf32>, vector<16xf32>, vector<16xf32>, vector<16xf32>, vector<16xf32>, vector<16xf32>, vector<16xf32>, vector<16xf32>)  : i32 {
      %mul3A_835 = arith.constant 16 : i32
      %mul3A_836 = arith.muli %scan3A_826, %mul3A_835 : i32
      %add3A_837 = arith.constant 6144 : i32
      %add3A_838 = arith.addi %add3A_837, %mul3A_836 : i32
      %get3A_839 = arith.constant 0 : i32
      %get3A_840 = arith.index_cast %get3A_839 : i32 to index
      %get3A_841 = arith.index_cast %add3A_838 : i32 to index
      %get3A_842 = tpu.vector_load %arg4[%get3A_840, %get3A_841] {strides = array<i32>} : memref<8x8192xf32, #tpu.memory_space<vmem>>, vector<16xf32>,
      %add3A_843 = arith.addf %scan3A_827, %get3A_842 : vector<16xf32>
      %mul3A_844 = arith.constant 16 : i32
      %mul3A_845 = arith.muli %scan3A_826, %mul3A_844 : i32
      %add3A_846 = arith.constant 6144 : i32
      %add3A_847 = arith.addi %add3A_846, %mul3A_845 : i32
      %get3A_848 = arith.constant 1 : i32
      %get3A_849 = arith.index_cast %get3A_848 : i32 to index
      %get3A_850 = arith.index_cast %add3A_847 : i32 to index
      %get3A_851 = tpu.vector_load %arg4[%get3A_849, %get3A_850] {strides = array<i32>} : memref<8x8192xf32, #tpu.memory_space<vmem>>, vector<16xf32>,
      %add3A_852 = arith.addf %scan3A_828, %get3A_851 : vector<16xf32>
      %mul3A_853 = arith.constant 16 : i32
      %mul3A_854 = arith.muli %scan3A_826, %mul3A_853 : i32
      %add3A_855 = arith.constant 6144 : i32
      %add3A_856 = arith.addi %add3A_855, %mul3A_854 : i32
      %get3A_857 = arith.constant 2 : i32
      %get3A_858 = arith.index_cast %get3A_857 : i32 to index
      %get3A_859 = arith.index_cast %add3A_856 : i32 to index
      %get3A_860 = tpu.vector_load %arg4[%get3A_858, %get3A_859] {strides = array<i32>} : memref<8x8192xf32, #tpu.memory_space<vmem>>, vector<16xf32>,
      %add3A_861 = arith.addf %scan3A_829, %get3A_860 : vector<16xf32>
      %mul3A_862 = arith.constant 16 : i32
      %mul3A_863 = arith.muli %scan3A_826, %mul3A_862 : i32
      %add3A_864 = arith.constant 6144 : i32
      %add3A_865 = arith.addi %add3A_864, %mul3A_863 : i32
      %get3A_866 = arith.constant 3 : i32
      %get3A_867 = arith.index_cast %get3A_866 : i32 to index
      %get3A_868 = arith.index_cast %add3A_865 : i32 to index
      %get3A_869 = tpu.vector_load %arg4[%get3A_867, %get3A_868] {strides = array<i32>} : memref<8x8192xf32, #tpu.memory_space<vmem>>, vector<16xf32>,
      %add3A_870 = arith.addf %scan3A_830, %get3A_869 : vector<16xf32>
      %mul3A_871 = arith.constant 16 : i32
      %mul3A_872 = arith.muli %scan3A_826, %mul3A_871 : i32
      %add3A_873 = arith.constant 6144 : i32
      %add3A_874 = arith.addi %add3A_873, %mul3A_872 : i32
      %get3A_875 = arith.constant 4 : i32
      %get3A_876 = arith.index_cast %get3A_875 : i32 to index
      %get3A_877 = arith.index_cast %add3A_874 : i32 to index
      %get3A_878 = tpu.vector_load %arg4[%get3A_876, %get3A_877] {strides = array<i32>} : memref<8x8192xf32, #tpu.memory_space<vmem>>, vector<16xf32>,
      %add3A_879 = arith.addf %scan3A_831, %get3A_878 : vector<16xf32>
      %mul3A_880 = arith.constant 16 : i32
      %mul3A_881 = arith.muli %scan3A_826, %mul3A_880 : i32
      %add3A_882 = arith.constant 6144 : i32
      %add3A_883 = arith.addi %add3A_882, %mul3A_881 : i32
      %get3A_884 = arith.constant 5 : i32
      %get3A_885 = arith.index_cast %get3A_884 : i32 to index
      %get3A_886 = arith.index_cast %add3A_883 : i32 to index
      %get3A_887 = tpu.vector_load %arg4[%get3A_885, %get3A_886] {strides = array<i32>} : memref<8x8192xf32, #tpu.memory_space<vmem>>, vector<16xf32>,
      %add3A_888 = arith.addf %scan3A_832, %get3A_887 : vector<16xf32>
      %mul3A_889 = arith.constant 16 : i32
      %mul3A_890 = arith.muli %scan3A_826, %mul3A_889 : i32
      %add3A_891 = arith.constant 6144 : i32
      %add3A_892 = arith.addi %add3A_891, %mul3A_890 : i32
      %get3A_893 = arith.constant 6 : i32
      %get3A_894 = arith.index_cast %get3A_893 : i32 to index
      %get3A_895 = arith.index_cast %add3A_892 : i32 to index
      %get3A_896 = tpu.vector_load %arg4[%get3A_894, %get3A_895] {strides = array<i32>} : memref<8x8192xf32, #tpu.memory_space<vmem>>, vector<16xf32>,
      %add3A_897 = arith.addf %scan3A_833, %get3A_896 : vector<16xf32>
      %mul3A_898 = arith.constant 16 : i32
      %mul3A_899 = arith.muli %scan3A_826, %mul3A_898 : i32
      %add3A_900 = arith.constant 6144 : i32
      %add3A_901 = arith.addi %add3A_900, %mul3A_899 : i32
      %get3A_902 = arith.constant 7 : i32
      %get3A_903 = arith.index_cast %get3A_902 : i32 to index
      %get3A_904 = arith.index_cast %add3A_901 : i32 to index
      %get3A_905 = tpu.vector_load %arg4[%get3A_903, %get3A_904] {strides = array<i32>} : memref<8x8192xf32, #tpu.memory_space<vmem>>, vector<16xf32>,
      %add3A_906 = arith.addf %scan3A_834, %get3A_905 : vector<16xf32>
      scf.yield %add3A_843, %add3A_852, %add3A_861, %add3A_870, %add3A_879, %add3A_888, %add3A_897, %add3A_906 : vector<16xf32>, vector<16xf32>, vector<16xf32>, vector<16xf32>, vector<16xf32>, vector<16xf32>, vector<16xf32>, vector<16xf32>
    }
    %scan3A_255 = arith.constant 64 : i32
    %dma_wait3A_256 = arith.constant 7 : i32
    %dma_wait3A_257 = arith.constant 0 : i32
    %dma_wait3A_258 = arith.constant 7168 : i32
    %dma_wait3A_259 = tpu.memref_slice %arg4[%dma_wait3A_257, %dma_wait3A_258] : memref<8x8192xf32, #tpu.memory_space<vmem>> -> memref<8x1024xf32, #tpu.memory_space<vmem>>
    %dma_wait3A_260 = tpu.memref_slice %arg2[%mul3A_32, %add3A_126] : memref<64x32768xf32, #tpu.memory_space<hbm>> -> memref<8x1024xf32, #tpu.memory_space<hbm>>
    %dma_wait3A_261 = tpu.memref_slice %arg8[%dma_wait3A_256] : memref<8x!tpu.dma_semaphore, #tpu.memory_space<semaphore_mem>> -> memref<1x!tpu.dma_semaphore, #tpu.memory_space<semaphore_mem>>
    %dma_wait3A_262 = tpu.memref_squeeze %dma_wait3A_261 : memref<1x!tpu.dma_semaphore, #tpu.memory_space<semaphore_mem>> -> memref<!tpu.dma_semaphore, #tpu.memory_space<semaphore_mem>>
    %dma_wait3A_263 = arith.constant 0 : i32
    %dma_wait3A_264 = arith.constant 7168 : i32
    %dma_wait3A_265 = tpu.memref_slice %arg4[%dma_wait3A_263, %dma_wait3A_264] : memref<8x8192xf32, #tpu.memory_space<vmem>> -> memref<8x1024xf32, #tpu.memory_space<vmem>>
    %dma_wait3A_266 = tpu.memref_slice %arg2[%mul3A_32, %add3A_126] : memref<64x32768xf32, #tpu.memory_space<hbm>> -> memref<8x1024xf32, #tpu.memory_space<hbm>>
    tpu.wait_dma2 semaphore(%dma_wait3A_262 : memref<!tpu.dma_semaphore, #tpu.memory_space<semaphore_mem>>) src(%dma_wait3A_266 : memref<8x1024xf32, #tpu.memory_space<hbm>>) dst(%dma_wait3A_265 : memref<8x1024xf32, #tpu.memory_space<vmem>>)
    %scan3A_267 = arith.constant 0 : i32
    %scan3A_268 = arith.constant 64 : i32
    %scan3A_269 = arith.addi %scan3A_267, %scan3A_268 : i32
    %scan3A_270 = arith.constant 1 : i32
    %scan3A_271:8 = scf.for %scan3A_826 = %scan3A_267 to %scan3A_269 step %scan3A_270 iter_args(%scan3A_827 = %scan3A_254#0, %scan3A_828 = %scan3A_254#1, %scan3A_829 = %scan3A_254#2, %scan3A_830 = %scan3A_254#3, %scan3A_831 = %scan3A_254#4, %scan3A_832 = %scan3A_254#5, %scan3A_833 = %scan3A_254#6, %scan3A_834 = %scan3A_254#7) -> (vector<16xf32>, vector<16xf32>, vector<16xf32>, vector<16xf32>, vector<16xf32>, vector<16xf32>, vector<16xf32>, vector<16xf32>)  : i32 {
      %mul3A_835 = arith.constant 16 : i32
      %mul3A_836 = arith.muli %scan3A_826, %mul3A_835 : i32
      %add3A_837 = arith.constant 7168 : i32
      %add3A_838 = arith.addi %add3A_837, %mul3A_836 : i32
      %get3A_839 = arith.constant 0 : i32
      %get3A_840 = arith.index_cast %get3A_839 : i32 to index
      %get3A_841 = arith.index_cast %add3A_838 : i32 to index
      %get3A_842 = tpu.vector_load %arg4[%get3A_840, %get3A_841] {strides = array<i32>} : memref<8x8192xf32, #tpu.memory_space<vmem>>, vector<16xf32>,
      %add3A_843 = arith.addf %scan3A_827, %get3A_842 : vector<16xf32>
      %mul3A_844 = arith.constant 16 : i32
      %mul3A_845 = arith.muli %scan3A_826, %mul3A_844 : i32
      %add3A_846 = arith.constant 7168 : i32
      %add3A_847 = arith.addi %add3A_846, %mul3A_845 : i32
      %get3A_848 = arith.constant 1 : i32
      %get3A_849 = arith.index_cast %get3A_848 : i32 to index
      %get3A_850 = arith.index_cast %add3A_847 : i32 to index
      %get3A_851 = tpu.vector_load %arg4[%get3A_849, %get3A_850] {strides = array<i32>} : memref<8x8192xf32, #tpu.memory_space<vmem>>, vector<16xf32>,
      %add3A_852 = arith.addf %scan3A_828, %get3A_851 : vector<16xf32>
      %mul3A_853 = arith.constant 16 : i32
      %mul3A_854 = arith.muli %scan3A_826, %mul3A_853 : i32
      %add3A_855 = arith.constant 7168 : i32
      %add3A_856 = arith.addi %add3A_855, %mul3A_854 : i32
      %get3A_857 = arith.constant 2 : i32
      %get3A_858 = arith.index_cast %get3A_857 : i32 to index
      %get3A_859 = arith.index_cast %add3A_856 : i32 to index
      %get3A_860 = tpu.vector_load %arg4[%get3A_858, %get3A_859] {strides = array<i32>} : memref<8x8192xf32, #tpu.memory_space<vmem>>, vector<16xf32>,
      %add3A_861 = arith.addf %scan3A_829, %get3A_860 : vector<16xf32>
      %mul3A_862 = arith.constant 16 : i32
      %mul3A_863 = arith.muli %scan3A_826, %mul3A_862 : i32
      %add3A_864 = arith.constant 7168 : i32
      %add3A_865 = arith.addi %add3A_864, %mul3A_863 : i32
      %get3A_866 = arith.constant 3 : i32
      %get3A_867 = arith.index_cast %get3A_866 : i32 to index
      %get3A_868 = arith.index_cast %add3A_865 : i32 to index
      %get3A_869 = tpu.vector_load %arg4[%get3A_867, %get3A_868] {strides = array<i32>} : memref<8x8192xf32, #tpu.memory_space<vmem>>, vector<16xf32>,
      %add3A_870 = arith.addf %scan3A_830, %get3A_869 : vector<16xf32>
      %mul3A_871 = arith.constant 16 : i32
      %mul3A_872 = arith.muli %scan3A_826, %mul3A_871 : i32
      %add3A_873 = arith.constant 7168 : i32
      %add3A_874 = arith.addi %add3A_873, %mul3A_872 : i32
      %get3A_875 = arith.constant 4 : i32
      %get3A_876 = arith.index_cast %get3A_875 : i32 to index
      %get3A_877 = arith.index_cast %add3A_874 : i32 to index
      %get3A_878 = tpu.vector_load %arg4[%get3A_876, %get3A_877] {strides = array<i32>} : memref<8x8192xf32, #tpu.memory_space<vmem>>, vector<16xf32>,
      %add3A_879 = arith.addf %scan3A_831, %get3A_878 : vector<16xf32>
      %mul3A_880 = arith.constant 16 : i32
      %mul3A_881 = arith.muli %scan3A_826, %mul3A_880 : i32
      %add3A_882 = arith.constant 7168 : i32
      %add3A_883 = arith.addi %add3A_882, %mul3A_881 : i32
      %get3A_884 = arith.constant 5 : i32
      %get3A_885 = arith.index_cast %get3A_884 : i32 to index
      %get3A_886 = arith.index_cast %add3A_883 : i32 to index
      %get3A_887 = tpu.vector_load %arg4[%get3A_885, %get3A_886] {strides = array<i32>} : memref<8x8192xf32, #tpu.memory_space<vmem>>, vector<16xf32>,
      %add3A_888 = arith.addf %scan3A_832, %get3A_887 : vector<16xf32>
      %mul3A_889 = arith.constant 16 : i32
      %mul3A_890 = arith.muli %scan3A_826, %mul3A_889 : i32
      %add3A_891 = arith.constant 7168 : i32
      %add3A_892 = arith.addi %add3A_891, %mul3A_890 : i32
      %get3A_893 = arith.constant 6 : i32
      %get3A_894 = arith.index_cast %get3A_893 : i32 to index
      %get3A_895 = arith.index_cast %add3A_892 : i32 to index
      %get3A_896 = tpu.vector_load %arg4[%get3A_894, %get3A_895] {strides = array<i32>} : memref<8x8192xf32, #tpu.memory_space<vmem>>, vector<16xf32>,
      %add3A_897 = arith.addf %scan3A_833, %get3A_896 : vector<16xf32>
      %mul3A_898 = arith.constant 16 : i32
      %mul3A_899 = arith.muli %scan3A_826, %mul3A_898 : i32
      %add3A_900 = arith.constant 7168 : i32
      %add3A_901 = arith.addi %add3A_900, %mul3A_899 : i32
      %get3A_902 = arith.constant 7 : i32
      %get3A_903 = arith.index_cast %get3A_902 : i32 to index
      %get3A_904 = arith.index_cast %add3A_901 : i32 to index
      %get3A_905 = tpu.vector_load %arg4[%get3A_903, %get3A_904] {strides = array<i32>} : memref<8x8192xf32, #tpu.memory_space<vmem>>, vector<16xf32>,
      %add3A_906 = arith.addf %scan3A_834, %get3A_905 : vector<16xf32>
      scf.yield %add3A_843, %add3A_852, %add3A_861, %add3A_870, %add3A_879, %add3A_888, %add3A_897, %add3A_906 : vector<16xf32>, vector<16xf32>, vector<16xf32>, vector<16xf32>, vector<16xf32>, vector<16xf32>, vector<16xf32>, vector<16xf32>
    }
    %scan3A_272 = arith.constant 64 : i32
    "tpu.trace_stop"() : () -> ()
    "tpu.trace_start"() <{level = 10 : i32, message = "exchange"}> : () -> ()
    %reduce_sum3A = arith.constant true
    %reduce_sum3A_273 = vector.broadcast %reduce_sum3A : i1 to vector<16xi1>
    %reduce_sum3A_274 = tpu.scan <sum>, %scan3A_271#0 masked %reduce_sum3A_273 : vector<16xf32>, vector<16xi1> -> vector<16xf32>
    %reduce_sum3A_275 = vector.extract %reduce_sum3A_274[15] : f32 from vector<16xf32>
    %broadcast_in_dim3A_276 = vector.broadcast %reduce_sum3A_275 : f32 to vector<16xf32>
    %swap3A = arith.constant 0 : i32
    %swap3A_277 = arith.index_cast %swap3A : i32 to index
    %swap3A_278 = arith.constant 0 : index
    %swap3A_279 = tpu.vector_load %arg5[%swap3A_277, %swap3A_278] {strides = array<i32>} : memref<8x128xf32, #tpu.memory_space<vmem>>, vector<16xf32>,
    tpu.vector_store %arg5[%swap3A_277, %swap3A_278], %broadcast_in_dim3A_276 {strides = array<i32>} : memref<8x128xf32, #tpu.memory_space<vmem>>, vector<16xf32>,
    %reduce_sum3A_280 = arith.constant true
    %reduce_sum3A_281 = vector.broadcast %reduce_sum3A_280 : i1 to vector<16xi1>
    %reduce_sum3A_282 = tpu.scan <sum>, %scan3A_271#1 masked %reduce_sum3A_281 : vector<16xf32>, vector<16xi1> -> vector<16xf32>
    %reduce_sum3A_283 = vector.extract %reduce_sum3A_282[15] : f32 from vector<16xf32>
    %broadcast_in_dim3A_284 = vector.broadcast %reduce_sum3A_283 : f32 to vector<16xf32>
    %swap3A_285 = arith.constant 1 : i32
    %swap3A_286 = arith.index_cast %swap3A_285 : i32 to index
    %swap3A_287 = arith.constant 0 : index
    %swap3A_288 = tpu.vector_load %arg5[%swap3A_286, %swap3A_287] {strides = array<i32>} : memref<8x128xf32, #tpu.memory_space<vmem>>, vector<16xf32>,
    tpu.vector_store %arg5[%swap3A_286, %swap3A_287], %broadcast_in_dim3A_284 {strides = array<i32>} : memref<8x128xf32, #tpu.memory_space<vmem>>, vector<16xf32>,
    %reduce_sum3A_289 = arith.constant true
    %reduce_sum3A_290 = vector.broadcast %reduce_sum3A_289 : i1 to vector<16xi1>
    %reduce_sum3A_291 = tpu.scan <sum>, %scan3A_271#2 masked %reduce_sum3A_290 : vector<16xf32>, vector<16xi1> -> vector<16xf32>
    %reduce_sum3A_292 = vector.extract %reduce_sum3A_291[15] : f32 from vector<16xf32>
    %broadcast_in_dim3A_293 = vector.broadcast %reduce_sum3A_292 : f32 to vector<16xf32>
    %swap3A_294 = arith.constant 2 : i32
    %swap3A_295 = arith.index_cast %swap3A_294 : i32 to index
    %swap3A_296 = arith.constant 0 : index
    %swap3A_297 = tpu.vector_load %arg5[%swap3A_295, %swap3A_296] {strides = array<i32>} : memref<8x128xf32, #tpu.memory_space<vmem>>, vector<16xf32>,
    tpu.vector_store %arg5[%swap3A_295, %swap3A_296], %broadcast_in_dim3A_293 {strides = array<i32>} : memref<8x128xf32, #tpu.memory_space<vmem>>, vector<16xf32>,
    %reduce_sum3A_298 = arith.constant true
    %reduce_sum3A_299 = vector.broadcast %reduce_sum3A_298 : i1 to vector<16xi1>
    %reduce_sum3A_300 = tpu.scan <sum>, %scan3A_271#3 masked %reduce_sum3A_299 : vector<16xf32>, vector<16xi1> -> vector<16xf32>
    %reduce_sum3A_301 = vector.extract %reduce_sum3A_300[15] : f32 from vector<16xf32>
    %broadcast_in_dim3A_302 = vector.broadcast %reduce_sum3A_301 : f32 to vector<16xf32>
    %swap3A_303 = arith.constant 3 : i32
    %swap3A_304 = arith.index_cast %swap3A_303 : i32 to index
    %swap3A_305 = arith.constant 0 : index
    %swap3A_306 = tpu.vector_load %arg5[%swap3A_304, %swap3A_305] {strides = array<i32>} : memref<8x128xf32, #tpu.memory_space<vmem>>, vector<16xf32>,
    tpu.vector_store %arg5[%swap3A_304, %swap3A_305], %broadcast_in_dim3A_302 {strides = array<i32>} : memref<8x128xf32, #tpu.memory_space<vmem>>, vector<16xf32>,
    %reduce_sum3A_307 = arith.constant true
    %reduce_sum3A_308 = vector.broadcast %reduce_sum3A_307 : i1 to vector<16xi1>
    %reduce_sum3A_309 = tpu.scan <sum>, %scan3A_271#4 masked %reduce_sum3A_308 : vector<16xf32>, vector<16xi1> -> vector<16xf32>
    %reduce_sum3A_310 = vector.extract %reduce_sum3A_309[15] : f32 from vector<16xf32>
    %broadcast_in_dim3A_311 = vector.broadcast %reduce_sum3A_310 : f32 to vector<16xf32>
    %swap3A_312 = arith.constant 4 : i32
    %swap3A_313 = arith.index_cast %swap3A_312 : i32 to index
    %swap3A_314 = arith.constant 0 : index
    %swap3A_315 = tpu.vector_load %arg5[%swap3A_313, %swap3A_314] {strides = array<i32>} : memref<8x128xf32, #tpu.memory_space<vmem>>, vector<16xf32>,
    tpu.vector_store %arg5[%swap3A_313, %swap3A_314], %broadcast_in_dim3A_311 {strides = array<i32>} : memref<8x128xf32, #tpu.memory_space<vmem>>, vector<16xf32>,
    %reduce_sum3A_316 = arith.constant true
    %reduce_sum3A_317 = vector.broadcast %reduce_sum3A_316 : i1 to vector<16xi1>
    %reduce_sum3A_318 = tpu.scan <sum>, %scan3A_271#5 masked %reduce_sum3A_317 : vector<16xf32>, vector<16xi1> -> vector<16xf32>
    %reduce_sum3A_319 = vector.extract %reduce_sum3A_318[15] : f32 from vector<16xf32>
    %broadcast_in_dim3A_320 = vector.broadcast %reduce_sum3A_319 : f32 to vector<16xf32>
    %swap3A_321 = arith.constant 5 : i32
    %swap3A_322 = arith.index_cast %swap3A_321 : i32 to index
    %swap3A_323 = arith.constant 0 : index
    %swap3A_324 = tpu.vector_load %arg5[%swap3A_322, %swap3A_323] {strides = array<i32>} : memref<8x128xf32, #tpu.memory_space<vmem>>, vector<16xf32>,
    tpu.vector_store %arg5[%swap3A_322, %swap3A_323], %broadcast_in_dim3A_320 {strides = array<i32>} : memref<8x128xf32, #tpu.memory_space<vmem>>, vector<16xf32>,
    %reduce_sum3A_325 = arith.constant true
    %reduce_sum3A_326 = vector.broadcast %reduce_sum3A_325 : i1 to vector<16xi1>
    %reduce_sum3A_327 = tpu.scan <sum>, %scan3A_271#6 masked %reduce_sum3A_326 : vector<16xf32>, vector<16xi1> -> vector<16xf32>
    %reduce_sum3A_328 = vector.extract %reduce_sum3A_327[15] : f32 from vector<16xf32>
    %broadcast_in_dim3A_329 = vector.broadcast %reduce_sum3A_328 : f32 to vector<16xf32>
    %swap3A_330 = arith.constant 6 : i32
    %swap3A_331 = arith.index_cast %swap3A_330 : i32 to index
    %swap3A_332 = arith.constant 0 : index
    %swap3A_333 = tpu.vector_load %arg5[%swap3A_331, %swap3A_332] {strides = array<i32>} : memref<8x128xf32, #tpu.memory_space<vmem>>, vector<16xf32>,
    tpu.vector_store %arg5[%swap3A_331, %swap3A_332], %broadcast_in_dim3A_329 {strides = array<i32>} : memref<8x128xf32, #tpu.memory_space<vmem>>, vector<16xf32>,
    %reduce_sum3A_334 = arith.constant true
    %reduce_sum3A_335 = vector.broadcast %reduce_sum3A_334 : i1 to vector<16xi1>
    %reduce_sum3A_336 = tpu.scan <sum>, %scan3A_271#7 masked %reduce_sum3A_335 : vector<16xf32>, vector<16xi1> -> vector<16xf32>
    %reduce_sum3A_337 = vector.extract %reduce_sum3A_336[15] : f32 from vector<16xf32>
    %broadcast_in_dim3A_338 = vector.broadcast %reduce_sum3A_337 : f32 to vector<16xf32>
    %swap3A_339 = arith.constant 7 : i32
    %swap3A_340 = arith.index_cast %swap3A_339 : i32 to index
    %swap3A_341 = arith.constant 0 : index
    %swap3A_342 = tpu.vector_load %arg5[%swap3A_340, %swap3A_341] {strides = array<i32>} : memref<8x128xf32, #tpu.memory_space<vmem>>, vector<16xf32>,
    tpu.vector_store %arg5[%swap3A_340, %swap3A_341], %broadcast_in_dim3A_338 {strides = array<i32>} : memref<8x128xf32, #tpu.memory_space<vmem>>, vector<16xf32>,
    "tpu.region"() ({
      %run_scoped3A = tpu.sem_alloc : memref<!tpu.dma_semaphore, #tpu.memory_space<semaphore_mem>>
      %dma_start3A_826 = arith.constant 0 : i32
      %dma_start3A_827 = arith.constant 0 : i32
      %dma_start3A_828 = tpu.memref_slice %arg7[%arg1, %dma_start3A_826, %dma_start3A_827] : memref<16x8x128xf32, #tpu.memory_space<vmem_shared>> -> memref<1x8x128xf32, #tpu.memory_space<vmem_shared>>
      %dma_start3A_829 = tpu.memref_squeeze %dma_start3A_828 : memref<1x8x128xf32, #tpu.memory_space<vmem_shared>> -> memref<8x128xf32, #tpu.memory_space<vmem_shared>>
      %dma_start3A_830 = arith.constant 0 : i32
      %dma_start3A_831 = arith.constant 0 : i32
      %dma_start3A_832 = tpu.memref_slice %arg7[%arg1, %dma_start3A_830, %dma_start3A_831] : memref<16x8x128xf32, #tpu.memory_space<vmem_shared>> -> memref<1x8x128xf32, #tpu.memory_space<vmem_shared>>
      %dma_start3A_833 = tpu.memref_squeeze %dma_start3A_832 : memref<1x8x128xf32, #tpu.memory_space<vmem_shared>> -> memref<8x128xf32, #tpu.memory_space<vmem_shared>>
      tpu.enqueue_dma source(%arg5 : memref<8x128xf32, #tpu.memory_space<vmem>>) target(%dma_start3A_833 : memref<8x128xf32, #tpu.memory_space<vmem_shared>>) target_semaphore(%run_scoped3A : memref<!tpu.dma_semaphore, #tpu.memory_space<semaphore_mem>>)
      %dma_wait3A_834 = arith.constant 0 : i32
      %dma_wait3A_835 = arith.constant 0 : i32
      %dma_wait3A_836 = tpu.memref_slice %arg7[%arg1, %dma_wait3A_834, %dma_wait3A_835] : memref<16x8x128xf32, #tpu.memory_space<vmem_shared>> -> memref<1x8x128xf32, #tpu.memory_space<vmem_shared>>
      %dma_wait3A_837 = tpu.memref_squeeze %dma_wait3A_836 : memref<1x8x128xf32, #tpu.memory_space<vmem_shared>> -> memref<8x128xf32, #tpu.memory_space<vmem_shared>>
      %dma_wait3A_838 = arith.constant 0 : i32
      %dma_wait3A_839 = arith.constant 0 : i32
      %dma_wait3A_840 = tpu.memref_slice %arg7[%arg1, %dma_wait3A_838, %dma_wait3A_839] : memref<16x8x128xf32, #tpu.memory_space<vmem_shared>> -> memref<1x8x128xf32, #tpu.memory_space<vmem_shared>>
      %dma_wait3A_841 = tpu.memref_squeeze %dma_wait3A_840 : memref<1x8x128xf32, #tpu.memory_space<vmem_shared>> -> memref<8x128xf32, #tpu.memory_space<vmem_shared>>
      tpu.wait_dma2 semaphore(%run_scoped3A : memref<!tpu.dma_semaphore, #tpu.memory_space<semaphore_mem>>) src(%arg5 : memref<8x128xf32, #tpu.memory_space<vmem>>) dst(%dma_wait3A_841 : memref<8x128xf32, #tpu.memory_space<vmem_shared>>)
      tpu.yield
    }) : () -> ()
    %barrier3A = arith.constant 0 : index
    tpu.barrier barrier_id(%barrier3A)
    %mul3A_343 = arith.constant 4 : i32
    %mul3A_344 = arith.muli %select_n3A, %mul3A_343 : i32
    "tpu.region"() ({
      %run_scoped3A = tpu.sem_alloc : memref<!tpu.dma_semaphore, #tpu.memory_space<semaphore_mem>>
      %dma_start3A_826 = arith.constant 0 : i32
      %dma_start3A_827 = arith.constant 0 : i32
      %dma_start3A_828 = tpu.memref_slice %arg7[%mul3A_344, %dma_start3A_826, %dma_start3A_827] : memref<16x8x128xf32, #tpu.memory_space<vmem_shared>> -> memref<3x8x128xf32, #tpu.memory_space<vmem_shared>>
      %dma_start3A_829 = arith.constant 0 : i32
      %dma_start3A_830 = arith.constant 0 : i32
      %dma_start3A_831 = tpu.memref_slice %arg7[%mul3A_344, %dma_start3A_829, %dma_start3A_830] : memref<16x8x128xf32, #tpu.memory_space<vmem_shared>> -> memref<3x8x128xf32, #tpu.memory_space<vmem_shared>>
      tpu.enqueue_dma source(%dma_start3A_831 : memref<3x8x128xf32, #tpu.memory_space<vmem_shared>>) target(%arg6 : memref<3x8x128xf32, #tpu.memory_space<vmem>>) target_semaphore(%run_scoped3A : memref<!tpu.dma_semaphore, #tpu.memory_space<semaphore_mem>>)
      %dma_wait3A_832 = arith.constant 0 : i32
      %dma_wait3A_833 = arith.constant 0 : i32
      %dma_wait3A_834 = tpu.memref_slice %arg7[%mul3A_344, %dma_wait3A_832, %dma_wait3A_833] : memref<16x8x128xf32, #tpu.memory_space<vmem_shared>> -> memref<3x8x128xf32, #tpu.memory_space<vmem_shared>>
      %dma_wait3A_835 = arith.constant 0 : i32
      %dma_wait3A_836 = arith.constant 0 : i32
      %dma_wait3A_837 = tpu.memref_slice %arg7[%mul3A_344, %dma_wait3A_835, %dma_wait3A_836] : memref<16x8x128xf32, #tpu.memory_space<vmem_shared>> -> memref<3x8x128xf32, #tpu.memory_space<vmem_shared>>
      tpu.wait_dma2 semaphore(%run_scoped3A : memref<!tpu.dma_semaphore, #tpu.memory_space<semaphore_mem>>) src(%dma_wait3A_837 : memref<3x8x128xf32, #tpu.memory_space<vmem_shared>>) dst(%arg6 : memref<3x8x128xf32, #tpu.memory_space<vmem>>)
      tpu.yield
    }) : () -> ()
    %broadcast_in_dim3A_345 = arith.constant -1.000000e+00 : f32
    %broadcast_in_dim3A_346 = vector.broadcast %broadcast_in_dim3A_345 : f32 to vector<16xf32>
    %broadcast_in_dim3A_347 = arith.constant -1.000000e+00 : f32
    %broadcast_in_dim3A_348 = vector.broadcast %broadcast_in_dim3A_347 : f32 to vector<16xf32>
    %broadcast_in_dim3A_349 = arith.constant -1.000000e+00 : f32
    %broadcast_in_dim3A_350 = vector.broadcast %broadcast_in_dim3A_349 : f32 to vector<16xf32>
    %broadcast_in_dim3A_351 = arith.constant -1.000000e+00 : f32
    %broadcast_in_dim3A_352 = vector.broadcast %broadcast_in_dim3A_351 : f32 to vector<16xf32>
    %broadcast_in_dim3A_353 = arith.constant -1.000000e+00 : f32
    %broadcast_in_dim3A_354 = vector.broadcast %broadcast_in_dim3A_353 : f32 to vector<16xf32>
    %broadcast_in_dim3A_355 = arith.constant -1.000000e+00 : f32
    %broadcast_in_dim3A_356 = vector.broadcast %broadcast_in_dim3A_355 : f32 to vector<16xf32>
    %broadcast_in_dim3A_357 = arith.constant -1.000000e+00 : f32
    %broadcast_in_dim3A_358 = vector.broadcast %broadcast_in_dim3A_357 : f32 to vector<16xf32>
    %broadcast_in_dim3A_359 = arith.constant -1.000000e+00 : f32
    %broadcast_in_dim3A_360 = vector.broadcast %broadcast_in_dim3A_359 : f32 to vector<16xf32>
    %gt3A = arith.constant 0 : i32
    %gt3A_361 = arith.cmpi sgt, %select_n3A_28, %gt3A : i32
    %convert_element_type3A = arith.extui %gt3A_361 : i1 to i32
    %convert_element_type3A_362 = arith.sitofp %convert_element_type3A : i32 to f32
    %get3A = arith.constant 0 : i32
    %get3A_363 = arith.constant 0 : i32
    %get3A_364 = arith.index_cast %get3A : i32 to index
    %get3A_365 = arith.index_cast %get3A_363 : i32 to index
    %get3A_366 = arith.constant 0 : index
    %get3A_367 = tpu.vector_load %arg6[%get3A_364, %get3A_365, %get3A_366] {strides = array<i32>} : memref<3x8x128xf32, #tpu.memory_space<vmem>>, vector<16xf32>,
    %mul3A_368 = vector.broadcast %convert_element_type3A_362 : f32 to vector<16xf32>
    %mul3A_369 = arith.mulf %get3A_367, %mul3A_368 : vector<16xf32>
    %add3A_370 = arith.addf %broadcast_in_dim3A_346, %mul3A_369 : vector<16xf32>
    %get3A_371 = arith.constant 0 : i32
    %get3A_372 = arith.constant 1 : i32
    %get3A_373 = arith.index_cast %get3A_371 : i32 to index
    %get3A_374 = arith.index_cast %get3A_372 : i32 to index
    %get3A_375 = arith.constant 0 : index
    %get3A_376 = tpu.vector_load %arg6[%get3A_373, %get3A_374, %get3A_375] {strides = array<i32>} : memref<3x8x128xf32, #tpu.memory_space<vmem>>, vector<16xf32>,
    %mul3A_377 = vector.broadcast %convert_element_type3A_362 : f32 to vector<16xf32>
    %mul3A_378 = arith.mulf %get3A_376, %mul3A_377 : vector<16xf32>
    %add3A_379 = arith.addf %broadcast_in_dim3A_348, %mul3A_378 : vector<16xf32>
    %get3A_380 = arith.constant 0 : i32
    %get3A_381 = arith.constant 2 : i32
    %get3A_382 = arith.index_cast %get3A_380 : i32 to index
    %get3A_383 = arith.index_cast %get3A_381 : i32 to index
    %get3A_384 = arith.constant 0 : index
    %get3A_385 = tpu.vector_load %arg6[%get3A_382, %get3A_383, %get3A_384] {strides = array<i32>} : memref<3x8x128xf32, #tpu.memory_space<vmem>>, vector<16xf32>,
    %mul3A_386 = vector.broadcast %convert_element_type3A_362 : f32 to vector<16xf32>
    %mul3A_387 = arith.mulf %get3A_385, %mul3A_386 : vector<16xf32>
    %add3A_388 = arith.addf %broadcast_in_dim3A_350, %mul3A_387 : vector<16xf32>
    %get3A_389 = arith.constant 0 : i32
    %get3A_390 = arith.constant 3 : i32
    %get3A_391 = arith.index_cast %get3A_389 : i32 to index
    %get3A_392 = arith.index_cast %get3A_390 : i32 to index
    %get3A_393 = arith.constant 0 : index
    %get3A_394 = tpu.vector_load %arg6[%get3A_391, %get3A_392, %get3A_393] {strides = array<i32>} : memref<3x8x128xf32, #tpu.memory_space<vmem>>, vector<16xf32>,
    %mul3A_395 = vector.broadcast %convert_element_type3A_362 : f32 to vector<16xf32>
    %mul3A_396 = arith.mulf %get3A_394, %mul3A_395 : vector<16xf32>
    %add3A_397 = arith.addf %broadcast_in_dim3A_352, %mul3A_396 : vector<16xf32>
    %get3A_398 = arith.constant 0 : i32
    %get3A_399 = arith.constant 4 : i32
    %get3A_400 = arith.index_cast %get3A_398 : i32 to index
    %get3A_401 = arith.index_cast %get3A_399 : i32 to index
    %get3A_402 = arith.constant 0 : index
    %get3A_403 = tpu.vector_load %arg6[%get3A_400, %get3A_401, %get3A_402] {strides = array<i32>} : memref<3x8x128xf32, #tpu.memory_space<vmem>>, vector<16xf32>,
    %mul3A_404 = vector.broadcast %convert_element_type3A_362 : f32 to vector<16xf32>
    %mul3A_405 = arith.mulf %get3A_403, %mul3A_404 : vector<16xf32>
    %add3A_406 = arith.addf %broadcast_in_dim3A_354, %mul3A_405 : vector<16xf32>
    %get3A_407 = arith.constant 0 : i32
    %get3A_408 = arith.constant 5 : i32
    %get3A_409 = arith.index_cast %get3A_407 : i32 to index
    %get3A_410 = arith.index_cast %get3A_408 : i32 to index
    %get3A_411 = arith.constant 0 : index
    %get3A_412 = tpu.vector_load %arg6[%get3A_409, %get3A_410, %get3A_411] {strides = array<i32>} : memref<3x8x128xf32, #tpu.memory_space<vmem>>, vector<16xf32>,
    %mul3A_413 = vector.broadcast %convert_element_type3A_362 : f32 to vector<16xf32>
    %mul3A_414 = arith.mulf %get3A_412, %mul3A_413 : vector<16xf32>
    %add3A_415 = arith.addf %broadcast_in_dim3A_356, %mul3A_414 : vector<16xf32>
    %get3A_416 = arith.constant 0 : i32
    %get3A_417 = arith.constant 6 : i32
    %get3A_418 = arith.index_cast %get3A_416 : i32 to index
    %get3A_419 = arith.index_cast %get3A_417 : i32 to index
    %get3A_420 = arith.constant 0 : index
    %get3A_421 = tpu.vector_load %arg6[%get3A_418, %get3A_419, %get3A_420] {strides = array<i32>} : memref<3x8x128xf32, #tpu.memory_space<vmem>>, vector<16xf32>,
    %mul3A_422 = vector.broadcast %convert_element_type3A_362 : f32 to vector<16xf32>
    %mul3A_423 = arith.mulf %get3A_421, %mul3A_422 : vector<16xf32>
    %add3A_424 = arith.addf %broadcast_in_dim3A_358, %mul3A_423 : vector<16xf32>
    %get3A_425 = arith.constant 0 : i32
    %get3A_426 = arith.constant 7 : i32
    %get3A_427 = arith.index_cast %get3A_425 : i32 to index
    %get3A_428 = arith.index_cast %get3A_426 : i32 to index
    %get3A_429 = arith.constant 0 : index
    %get3A_430 = tpu.vector_load %arg6[%get3A_427, %get3A_428, %get3A_429] {strides = array<i32>} : memref<3x8x128xf32, #tpu.memory_space<vmem>>, vector<16xf32>,
    %mul3A_431 = vector.broadcast %convert_element_type3A_362 : f32 to vector<16xf32>
    %mul3A_432 = arith.mulf %get3A_430, %mul3A_431 : vector<16xf32>
    %add3A_433 = arith.addf %broadcast_in_dim3A_360, %mul3A_432 : vector<16xf32>
    %gt3A_434 = arith.constant 1 : i32
    %gt3A_435 = arith.cmpi sgt, %select_n3A_28, %gt3A_434 : i32
    %convert_element_type3A_436 = arith.extui %gt3A_435 : i1 to i32
    %convert_element_type3A_437 = arith.sitofp %convert_element_type3A_436 : i32 to f32
    %get3A_438 = arith.constant 1 : i32
    %get3A_439 = arith.constant 0 : i32
    %get3A_440 = arith.index_cast %get3A_438 : i32 to index
    %get3A_441 = arith.index_cast %get3A_439 : i32 to index
    %get3A_442 = arith.constant 0 : index
    %get3A_443 = tpu.vector_load %arg6[%get3A_440, %get3A_441, %get3A_442] {strides = array<i32>} : memref<3x8x128xf32, #tpu.memory_space<vmem>>, vector<16xf32>,
    %mul3A_444 = vector.broadcast %convert_element_type3A_437 : f32 to vector<16xf32>
    %mul3A_445 = arith.mulf %get3A_443, %mul3A_444 : vector<16xf32>
    %add3A_446 = arith.addf %add3A_370, %mul3A_445 : vector<16xf32>
    %get3A_447 = arith.constant 1 : i32
    %get3A_448 = arith.constant 1 : i32
    %get3A_449 = arith.index_cast %get3A_447 : i32 to index
    %get3A_450 = arith.index_cast %get3A_448 : i32 to index
    %get3A_451 = arith.constant 0 : index
    %get3A_452 = tpu.vector_load %arg6[%get3A_449, %get3A_450, %get3A_451] {strides = array<i32>} : memref<3x8x128xf32, #tpu.memory_space<vmem>>, vector<16xf32>,
    %mul3A_453 = vector.broadcast %convert_element_type3A_437 : f32 to vector<16xf32>
    %mul3A_454 = arith.mulf %get3A_452, %mul3A_453 : vector<16xf32>
    %add3A_455 = arith.addf %add3A_379, %mul3A_454 : vector<16xf32>
    %get3A_456 = arith.constant 1 : i32
    %get3A_457 = arith.constant 2 : i32
    %get3A_458 = arith.index_cast %get3A_456 : i32 to index
    %get3A_459 = arith.index_cast %get3A_457 : i32 to index
    %get3A_460 = arith.constant 0 : index
    %get3A_461 = tpu.vector_load %arg6[%get3A_458, %get3A_459, %get3A_460] {strides = array<i32>} : memref<3x8x128xf32, #tpu.memory_space<vmem>>, vector<16xf32>,
    %mul3A_462 = vector.broadcast %convert_element_type3A_437 : f32 to vector<16xf32>
    %mul3A_463 = arith.mulf %get3A_461, %mul3A_462 : vector<16xf32>
    %add3A_464 = arith.addf %add3A_388, %mul3A_463 : vector<16xf32>
    %get3A_465 = arith.constant 1 : i32
    %get3A_466 = arith.constant 3 : i32
    %get3A_467 = arith.index_cast %get3A_465 : i32 to index
    %get3A_468 = arith.index_cast %get3A_466 : i32 to index
    %get3A_469 = arith.constant 0 : index
    %get3A_470 = tpu.vector_load %arg6[%get3A_467, %get3A_468, %get3A_469] {strides = array<i32>} : memref<3x8x128xf32, #tpu.memory_space<vmem>>, vector<16xf32>,
    %mul3A_471 = vector.broadcast %convert_element_type3A_437 : f32 to vector<16xf32>
    %mul3A_472 = arith.mulf %get3A_470, %mul3A_471 : vector<16xf32>
    %add3A_473 = arith.addf %add3A_397, %mul3A_472 : vector<16xf32>
    %get3A_474 = arith.constant 1 : i32
    %get3A_475 = arith.constant 4 : i32
    %get3A_476 = arith.index_cast %get3A_474 : i32 to index
    %get3A_477 = arith.index_cast %get3A_475 : i32 to index
    %get3A_478 = arith.constant 0 : index
    %get3A_479 = tpu.vector_load %arg6[%get3A_476, %get3A_477, %get3A_478] {strides = array<i32>} : memref<3x8x128xf32, #tpu.memory_space<vmem>>, vector<16xf32>,
    %mul3A_480 = vector.broadcast %convert_element_type3A_437 : f32 to vector<16xf32>
    %mul3A_481 = arith.mulf %get3A_479, %mul3A_480 : vector<16xf32>
    %add3A_482 = arith.addf %add3A_406, %mul3A_481 : vector<16xf32>
    %get3A_483 = arith.constant 1 : i32
    %get3A_484 = arith.constant 5 : i32
    %get3A_485 = arith.index_cast %get3A_483 : i32 to index
    %get3A_486 = arith.index_cast %get3A_484 : i32 to index
    %get3A_487 = arith.constant 0 : index
    %get3A_488 = tpu.vector_load %arg6[%get3A_485, %get3A_486, %get3A_487] {strides = array<i32>} : memref<3x8x128xf32, #tpu.memory_space<vmem>>, vector<16xf32>,
    %mul3A_489 = vector.broadcast %convert_element_type3A_437 : f32 to vector<16xf32>
    %mul3A_490 = arith.mulf %get3A_488, %mul3A_489 : vector<16xf32>
    %add3A_491 = arith.addf %add3A_415, %mul3A_490 : vector<16xf32>
    %get3A_492 = arith.constant 1 : i32
    %get3A_493 = arith.constant 6 : i32
    %get3A_494 = arith.index_cast %get3A_492 : i32 to index
    %get3A_495 = arith.index_cast %get3A_493 : i32 to index
    %get3A_496 = arith.constant 0 : index
    %get3A_497 = tpu.vector_load %arg6[%get3A_494, %get3A_495, %get3A_496] {strides = array<i32>} : memref<3x8x128xf32, #tpu.memory_space<vmem>>, vector<16xf32>,
    %mul3A_498 = vector.broadcast %convert_element_type3A_437 : f32 to vector<16xf32>
    %mul3A_499 = arith.mulf %get3A_497, %mul3A_498 : vector<16xf32>
    %add3A_500 = arith.addf %add3A_424, %mul3A_499 : vector<16xf32>
    %get3A_501 = arith.constant 1 : i32
    %get3A_502 = arith.constant 7 : i32
    %get3A_503 = arith.index_cast %get3A_501 : i32 to index
    %get3A_504 = arith.index_cast %get3A_502 : i32 to index
    %get3A_505 = arith.constant 0 : index
    %get3A_506 = tpu.vector_load %arg6[%get3A_503, %get3A_504, %get3A_505] {strides = array<i32>} : memref<3x8x128xf32, #tpu.memory_space<vmem>>, vector<16xf32>,
    %mul3A_507 = vector.broadcast %convert_element_type3A_437 : f32 to vector<16xf32>
    %mul3A_508 = arith.mulf %get3A_506, %mul3A_507 : vector<16xf32>
    %add3A_509 = arith.addf %add3A_433, %mul3A_508 : vector<16xf32>
    %gt3A_510 = arith.constant 2 : i32
    %gt3A_511 = arith.cmpi sgt, %select_n3A_28, %gt3A_510 : i32
    %convert_element_type3A_512 = arith.extui %gt3A_511 : i1 to i32
    %convert_element_type3A_513 = arith.sitofp %convert_element_type3A_512 : i32 to f32
    %get3A_514 = arith.constant 2 : i32
    %get3A_515 = arith.constant 0 : i32
    %get3A_516 = arith.index_cast %get3A_514 : i32 to index
    %get3A_517 = arith.index_cast %get3A_515 : i32 to index
    %get3A_518 = arith.constant 0 : index
    %get3A_519 = tpu.vector_load %arg6[%get3A_516, %get3A_517, %get3A_518] {strides = array<i32>} : memref<3x8x128xf32, #tpu.memory_space<vmem>>, vector<16xf32>,
    %mul3A_520 = vector.broadcast %convert_element_type3A_513 : f32 to vector<16xf32>
    %mul3A_521 = arith.mulf %get3A_519, %mul3A_520 : vector<16xf32>
    %add3A_522 = arith.addf %add3A_446, %mul3A_521 : vector<16xf32>
    %get3A_523 = arith.constant 2 : i32
    %get3A_524 = arith.constant 1 : i32
    %get3A_525 = arith.index_cast %get3A_523 : i32 to index
    %get3A_526 = arith.index_cast %get3A_524 : i32 to index
    %get3A_527 = arith.constant 0 : index
    %get3A_528 = tpu.vector_load %arg6[%get3A_525, %get3A_526, %get3A_527] {strides = array<i32>} : memref<3x8x128xf32, #tpu.memory_space<vmem>>, vector<16xf32>,
    %mul3A_529 = vector.broadcast %convert_element_type3A_513 : f32 to vector<16xf32>
    %mul3A_530 = arith.mulf %get3A_528, %mul3A_529 : vector<16xf32>
    %add3A_531 = arith.addf %add3A_455, %mul3A_530 : vector<16xf32>
    %get3A_532 = arith.constant 2 : i32
    %get3A_533 = arith.constant 2 : i32
    %get3A_534 = arith.index_cast %get3A_532 : i32 to index
    %get3A_535 = arith.index_cast %get3A_533 : i32 to index
    %get3A_536 = arith.constant 0 : index
    %get3A_537 = tpu.vector_load %arg6[%get3A_534, %get3A_535, %get3A_536] {strides = array<i32>} : memref<3x8x128xf32, #tpu.memory_space<vmem>>, vector<16xf32>,
    %mul3A_538 = vector.broadcast %convert_element_type3A_513 : f32 to vector<16xf32>
    %mul3A_539 = arith.mulf %get3A_537, %mul3A_538 : vector<16xf32>
    %add3A_540 = arith.addf %add3A_464, %mul3A_539 : vector<16xf32>
    %get3A_541 = arith.constant 2 : i32
    %get3A_542 = arith.constant 3 : i32
    %get3A_543 = arith.index_cast %get3A_541 : i32 to index
    %get3A_544 = arith.index_cast %get3A_542 : i32 to index
    %get3A_545 = arith.constant 0 : index
    %get3A_546 = tpu.vector_load %arg6[%get3A_543, %get3A_544, %get3A_545] {strides = array<i32>} : memref<3x8x128xf32, #tpu.memory_space<vmem>>, vector<16xf32>,
    %mul3A_547 = vector.broadcast %convert_element_type3A_513 : f32 to vector<16xf32>
    %mul3A_548 = arith.mulf %get3A_546, %mul3A_547 : vector<16xf32>
    %add3A_549 = arith.addf %add3A_473, %mul3A_548 : vector<16xf32>
    %get3A_550 = arith.constant 2 : i32
    %get3A_551 = arith.constant 4 : i32
    %get3A_552 = arith.index_cast %get3A_550 : i32 to index
    %get3A_553 = arith.index_cast %get3A_551 : i32 to index
    %get3A_554 = arith.constant 0 : index
    %get3A_555 = tpu.vector_load %arg6[%get3A_552, %get3A_553, %get3A_554] {strides = array<i32>} : memref<3x8x128xf32, #tpu.memory_space<vmem>>, vector<16xf32>,
    %mul3A_556 = vector.broadcast %convert_element_type3A_513 : f32 to vector<16xf32>
    %mul3A_557 = arith.mulf %get3A_555, %mul3A_556 : vector<16xf32>
    %add3A_558 = arith.addf %add3A_482, %mul3A_557 : vector<16xf32>
    %get3A_559 = arith.constant 2 : i32
    %get3A_560 = arith.constant 5 : i32
    %get3A_561 = arith.index_cast %get3A_559 : i32 to index
    %get3A_562 = arith.index_cast %get3A_560 : i32 to index
    %get3A_563 = arith.constant 0 : index
    %get3A_564 = tpu.vector_load %arg6[%get3A_561, %get3A_562, %get3A_563] {strides = array<i32>} : memref<3x8x128xf32, #tpu.memory_space<vmem>>, vector<16xf32>,
    %mul3A_565 = vector.broadcast %convert_element_type3A_513 : f32 to vector<16xf32>
    %mul3A_566 = arith.mulf %get3A_564, %mul3A_565 : vector<16xf32>
    %add3A_567 = arith.addf %add3A_491, %mul3A_566 : vector<16xf32>
    %get3A_568 = arith.constant 2 : i32
    %get3A_569 = arith.constant 6 : i32
    %get3A_570 = arith.index_cast %get3A_568 : i32 to index
    %get3A_571 = arith.index_cast %get3A_569 : i32 to index
    %get3A_572 = arith.constant 0 : index
    %get3A_573 = tpu.vector_load %arg6[%get3A_570, %get3A_571, %get3A_572] {strides = array<i32>} : memref<3x8x128xf32, #tpu.memory_space<vmem>>, vector<16xf32>,
    %mul3A_574 = vector.broadcast %convert_element_type3A_513 : f32 to vector<16xf32>
    %mul3A_575 = arith.mulf %get3A_573, %mul3A_574 : vector<16xf32>
    %add3A_576 = arith.addf %add3A_500, %mul3A_575 : vector<16xf32>
    %get3A_577 = arith.constant 2 : i32
    %get3A_578 = arith.constant 7 : i32
    %get3A_579 = arith.index_cast %get3A_577 : i32 to index
    %get3A_580 = arith.index_cast %get3A_578 : i32 to index
    %get3A_581 = arith.constant 0 : index
    %get3A_582 = tpu.vector_load %arg6[%get3A_579, %get3A_580, %get3A_581] {strides = array<i32>} : memref<3x8x128xf32, #tpu.memory_space<vmem>>, vector<16xf32>,
    %mul3A_583 = vector.broadcast %convert_element_type3A_513 : f32 to vector<16xf32>
    %mul3A_584 = arith.mulf %get3A_582, %mul3A_583 : vector<16xf32>
    %add3A_585 = arith.addf %add3A_509, %mul3A_584 : vector<16xf32>
    "tpu.trace_stop"() : () -> ()
    "tpu.trace_start"() <{level = 10 : i32, message = "passB"}> : () -> ()
    %scan3A_586 = arith.constant 0 : i32
    %scan3A_587 = arith.constant 64 : i32
    %scan3A_588 = arith.addi %scan3A_586, %scan3A_587 : i32
    %scan3A_589 = arith.constant 1 : i32
    %scan3A_590:8 = scf.for %scan3A_826 = %scan3A_586 to %scan3A_588 step %scan3A_589 iter_args(%scan3A_827 = %add3A_522, %scan3A_828 = %add3A_531, %scan3A_829 = %add3A_540, %scan3A_830 = %add3A_549, %scan3A_831 = %add3A_558, %scan3A_832 = %add3A_567, %scan3A_833 = %add3A_576, %scan3A_834 = %add3A_585) -> (vector<16xf32>, vector<16xf32>, vector<16xf32>, vector<16xf32>, vector<16xf32>, vector<16xf32>, vector<16xf32>, vector<16xf32>)  : i32 {
      %mul3A_835 = arith.constant 16 : i32
      %mul3A_836 = arith.muli %scan3A_826, %mul3A_835 : i32
      %add3A_837 = arith.constant 0 : i32
      %add3A_838 = arith.addi %add3A_837, %mul3A_836 : i32
      %get3A_839 = arith.constant 0 : i32
      %get3A_840 = arith.index_cast %get3A_839 : i32 to index
      %get3A_841 = arith.index_cast %add3A_838 : i32 to index
      %get3A_842 = tpu.vector_load %arg4[%get3A_840, %get3A_841] {strides = array<i32>} : memref<8x8192xf32, #tpu.memory_space<vmem>>, vector<16xf32>,
      %broadcast_in_dim3A_843 = arith.constant true
      %broadcast_in_dim3A_844 = vector.broadcast %broadcast_in_dim3A_843 : i1 to vector<16xi1>
      %masked_cumsum3A = tpu.scan <sum>, %get3A_842 masked %broadcast_in_dim3A_844 : vector<16xf32>, vector<16xi1> -> vector<16xf32>
      %add3A_845 = arith.addf %masked_cumsum3A, %scan3A_827 : vector<16xf32>
      %mul3A_846 = arith.constant 16 : i32
      %mul3A_847 = arith.muli %scan3A_826, %mul3A_846 : i32
      %add3A_848 = arith.constant 0 : i32
      %add3A_849 = arith.addi %add3A_848, %mul3A_847 : i32
      %swap3A_850 = arith.constant 0 : i32
      %swap3A_851 = arith.index_cast %swap3A_850 : i32 to index
      %swap3A_852 = arith.index_cast %add3A_849 : i32 to index
      %swap3A_853 = tpu.vector_load %arg4[%swap3A_851, %swap3A_852] {strides = array<i32>} : memref<8x8192xf32, #tpu.memory_space<vmem>>, vector<16xf32>,
      tpu.vector_store %arg4[%swap3A_851, %swap3A_852], %add3A_845 {strides = array<i32>} : memref<8x8192xf32, #tpu.memory_space<vmem>>, vector<16xf32>,
      %broadcast_in_dim3A_854 = arith.constant 15 : i32
      %broadcast_in_dim3A_855 = vector.broadcast %broadcast_in_dim3A_854 : i32 to vector<16x1xi32>
      %gather3A = vector.shape_cast %broadcast_in_dim3A_855 : vector<16x1xi32> to vector<16xi32>
      %gather3A_856 = tpu.dynamic_gather %add3A_845[%gather3A] in [0] : vector<16xf32>, vector<16xi32> -> vector<16xf32>
      %mul3A_857 = arith.constant 16 : i32
      %mul3A_858 = arith.muli %scan3A_826, %mul3A_857 : i32
      %add3A_859 = arith.constant 0 : i32
      %add3A_860 = arith.addi %add3A_859, %mul3A_858 : i32
      %get3A_861 = arith.constant 1 : i32
      %get3A_862 = arith.index_cast %get3A_861 : i32 to index
      %get3A_863 = arith.index_cast %add3A_860 : i32 to index
      %get3A_864 = tpu.vector_load %arg4[%get3A_862, %get3A_863] {strides = array<i32>} : memref<8x8192xf32, #tpu.memory_space<vmem>>, vector<16xf32>,
      %broadcast_in_dim3A_865 = arith.constant true
      %broadcast_in_dim3A_866 = vector.broadcast %broadcast_in_dim3A_865 : i1 to vector<16xi1>
      %masked_cumsum3A_867 = tpu.scan <sum>, %get3A_864 masked %broadcast_in_dim3A_866 : vector<16xf32>, vector<16xi1> -> vector<16xf32>
      %add3A_868 = arith.addf %masked_cumsum3A_867, %scan3A_828 : vector<16xf32>
      %mul3A_869 = arith.constant 16 : i32
      %mul3A_870 = arith.muli %scan3A_826, %mul3A_869 : i32
      %add3A_871 = arith.constant 0 : i32
      %add3A_872 = arith.addi %add3A_871, %mul3A_870 : i32
      %swap3A_873 = arith.constant 1 : i32
      %swap3A_874 = arith.index_cast %swap3A_873 : i32 to index
      %swap3A_875 = arith.index_cast %add3A_872 : i32 to index
      %swap3A_876 = tpu.vector_load %arg4[%swap3A_874, %swap3A_875] {strides = array<i32>} : memref<8x8192xf32, #tpu.memory_space<vmem>>, vector<16xf32>,
      tpu.vector_store %arg4[%swap3A_874, %swap3A_875], %add3A_868 {strides = array<i32>} : memref<8x8192xf32, #tpu.memory_space<vmem>>, vector<16xf32>,
      %broadcast_in_dim3A_877 = arith.constant 15 : i32
      %broadcast_in_dim3A_878 = vector.broadcast %broadcast_in_dim3A_877 : i32 to vector<16x1xi32>
      %gather3A_879 = vector.shape_cast %broadcast_in_dim3A_878 : vector<16x1xi32> to vector<16xi32>
      %gather3A_880 = tpu.dynamic_gather %add3A_868[%gather3A_879] in [0] : vector<16xf32>, vector<16xi32> -> vector<16xf32>
      %mul3A_881 = arith.constant 16 : i32
      %mul3A_882 = arith.muli %scan3A_826, %mul3A_881 : i32
      %add3A_883 = arith.constant 0 : i32
      %add3A_884 = arith.addi %add3A_883, %mul3A_882 : i32
      %get3A_885 = arith.constant 2 : i32
      %get3A_886 = arith.index_cast %get3A_885 : i32 to index
      %get3A_887 = arith.index_cast %add3A_884 : i32 to index
      %get3A_888 = tpu.vector_load %arg4[%get3A_886, %get3A_887] {strides = array<i32>} : memref<8x8192xf32, #tpu.memory_space<vmem>>, vector<16xf32>,
      %broadcast_in_dim3A_889 = arith.constant true
      %broadcast_in_dim3A_890 = vector.broadcast %broadcast_in_dim3A_889 : i1 to vector<16xi1>
      %masked_cumsum3A_891 = tpu.scan <sum>, %get3A_888 masked %broadcast_in_dim3A_890 : vector<16xf32>, vector<16xi1> -> vector<16xf32>
      %add3A_892 = arith.addf %masked_cumsum3A_891, %scan3A_829 : vector<16xf32>
      %mul3A_893 = arith.constant 16 : i32
      %mul3A_894 = arith.muli %scan3A_826, %mul3A_893 : i32
      %add3A_895 = arith.constant 0 : i32
      %add3A_896 = arith.addi %add3A_895, %mul3A_894 : i32
      %swap3A_897 = arith.constant 2 : i32
      %swap3A_898 = arith.index_cast %swap3A_897 : i32 to index
      %swap3A_899 = arith.index_cast %add3A_896 : i32 to index
      %swap3A_900 = tpu.vector_load %arg4[%swap3A_898, %swap3A_899] {strides = array<i32>} : memref<8x8192xf32, #tpu.memory_space<vmem>>, vector<16xf32>,
      tpu.vector_store %arg4[%swap3A_898, %swap3A_899], %add3A_892 {strides = array<i32>} : memref<8x8192xf32, #tpu.memory_space<vmem>>, vector<16xf32>,
      %broadcast_in_dim3A_901 = arith.constant 15 : i32
      %broadcast_in_dim3A_902 = vector.broadcast %broadcast_in_dim3A_901 : i32 to vector<16x1xi32>
      %gather3A_903 = vector.shape_cast %broadcast_in_dim3A_902 : vector<16x1xi32> to vector<16xi32>
      %gather3A_904 = tpu.dynamic_gather %add3A_892[%gather3A_903] in [0] : vector<16xf32>, vector<16xi32> -> vector<16xf32>
      %mul3A_905 = arith.constant 16 : i32
      %mul3A_906 = arith.muli %scan3A_826, %mul3A_905 : i32
      %add3A_907 = arith.constant 0 : i32
      %add3A_908 = arith.addi %add3A_907, %mul3A_906 : i32
      %get3A_909 = arith.constant 3 : i32
      %get3A_910 = arith.index_cast %get3A_909 : i32 to index
      %get3A_911 = arith.index_cast %add3A_908 : i32 to index
      %get3A_912 = tpu.vector_load %arg4[%get3A_910, %get3A_911] {strides = array<i32>} : memref<8x8192xf32, #tpu.memory_space<vmem>>, vector<16xf32>,
      %broadcast_in_dim3A_913 = arith.constant true
      %broadcast_in_dim3A_914 = vector.broadcast %broadcast_in_dim3A_913 : i1 to vector<16xi1>
      %masked_cumsum3A_915 = tpu.scan <sum>, %get3A_912 masked %broadcast_in_dim3A_914 : vector<16xf32>, vector<16xi1> -> vector<16xf32>
      %add3A_916 = arith.addf %masked_cumsum3A_915, %scan3A_830 : vector<16xf32>
      %mul3A_917 = arith.constant 16 : i32
      %mul3A_918 = arith.muli %scan3A_826, %mul3A_917 : i32
      %add3A_919 = arith.constant 0 : i32
      %add3A_920 = arith.addi %add3A_919, %mul3A_918 : i32
      %swap3A_921 = arith.constant 3 : i32
      %swap3A_922 = arith.index_cast %swap3A_921 : i32 to index
      %swap3A_923 = arith.index_cast %add3A_920 : i32 to index
      %swap3A_924 = tpu.vector_load %arg4[%swap3A_922, %swap3A_923] {strides = array<i32>} : memref<8x8192xf32, #tpu.memory_space<vmem>>, vector<16xf32>,
      tpu.vector_store %arg4[%swap3A_922, %swap3A_923], %add3A_916 {strides = array<i32>} : memref<8x8192xf32, #tpu.memory_space<vmem>>, vector<16xf32>,
      %broadcast_in_dim3A_925 = arith.constant 15 : i32
      %broadcast_in_dim3A_926 = vector.broadcast %broadcast_in_dim3A_925 : i32 to vector<16x1xi32>
      %gather3A_927 = vector.shape_cast %broadcast_in_dim3A_926 : vector<16x1xi32> to vector<16xi32>
      %gather3A_928 = tpu.dynamic_gather %add3A_916[%gather3A_927] in [0] : vector<16xf32>, vector<16xi32> -> vector<16xf32>
      %mul3A_929 = arith.constant 16 : i32
      %mul3A_930 = arith.muli %scan3A_826, %mul3A_929 : i32
      %add3A_931 = arith.constant 0 : i32
      %add3A_932 = arith.addi %add3A_931, %mul3A_930 : i32
      %get3A_933 = arith.constant 4 : i32
      %get3A_934 = arith.index_cast %get3A_933 : i32 to index
      %get3A_935 = arith.index_cast %add3A_932 : i32 to index
      %get3A_936 = tpu.vector_load %arg4[%get3A_934, %get3A_935] {strides = array<i32>} : memref<8x8192xf32, #tpu.memory_space<vmem>>, vector<16xf32>,
      %broadcast_in_dim3A_937 = arith.constant true
      %broadcast_in_dim3A_938 = vector.broadcast %broadcast_in_dim3A_937 : i1 to vector<16xi1>
      %masked_cumsum3A_939 = tpu.scan <sum>, %get3A_936 masked %broadcast_in_dim3A_938 : vector<16xf32>, vector<16xi1> -> vector<16xf32>
      %add3A_940 = arith.addf %masked_cumsum3A_939, %scan3A_831 : vector<16xf32>
      %mul3A_941 = arith.constant 16 : i32
      %mul3A_942 = arith.muli %scan3A_826, %mul3A_941 : i32
      %add3A_943 = arith.constant 0 : i32
      %add3A_944 = arith.addi %add3A_943, %mul3A_942 : i32
      %swap3A_945 = arith.constant 4 : i32
      %swap3A_946 = arith.index_cast %swap3A_945 : i32 to index
      %swap3A_947 = arith.index_cast %add3A_944 : i32 to index
      %swap3A_948 = tpu.vector_load %arg4[%swap3A_946, %swap3A_947] {strides = array<i32>} : memref<8x8192xf32, #tpu.memory_space<vmem>>, vector<16xf32>,
      tpu.vector_store %arg4[%swap3A_946, %swap3A_947], %add3A_940 {strides = array<i32>} : memref<8x8192xf32, #tpu.memory_space<vmem>>, vector<16xf32>,
      %broadcast_in_dim3A_949 = arith.constant 15 : i32
      %broadcast_in_dim3A_950 = vector.broadcast %broadcast_in_dim3A_949 : i32 to vector<16x1xi32>
      %gather3A_951 = vector.shape_cast %broadcast_in_dim3A_950 : vector<16x1xi32> to vector<16xi32>
      %gather3A_952 = tpu.dynamic_gather %add3A_940[%gather3A_951] in [0] : vector<16xf32>, vector<16xi32> -> vector<16xf32>
      %mul3A_953 = arith.constant 16 : i32
      %mul3A_954 = arith.muli %scan3A_826, %mul3A_953 : i32
      %add3A_955 = arith.constant 0 : i32
      %add3A_956 = arith.addi %add3A_955, %mul3A_954 : i32
      %get3A_957 = arith.constant 5 : i32
      %get3A_958 = arith.index_cast %get3A_957 : i32 to index
      %get3A_959 = arith.index_cast %add3A_956 : i32 to index
      %get3A_960 = tpu.vector_load %arg4[%get3A_958, %get3A_959] {strides = array<i32>} : memref<8x8192xf32, #tpu.memory_space<vmem>>, vector<16xf32>,
      %broadcast_in_dim3A_961 = arith.constant true
      %broadcast_in_dim3A_962 = vector.broadcast %broadcast_in_dim3A_961 : i1 to vector<16xi1>
      %masked_cumsum3A_963 = tpu.scan <sum>, %get3A_960 masked %broadcast_in_dim3A_962 : vector<16xf32>, vector<16xi1> -> vector<16xf32>
      %add3A_964 = arith.addf %masked_cumsum3A_963, %scan3A_832 : vector<16xf32>
      %mul3A_965 = arith.constant 16 : i32
      %mul3A_966 = arith.muli %scan3A_826, %mul3A_965 : i32
      %add3A_967 = arith.constant 0 : i32
      %add3A_968 = arith.addi %add3A_967, %mul3A_966 : i32
      %swap3A_969 = arith.constant 5 : i32
      %swap3A_970 = arith.index_cast %swap3A_969 : i32 to index
      %swap3A_971 = arith.index_cast %add3A_968 : i32 to index
      %swap3A_972 = tpu.vector_load %arg4[%swap3A_970, %swap3A_971] {strides = array<i32>} : memref<8x8192xf32, #tpu.memory_space<vmem>>, vector<16xf32>,
      tpu.vector_store %arg4[%swap3A_970, %swap3A_971], %add3A_964 {strides = array<i32>} : memref<8x8192xf32, #tpu.memory_space<vmem>>, vector<16xf32>,
      %broadcast_in_dim3A_973 = arith.constant 15 : i32
      %broadcast_in_dim3A_974 = vector.broadcast %broadcast_in_dim3A_973 : i32 to vector<16x1xi32>
      %gather3A_975 = vector.shape_cast %broadcast_in_dim3A_974 : vector<16x1xi32> to vector<16xi32>
      %gather3A_976 = tpu.dynamic_gather %add3A_964[%gather3A_975] in [0] : vector<16xf32>, vector<16xi32> -> vector<16xf32>
      %mul3A_977 = arith.constant 16 : i32
      %mul3A_978 = arith.muli %scan3A_826, %mul3A_977 : i32
      %add3A_979 = arith.constant 0 : i32
      %add3A_980 = arith.addi %add3A_979, %mul3A_978 : i32
      %get3A_981 = arith.constant 6 : i32
      %get3A_982 = arith.index_cast %get3A_981 : i32 to index
      %get3A_983 = arith.index_cast %add3A_980 : i32 to index
      %get3A_984 = tpu.vector_load %arg4[%get3A_982, %get3A_983] {strides = array<i32>} : memref<8x8192xf32, #tpu.memory_space<vmem>>, vector<16xf32>,
      %broadcast_in_dim3A_985 = arith.constant true
      %broadcast_in_dim3A_986 = vector.broadcast %broadcast_in_dim3A_985 : i1 to vector<16xi1>
      %masked_cumsum3A_987 = tpu.scan <sum>, %get3A_984 masked %broadcast_in_dim3A_986 : vector<16xf32>, vector<16xi1> -> vector<16xf32>
      %add3A_988 = arith.addf %masked_cumsum3A_987, %scan3A_833 : vector<16xf32>
      %mul3A_989 = arith.constant 16 : i32
      %mul3A_990 = arith.muli %scan3A_826, %mul3A_989 : i32
      %add3A_991 = arith.constant 0 : i32
      %add3A_992 = arith.addi %add3A_991, %mul3A_990 : i32
      %swap3A_993 = arith.constant 6 : i32
      %swap3A_994 = arith.index_cast %swap3A_993 : i32 to index
      %swap3A_995 = arith.index_cast %add3A_992 : i32 to index
      %swap3A_996 = tpu.vector_load %arg4[%swap3A_994, %swap3A_995] {strides = array<i32>} : memref<8x8192xf32, #tpu.memory_space<vmem>>, vector<16xf32>,
      tpu.vector_store %arg4[%swap3A_994, %swap3A_995], %add3A_988 {strides = array<i32>} : memref<8x8192xf32, #tpu.memory_space<vmem>>, vector<16xf32>,
      %broadcast_in_dim3A_997 = arith.constant 15 : i32
      %broadcast_in_dim3A_998 = vector.broadcast %broadcast_in_dim3A_997 : i32 to vector<16x1xi32>
      %gather3A_999 = vector.shape_cast %broadcast_in_dim3A_998 : vector<16x1xi32> to vector<16xi32>
      %gather3A_1000 = tpu.dynamic_gather %add3A_988[%gather3A_999] in [0] : vector<16xf32>, vector<16xi32> -> vector<16xf32>
      %mul3A_1001 = arith.constant 16 : i32
      %mul3A_1002 = arith.muli %scan3A_826, %mul3A_1001 : i32
      %add3A_1003 = arith.constant 0 : i32
      %add3A_1004 = arith.addi %add3A_1003, %mul3A_1002 : i32
      %get3A_1005 = arith.constant 7 : i32
      %get3A_1006 = arith.index_cast %get3A_1005 : i32 to index
      %get3A_1007 = arith.index_cast %add3A_1004 : i32 to index
      %get3A_1008 = tpu.vector_load %arg4[%get3A_1006, %get3A_1007] {strides = array<i32>} : memref<8x8192xf32, #tpu.memory_space<vmem>>, vector<16xf32>,
      %broadcast_in_dim3A_1009 = arith.constant true
      %broadcast_in_dim3A_1010 = vector.broadcast %broadcast_in_dim3A_1009 : i1 to vector<16xi1>
      %masked_cumsum3A_1011 = tpu.scan <sum>, %get3A_1008 masked %broadcast_in_dim3A_1010 : vector<16xf32>, vector<16xi1> -> vector<16xf32>
      %add3A_1012 = arith.addf %masked_cumsum3A_1011, %scan3A_834 : vector<16xf32>
      %mul3A_1013 = arith.constant 16 : i32
      %mul3A_1014 = arith.muli %scan3A_826, %mul3A_1013 : i32
      %add3A_1015 = arith.constant 0 : i32
      %add3A_1016 = arith.addi %add3A_1015, %mul3A_1014 : i32
      %swap3A_1017 = arith.constant 7 : i32
      %swap3A_1018 = arith.index_cast %swap3A_1017 : i32 to index
      %swap3A_1019 = arith.index_cast %add3A_1016 : i32 to index
      %swap3A_1020 = tpu.vector_load %arg4[%swap3A_1018, %swap3A_1019] {strides = array<i32>} : memref<8x8192xf32, #tpu.memory_space<vmem>>, vector<16xf32>,
      tpu.vector_store %arg4[%swap3A_1018, %swap3A_1019], %add3A_1012 {strides = array<i32>} : memref<8x8192xf32, #tpu.memory_space<vmem>>, vector<16xf32>,
      %broadcast_in_dim3A_1021 = arith.constant 15 : i32
      %broadcast_in_dim3A_1022 = vector.broadcast %broadcast_in_dim3A_1021 : i32 to vector<16x1xi32>
      %gather3A_1023 = vector.shape_cast %broadcast_in_dim3A_1022 : vector<16x1xi32> to vector<16xi32>
      %gather3A_1024 = tpu.dynamic_gather %add3A_1012[%gather3A_1023] in [0] : vector<16xf32>, vector<16xi32> -> vector<16xf32>
      scf.yield %gather3A_856, %gather3A_880, %gather3A_904, %gather3A_928, %gather3A_952, %gather3A_976, %gather3A_1000, %gather3A_1024 : vector<16xf32>, vector<16xf32>, vector<16xf32>, vector<16xf32>, vector<16xf32>, vector<16xf32>, vector<16xf32>, vector<16xf32>
    }
    %scan3A_591 = arith.constant 64 : i32
    %add3A_592 = arith.constant 0 : i32
    %add3A_593 = arith.addi %mul3A_34, %add3A_592 : i32
    %dma_start3A_594 = arith.constant 0 : i32
    %dma_start3A_595 = arith.constant 0 : i32
    %dma_start3A_596 = arith.constant 0 : i32
    %dma_start3A_597 = tpu.memref_slice %arg4[%dma_start3A_595, %dma_start3A_596] : memref<8x8192xf32, #tpu.memory_space<vmem>> -> memref<8x1024xf32, #tpu.memory_space<vmem>>
    %dma_start3A_598 = tpu.memref_slice %arg3[%mul3A_32, %add3A_593] : memref<64x32768xf32, #tpu.memory_space<hbm>> -> memref<8x1024xf32, #tpu.memory_space<hbm>>
    %dma_start3A_599 = tpu.memref_slice %arg9[%dma_start3A_594] : memref<8x!tpu.dma_semaphore, #tpu.memory_space<semaphore_mem>> -> memref<1x!tpu.dma_semaphore, #tpu.memory_space<semaphore_mem>>
    %dma_start3A_600 = tpu.memref_squeeze %dma_start3A_599 : memref<1x!tpu.dma_semaphore, #tpu.memory_space<semaphore_mem>> -> memref<!tpu.dma_semaphore, #tpu.memory_space<semaphore_mem>>
    %dma_start3A_601 = tpu.memref_slice %arg3[%mul3A_32, %add3A_593] : memref<64x32768xf32, #tpu.memory_space<hbm>> -> memref<8x1024xf32, #tpu.memory_space<hbm>>
    %dma_start3A_602 = arith.constant 0 : i32
    %dma_start3A_603 = arith.constant 0 : i32
    %dma_start3A_604 = tpu.memref_slice %arg4[%dma_start3A_602, %dma_start3A_603] : memref<8x8192xf32, #tpu.memory_space<vmem>> -> memref<8x1024xf32, #tpu.memory_space<vmem>>
    tpu.enqueue_dma source(%dma_start3A_604 : memref<8x1024xf32, #tpu.memory_space<vmem>>) target(%dma_start3A_601 : memref<8x1024xf32, #tpu.memory_space<hbm>>) target_semaphore(%dma_start3A_600 : memref<!tpu.dma_semaphore, #tpu.memory_space<semaphore_mem>>)
    %scan3A_605 = arith.constant 0 : i32
    %scan3A_606 = arith.constant 64 : i32
    %scan3A_607 = arith.addi %scan3A_605, %scan3A_606 : i32
    %scan3A_608 = arith.constant 1 : i32
    %scan3A_609:8 = scf.for %scan3A_826 = %scan3A_605 to %scan3A_607 step %scan3A_608 iter_args(%scan3A_827 = %scan3A_590#0, %scan3A_828 = %scan3A_590#1, %scan3A_829 = %scan3A_590#2, %scan3A_830 = %scan3A_590#3, %scan3A_831 = %scan3A_590#4, %scan3A_832 = %scan3A_590#5, %scan3A_833 = %scan3A_590#6, %scan3A_834 = %scan3A_590#7) -> (vector<16xf32>, vector<16xf32>, vector<16xf32>, vector<16xf32>, vector<16xf32>, vector<16xf32>, vector<16xf32>, vector<16xf32>)  : i32 {
      %mul3A_835 = arith.constant 16 : i32
      %mul3A_836 = arith.muli %scan3A_826, %mul3A_835 : i32
      %add3A_837 = arith.constant 1024 : i32
      %add3A_838 = arith.addi %add3A_837, %mul3A_836 : i32
      %get3A_839 = arith.constant 0 : i32
      %get3A_840 = arith.index_cast %get3A_839 : i32 to index
      %get3A_841 = arith.index_cast %add3A_838 : i32 to index
      %get3A_842 = tpu.vector_load %arg4[%get3A_840, %get3A_841] {strides = array<i32>} : memref<8x8192xf32, #tpu.memory_space<vmem>>, vector<16xf32>,
      %broadcast_in_dim3A_843 = arith.constant true
      %broadcast_in_dim3A_844 = vector.broadcast %broadcast_in_dim3A_843 : i1 to vector<16xi1>
      %masked_cumsum3A = tpu.scan <sum>, %get3A_842 masked %broadcast_in_dim3A_844 : vector<16xf32>, vector<16xi1> -> vector<16xf32>
      %add3A_845 = arith.addf %masked_cumsum3A, %scan3A_827 : vector<16xf32>
      %mul3A_846 = arith.constant 16 : i32
      %mul3A_847 = arith.muli %scan3A_826, %mul3A_846 : i32
      %add3A_848 = arith.constant 1024 : i32
      %add3A_849 = arith.addi %add3A_848, %mul3A_847 : i32
      %swap3A_850 = arith.constant 0 : i32
      %swap3A_851 = arith.index_cast %swap3A_850 : i32 to index
      %swap3A_852 = arith.index_cast %add3A_849 : i32 to index
      %swap3A_853 = tpu.vector_load %arg4[%swap3A_851, %swap3A_852] {strides = array<i32>} : memref<8x8192xf32, #tpu.memory_space<vmem>>, vector<16xf32>,
      tpu.vector_store %arg4[%swap3A_851, %swap3A_852], %add3A_845 {strides = array<i32>} : memref<8x8192xf32, #tpu.memory_space<vmem>>, vector<16xf32>,
      %broadcast_in_dim3A_854 = arith.constant 15 : i32
      %broadcast_in_dim3A_855 = vector.broadcast %broadcast_in_dim3A_854 : i32 to vector<16x1xi32>
      %gather3A = vector.shape_cast %broadcast_in_dim3A_855 : vector<16x1xi32> to vector<16xi32>
      %gather3A_856 = tpu.dynamic_gather %add3A_845[%gather3A] in [0] : vector<16xf32>, vector<16xi32> -> vector<16xf32>
      %mul3A_857 = arith.constant 16 : i32
      %mul3A_858 = arith.muli %scan3A_826, %mul3A_857 : i32
      %add3A_859 = arith.constant 1024 : i32
      %add3A_860 = arith.addi %add3A_859, %mul3A_858 : i32
      %get3A_861 = arith.constant 1 : i32
      %get3A_862 = arith.index_cast %get3A_861 : i32 to index
      %get3A_863 = arith.index_cast %add3A_860 : i32 to index
      %get3A_864 = tpu.vector_load %arg4[%get3A_862, %get3A_863] {strides = array<i32>} : memref<8x8192xf32, #tpu.memory_space<vmem>>, vector<16xf32>,
      %broadcast_in_dim3A_865 = arith.constant true
      %broadcast_in_dim3A_866 = vector.broadcast %broadcast_in_dim3A_865 : i1 to vector<16xi1>
      %masked_cumsum3A_867 = tpu.scan <sum>, %get3A_864 masked %broadcast_in_dim3A_866 : vector<16xf32>, vector<16xi1> -> vector<16xf32>
      %add3A_868 = arith.addf %masked_cumsum3A_867, %scan3A_828 : vector<16xf32>
      %mul3A_869 = arith.constant 16 : i32
      %mul3A_870 = arith.muli %scan3A_826, %mul3A_869 : i32
      %add3A_871 = arith.constant 1024 : i32
      %add3A_872 = arith.addi %add3A_871, %mul3A_870 : i32
      %swap3A_873 = arith.constant 1 : i32
      %swap3A_874 = arith.index_cast %swap3A_873 : i32 to index
      %swap3A_875 = arith.index_cast %add3A_872 : i32 to index
      %swap3A_876 = tpu.vector_load %arg4[%swap3A_874, %swap3A_875] {strides = array<i32>} : memref<8x8192xf32, #tpu.memory_space<vmem>>, vector<16xf32>,
      tpu.vector_store %arg4[%swap3A_874, %swap3A_875], %add3A_868 {strides = array<i32>} : memref<8x8192xf32, #tpu.memory_space<vmem>>, vector<16xf32>,
      %broadcast_in_dim3A_877 = arith.constant 15 : i32
      %broadcast_in_dim3A_878 = vector.broadcast %broadcast_in_dim3A_877 : i32 to vector<16x1xi32>
      %gather3A_879 = vector.shape_cast %broadcast_in_dim3A_878 : vector<16x1xi32> to vector<16xi32>
      %gather3A_880 = tpu.dynamic_gather %add3A_868[%gather3A_879] in [0] : vector<16xf32>, vector<16xi32> -> vector<16xf32>
      %mul3A_881 = arith.constant 16 : i32
      %mul3A_882 = arith.muli %scan3A_826, %mul3A_881 : i32
      %add3A_883 = arith.constant 1024 : i32
      %add3A_884 = arith.addi %add3A_883, %mul3A_882 : i32
      %get3A_885 = arith.constant 2 : i32
      %get3A_886 = arith.index_cast %get3A_885 : i32 to index
      %get3A_887 = arith.index_cast %add3A_884 : i32 to index
      %get3A_888 = tpu.vector_load %arg4[%get3A_886, %get3A_887] {strides = array<i32>} : memref<8x8192xf32, #tpu.memory_space<vmem>>, vector<16xf32>,
      %broadcast_in_dim3A_889 = arith.constant true
      %broadcast_in_dim3A_890 = vector.broadcast %broadcast_in_dim3A_889 : i1 to vector<16xi1>
      %masked_cumsum3A_891 = tpu.scan <sum>, %get3A_888 masked %broadcast_in_dim3A_890 : vector<16xf32>, vector<16xi1> -> vector<16xf32>
      %add3A_892 = arith.addf %masked_cumsum3A_891, %scan3A_829 : vector<16xf32>
      %mul3A_893 = arith.constant 16 : i32
      %mul3A_894 = arith.muli %scan3A_826, %mul3A_893 : i32
      %add3A_895 = arith.constant 1024 : i32
      %add3A_896 = arith.addi %add3A_895, %mul3A_894 : i32
      %swap3A_897 = arith.constant 2 : i32
      %swap3A_898 = arith.index_cast %swap3A_897 : i32 to index
      %swap3A_899 = arith.index_cast %add3A_896 : i32 to index
      %swap3A_900 = tpu.vector_load %arg4[%swap3A_898, %swap3A_899] {strides = array<i32>} : memref<8x8192xf32, #tpu.memory_space<vmem>>, vector<16xf32>,
      tpu.vector_store %arg4[%swap3A_898, %swap3A_899], %add3A_892 {strides = array<i32>} : memref<8x8192xf32, #tpu.memory_space<vmem>>, vector<16xf32>,
      %broadcast_in_dim3A_901 = arith.constant 15 : i32
      %broadcast_in_dim3A_902 = vector.broadcast %broadcast_in_dim3A_901 : i32 to vector<16x1xi32>
      %gather3A_903 = vector.shape_cast %broadcast_in_dim3A_902 : vector<16x1xi32> to vector<16xi32>
      %gather3A_904 = tpu.dynamic_gather %add3A_892[%gather3A_903] in [0] : vector<16xf32>, vector<16xi32> -> vector<16xf32>
      %mul3A_905 = arith.constant 16 : i32
      %mul3A_906 = arith.muli %scan3A_826, %mul3A_905 : i32
      %add3A_907 = arith.constant 1024 : i32
      %add3A_908 = arith.addi %add3A_907, %mul3A_906 : i32
      %get3A_909 = arith.constant 3 : i32
      %get3A_910 = arith.index_cast %get3A_909 : i32 to index
      %get3A_911 = arith.index_cast %add3A_908 : i32 to index
      %get3A_912 = tpu.vector_load %arg4[%get3A_910, %get3A_911] {strides = array<i32>} : memref<8x8192xf32, #tpu.memory_space<vmem>>, vector<16xf32>,
      %broadcast_in_dim3A_913 = arith.constant true
      %broadcast_in_dim3A_914 = vector.broadcast %broadcast_in_dim3A_913 : i1 to vector<16xi1>
      %masked_cumsum3A_915 = tpu.scan <sum>, %get3A_912 masked %broadcast_in_dim3A_914 : vector<16xf32>, vector<16xi1> -> vector<16xf32>
      %add3A_916 = arith.addf %masked_cumsum3A_915, %scan3A_830 : vector<16xf32>
      %mul3A_917 = arith.constant 16 : i32
      %mul3A_918 = arith.muli %scan3A_826, %mul3A_917 : i32
      %add3A_919 = arith.constant 1024 : i32
      %add3A_920 = arith.addi %add3A_919, %mul3A_918 : i32
      %swap3A_921 = arith.constant 3 : i32
      %swap3A_922 = arith.index_cast %swap3A_921 : i32 to index
      %swap3A_923 = arith.index_cast %add3A_920 : i32 to index
      %swap3A_924 = tpu.vector_load %arg4[%swap3A_922, %swap3A_923] {strides = array<i32>} : memref<8x8192xf32, #tpu.memory_space<vmem>>, vector<16xf32>,
      tpu.vector_store %arg4[%swap3A_922, %swap3A_923], %add3A_916 {strides = array<i32>} : memref<8x8192xf32, #tpu.memory_space<vmem>>, vector<16xf32>,
      %broadcast_in_dim3A_925 = arith.constant 15 : i32
      %broadcast_in_dim3A_926 = vector.broadcast %broadcast_in_dim3A_925 : i32 to vector<16x1xi32>
      %gather3A_927 = vector.shape_cast %broadcast_in_dim3A_926 : vector<16x1xi32> to vector<16xi32>
      %gather3A_928 = tpu.dynamic_gather %add3A_916[%gather3A_927] in [0] : vector<16xf32>, vector<16xi32> -> vector<16xf32>
      %mul3A_929 = arith.constant 16 : i32
      %mul3A_930 = arith.muli %scan3A_826, %mul3A_929 : i32
      %add3A_931 = arith.constant 1024 : i32
      %add3A_932 = arith.addi %add3A_931, %mul3A_930 : i32
      %get3A_933 = arith.constant 4 : i32
      %get3A_934 = arith.index_cast %get3A_933 : i32 to index
      %get3A_935 = arith.index_cast %add3A_932 : i32 to index
      %get3A_936 = tpu.vector_load %arg4[%get3A_934, %get3A_935] {strides = array<i32>} : memref<8x8192xf32, #tpu.memory_space<vmem>>, vector<16xf32>,
      %broadcast_in_dim3A_937 = arith.constant true
      %broadcast_in_dim3A_938 = vector.broadcast %broadcast_in_dim3A_937 : i1 to vector<16xi1>
      %masked_cumsum3A_939 = tpu.scan <sum>, %get3A_936 masked %broadcast_in_dim3A_938 : vector<16xf32>, vector<16xi1> -> vector<16xf32>
      %add3A_940 = arith.addf %masked_cumsum3A_939, %scan3A_831 : vector<16xf32>
      %mul3A_941 = arith.constant 16 : i32
      %mul3A_942 = arith.muli %scan3A_826, %mul3A_941 : i32
      %add3A_943 = arith.constant 1024 : i32
      %add3A_944 = arith.addi %add3A_943, %mul3A_942 : i32
      %swap3A_945 = arith.constant 4 : i32
      %swap3A_946 = arith.index_cast %swap3A_945 : i32 to index
      %swap3A_947 = arith.index_cast %add3A_944 : i32 to index
      %swap3A_948 = tpu.vector_load %arg4[%swap3A_946, %swap3A_947] {strides = array<i32>} : memref<8x8192xf32, #tpu.memory_space<vmem>>, vector<16xf32>,
      tpu.vector_store %arg4[%swap3A_946, %swap3A_947], %add3A_940 {strides = array<i32>} : memref<8x8192xf32, #tpu.memory_space<vmem>>, vector<16xf32>,
      %broadcast_in_dim3A_949 = arith.constant 15 : i32
      %broadcast_in_dim3A_950 = vector.broadcast %broadcast_in_dim3A_949 : i32 to vector<16x1xi32>
      %gather3A_951 = vector.shape_cast %broadcast_in_dim3A_950 : vector<16x1xi32> to vector<16xi32>
      %gather3A_952 = tpu.dynamic_gather %add3A_940[%gather3A_951] in [0] : vector<16xf32>, vector<16xi32> -> vector<16xf32>
      %mul3A_953 = arith.constant 16 : i32
      %mul3A_954 = arith.muli %scan3A_826, %mul3A_953 : i32
      %add3A_955 = arith.constant 1024 : i32
      %add3A_956 = arith.addi %add3A_955, %mul3A_954 : i32
      %get3A_957 = arith.constant 5 : i32
      %get3A_958 = arith.index_cast %get3A_957 : i32 to index
      %get3A_959 = arith.index_cast %add3A_956 : i32 to index
      %get3A_960 = tpu.vector_load %arg4[%get3A_958, %get3A_959] {strides = array<i32>} : memref<8x8192xf32, #tpu.memory_space<vmem>>, vector<16xf32>,
      %broadcast_in_dim3A_961 = arith.constant true
      %broadcast_in_dim3A_962 = vector.broadcast %broadcast_in_dim3A_961 : i1 to vector<16xi1>
      %masked_cumsum3A_963 = tpu.scan <sum>, %get3A_960 masked %broadcast_in_dim3A_962 : vector<16xf32>, vector<16xi1> -> vector<16xf32>
      %add3A_964 = arith.addf %masked_cumsum3A_963, %scan3A_832 : vector<16xf32>
      %mul3A_965 = arith.constant 16 : i32
      %mul3A_966 = arith.muli %scan3A_826, %mul3A_965 : i32
      %add3A_967 = arith.constant 1024 : i32
      %add3A_968 = arith.addi %add3A_967, %mul3A_966 : i32
      %swap3A_969 = arith.constant 5 : i32
      %swap3A_970 = arith.index_cast %swap3A_969 : i32 to index
      %swap3A_971 = arith.index_cast %add3A_968 : i32 to index
      %swap3A_972 = tpu.vector_load %arg4[%swap3A_970, %swap3A_971] {strides = array<i32>} : memref<8x8192xf32, #tpu.memory_space<vmem>>, vector<16xf32>,
      tpu.vector_store %arg4[%swap3A_970, %swap3A_971], %add3A_964 {strides = array<i32>} : memref<8x8192xf32, #tpu.memory_space<vmem>>, vector<16xf32>,
      %broadcast_in_dim3A_973 = arith.constant 15 : i32
      %broadcast_in_dim3A_974 = vector.broadcast %broadcast_in_dim3A_973 : i32 to vector<16x1xi32>
      %gather3A_975 = vector.shape_cast %broadcast_in_dim3A_974 : vector<16x1xi32> to vector<16xi32>
      %gather3A_976 = tpu.dynamic_gather %add3A_964[%gather3A_975] in [0] : vector<16xf32>, vector<16xi32> -> vector<16xf32>
      %mul3A_977 = arith.constant 16 : i32
      %mul3A_978 = arith.muli %scan3A_826, %mul3A_977 : i32
      %add3A_979 = arith.constant 1024 : i32
      %add3A_980 = arith.addi %add3A_979, %mul3A_978 : i32
      %get3A_981 = arith.constant 6 : i32
      %get3A_982 = arith.index_cast %get3A_981 : i32 to index
      %get3A_983 = arith.index_cast %add3A_980 : i32 to index
      %get3A_984 = tpu.vector_load %arg4[%get3A_982, %get3A_983] {strides = array<i32>} : memref<8x8192xf32, #tpu.memory_space<vmem>>, vector<16xf32>,
      %broadcast_in_dim3A_985 = arith.constant true
      %broadcast_in_dim3A_986 = vector.broadcast %broadcast_in_dim3A_985 : i1 to vector<16xi1>
      %masked_cumsum3A_987 = tpu.scan <sum>, %get3A_984 masked %broadcast_in_dim3A_986 : vector<16xf32>, vector<16xi1> -> vector<16xf32>
      %add3A_988 = arith.addf %masked_cumsum3A_987, %scan3A_833 : vector<16xf32>
      %mul3A_989 = arith.constant 16 : i32
      %mul3A_990 = arith.muli %scan3A_826, %mul3A_989 : i32
      %add3A_991 = arith.constant 1024 : i32
      %add3A_992 = arith.addi %add3A_991, %mul3A_990 : i32
      %swap3A_993 = arith.constant 6 : i32
      %swap3A_994 = arith.index_cast %swap3A_993 : i32 to index
      %swap3A_995 = arith.index_cast %add3A_992 : i32 to index
      %swap3A_996 = tpu.vector_load %arg4[%swap3A_994, %swap3A_995] {strides = array<i32>} : memref<8x8192xf32, #tpu.memory_space<vmem>>, vector<16xf32>,
      tpu.vector_store %arg4[%swap3A_994, %swap3A_995], %add3A_988 {strides = array<i32>} : memref<8x8192xf32, #tpu.memory_space<vmem>>, vector<16xf32>,
      %broadcast_in_dim3A_997 = arith.constant 15 : i32
      %broadcast_in_dim3A_998 = vector.broadcast %broadcast_in_dim3A_997 : i32 to vector<16x1xi32>
      %gather3A_999 = vector.shape_cast %broadcast_in_dim3A_998 : vector<16x1xi32> to vector<16xi32>
      %gather3A_1000 = tpu.dynamic_gather %add3A_988[%gather3A_999] in [0] : vector<16xf32>, vector<16xi32> -> vector<16xf32>
      %mul3A_1001 = arith.constant 16 : i32
      %mul3A_1002 = arith.muli %scan3A_826, %mul3A_1001 : i32
      %add3A_1003 = arith.constant 1024 : i32
      %add3A_1004 = arith.addi %add3A_1003, %mul3A_1002 : i32
      %get3A_1005 = arith.constant 7 : i32
      %get3A_1006 = arith.index_cast %get3A_1005 : i32 to index
      %get3A_1007 = arith.index_cast %add3A_1004 : i32 to index
      %get3A_1008 = tpu.vector_load %arg4[%get3A_1006, %get3A_1007] {strides = array<i32>} : memref<8x8192xf32, #tpu.memory_space<vmem>>, vector<16xf32>,
      %broadcast_in_dim3A_1009 = arith.constant true
      %broadcast_in_dim3A_1010 = vector.broadcast %broadcast_in_dim3A_1009 : i1 to vector<16xi1>
      %masked_cumsum3A_1011 = tpu.scan <sum>, %get3A_1008 masked %broadcast_in_dim3A_1010 : vector<16xf32>, vector<16xi1> -> vector<16xf32>
      %add3A_1012 = arith.addf %masked_cumsum3A_1011, %scan3A_834 : vector<16xf32>
      %mul3A_1013 = arith.constant 16 : i32
      %mul3A_1014 = arith.muli %scan3A_826, %mul3A_1013 : i32
      %add3A_1015 = arith.constant 1024 : i32
      %add3A_1016 = arith.addi %add3A_1015, %mul3A_1014 : i32
      %swap3A_1017 = arith.constant 7 : i32
      %swap3A_1018 = arith.index_cast %swap3A_1017 : i32 to index
      %swap3A_1019 = arith.index_cast %add3A_1016 : i32 to index
      %swap3A_1020 = tpu.vector_load %arg4[%swap3A_1018, %swap3A_1019] {strides = array<i32>} : memref<8x8192xf32, #tpu.memory_space<vmem>>, vector<16xf32>,
      tpu.vector_store %arg4[%swap3A_1018, %swap3A_1019], %add3A_1012 {strides = array<i32>} : memref<8x8192xf32, #tpu.memory_space<vmem>>, vector<16xf32>,
      %broadcast_in_dim3A_1021 = arith.constant 15 : i32
      %broadcast_in_dim3A_1022 = vector.broadcast %broadcast_in_dim3A_1021 : i32 to vector<16x1xi32>
      %gather3A_1023 = vector.shape_cast %broadcast_in_dim3A_1022 : vector<16x1xi32> to vector<16xi32>
      %gather3A_1024 = tpu.dynamic_gather %add3A_1012[%gather3A_1023] in [0] : vector<16xf32>, vector<16xi32> -> vector<16xf32>
      scf.yield %gather3A_856, %gather3A_880, %gather3A_904, %gather3A_928, %gather3A_952, %gather3A_976, %gather3A_1000, %gather3A_1024 : vector<16xf32>, vector<16xf32>, vector<16xf32>, vector<16xf32>, vector<16xf32>, vector<16xf32>, vector<16xf32>, vector<16xf32>
    }
    %scan3A_610 = arith.constant 64 : i32
    %add3A_611 = arith.constant 1024 : i32
    %add3A_612 = arith.addi %mul3A_34, %add3A_611 : i32
    %dma_start3A_613 = arith.constant 1 : i32
    %dma_start3A_614 = arith.constant 0 : i32
    %dma_start3A_615 = arith.constant 1024 : i32
    %dma_start3A_616 = tpu.memref_slice %arg4[%dma_start3A_614, %dma_start3A_615] : memref<8x8192xf32, #tpu.memory_space<vmem>> -> memref<8x1024xf32, #tpu.memory_space<vmem>>
    %dma_start3A_617 = tpu.memref_slice %arg3[%mul3A_32, %add3A_612] : memref<64x32768xf32, #tpu.memory_space<hbm>> -> memref<8x1024xf32, #tpu.memory_space<hbm>>
    %dma_start3A_618 = tpu.memref_slice %arg9[%dma_start3A_613] : memref<8x!tpu.dma_semaphore, #tpu.memory_space<semaphore_mem>> -> memref<1x!tpu.dma_semaphore, #tpu.memory_space<semaphore_mem>>
    %dma_start3A_619 = tpu.memref_squeeze %dma_start3A_618 : memref<1x!tpu.dma_semaphore, #tpu.memory_space<semaphore_mem>> -> memref<!tpu.dma_semaphore, #tpu.memory_space<semaphore_mem>>
    %dma_start3A_620 = tpu.memref_slice %arg3[%mul3A_32, %add3A_612] : memref<64x32768xf32, #tpu.memory_space<hbm>> -> memref<8x1024xf32, #tpu.memory_space<hbm>>
    %dma_start3A_621 = arith.constant 0 : i32
    %dma_start3A_622 = arith.constant 1024 : i32
    %dma_start3A_623 = tpu.memref_slice %arg4[%dma_start3A_621, %dma_start3A_622] : memref<8x8192xf32, #tpu.memory_space<vmem>> -> memref<8x1024xf32, #tpu.memory_space<vmem>>
    tpu.enqueue_dma source(%dma_start3A_623 : memref<8x1024xf32, #tpu.memory_space<vmem>>) target(%dma_start3A_620 : memref<8x1024xf32, #tpu.memory_space<hbm>>) target_semaphore(%dma_start3A_619 : memref<!tpu.dma_semaphore, #tpu.memory_space<semaphore_mem>>)
    %scan3A_624 = arith.constant 0 : i32
    %scan3A_625 = arith.constant 64 : i32
    %scan3A_626 = arith.addi %scan3A_624, %scan3A_625 : i32
    %scan3A_627 = arith.constant 1 : i32
    %scan3A_628:8 = scf.for %scan3A_826 = %scan3A_624 to %scan3A_626 step %scan3A_627 iter_args(%scan3A_827 = %scan3A_609#0, %scan3A_828 = %scan3A_609#1, %scan3A_829 = %scan3A_609#2, %scan3A_830 = %scan3A_609#3, %scan3A_831 = %scan3A_609#4, %scan3A_832 = %scan3A_609#5, %scan3A_833 = %scan3A_609#6, %scan3A_834 = %scan3A_609#7) -> (vector<16xf32>, vector<16xf32>, vector<16xf32>, vector<16xf32>, vector<16xf32>, vector<16xf32>, vector<16xf32>, vector<16xf32>)  : i32 {
      %mul3A_835 = arith.constant 16 : i32
      %mul3A_836 = arith.muli %scan3A_826, %mul3A_835 : i32
      %add3A_837 = arith.constant 2048 : i32
      %add3A_838 = arith.addi %add3A_837, %mul3A_836 : i32
      %get3A_839 = arith.constant 0 : i32
      %get3A_840 = arith.index_cast %get3A_839 : i32 to index
      %get3A_841 = arith.index_cast %add3A_838 : i32 to index
      %get3A_842 = tpu.vector_load %arg4[%get3A_840, %get3A_841] {strides = array<i32>} : memref<8x8192xf32, #tpu.memory_space<vmem>>, vector<16xf32>,
      %broadcast_in_dim3A_843 = arith.constant true
      %broadcast_in_dim3A_844 = vector.broadcast %broadcast_in_dim3A_843 : i1 to vector<16xi1>
      %masked_cumsum3A = tpu.scan <sum>, %get3A_842 masked %broadcast_in_dim3A_844 : vector<16xf32>, vector<16xi1> -> vector<16xf32>
      %add3A_845 = arith.addf %masked_cumsum3A, %scan3A_827 : vector<16xf32>
      %mul3A_846 = arith.constant 16 : i32
      %mul3A_847 = arith.muli %scan3A_826, %mul3A_846 : i32
      %add3A_848 = arith.constant 2048 : i32
      %add3A_849 = arith.addi %add3A_848, %mul3A_847 : i32
      %swap3A_850 = arith.constant 0 : i32
      %swap3A_851 = arith.index_cast %swap3A_850 : i32 to index
      %swap3A_852 = arith.index_cast %add3A_849 : i32 to index
      %swap3A_853 = tpu.vector_load %arg4[%swap3A_851, %swap3A_852] {strides = array<i32>} : memref<8x8192xf32, #tpu.memory_space<vmem>>, vector<16xf32>,
      tpu.vector_store %arg4[%swap3A_851, %swap3A_852], %add3A_845 {strides = array<i32>} : memref<8x8192xf32, #tpu.memory_space<vmem>>, vector<16xf32>,
      %broadcast_in_dim3A_854 = arith.constant 15 : i32
      %broadcast_in_dim3A_855 = vector.broadcast %broadcast_in_dim3A_854 : i32 to vector<16x1xi32>
      %gather3A = vector.shape_cast %broadcast_in_dim3A_855 : vector<16x1xi32> to vector<16xi32>
      %gather3A_856 = tpu.dynamic_gather %add3A_845[%gather3A] in [0] : vector<16xf32>, vector<16xi32> -> vector<16xf32>
      %mul3A_857 = arith.constant 16 : i32
      %mul3A_858 = arith.muli %scan3A_826, %mul3A_857 : i32
      %add3A_859 = arith.constant 2048 : i32
      %add3A_860 = arith.addi %add3A_859, %mul3A_858 : i32
      %get3A_861 = arith.constant 1 : i32
      %get3A_862 = arith.index_cast %get3A_861 : i32 to index
      %get3A_863 = arith.index_cast %add3A_860 : i32 to index
      %get3A_864 = tpu.vector_load %arg4[%get3A_862, %get3A_863] {strides = array<i32>} : memref<8x8192xf32, #tpu.memory_space<vmem>>, vector<16xf32>,
      %broadcast_in_dim3A_865 = arith.constant true
      %broadcast_in_dim3A_866 = vector.broadcast %broadcast_in_dim3A_865 : i1 to vector<16xi1>
      %masked_cumsum3A_867 = tpu.scan <sum>, %get3A_864 masked %broadcast_in_dim3A_866 : vector<16xf32>, vector<16xi1> -> vector<16xf32>
      %add3A_868 = arith.addf %masked_cumsum3A_867, %scan3A_828 : vector<16xf32>
      %mul3A_869 = arith.constant 16 : i32
      %mul3A_870 = arith.muli %scan3A_826, %mul3A_869 : i32
      %add3A_871 = arith.constant 2048 : i32
      %add3A_872 = arith.addi %add3A_871, %mul3A_870 : i32
      %swap3A_873 = arith.constant 1 : i32
      %swap3A_874 = arith.index_cast %swap3A_873 : i32 to index
      %swap3A_875 = arith.index_cast %add3A_872 : i32 to index
      %swap3A_876 = tpu.vector_load %arg4[%swap3A_874, %swap3A_875] {strides = array<i32>} : memref<8x8192xf32, #tpu.memory_space<vmem>>, vector<16xf32>,
      tpu.vector_store %arg4[%swap3A_874, %swap3A_875], %add3A_868 {strides = array<i32>} : memref<8x8192xf32, #tpu.memory_space<vmem>>, vector<16xf32>,
      %broadcast_in_dim3A_877 = arith.constant 15 : i32
      %broadcast_in_dim3A_878 = vector.broadcast %broadcast_in_dim3A_877 : i32 to vector<16x1xi32>
      %gather3A_879 = vector.shape_cast %broadcast_in_dim3A_878 : vector<16x1xi32> to vector<16xi32>
      %gather3A_880 = tpu.dynamic_gather %add3A_868[%gather3A_879] in [0] : vector<16xf32>, vector<16xi32> -> vector<16xf32>
      %mul3A_881 = arith.constant 16 : i32
      %mul3A_882 = arith.muli %scan3A_826, %mul3A_881 : i32
      %add3A_883 = arith.constant 2048 : i32
      %add3A_884 = arith.addi %add3A_883, %mul3A_882 : i32
      %get3A_885 = arith.constant 2 : i32
      %get3A_886 = arith.index_cast %get3A_885 : i32 to index
      %get3A_887 = arith.index_cast %add3A_884 : i32 to index
      %get3A_888 = tpu.vector_load %arg4[%get3A_886, %get3A_887] {strides = array<i32>} : memref<8x8192xf32, #tpu.memory_space<vmem>>, vector<16xf32>,
      %broadcast_in_dim3A_889 = arith.constant true
      %broadcast_in_dim3A_890 = vector.broadcast %broadcast_in_dim3A_889 : i1 to vector<16xi1>
      %masked_cumsum3A_891 = tpu.scan <sum>, %get3A_888 masked %broadcast_in_dim3A_890 : vector<16xf32>, vector<16xi1> -> vector<16xf32>
      %add3A_892 = arith.addf %masked_cumsum3A_891, %scan3A_829 : vector<16xf32>
      %mul3A_893 = arith.constant 16 : i32
      %mul3A_894 = arith.muli %scan3A_826, %mul3A_893 : i32
      %add3A_895 = arith.constant 2048 : i32
      %add3A_896 = arith.addi %add3A_895, %mul3A_894 : i32
      %swap3A_897 = arith.constant 2 : i32
      %swap3A_898 = arith.index_cast %swap3A_897 : i32 to index
      %swap3A_899 = arith.index_cast %add3A_896 : i32 to index
      %swap3A_900 = tpu.vector_load %arg4[%swap3A_898, %swap3A_899] {strides = array<i32>} : memref<8x8192xf32, #tpu.memory_space<vmem>>, vector<16xf32>,
      tpu.vector_store %arg4[%swap3A_898, %swap3A_899], %add3A_892 {strides = array<i32>} : memref<8x8192xf32, #tpu.memory_space<vmem>>, vector<16xf32>,
      %broadcast_in_dim3A_901 = arith.constant 15 : i32
      %broadcast_in_dim3A_902 = vector.broadcast %broadcast_in_dim3A_901 : i32 to vector<16x1xi32>
      %gather3A_903 = vector.shape_cast %broadcast_in_dim3A_902 : vector<16x1xi32> to vector<16xi32>
      %gather3A_904 = tpu.dynamic_gather %add3A_892[%gather3A_903] in [0] : vector<16xf32>, vector<16xi32> -> vector<16xf32>
      %mul3A_905 = arith.constant 16 : i32
      %mul3A_906 = arith.muli %scan3A_826, %mul3A_905 : i32
      %add3A_907 = arith.constant 2048 : i32
      %add3A_908 = arith.addi %add3A_907, %mul3A_906 : i32
      %get3A_909 = arith.constant 3 : i32
      %get3A_910 = arith.index_cast %get3A_909 : i32 to index
      %get3A_911 = arith.index_cast %add3A_908 : i32 to index
      %get3A_912 = tpu.vector_load %arg4[%get3A_910, %get3A_911] {strides = array<i32>} : memref<8x8192xf32, #tpu.memory_space<vmem>>, vector<16xf32>,
      %broadcast_in_dim3A_913 = arith.constant true
      %broadcast_in_dim3A_914 = vector.broadcast %broadcast_in_dim3A_913 : i1 to vector<16xi1>
      %masked_cumsum3A_915 = tpu.scan <sum>, %get3A_912 masked %broadcast_in_dim3A_914 : vector<16xf32>, vector<16xi1> -> vector<16xf32>
      %add3A_916 = arith.addf %masked_cumsum3A_915, %scan3A_830 : vector<16xf32>
      %mul3A_917 = arith.constant 16 : i32
      %mul3A_918 = arith.muli %scan3A_826, %mul3A_917 : i32
      %add3A_919 = arith.constant 2048 : i32
      %add3A_920 = arith.addi %add3A_919, %mul3A_918 : i32
      %swap3A_921 = arith.constant 3 : i32
      %swap3A_922 = arith.index_cast %swap3A_921 : i32 to index
      %swap3A_923 = arith.index_cast %add3A_920 : i32 to index
      %swap3A_924 = tpu.vector_load %arg4[%swap3A_922, %swap3A_923] {strides = array<i32>} : memref<8x8192xf32, #tpu.memory_space<vmem>>, vector<16xf32>,
      tpu.vector_store %arg4[%swap3A_922, %swap3A_923], %add3A_916 {strides = array<i32>} : memref<8x8192xf32, #tpu.memory_space<vmem>>, vector<16xf32>,
      %broadcast_in_dim3A_925 = arith.constant 15 : i32
      %broadcast_in_dim3A_926 = vector.broadcast %broadcast_in_dim3A_925 : i32 to vector<16x1xi32>
      %gather3A_927 = vector.shape_cast %broadcast_in_dim3A_926 : vector<16x1xi32> to vector<16xi32>
      %gather3A_928 = tpu.dynamic_gather %add3A_916[%gather3A_927] in [0] : vector<16xf32>, vector<16xi32> -> vector<16xf32>
      %mul3A_929 = arith.constant 16 : i32
      %mul3A_930 = arith.muli %scan3A_826, %mul3A_929 : i32
      %add3A_931 = arith.constant 2048 : i32
      %add3A_932 = arith.addi %add3A_931, %mul3A_930 : i32
      %get3A_933 = arith.constant 4 : i32
      %get3A_934 = arith.index_cast %get3A_933 : i32 to index
      %get3A_935 = arith.index_cast %add3A_932 : i32 to index
      %get3A_936 = tpu.vector_load %arg4[%get3A_934, %get3A_935] {strides = array<i32>} : memref<8x8192xf32, #tpu.memory_space<vmem>>, vector<16xf32>,
      %broadcast_in_dim3A_937 = arith.constant true
      %broadcast_in_dim3A_938 = vector.broadcast %broadcast_in_dim3A_937 : i1 to vector<16xi1>
      %masked_cumsum3A_939 = tpu.scan <sum>, %get3A_936 masked %broadcast_in_dim3A_938 : vector<16xf32>, vector<16xi1> -> vector<16xf32>
      %add3A_940 = arith.addf %masked_cumsum3A_939, %scan3A_831 : vector<16xf32>
      %mul3A_941 = arith.constant 16 : i32
      %mul3A_942 = arith.muli %scan3A_826, %mul3A_941 : i32
      %add3A_943 = arith.constant 2048 : i32
      %add3A_944 = arith.addi %add3A_943, %mul3A_942 : i32
      %swap3A_945 = arith.constant 4 : i32
      %swap3A_946 = arith.index_cast %swap3A_945 : i32 to index
      %swap3A_947 = arith.index_cast %add3A_944 : i32 to index
      %swap3A_948 = tpu.vector_load %arg4[%swap3A_946, %swap3A_947] {strides = array<i32>} : memref<8x8192xf32, #tpu.memory_space<vmem>>, vector<16xf32>,
      tpu.vector_store %arg4[%swap3A_946, %swap3A_947], %add3A_940 {strides = array<i32>} : memref<8x8192xf32, #tpu.memory_space<vmem>>, vector<16xf32>,
      %broadcast_in_dim3A_949 = arith.constant 15 : i32
      %broadcast_in_dim3A_950 = vector.broadcast %broadcast_in_dim3A_949 : i32 to vector<16x1xi32>
      %gather3A_951 = vector.shape_cast %broadcast_in_dim3A_950 : vector<16x1xi32> to vector<16xi32>
      %gather3A_952 = tpu.dynamic_gather %add3A_940[%gather3A_951] in [0] : vector<16xf32>, vector<16xi32> -> vector<16xf32>
      %mul3A_953 = arith.constant 16 : i32
      %mul3A_954 = arith.muli %scan3A_826, %mul3A_953 : i32
      %add3A_955 = arith.constant 2048 : i32
      %add3A_956 = arith.addi %add3A_955, %mul3A_954 : i32
      %get3A_957 = arith.constant 5 : i32
      %get3A_958 = arith.index_cast %get3A_957 : i32 to index
      %get3A_959 = arith.index_cast %add3A_956 : i32 to index
      %get3A_960 = tpu.vector_load %arg4[%get3A_958, %get3A_959] {strides = array<i32>} : memref<8x8192xf32, #tpu.memory_space<vmem>>, vector<16xf32>,
      %broadcast_in_dim3A_961 = arith.constant true
      %broadcast_in_dim3A_962 = vector.broadcast %broadcast_in_dim3A_961 : i1 to vector<16xi1>
      %masked_cumsum3A_963 = tpu.scan <sum>, %get3A_960 masked %broadcast_in_dim3A_962 : vector<16xf32>, vector<16xi1> -> vector<16xf32>
      %add3A_964 = arith.addf %masked_cumsum3A_963, %scan3A_832 : vector<16xf32>
      %mul3A_965 = arith.constant 16 : i32
      %mul3A_966 = arith.muli %scan3A_826, %mul3A_965 : i32
      %add3A_967 = arith.constant 2048 : i32
      %add3A_968 = arith.addi %add3A_967, %mul3A_966 : i32
      %swap3A_969 = arith.constant 5 : i32
      %swap3A_970 = arith.index_cast %swap3A_969 : i32 to index
      %swap3A_971 = arith.index_cast %add3A_968 : i32 to index
      %swap3A_972 = tpu.vector_load %arg4[%swap3A_970, %swap3A_971] {strides = array<i32>} : memref<8x8192xf32, #tpu.memory_space<vmem>>, vector<16xf32>,
      tpu.vector_store %arg4[%swap3A_970, %swap3A_971], %add3A_964 {strides = array<i32>} : memref<8x8192xf32, #tpu.memory_space<vmem>>, vector<16xf32>,
      %broadcast_in_dim3A_973 = arith.constant 15 : i32
      %broadcast_in_dim3A_974 = vector.broadcast %broadcast_in_dim3A_973 : i32 to vector<16x1xi32>
      %gather3A_975 = vector.shape_cast %broadcast_in_dim3A_974 : vector<16x1xi32> to vector<16xi32>
      %gather3A_976 = tpu.dynamic_gather %add3A_964[%gather3A_975] in [0] : vector<16xf32>, vector<16xi32> -> vector<16xf32>
      %mul3A_977 = arith.constant 16 : i32
      %mul3A_978 = arith.muli %scan3A_826, %mul3A_977 : i32
      %add3A_979 = arith.constant 2048 : i32
      %add3A_980 = arith.addi %add3A_979, %mul3A_978 : i32
      %get3A_981 = arith.constant 6 : i32
      %get3A_982 = arith.index_cast %get3A_981 : i32 to index
      %get3A_983 = arith.index_cast %add3A_980 : i32 to index
      %get3A_984 = tpu.vector_load %arg4[%get3A_982, %get3A_983] {strides = array<i32>} : memref<8x8192xf32, #tpu.memory_space<vmem>>, vector<16xf32>,
      %broadcast_in_dim3A_985 = arith.constant true
      %broadcast_in_dim3A_986 = vector.broadcast %broadcast_in_dim3A_985 : i1 to vector<16xi1>
      %masked_cumsum3A_987 = tpu.scan <sum>, %get3A_984 masked %broadcast_in_dim3A_986 : vector<16xf32>, vector<16xi1> -> vector<16xf32>
      %add3A_988 = arith.addf %masked_cumsum3A_987, %scan3A_833 : vector<16xf32>
      %mul3A_989 = arith.constant 16 : i32
      %mul3A_990 = arith.muli %scan3A_826, %mul3A_989 : i32
      %add3A_991 = arith.constant 2048 : i32
      %add3A_992 = arith.addi %add3A_991, %mul3A_990 : i32
      %swap3A_993 = arith.constant 6 : i32
      %swap3A_994 = arith.index_cast %swap3A_993 : i32 to index
      %swap3A_995 = arith.index_cast %add3A_992 : i32 to index
      %swap3A_996 = tpu.vector_load %arg4[%swap3A_994, %swap3A_995] {strides = array<i32>} : memref<8x8192xf32, #tpu.memory_space<vmem>>, vector<16xf32>,
      tpu.vector_store %arg4[%swap3A_994, %swap3A_995], %add3A_988 {strides = array<i32>} : memref<8x8192xf32, #tpu.memory_space<vmem>>, vector<16xf32>,
      %broadcast_in_dim3A_997 = arith.constant 15 : i32
      %broadcast_in_dim3A_998 = vector.broadcast %broadcast_in_dim3A_997 : i32 to vector<16x1xi32>
      %gather3A_999 = vector.shape_cast %broadcast_in_dim3A_998 : vector<16x1xi32> to vector<16xi32>
      %gather3A_1000 = tpu.dynamic_gather %add3A_988[%gather3A_999] in [0] : vector<16xf32>, vector<16xi32> -> vector<16xf32>
      %mul3A_1001 = arith.constant 16 : i32
      %mul3A_1002 = arith.muli %scan3A_826, %mul3A_1001 : i32
      %add3A_1003 = arith.constant 2048 : i32
      %add3A_1004 = arith.addi %add3A_1003, %mul3A_1002 : i32
      %get3A_1005 = arith.constant 7 : i32
      %get3A_1006 = arith.index_cast %get3A_1005 : i32 to index
      %get3A_1007 = arith.index_cast %add3A_1004 : i32 to index
      %get3A_1008 = tpu.vector_load %arg4[%get3A_1006, %get3A_1007] {strides = array<i32>} : memref<8x8192xf32, #tpu.memory_space<vmem>>, vector<16xf32>,
      %broadcast_in_dim3A_1009 = arith.constant true
      %broadcast_in_dim3A_1010 = vector.broadcast %broadcast_in_dim3A_1009 : i1 to vector<16xi1>
      %masked_cumsum3A_1011 = tpu.scan <sum>, %get3A_1008 masked %broadcast_in_dim3A_1010 : vector<16xf32>, vector<16xi1> -> vector<16xf32>
      %add3A_1012 = arith.addf %masked_cumsum3A_1011, %scan3A_834 : vector<16xf32>
      %mul3A_1013 = arith.constant 16 : i32
      %mul3A_1014 = arith.muli %scan3A_826, %mul3A_1013 : i32
      %add3A_1015 = arith.constant 2048 : i32
      %add3A_1016 = arith.addi %add3A_1015, %mul3A_1014 : i32
      %swap3A_1017 = arith.constant 7 : i32
      %swap3A_1018 = arith.index_cast %swap3A_1017 : i32 to index
      %swap3A_1019 = arith.index_cast %add3A_1016 : i32 to index
      %swap3A_1020 = tpu.vector_load %arg4[%swap3A_1018, %swap3A_1019] {strides = array<i32>} : memref<8x8192xf32, #tpu.memory_space<vmem>>, vector<16xf32>,
      tpu.vector_store %arg4[%swap3A_1018, %swap3A_1019], %add3A_1012 {strides = array<i32>} : memref<8x8192xf32, #tpu.memory_space<vmem>>, vector<16xf32>,
      %broadcast_in_dim3A_1021 = arith.constant 15 : i32
      %broadcast_in_dim3A_1022 = vector.broadcast %broadcast_in_dim3A_1021 : i32 to vector<16x1xi32>
      %gather3A_1023 = vector.shape_cast %broadcast_in_dim3A_1022 : vector<16x1xi32> to vector<16xi32>
      %gather3A_1024 = tpu.dynamic_gather %add3A_1012[%gather3A_1023] in [0] : vector<16xf32>, vector<16xi32> -> vector<16xf32>
      scf.yield %gather3A_856, %gather3A_880, %gather3A_904, %gather3A_928, %gather3A_952, %gather3A_976, %gather3A_1000, %gather3A_1024 : vector<16xf32>, vector<16xf32>, vector<16xf32>, vector<16xf32>, vector<16xf32>, vector<16xf32>, vector<16xf32>, vector<16xf32>
    }
    %scan3A_629 = arith.constant 64 : i32
    %add3A_630 = arith.constant 2048 : i32
    %add3A_631 = arith.addi %mul3A_34, %add3A_630 : i32
    %dma_start3A_632 = arith.constant 2 : i32
    %dma_start3A_633 = arith.constant 0 : i32
    %dma_start3A_634 = arith.constant 2048 : i32
    %dma_start3A_635 = tpu.memref_slice %arg4[%dma_start3A_633, %dma_start3A_634] : memref<8x8192xf32, #tpu.memory_space<vmem>> -> memref<8x1024xf32, #tpu.memory_space<vmem>>
    %dma_start3A_636 = tpu.memref_slice %arg3[%mul3A_32, %add3A_631] : memref<64x32768xf32, #tpu.memory_space<hbm>> -> memref<8x1024xf32, #tpu.memory_space<hbm>>
    %dma_start3A_637 = tpu.memref_slice %arg9[%dma_start3A_632] : memref<8x!tpu.dma_semaphore, #tpu.memory_space<semaphore_mem>> -> memref<1x!tpu.dma_semaphore, #tpu.memory_space<semaphore_mem>>
    %dma_start3A_638 = tpu.memref_squeeze %dma_start3A_637 : memref<1x!tpu.dma_semaphore, #tpu.memory_space<semaphore_mem>> -> memref<!tpu.dma_semaphore, #tpu.memory_space<semaphore_mem>>
    %dma_start3A_639 = tpu.memref_slice %arg3[%mul3A_32, %add3A_631] : memref<64x32768xf32, #tpu.memory_space<hbm>> -> memref<8x1024xf32, #tpu.memory_space<hbm>>
    %dma_start3A_640 = arith.constant 0 : i32
    %dma_start3A_641 = arith.constant 2048 : i32
    %dma_start3A_642 = tpu.memref_slice %arg4[%dma_start3A_640, %dma_start3A_641] : memref<8x8192xf32, #tpu.memory_space<vmem>> -> memref<8x1024xf32, #tpu.memory_space<vmem>>
    tpu.enqueue_dma source(%dma_start3A_642 : memref<8x1024xf32, #tpu.memory_space<vmem>>) target(%dma_start3A_639 : memref<8x1024xf32, #tpu.memory_space<hbm>>) target_semaphore(%dma_start3A_638 : memref<!tpu.dma_semaphore, #tpu.memory_space<semaphore_mem>>)
    %scan3A_643 = arith.constant 0 : i32
    %scan3A_644 = arith.constant 64 : i32
    %scan3A_645 = arith.addi %scan3A_643, %scan3A_644 : i32
    %scan3A_646 = arith.constant 1 : i32
    %scan3A_647:8 = scf.for %scan3A_826 = %scan3A_643 to %scan3A_645 step %scan3A_646 iter_args(%scan3A_827 = %scan3A_628#0, %scan3A_828 = %scan3A_628#1, %scan3A_829 = %scan3A_628#2, %scan3A_830 = %scan3A_628#3, %scan3A_831 = %scan3A_628#4, %scan3A_832 = %scan3A_628#5, %scan3A_833 = %scan3A_628#6, %scan3A_834 = %scan3A_628#7) -> (vector<16xf32>, vector<16xf32>, vector<16xf32>, vector<16xf32>, vector<16xf32>, vector<16xf32>, vector<16xf32>, vector<16xf32>)  : i32 {
      %mul3A_835 = arith.constant 16 : i32
      %mul3A_836 = arith.muli %scan3A_826, %mul3A_835 : i32
      %add3A_837 = arith.constant 3072 : i32
      %add3A_838 = arith.addi %add3A_837, %mul3A_836 : i32
      %get3A_839 = arith.constant 0 : i32
      %get3A_840 = arith.index_cast %get3A_839 : i32 to index
      %get3A_841 = arith.index_cast %add3A_838 : i32 to index
      %get3A_842 = tpu.vector_load %arg4[%get3A_840, %get3A_841] {strides = array<i32>} : memref<8x8192xf32, #tpu.memory_space<vmem>>, vector<16xf32>,
      %broadcast_in_dim3A_843 = arith.constant true
      %broadcast_in_dim3A_844 = vector.broadcast %broadcast_in_dim3A_843 : i1 to vector<16xi1>
      %masked_cumsum3A = tpu.scan <sum>, %get3A_842 masked %broadcast_in_dim3A_844 : vector<16xf32>, vector<16xi1> -> vector<16xf32>
      %add3A_845 = arith.addf %masked_cumsum3A, %scan3A_827 : vector<16xf32>
      %mul3A_846 = arith.constant 16 : i32
      %mul3A_847 = arith.muli %scan3A_826, %mul3A_846 : i32
      %add3A_848 = arith.constant 3072 : i32
      %add3A_849 = arith.addi %add3A_848, %mul3A_847 : i32
      %swap3A_850 = arith.constant 0 : i32
      %swap3A_851 = arith.index_cast %swap3A_850 : i32 to index
      %swap3A_852 = arith.index_cast %add3A_849 : i32 to index
      %swap3A_853 = tpu.vector_load %arg4[%swap3A_851, %swap3A_852] {strides = array<i32>} : memref<8x8192xf32, #tpu.memory_space<vmem>>, vector<16xf32>,
      tpu.vector_store %arg4[%swap3A_851, %swap3A_852], %add3A_845 {strides = array<i32>} : memref<8x8192xf32, #tpu.memory_space<vmem>>, vector<16xf32>,
      %broadcast_in_dim3A_854 = arith.constant 15 : i32
      %broadcast_in_dim3A_855 = vector.broadcast %broadcast_in_dim3A_854 : i32 to vector<16x1xi32>
      %gather3A = vector.shape_cast %broadcast_in_dim3A_855 : vector<16x1xi32> to vector<16xi32>
      %gather3A_856 = tpu.dynamic_gather %add3A_845[%gather3A] in [0] : vector<16xf32>, vector<16xi32> -> vector<16xf32>
      %mul3A_857 = arith.constant 16 : i32
      %mul3A_858 = arith.muli %scan3A_826, %mul3A_857 : i32
      %add3A_859 = arith.constant 3072 : i32
      %add3A_860 = arith.addi %add3A_859, %mul3A_858 : i32
      %get3A_861 = arith.constant 1 : i32
      %get3A_862 = arith.index_cast %get3A_861 : i32 to index
      %get3A_863 = arith.index_cast %add3A_860 : i32 to index
      %get3A_864 = tpu.vector_load %arg4[%get3A_862, %get3A_863] {strides = array<i32>} : memref<8x8192xf32, #tpu.memory_space<vmem>>, vector<16xf32>,
      %broadcast_in_dim3A_865 = arith.constant true
      %broadcast_in_dim3A_866 = vector.broadcast %broadcast_in_dim3A_865 : i1 to vector<16xi1>
      %masked_cumsum3A_867 = tpu.scan <sum>, %get3A_864 masked %broadcast_in_dim3A_866 : vector<16xf32>, vector<16xi1> -> vector<16xf32>
      %add3A_868 = arith.addf %masked_cumsum3A_867, %scan3A_828 : vector<16xf32>
      %mul3A_869 = arith.constant 16 : i32
      %mul3A_870 = arith.muli %scan3A_826, %mul3A_869 : i32
      %add3A_871 = arith.constant 3072 : i32
      %add3A_872 = arith.addi %add3A_871, %mul3A_870 : i32
      %swap3A_873 = arith.constant 1 : i32
      %swap3A_874 = arith.index_cast %swap3A_873 : i32 to index
      %swap3A_875 = arith.index_cast %add3A_872 : i32 to index
      %swap3A_876 = tpu.vector_load %arg4[%swap3A_874, %swap3A_875] {strides = array<i32>} : memref<8x8192xf32, #tpu.memory_space<vmem>>, vector<16xf32>,
      tpu.vector_store %arg4[%swap3A_874, %swap3A_875], %add3A_868 {strides = array<i32>} : memref<8x8192xf32, #tpu.memory_space<vmem>>, vector<16xf32>,
      %broadcast_in_dim3A_877 = arith.constant 15 : i32
      %broadcast_in_dim3A_878 = vector.broadcast %broadcast_in_dim3A_877 : i32 to vector<16x1xi32>
      %gather3A_879 = vector.shape_cast %broadcast_in_dim3A_878 : vector<16x1xi32> to vector<16xi32>
      %gather3A_880 = tpu.dynamic_gather %add3A_868[%gather3A_879] in [0] : vector<16xf32>, vector<16xi32> -> vector<16xf32>
      %mul3A_881 = arith.constant 16 : i32
      %mul3A_882 = arith.muli %scan3A_826, %mul3A_881 : i32
      %add3A_883 = arith.constant 3072 : i32
      %add3A_884 = arith.addi %add3A_883, %mul3A_882 : i32
      %get3A_885 = arith.constant 2 : i32
      %get3A_886 = arith.index_cast %get3A_885 : i32 to index
      %get3A_887 = arith.index_cast %add3A_884 : i32 to index
      %get3A_888 = tpu.vector_load %arg4[%get3A_886, %get3A_887] {strides = array<i32>} : memref<8x8192xf32, #tpu.memory_space<vmem>>, vector<16xf32>,
      %broadcast_in_dim3A_889 = arith.constant true
      %broadcast_in_dim3A_890 = vector.broadcast %broadcast_in_dim3A_889 : i1 to vector<16xi1>
      %masked_cumsum3A_891 = tpu.scan <sum>, %get3A_888 masked %broadcast_in_dim3A_890 : vector<16xf32>, vector<16xi1> -> vector<16xf32>
      %add3A_892 = arith.addf %masked_cumsum3A_891, %scan3A_829 : vector<16xf32>
      %mul3A_893 = arith.constant 16 : i32
      %mul3A_894 = arith.muli %scan3A_826, %mul3A_893 : i32
      %add3A_895 = arith.constant 3072 : i32
      %add3A_896 = arith.addi %add3A_895, %mul3A_894 : i32
      %swap3A_897 = arith.constant 2 : i32
      %swap3A_898 = arith.index_cast %swap3A_897 : i32 to index
      %swap3A_899 = arith.index_cast %add3A_896 : i32 to index
      %swap3A_900 = tpu.vector_load %arg4[%swap3A_898, %swap3A_899] {strides = array<i32>} : memref<8x8192xf32, #tpu.memory_space<vmem>>, vector<16xf32>,
      tpu.vector_store %arg4[%swap3A_898, %swap3A_899], %add3A_892 {strides = array<i32>} : memref<8x8192xf32, #tpu.memory_space<vmem>>, vector<16xf32>,
      %broadcast_in_dim3A_901 = arith.constant 15 : i32
      %broadcast_in_dim3A_902 = vector.broadcast %broadcast_in_dim3A_901 : i32 to vector<16x1xi32>
      %gather3A_903 = vector.shape_cast %broadcast_in_dim3A_902 : vector<16x1xi32> to vector<16xi32>
      %gather3A_904 = tpu.dynamic_gather %add3A_892[%gather3A_903] in [0] : vector<16xf32>, vector<16xi32> -> vector<16xf32>
      %mul3A_905 = arith.constant 16 : i32
      %mul3A_906 = arith.muli %scan3A_826, %mul3A_905 : i32
      %add3A_907 = arith.constant 3072 : i32
      %add3A_908 = arith.addi %add3A_907, %mul3A_906 : i32
      %get3A_909 = arith.constant 3 : i32
      %get3A_910 = arith.index_cast %get3A_909 : i32 to index
      %get3A_911 = arith.index_cast %add3A_908 : i32 to index
      %get3A_912 = tpu.vector_load %arg4[%get3A_910, %get3A_911] {strides = array<i32>} : memref<8x8192xf32, #tpu.memory_space<vmem>>, vector<16xf32>,
      %broadcast_in_dim3A_913 = arith.constant true
      %broadcast_in_dim3A_914 = vector.broadcast %broadcast_in_dim3A_913 : i1 to vector<16xi1>
      %masked_cumsum3A_915 = tpu.scan <sum>, %get3A_912 masked %broadcast_in_dim3A_914 : vector<16xf32>, vector<16xi1> -> vector<16xf32>
      %add3A_916 = arith.addf %masked_cumsum3A_915, %scan3A_830 : vector<16xf32>
      %mul3A_917 = arith.constant 16 : i32
      %mul3A_918 = arith.muli %scan3A_826, %mul3A_917 : i32
      %add3A_919 = arith.constant 3072 : i32
      %add3A_920 = arith.addi %add3A_919, %mul3A_918 : i32
      %swap3A_921 = arith.constant 3 : i32
      %swap3A_922 = arith.index_cast %swap3A_921 : i32 to index
      %swap3A_923 = arith.index_cast %add3A_920 : i32 to index
      %swap3A_924 = tpu.vector_load %arg4[%swap3A_922, %swap3A_923] {strides = array<i32>} : memref<8x8192xf32, #tpu.memory_space<vmem>>, vector<16xf32>,
      tpu.vector_store %arg4[%swap3A_922, %swap3A_923], %add3A_916 {strides = array<i32>} : memref<8x8192xf32, #tpu.memory_space<vmem>>, vector<16xf32>,
      %broadcast_in_dim3A_925 = arith.constant 15 : i32
      %broadcast_in_dim3A_926 = vector.broadcast %broadcast_in_dim3A_925 : i32 to vector<16x1xi32>
      %gather3A_927 = vector.shape_cast %broadcast_in_dim3A_926 : vector<16x1xi32> to vector<16xi32>
      %gather3A_928 = tpu.dynamic_gather %add3A_916[%gather3A_927] in [0] : vector<16xf32>, vector<16xi32> -> vector<16xf32>
      %mul3A_929 = arith.constant 16 : i32
      %mul3A_930 = arith.muli %scan3A_826, %mul3A_929 : i32
      %add3A_931 = arith.constant 3072 : i32
      %add3A_932 = arith.addi %add3A_931, %mul3A_930 : i32
      %get3A_933 = arith.constant 4 : i32
      %get3A_934 = arith.index_cast %get3A_933 : i32 to index
      %get3A_935 = arith.index_cast %add3A_932 : i32 to index
      %get3A_936 = tpu.vector_load %arg4[%get3A_934, %get3A_935] {strides = array<i32>} : memref<8x8192xf32, #tpu.memory_space<vmem>>, vector<16xf32>,
      %broadcast_in_dim3A_937 = arith.constant true
      %broadcast_in_dim3A_938 = vector.broadcast %broadcast_in_dim3A_937 : i1 to vector<16xi1>
      %masked_cumsum3A_939 = tpu.scan <sum>, %get3A_936 masked %broadcast_in_dim3A_938 : vector<16xf32>, vector<16xi1> -> vector<16xf32>
      %add3A_940 = arith.addf %masked_cumsum3A_939, %scan3A_831 : vector<16xf32>
      %mul3A_941 = arith.constant 16 : i32
      %mul3A_942 = arith.muli %scan3A_826, %mul3A_941 : i32
      %add3A_943 = arith.constant 3072 : i32
      %add3A_944 = arith.addi %add3A_943, %mul3A_942 : i32
      %swap3A_945 = arith.constant 4 : i32
      %swap3A_946 = arith.index_cast %swap3A_945 : i32 to index
      %swap3A_947 = arith.index_cast %add3A_944 : i32 to index
      %swap3A_948 = tpu.vector_load %arg4[%swap3A_946, %swap3A_947] {strides = array<i32>} : memref<8x8192xf32, #tpu.memory_space<vmem>>, vector<16xf32>,
      tpu.vector_store %arg4[%swap3A_946, %swap3A_947], %add3A_940 {strides = array<i32>} : memref<8x8192xf32, #tpu.memory_space<vmem>>, vector<16xf32>,
      %broadcast_in_dim3A_949 = arith.constant 15 : i32
      %broadcast_in_dim3A_950 = vector.broadcast %broadcast_in_dim3A_949 : i32 to vector<16x1xi32>
      %gather3A_951 = vector.shape_cast %broadcast_in_dim3A_950 : vector<16x1xi32> to vector<16xi32>
      %gather3A_952 = tpu.dynamic_gather %add3A_940[%gather3A_951] in [0] : vector<16xf32>, vector<16xi32> -> vector<16xf32>
      %mul3A_953 = arith.constant 16 : i32
      %mul3A_954 = arith.muli %scan3A_826, %mul3A_953 : i32
      %add3A_955 = arith.constant 3072 : i32
      %add3A_956 = arith.addi %add3A_955, %mul3A_954 : i32
      %get3A_957 = arith.constant 5 : i32
      %get3A_958 = arith.index_cast %get3A_957 : i32 to index
      %get3A_959 = arith.index_cast %add3A_956 : i32 to index
      %get3A_960 = tpu.vector_load %arg4[%get3A_958, %get3A_959] {strides = array<i32>} : memref<8x8192xf32, #tpu.memory_space<vmem>>, vector<16xf32>,
      %broadcast_in_dim3A_961 = arith.constant true
      %broadcast_in_dim3A_962 = vector.broadcast %broadcast_in_dim3A_961 : i1 to vector<16xi1>
      %masked_cumsum3A_963 = tpu.scan <sum>, %get3A_960 masked %broadcast_in_dim3A_962 : vector<16xf32>, vector<16xi1> -> vector<16xf32>
      %add3A_964 = arith.addf %masked_cumsum3A_963, %scan3A_832 : vector<16xf32>
      %mul3A_965 = arith.constant 16 : i32
      %mul3A_966 = arith.muli %scan3A_826, %mul3A_965 : i32
      %add3A_967 = arith.constant 3072 : i32
      %add3A_968 = arith.addi %add3A_967, %mul3A_966 : i32
      %swap3A_969 = arith.constant 5 : i32
      %swap3A_970 = arith.index_cast %swap3A_969 : i32 to index
      %swap3A_971 = arith.index_cast %add3A_968 : i32 to index
      %swap3A_972 = tpu.vector_load %arg4[%swap3A_970, %swap3A_971] {strides = array<i32>} : memref<8x8192xf32, #tpu.memory_space<vmem>>, vector<16xf32>,
      tpu.vector_store %arg4[%swap3A_970, %swap3A_971], %add3A_964 {strides = array<i32>} : memref<8x8192xf32, #tpu.memory_space<vmem>>, vector<16xf32>,
      %broadcast_in_dim3A_973 = arith.constant 15 : i32
      %broadcast_in_dim3A_974 = vector.broadcast %broadcast_in_dim3A_973 : i32 to vector<16x1xi32>
      %gather3A_975 = vector.shape_cast %broadcast_in_dim3A_974 : vector<16x1xi32> to vector<16xi32>
      %gather3A_976 = tpu.dynamic_gather %add3A_964[%gather3A_975] in [0] : vector<16xf32>, vector<16xi32> -> vector<16xf32>
      %mul3A_977 = arith.constant 16 : i32
      %mul3A_978 = arith.muli %scan3A_826, %mul3A_977 : i32
      %add3A_979 = arith.constant 3072 : i32
      %add3A_980 = arith.addi %add3A_979, %mul3A_978 : i32
      %get3A_981 = arith.constant 6 : i32
      %get3A_982 = arith.index_cast %get3A_981 : i32 to index
      %get3A_983 = arith.index_cast %add3A_980 : i32 to index
      %get3A_984 = tpu.vector_load %arg4[%get3A_982, %get3A_983] {strides = array<i32>} : memref<8x8192xf32, #tpu.memory_space<vmem>>, vector<16xf32>,
      %broadcast_in_dim3A_985 = arith.constant true
      %broadcast_in_dim3A_986 = vector.broadcast %broadcast_in_dim3A_985 : i1 to vector<16xi1>
      %masked_cumsum3A_987 = tpu.scan <sum>, %get3A_984 masked %broadcast_in_dim3A_986 : vector<16xf32>, vector<16xi1> -> vector<16xf32>
      %add3A_988 = arith.addf %masked_cumsum3A_987, %scan3A_833 : vector<16xf32>
      %mul3A_989 = arith.constant 16 : i32
      %mul3A_990 = arith.muli %scan3A_826, %mul3A_989 : i32
      %add3A_991 = arith.constant 3072 : i32
      %add3A_992 = arith.addi %add3A_991, %mul3A_990 : i32
      %swap3A_993 = arith.constant 6 : i32
      %swap3A_994 = arith.index_cast %swap3A_993 : i32 to index
      %swap3A_995 = arith.index_cast %add3A_992 : i32 to index
      %swap3A_996 = tpu.vector_load %arg4[%swap3A_994, %swap3A_995] {strides = array<i32>} : memref<8x8192xf32, #tpu.memory_space<vmem>>, vector<16xf32>,
      tpu.vector_store %arg4[%swap3A_994, %swap3A_995], %add3A_988 {strides = array<i32>} : memref<8x8192xf32, #tpu.memory_space<vmem>>, vector<16xf32>,
      %broadcast_in_dim3A_997 = arith.constant 15 : i32
      %broadcast_in_dim3A_998 = vector.broadcast %broadcast_in_dim3A_997 : i32 to vector<16x1xi32>
      %gather3A_999 = vector.shape_cast %broadcast_in_dim3A_998 : vector<16x1xi32> to vector<16xi32>
      %gather3A_1000 = tpu.dynamic_gather %add3A_988[%gather3A_999] in [0] : vector<16xf32>, vector<16xi32> -> vector<16xf32>
      %mul3A_1001 = arith.constant 16 : i32
      %mul3A_1002 = arith.muli %scan3A_826, %mul3A_1001 : i32
      %add3A_1003 = arith.constant 3072 : i32
      %add3A_1004 = arith.addi %add3A_1003, %mul3A_1002 : i32
      %get3A_1005 = arith.constant 7 : i32
      %get3A_1006 = arith.index_cast %get3A_1005 : i32 to index
      %get3A_1007 = arith.index_cast %add3A_1004 : i32 to index
      %get3A_1008 = tpu.vector_load %arg4[%get3A_1006, %get3A_1007] {strides = array<i32>} : memref<8x8192xf32, #tpu.memory_space<vmem>>, vector<16xf32>,
      %broadcast_in_dim3A_1009 = arith.constant true
      %broadcast_in_dim3A_1010 = vector.broadcast %broadcast_in_dim3A_1009 : i1 to vector<16xi1>
      %masked_cumsum3A_1011 = tpu.scan <sum>, %get3A_1008 masked %broadcast_in_dim3A_1010 : vector<16xf32>, vector<16xi1> -> vector<16xf32>
      %add3A_1012 = arith.addf %masked_cumsum3A_1011, %scan3A_834 : vector<16xf32>
      %mul3A_1013 = arith.constant 16 : i32
      %mul3A_1014 = arith.muli %scan3A_826, %mul3A_1013 : i32
      %add3A_1015 = arith.constant 3072 : i32
      %add3A_1016 = arith.addi %add3A_1015, %mul3A_1014 : i32
      %swap3A_1017 = arith.constant 7 : i32
      %swap3A_1018 = arith.index_cast %swap3A_1017 : i32 to index
      %swap3A_1019 = arith.index_cast %add3A_1016 : i32 to index
      %swap3A_1020 = tpu.vector_load %arg4[%swap3A_1018, %swap3A_1019] {strides = array<i32>} : memref<8x8192xf32, #tpu.memory_space<vmem>>, vector<16xf32>,
      tpu.vector_store %arg4[%swap3A_1018, %swap3A_1019], %add3A_1012 {strides = array<i32>} : memref<8x8192xf32, #tpu.memory_space<vmem>>, vector<16xf32>,
      %broadcast_in_dim3A_1021 = arith.constant 15 : i32
      %broadcast_in_dim3A_1022 = vector.broadcast %broadcast_in_dim3A_1021 : i32 to vector<16x1xi32>
      %gather3A_1023 = vector.shape_cast %broadcast_in_dim3A_1022 : vector<16x1xi32> to vector<16xi32>
      %gather3A_1024 = tpu.dynamic_gather %add3A_1012[%gather3A_1023] in [0] : vector<16xf32>, vector<16xi32> -> vector<16xf32>
      scf.yield %gather3A_856, %gather3A_880, %gather3A_904, %gather3A_928, %gather3A_952, %gather3A_976, %gather3A_1000, %gather3A_1024 : vector<16xf32>, vector<16xf32>, vector<16xf32>, vector<16xf32>, vector<16xf32>, vector<16xf32>, vector<16xf32>, vector<16xf32>
    }
    %scan3A_648 = arith.constant 64 : i32
    %add3A_649 = arith.constant 3072 : i32
    %add3A_650 = arith.addi %mul3A_34, %add3A_649 : i32
    %dma_start3A_651 = arith.constant 3 : i32
    %dma_start3A_652 = arith.constant 0 : i32
    %dma_start3A_653 = arith.constant 3072 : i32
    %dma_start3A_654 = tpu.memref_slice %arg4[%dma_start3A_652, %dma_start3A_653] : memref<8x8192xf32, #tpu.memory_space<vmem>> -> memref<8x1024xf32, #tpu.memory_space<vmem>>
    %dma_start3A_655 = tpu.memref_slice %arg3[%mul3A_32, %add3A_650] : memref<64x32768xf32, #tpu.memory_space<hbm>> -> memref<8x1024xf32, #tpu.memory_space<hbm>>
    %dma_start3A_656 = tpu.memref_slice %arg9[%dma_start3A_651] : memref<8x!tpu.dma_semaphore, #tpu.memory_space<semaphore_mem>> -> memref<1x!tpu.dma_semaphore, #tpu.memory_space<semaphore_mem>>
    %dma_start3A_657 = tpu.memref_squeeze %dma_start3A_656 : memref<1x!tpu.dma_semaphore, #tpu.memory_space<semaphore_mem>> -> memref<!tpu.dma_semaphore, #tpu.memory_space<semaphore_mem>>
    %dma_start3A_658 = tpu.memref_slice %arg3[%mul3A_32, %add3A_650] : memref<64x32768xf32, #tpu.memory_space<hbm>> -> memref<8x1024xf32, #tpu.memory_space<hbm>>
    %dma_start3A_659 = arith.constant 0 : i32
    %dma_start3A_660 = arith.constant 3072 : i32
    %dma_start3A_661 = tpu.memref_slice %arg4[%dma_start3A_659, %dma_start3A_660] : memref<8x8192xf32, #tpu.memory_space<vmem>> -> memref<8x1024xf32, #tpu.memory_space<vmem>>
    tpu.enqueue_dma source(%dma_start3A_661 : memref<8x1024xf32, #tpu.memory_space<vmem>>) target(%dma_start3A_658 : memref<8x1024xf32, #tpu.memory_space<hbm>>) target_semaphore(%dma_start3A_657 : memref<!tpu.dma_semaphore, #tpu.memory_space<semaphore_mem>>)
    %scan3A_662 = arith.constant 0 : i32
    %scan3A_663 = arith.constant 64 : i32
    %scan3A_664 = arith.addi %scan3A_662, %scan3A_663 : i32
    %scan3A_665 = arith.constant 1 : i32
    %scan3A_666:8 = scf.for %scan3A_826 = %scan3A_662 to %scan3A_664 step %scan3A_665 iter_args(%scan3A_827 = %scan3A_647#0, %scan3A_828 = %scan3A_647#1, %scan3A_829 = %scan3A_647#2, %scan3A_830 = %scan3A_647#3, %scan3A_831 = %scan3A_647#4, %scan3A_832 = %scan3A_647#5, %scan3A_833 = %scan3A_647#6, %scan3A_834 = %scan3A_647#7) -> (vector<16xf32>, vector<16xf32>, vector<16xf32>, vector<16xf32>, vector<16xf32>, vector<16xf32>, vector<16xf32>, vector<16xf32>)  : i32 {
      %mul3A_835 = arith.constant 16 : i32
      %mul3A_836 = arith.muli %scan3A_826, %mul3A_835 : i32
      %add3A_837 = arith.constant 4096 : i32
      %add3A_838 = arith.addi %add3A_837, %mul3A_836 : i32
      %get3A_839 = arith.constant 0 : i32
      %get3A_840 = arith.index_cast %get3A_839 : i32 to index
      %get3A_841 = arith.index_cast %add3A_838 : i32 to index
      %get3A_842 = tpu.vector_load %arg4[%get3A_840, %get3A_841] {strides = array<i32>} : memref<8x8192xf32, #tpu.memory_space<vmem>>, vector<16xf32>,
      %broadcast_in_dim3A_843 = arith.constant true
      %broadcast_in_dim3A_844 = vector.broadcast %broadcast_in_dim3A_843 : i1 to vector<16xi1>
      %masked_cumsum3A = tpu.scan <sum>, %get3A_842 masked %broadcast_in_dim3A_844 : vector<16xf32>, vector<16xi1> -> vector<16xf32>
      %add3A_845 = arith.addf %masked_cumsum3A, %scan3A_827 : vector<16xf32>
      %mul3A_846 = arith.constant 16 : i32
      %mul3A_847 = arith.muli %scan3A_826, %mul3A_846 : i32
      %add3A_848 = arith.constant 4096 : i32
      %add3A_849 = arith.addi %add3A_848, %mul3A_847 : i32
      %swap3A_850 = arith.constant 0 : i32
      %swap3A_851 = arith.index_cast %swap3A_850 : i32 to index
      %swap3A_852 = arith.index_cast %add3A_849 : i32 to index
      %swap3A_853 = tpu.vector_load %arg4[%swap3A_851, %swap3A_852] {strides = array<i32>} : memref<8x8192xf32, #tpu.memory_space<vmem>>, vector<16xf32>,
      tpu.vector_store %arg4[%swap3A_851, %swap3A_852], %add3A_845 {strides = array<i32>} : memref<8x8192xf32, #tpu.memory_space<vmem>>, vector<16xf32>,
      %broadcast_in_dim3A_854 = arith.constant 15 : i32
      %broadcast_in_dim3A_855 = vector.broadcast %broadcast_in_dim3A_854 : i32 to vector<16x1xi32>
      %gather3A = vector.shape_cast %broadcast_in_dim3A_855 : vector<16x1xi32> to vector<16xi32>
      %gather3A_856 = tpu.dynamic_gather %add3A_845[%gather3A] in [0] : vector<16xf32>, vector<16xi32> -> vector<16xf32>
      %mul3A_857 = arith.constant 16 : i32
      %mul3A_858 = arith.muli %scan3A_826, %mul3A_857 : i32
      %add3A_859 = arith.constant 4096 : i32
      %add3A_860 = arith.addi %add3A_859, %mul3A_858 : i32
      %get3A_861 = arith.constant 1 : i32
      %get3A_862 = arith.index_cast %get3A_861 : i32 to index
      %get3A_863 = arith.index_cast %add3A_860 : i32 to index
      %get3A_864 = tpu.vector_load %arg4[%get3A_862, %get3A_863] {strides = array<i32>} : memref<8x8192xf32, #tpu.memory_space<vmem>>, vector<16xf32>,
      %broadcast_in_dim3A_865 = arith.constant true
      %broadcast_in_dim3A_866 = vector.broadcast %broadcast_in_dim3A_865 : i1 to vector<16xi1>
      %masked_cumsum3A_867 = tpu.scan <sum>, %get3A_864 masked %broadcast_in_dim3A_866 : vector<16xf32>, vector<16xi1> -> vector<16xf32>
      %add3A_868 = arith.addf %masked_cumsum3A_867, %scan3A_828 : vector<16xf32>
      %mul3A_869 = arith.constant 16 : i32
      %mul3A_870 = arith.muli %scan3A_826, %mul3A_869 : i32
      %add3A_871 = arith.constant 4096 : i32
      %add3A_872 = arith.addi %add3A_871, %mul3A_870 : i32
      %swap3A_873 = arith.constant 1 : i32
      %swap3A_874 = arith.index_cast %swap3A_873 : i32 to index
      %swap3A_875 = arith.index_cast %add3A_872 : i32 to index
      %swap3A_876 = tpu.vector_load %arg4[%swap3A_874, %swap3A_875] {strides = array<i32>} : memref<8x8192xf32, #tpu.memory_space<vmem>>, vector<16xf32>,
      tpu.vector_store %arg4[%swap3A_874, %swap3A_875], %add3A_868 {strides = array<i32>} : memref<8x8192xf32, #tpu.memory_space<vmem>>, vector<16xf32>,
      %broadcast_in_dim3A_877 = arith.constant 15 : i32
      %broadcast_in_dim3A_878 = vector.broadcast %broadcast_in_dim3A_877 : i32 to vector<16x1xi32>
      %gather3A_879 = vector.shape_cast %broadcast_in_dim3A_878 : vector<16x1xi32> to vector<16xi32>
      %gather3A_880 = tpu.dynamic_gather %add3A_868[%gather3A_879] in [0] : vector<16xf32>, vector<16xi32> -> vector<16xf32>
      %mul3A_881 = arith.constant 16 : i32
      %mul3A_882 = arith.muli %scan3A_826, %mul3A_881 : i32
      %add3A_883 = arith.constant 4096 : i32
      %add3A_884 = arith.addi %add3A_883, %mul3A_882 : i32
      %get3A_885 = arith.constant 2 : i32
      %get3A_886 = arith.index_cast %get3A_885 : i32 to index
      %get3A_887 = arith.index_cast %add3A_884 : i32 to index
      %get3A_888 = tpu.vector_load %arg4[%get3A_886, %get3A_887] {strides = array<i32>} : memref<8x8192xf32, #tpu.memory_space<vmem>>, vector<16xf32>,
      %broadcast_in_dim3A_889 = arith.constant true
      %broadcast_in_dim3A_890 = vector.broadcast %broadcast_in_dim3A_889 : i1 to vector<16xi1>
      %masked_cumsum3A_891 = tpu.scan <sum>, %get3A_888 masked %broadcast_in_dim3A_890 : vector<16xf32>, vector<16xi1> -> vector<16xf32>
      %add3A_892 = arith.addf %masked_cumsum3A_891, %scan3A_829 : vector<16xf32>
      %mul3A_893 = arith.constant 16 : i32
      %mul3A_894 = arith.muli %scan3A_826, %mul3A_893 : i32
      %add3A_895 = arith.constant 4096 : i32
      %add3A_896 = arith.addi %add3A_895, %mul3A_894 : i32
      %swap3A_897 = arith.constant 2 : i32
      %swap3A_898 = arith.index_cast %swap3A_897 : i32 to index
      %swap3A_899 = arith.index_cast %add3A_896 : i32 to index
      %swap3A_900 = tpu.vector_load %arg4[%swap3A_898, %swap3A_899] {strides = array<i32>} : memref<8x8192xf32, #tpu.memory_space<vmem>>, vector<16xf32>,
      tpu.vector_store %arg4[%swap3A_898, %swap3A_899], %add3A_892 {strides = array<i32>} : memref<8x8192xf32, #tpu.memory_space<vmem>>, vector<16xf32>,
      %broadcast_in_dim3A_901 = arith.constant 15 : i32
      %broadcast_in_dim3A_902 = vector.broadcast %broadcast_in_dim3A_901 : i32 to vector<16x1xi32>
      %gather3A_903 = vector.shape_cast %broadcast_in_dim3A_902 : vector<16x1xi32> to vector<16xi32>
      %gather3A_904 = tpu.dynamic_gather %add3A_892[%gather3A_903] in [0] : vector<16xf32>, vector<16xi32> -> vector<16xf32>
      %mul3A_905 = arith.constant 16 : i32
      %mul3A_906 = arith.muli %scan3A_826, %mul3A_905 : i32
      %add3A_907 = arith.constant 4096 : i32
      %add3A_908 = arith.addi %add3A_907, %mul3A_906 : i32
      %get3A_909 = arith.constant 3 : i32
      %get3A_910 = arith.index_cast %get3A_909 : i32 to index
      %get3A_911 = arith.index_cast %add3A_908 : i32 to index
      %get3A_912 = tpu.vector_load %arg4[%get3A_910, %get3A_911] {strides = array<i32>} : memref<8x8192xf32, #tpu.memory_space<vmem>>, vector<16xf32>,
      %broadcast_in_dim3A_913 = arith.constant true
      %broadcast_in_dim3A_914 = vector.broadcast %broadcast_in_dim3A_913 : i1 to vector<16xi1>
      %masked_cumsum3A_915 = tpu.scan <sum>, %get3A_912 masked %broadcast_in_dim3A_914 : vector<16xf32>, vector<16xi1> -> vector<16xf32>
      %add3A_916 = arith.addf %masked_cumsum3A_915, %scan3A_830 : vector<16xf32>
      %mul3A_917 = arith.constant 16 : i32
      %mul3A_918 = arith.muli %scan3A_826, %mul3A_917 : i32
      %add3A_919 = arith.constant 4096 : i32
      %add3A_920 = arith.addi %add3A_919, %mul3A_918 : i32
      %swap3A_921 = arith.constant 3 : i32
      %swap3A_922 = arith.index_cast %swap3A_921 : i32 to index
      %swap3A_923 = arith.index_cast %add3A_920 : i32 to index
      %swap3A_924 = tpu.vector_load %arg4[%swap3A_922, %swap3A_923] {strides = array<i32>} : memref<8x8192xf32, #tpu.memory_space<vmem>>, vector<16xf32>,
      tpu.vector_store %arg4[%swap3A_922, %swap3A_923], %add3A_916 {strides = array<i32>} : memref<8x8192xf32, #tpu.memory_space<vmem>>, vector<16xf32>,
      %broadcast_in_dim3A_925 = arith.constant 15 : i32
      %broadcast_in_dim3A_926 = vector.broadcast %broadcast_in_dim3A_925 : i32 to vector<16x1xi32>
      %gather3A_927 = vector.shape_cast %broadcast_in_dim3A_926 : vector<16x1xi32> to vector<16xi32>
      %gather3A_928 = tpu.dynamic_gather %add3A_916[%gather3A_927] in [0] : vector<16xf32>, vector<16xi32> -> vector<16xf32>
      %mul3A_929 = arith.constant 16 : i32
      %mul3A_930 = arith.muli %scan3A_826, %mul3A_929 : i32
      %add3A_931 = arith.constant 4096 : i32
      %add3A_932 = arith.addi %add3A_931, %mul3A_930 : i32
      %get3A_933 = arith.constant 4 : i32
      %get3A_934 = arith.index_cast %get3A_933 : i32 to index
      %get3A_935 = arith.index_cast %add3A_932 : i32 to index
      %get3A_936 = tpu.vector_load %arg4[%get3A_934, %get3A_935] {strides = array<i32>} : memref<8x8192xf32, #tpu.memory_space<vmem>>, vector<16xf32>,
      %broadcast_in_dim3A_937 = arith.constant true
      %broadcast_in_dim3A_938 = vector.broadcast %broadcast_in_dim3A_937 : i1 to vector<16xi1>
      %masked_cumsum3A_939 = tpu.scan <sum>, %get3A_936 masked %broadcast_in_dim3A_938 : vector<16xf32>, vector<16xi1> -> vector<16xf32>
      %add3A_940 = arith.addf %masked_cumsum3A_939, %scan3A_831 : vector<16xf32>
      %mul3A_941 = arith.constant 16 : i32
      %mul3A_942 = arith.muli %scan3A_826, %mul3A_941 : i32
      %add3A_943 = arith.constant 4096 : i32
      %add3A_944 = arith.addi %add3A_943, %mul3A_942 : i32
      %swap3A_945 = arith.constant 4 : i32
      %swap3A_946 = arith.index_cast %swap3A_945 : i32 to index
      %swap3A_947 = arith.index_cast %add3A_944 : i32 to index
      %swap3A_948 = tpu.vector_load %arg4[%swap3A_946, %swap3A_947] {strides = array<i32>} : memref<8x8192xf32, #tpu.memory_space<vmem>>, vector<16xf32>,
      tpu.vector_store %arg4[%swap3A_946, %swap3A_947], %add3A_940 {strides = array<i32>} : memref<8x8192xf32, #tpu.memory_space<vmem>>, vector<16xf32>,
      %broadcast_in_dim3A_949 = arith.constant 15 : i32
      %broadcast_in_dim3A_950 = vector.broadcast %broadcast_in_dim3A_949 : i32 to vector<16x1xi32>
      %gather3A_951 = vector.shape_cast %broadcast_in_dim3A_950 : vector<16x1xi32> to vector<16xi32>
      %gather3A_952 = tpu.dynamic_gather %add3A_940[%gather3A_951] in [0] : vector<16xf32>, vector<16xi32> -> vector<16xf32>
      %mul3A_953 = arith.constant 16 : i32
      %mul3A_954 = arith.muli %scan3A_826, %mul3A_953 : i32
      %add3A_955 = arith.constant 4096 : i32
      %add3A_956 = arith.addi %add3A_955, %mul3A_954 : i32
      %get3A_957 = arith.constant 5 : i32
      %get3A_958 = arith.index_cast %get3A_957 : i32 to index
      %get3A_959 = arith.index_cast %add3A_956 : i32 to index
      %get3A_960 = tpu.vector_load %arg4[%get3A_958, %get3A_959] {strides = array<i32>} : memref<8x8192xf32, #tpu.memory_space<vmem>>, vector<16xf32>,
      %broadcast_in_dim3A_961 = arith.constant true
      %broadcast_in_dim3A_962 = vector.broadcast %broadcast_in_dim3A_961 : i1 to vector<16xi1>
      %masked_cumsum3A_963 = tpu.scan <sum>, %get3A_960 masked %broadcast_in_dim3A_962 : vector<16xf32>, vector<16xi1> -> vector<16xf32>
      %add3A_964 = arith.addf %masked_cumsum3A_963, %scan3A_832 : vector<16xf32>
      %mul3A_965 = arith.constant 16 : i32
      %mul3A_966 = arith.muli %scan3A_826, %mul3A_965 : i32
      %add3A_967 = arith.constant 4096 : i32
      %add3A_968 = arith.addi %add3A_967, %mul3A_966 : i32
      %swap3A_969 = arith.constant 5 : i32
      %swap3A_970 = arith.index_cast %swap3A_969 : i32 to index
      %swap3A_971 = arith.index_cast %add3A_968 : i32 to index
      %swap3A_972 = tpu.vector_load %arg4[%swap3A_970, %swap3A_971] {strides = array<i32>} : memref<8x8192xf32, #tpu.memory_space<vmem>>, vector<16xf32>,
      tpu.vector_store %arg4[%swap3A_970, %swap3A_971], %add3A_964 {strides = array<i32>} : memref<8x8192xf32, #tpu.memory_space<vmem>>, vector<16xf32>,
      %broadcast_in_dim3A_973 = arith.constant 15 : i32
      %broadcast_in_dim3A_974 = vector.broadcast %broadcast_in_dim3A_973 : i32 to vector<16x1xi32>
      %gather3A_975 = vector.shape_cast %broadcast_in_dim3A_974 : vector<16x1xi32> to vector<16xi32>
      %gather3A_976 = tpu.dynamic_gather %add3A_964[%gather3A_975] in [0] : vector<16xf32>, vector<16xi32> -> vector<16xf32>
      %mul3A_977 = arith.constant 16 : i32
      %mul3A_978 = arith.muli %scan3A_826, %mul3A_977 : i32
      %add3A_979 = arith.constant 4096 : i32
      %add3A_980 = arith.addi %add3A_979, %mul3A_978 : i32
      %get3A_981 = arith.constant 6 : i32
      %get3A_982 = arith.index_cast %get3A_981 : i32 to index
      %get3A_983 = arith.index_cast %add3A_980 : i32 to index
      %get3A_984 = tpu.vector_load %arg4[%get3A_982, %get3A_983] {strides = array<i32>} : memref<8x8192xf32, #tpu.memory_space<vmem>>, vector<16xf32>,
      %broadcast_in_dim3A_985 = arith.constant true
      %broadcast_in_dim3A_986 = vector.broadcast %broadcast_in_dim3A_985 : i1 to vector<16xi1>
      %masked_cumsum3A_987 = tpu.scan <sum>, %get3A_984 masked %broadcast_in_dim3A_986 : vector<16xf32>, vector<16xi1> -> vector<16xf32>
      %add3A_988 = arith.addf %masked_cumsum3A_987, %scan3A_833 : vector<16xf32>
      %mul3A_989 = arith.constant 16 : i32
      %mul3A_990 = arith.muli %scan3A_826, %mul3A_989 : i32
      %add3A_991 = arith.constant 4096 : i32
      %add3A_992 = arith.addi %add3A_991, %mul3A_990 : i32
      %swap3A_993 = arith.constant 6 : i32
      %swap3A_994 = arith.index_cast %swap3A_993 : i32 to index
      %swap3A_995 = arith.index_cast %add3A_992 : i32 to index
      %swap3A_996 = tpu.vector_load %arg4[%swap3A_994, %swap3A_995] {strides = array<i32>} : memref<8x8192xf32, #tpu.memory_space<vmem>>, vector<16xf32>,
      tpu.vector_store %arg4[%swap3A_994, %swap3A_995], %add3A_988 {strides = array<i32>} : memref<8x8192xf32, #tpu.memory_space<vmem>>, vector<16xf32>,
      %broadcast_in_dim3A_997 = arith.constant 15 : i32
      %broadcast_in_dim3A_998 = vector.broadcast %broadcast_in_dim3A_997 : i32 to vector<16x1xi32>
      %gather3A_999 = vector.shape_cast %broadcast_in_dim3A_998 : vector<16x1xi32> to vector<16xi32>
      %gather3A_1000 = tpu.dynamic_gather %add3A_988[%gather3A_999] in [0] : vector<16xf32>, vector<16xi32> -> vector<16xf32>
      %mul3A_1001 = arith.constant 16 : i32
      %mul3A_1002 = arith.muli %scan3A_826, %mul3A_1001 : i32
      %add3A_1003 = arith.constant 4096 : i32
      %add3A_1004 = arith.addi %add3A_1003, %mul3A_1002 : i32
      %get3A_1005 = arith.constant 7 : i32
      %get3A_1006 = arith.index_cast %get3A_1005 : i32 to index
      %get3A_1007 = arith.index_cast %add3A_1004 : i32 to index
      %get3A_1008 = tpu.vector_load %arg4[%get3A_1006, %get3A_1007] {strides = array<i32>} : memref<8x8192xf32, #tpu.memory_space<vmem>>, vector<16xf32>,
      %broadcast_in_dim3A_1009 = arith.constant true
      %broadcast_in_dim3A_1010 = vector.broadcast %broadcast_in_dim3A_1009 : i1 to vector<16xi1>
      %masked_cumsum3A_1011 = tpu.scan <sum>, %get3A_1008 masked %broadcast_in_dim3A_1010 : vector<16xf32>, vector<16xi1> -> vector<16xf32>
      %add3A_1012 = arith.addf %masked_cumsum3A_1011, %scan3A_834 : vector<16xf32>
      %mul3A_1013 = arith.constant 16 : i32
      %mul3A_1014 = arith.muli %scan3A_826, %mul3A_1013 : i32
      %add3A_1015 = arith.constant 4096 : i32
      %add3A_1016 = arith.addi %add3A_1015, %mul3A_1014 : i32
      %swap3A_1017 = arith.constant 7 : i32
      %swap3A_1018 = arith.index_cast %swap3A_1017 : i32 to index
      %swap3A_1019 = arith.index_cast %add3A_1016 : i32 to index
      %swap3A_1020 = tpu.vector_load %arg4[%swap3A_1018, %swap3A_1019] {strides = array<i32>} : memref<8x8192xf32, #tpu.memory_space<vmem>>, vector<16xf32>,
      tpu.vector_store %arg4[%swap3A_1018, %swap3A_1019], %add3A_1012 {strides = array<i32>} : memref<8x8192xf32, #tpu.memory_space<vmem>>, vector<16xf32>,
      %broadcast_in_dim3A_1021 = arith.constant 15 : i32
      %broadcast_in_dim3A_1022 = vector.broadcast %broadcast_in_dim3A_1021 : i32 to vector<16x1xi32>
      %gather3A_1023 = vector.shape_cast %broadcast_in_dim3A_1022 : vector<16x1xi32> to vector<16xi32>
      %gather3A_1024 = tpu.dynamic_gather %add3A_1012[%gather3A_1023] in [0] : vector<16xf32>, vector<16xi32> -> vector<16xf32>
      scf.yield %gather3A_856, %gather3A_880, %gather3A_904, %gather3A_928, %gather3A_952, %gather3A_976, %gather3A_1000, %gather3A_1024 : vector<16xf32>, vector<16xf32>, vector<16xf32>, vector<16xf32>, vector<16xf32>, vector<16xf32>, vector<16xf32>, vector<16xf32>
    }
    %scan3A_667 = arith.constant 64 : i32
    %add3A_668 = arith.constant 4096 : i32
    %add3A_669 = arith.addi %mul3A_34, %add3A_668 : i32
    %dma_start3A_670 = arith.constant 4 : i32
    %dma_start3A_671 = arith.constant 0 : i32
    %dma_start3A_672 = arith.constant 4096 : i32
    %dma_start3A_673 = tpu.memref_slice %arg4[%dma_start3A_671, %dma_start3A_672] : memref<8x8192xf32, #tpu.memory_space<vmem>> -> memref<8x1024xf32, #tpu.memory_space<vmem>>
    %dma_start3A_674 = tpu.memref_slice %arg3[%mul3A_32, %add3A_669] : memref<64x32768xf32, #tpu.memory_space<hbm>> -> memref<8x1024xf32, #tpu.memory_space<hbm>>
    %dma_start3A_675 = tpu.memref_slice %arg9[%dma_start3A_670] : memref<8x!tpu.dma_semaphore, #tpu.memory_space<semaphore_mem>> -> memref<1x!tpu.dma_semaphore, #tpu.memory_space<semaphore_mem>>
    %dma_start3A_676 = tpu.memref_squeeze %dma_start3A_675 : memref<1x!tpu.dma_semaphore, #tpu.memory_space<semaphore_mem>> -> memref<!tpu.dma_semaphore, #tpu.memory_space<semaphore_mem>>
    %dma_start3A_677 = tpu.memref_slice %arg3[%mul3A_32, %add3A_669] : memref<64x32768xf32, #tpu.memory_space<hbm>> -> memref<8x1024xf32, #tpu.memory_space<hbm>>
    %dma_start3A_678 = arith.constant 0 : i32
    %dma_start3A_679 = arith.constant 4096 : i32
    %dma_start3A_680 = tpu.memref_slice %arg4[%dma_start3A_678, %dma_start3A_679] : memref<8x8192xf32, #tpu.memory_space<vmem>> -> memref<8x1024xf32, #tpu.memory_space<vmem>>
    tpu.enqueue_dma source(%dma_start3A_680 : memref<8x1024xf32, #tpu.memory_space<vmem>>) target(%dma_start3A_677 : memref<8x1024xf32, #tpu.memory_space<hbm>>) target_semaphore(%dma_start3A_676 : memref<!tpu.dma_semaphore, #tpu.memory_space<semaphore_mem>>)
    %scan3A_681 = arith.constant 0 : i32
    %scan3A_682 = arith.constant 64 : i32
    %scan3A_683 = arith.addi %scan3A_681, %scan3A_682 : i32
    %scan3A_684 = arith.constant 1 : i32
    %scan3A_685:8 = scf.for %scan3A_826 = %scan3A_681 to %scan3A_683 step %scan3A_684 iter_args(%scan3A_827 = %scan3A_666#0, %scan3A_828 = %scan3A_666#1, %scan3A_829 = %scan3A_666#2, %scan3A_830 = %scan3A_666#3, %scan3A_831 = %scan3A_666#4, %scan3A_832 = %scan3A_666#5, %scan3A_833 = %scan3A_666#6, %scan3A_834 = %scan3A_666#7) -> (vector<16xf32>, vector<16xf32>, vector<16xf32>, vector<16xf32>, vector<16xf32>, vector<16xf32>, vector<16xf32>, vector<16xf32>)  : i32 {
      %mul3A_835 = arith.constant 16 : i32
      %mul3A_836 = arith.muli %scan3A_826, %mul3A_835 : i32
      %add3A_837 = arith.constant 5120 : i32
      %add3A_838 = arith.addi %add3A_837, %mul3A_836 : i32
      %get3A_839 = arith.constant 0 : i32
      %get3A_840 = arith.index_cast %get3A_839 : i32 to index
      %get3A_841 = arith.index_cast %add3A_838 : i32 to index
      %get3A_842 = tpu.vector_load %arg4[%get3A_840, %get3A_841] {strides = array<i32>} : memref<8x8192xf32, #tpu.memory_space<vmem>>, vector<16xf32>,
      %broadcast_in_dim3A_843 = arith.constant true
      %broadcast_in_dim3A_844 = vector.broadcast %broadcast_in_dim3A_843 : i1 to vector<16xi1>
      %masked_cumsum3A = tpu.scan <sum>, %get3A_842 masked %broadcast_in_dim3A_844 : vector<16xf32>, vector<16xi1> -> vector<16xf32>
      %add3A_845 = arith.addf %masked_cumsum3A, %scan3A_827 : vector<16xf32>
      %mul3A_846 = arith.constant 16 : i32
      %mul3A_847 = arith.muli %scan3A_826, %mul3A_846 : i32
      %add3A_848 = arith.constant 5120 : i32
      %add3A_849 = arith.addi %add3A_848, %mul3A_847 : i32
      %swap3A_850 = arith.constant 0 : i32
      %swap3A_851 = arith.index_cast %swap3A_850 : i32 to index
      %swap3A_852 = arith.index_cast %add3A_849 : i32 to index
      %swap3A_853 = tpu.vector_load %arg4[%swap3A_851, %swap3A_852] {strides = array<i32>} : memref<8x8192xf32, #tpu.memory_space<vmem>>, vector<16xf32>,
      tpu.vector_store %arg4[%swap3A_851, %swap3A_852], %add3A_845 {strides = array<i32>} : memref<8x8192xf32, #tpu.memory_space<vmem>>, vector<16xf32>,
      %broadcast_in_dim3A_854 = arith.constant 15 : i32
      %broadcast_in_dim3A_855 = vector.broadcast %broadcast_in_dim3A_854 : i32 to vector<16x1xi32>
      %gather3A = vector.shape_cast %broadcast_in_dim3A_855 : vector<16x1xi32> to vector<16xi32>
      %gather3A_856 = tpu.dynamic_gather %add3A_845[%gather3A] in [0] : vector<16xf32>, vector<16xi32> -> vector<16xf32>
      %mul3A_857 = arith.constant 16 : i32
      %mul3A_858 = arith.muli %scan3A_826, %mul3A_857 : i32
      %add3A_859 = arith.constant 5120 : i32
      %add3A_860 = arith.addi %add3A_859, %mul3A_858 : i32
      %get3A_861 = arith.constant 1 : i32
      %get3A_862 = arith.index_cast %get3A_861 : i32 to index
      %get3A_863 = arith.index_cast %add3A_860 : i32 to index
      %get3A_864 = tpu.vector_load %arg4[%get3A_862, %get3A_863] {strides = array<i32>} : memref<8x8192xf32, #tpu.memory_space<vmem>>, vector<16xf32>,
      %broadcast_in_dim3A_865 = arith.constant true
      %broadcast_in_dim3A_866 = vector.broadcast %broadcast_in_dim3A_865 : i1 to vector<16xi1>
      %masked_cumsum3A_867 = tpu.scan <sum>, %get3A_864 masked %broadcast_in_dim3A_866 : vector<16xf32>, vector<16xi1> -> vector<16xf32>
      %add3A_868 = arith.addf %masked_cumsum3A_867, %scan3A_828 : vector<16xf32>
      %mul3A_869 = arith.constant 16 : i32
      %mul3A_870 = arith.muli %scan3A_826, %mul3A_869 : i32
      %add3A_871 = arith.constant 5120 : i32
      %add3A_872 = arith.addi %add3A_871, %mul3A_870 : i32
      %swap3A_873 = arith.constant 1 : i32
      %swap3A_874 = arith.index_cast %swap3A_873 : i32 to index
      %swap3A_875 = arith.index_cast %add3A_872 : i32 to index
      %swap3A_876 = tpu.vector_load %arg4[%swap3A_874, %swap3A_875] {strides = array<i32>} : memref<8x8192xf32, #tpu.memory_space<vmem>>, vector<16xf32>,
      tpu.vector_store %arg4[%swap3A_874, %swap3A_875], %add3A_868 {strides = array<i32>} : memref<8x8192xf32, #tpu.memory_space<vmem>>, vector<16xf32>,
      %broadcast_in_dim3A_877 = arith.constant 15 : i32
      %broadcast_in_dim3A_878 = vector.broadcast %broadcast_in_dim3A_877 : i32 to vector<16x1xi32>
      %gather3A_879 = vector.shape_cast %broadcast_in_dim3A_878 : vector<16x1xi32> to vector<16xi32>
      %gather3A_880 = tpu.dynamic_gather %add3A_868[%gather3A_879] in [0] : vector<16xf32>, vector<16xi32> -> vector<16xf32>
      %mul3A_881 = arith.constant 16 : i32
      %mul3A_882 = arith.muli %scan3A_826, %mul3A_881 : i32
      %add3A_883 = arith.constant 5120 : i32
      %add3A_884 = arith.addi %add3A_883, %mul3A_882 : i32
      %get3A_885 = arith.constant 2 : i32
      %get3A_886 = arith.index_cast %get3A_885 : i32 to index
      %get3A_887 = arith.index_cast %add3A_884 : i32 to index
      %get3A_888 = tpu.vector_load %arg4[%get3A_886, %get3A_887] {strides = array<i32>} : memref<8x8192xf32, #tpu.memory_space<vmem>>, vector<16xf32>,
      %broadcast_in_dim3A_889 = arith.constant true
      %broadcast_in_dim3A_890 = vector.broadcast %broadcast_in_dim3A_889 : i1 to vector<16xi1>
      %masked_cumsum3A_891 = tpu.scan <sum>, %get3A_888 masked %broadcast_in_dim3A_890 : vector<16xf32>, vector<16xi1> -> vector<16xf32>
      %add3A_892 = arith.addf %masked_cumsum3A_891, %scan3A_829 : vector<16xf32>
      %mul3A_893 = arith.constant 16 : i32
      %mul3A_894 = arith.muli %scan3A_826, %mul3A_893 : i32
      %add3A_895 = arith.constant 5120 : i32
      %add3A_896 = arith.addi %add3A_895, %mul3A_894 : i32
      %swap3A_897 = arith.constant 2 : i32
      %swap3A_898 = arith.index_cast %swap3A_897 : i32 to index
      %swap3A_899 = arith.index_cast %add3A_896 : i32 to index
      %swap3A_900 = tpu.vector_load %arg4[%swap3A_898, %swap3A_899] {strides = array<i32>} : memref<8x8192xf32, #tpu.memory_space<vmem>>, vector<16xf32>,
      tpu.vector_store %arg4[%swap3A_898, %swap3A_899], %add3A_892 {strides = array<i32>} : memref<8x8192xf32, #tpu.memory_space<vmem>>, vector<16xf32>,
      %broadcast_in_dim3A_901 = arith.constant 15 : i32
      %broadcast_in_dim3A_902 = vector.broadcast %broadcast_in_dim3A_901 : i32 to vector<16x1xi32>
      %gather3A_903 = vector.shape_cast %broadcast_in_dim3A_902 : vector<16x1xi32> to vector<16xi32>
      %gather3A_904 = tpu.dynamic_gather %add3A_892[%gather3A_903] in [0] : vector<16xf32>, vector<16xi32> -> vector<16xf32>
      %mul3A_905 = arith.constant 16 : i32
      %mul3A_906 = arith.muli %scan3A_826, %mul3A_905 : i32
      %add3A_907 = arith.constant 5120 : i32
      %add3A_908 = arith.addi %add3A_907, %mul3A_906 : i32
      %get3A_909 = arith.constant 3 : i32
      %get3A_910 = arith.index_cast %get3A_909 : i32 to index
      %get3A_911 = arith.index_cast %add3A_908 : i32 to index
      %get3A_912 = tpu.vector_load %arg4[%get3A_910, %get3A_911] {strides = array<i32>} : memref<8x8192xf32, #tpu.memory_space<vmem>>, vector<16xf32>,
      %broadcast_in_dim3A_913 = arith.constant true
      %broadcast_in_dim3A_914 = vector.broadcast %broadcast_in_dim3A_913 : i1 to vector<16xi1>
      %masked_cumsum3A_915 = tpu.scan <sum>, %get3A_912 masked %broadcast_in_dim3A_914 : vector<16xf32>, vector<16xi1> -> vector<16xf32>
      %add3A_916 = arith.addf %masked_cumsum3A_915, %scan3A_830 : vector<16xf32>
      %mul3A_917 = arith.constant 16 : i32
      %mul3A_918 = arith.muli %scan3A_826, %mul3A_917 : i32
      %add3A_919 = arith.constant 5120 : i32
      %add3A_920 = arith.addi %add3A_919, %mul3A_918 : i32
      %swap3A_921 = arith.constant 3 : i32
      %swap3A_922 = arith.index_cast %swap3A_921 : i32 to index
      %swap3A_923 = arith.index_cast %add3A_920 : i32 to index
      %swap3A_924 = tpu.vector_load %arg4[%swap3A_922, %swap3A_923] {strides = array<i32>} : memref<8x8192xf32, #tpu.memory_space<vmem>>, vector<16xf32>,
      tpu.vector_store %arg4[%swap3A_922, %swap3A_923], %add3A_916 {strides = array<i32>} : memref<8x8192xf32, #tpu.memory_space<vmem>>, vector<16xf32>,
      %broadcast_in_dim3A_925 = arith.constant 15 : i32
      %broadcast_in_dim3A_926 = vector.broadcast %broadcast_in_dim3A_925 : i32 to vector<16x1xi32>
      %gather3A_927 = vector.shape_cast %broadcast_in_dim3A_926 : vector<16x1xi32> to vector<16xi32>
      %gather3A_928 = tpu.dynamic_gather %add3A_916[%gather3A_927] in [0] : vector<16xf32>, vector<16xi32> -> vector<16xf32>
      %mul3A_929 = arith.constant 16 : i32
      %mul3A_930 = arith.muli %scan3A_826, %mul3A_929 : i32
      %add3A_931 = arith.constant 5120 : i32
      %add3A_932 = arith.addi %add3A_931, %mul3A_930 : i32
      %get3A_933 = arith.constant 4 : i32
      %get3A_934 = arith.index_cast %get3A_933 : i32 to index
      %get3A_935 = arith.index_cast %add3A_932 : i32 to index
      %get3A_936 = tpu.vector_load %arg4[%get3A_934, %get3A_935] {strides = array<i32>} : memref<8x8192xf32, #tpu.memory_space<vmem>>, vector<16xf32>,
      %broadcast_in_dim3A_937 = arith.constant true
      %broadcast_in_dim3A_938 = vector.broadcast %broadcast_in_dim3A_937 : i1 to vector<16xi1>
      %masked_cumsum3A_939 = tpu.scan <sum>, %get3A_936 masked %broadcast_in_dim3A_938 : vector<16xf32>, vector<16xi1> -> vector<16xf32>
      %add3A_940 = arith.addf %masked_cumsum3A_939, %scan3A_831 : vector<16xf32>
      %mul3A_941 = arith.constant 16 : i32
      %mul3A_942 = arith.muli %scan3A_826, %mul3A_941 : i32
      %add3A_943 = arith.constant 5120 : i32
      %add3A_944 = arith.addi %add3A_943, %mul3A_942 : i32
      %swap3A_945 = arith.constant 4 : i32
      %swap3A_946 = arith.index_cast %swap3A_945 : i32 to index
      %swap3A_947 = arith.index_cast %add3A_944 : i32 to index
      %swap3A_948 = tpu.vector_load %arg4[%swap3A_946, %swap3A_947] {strides = array<i32>} : memref<8x8192xf32, #tpu.memory_space<vmem>>, vector<16xf32>,
      tpu.vector_store %arg4[%swap3A_946, %swap3A_947], %add3A_940 {strides = array<i32>} : memref<8x8192xf32, #tpu.memory_space<vmem>>, vector<16xf32>,
      %broadcast_in_dim3A_949 = arith.constant 15 : i32
      %broadcast_in_dim3A_950 = vector.broadcast %broadcast_in_dim3A_949 : i32 to vector<16x1xi32>
      %gather3A_951 = vector.shape_cast %broadcast_in_dim3A_950 : vector<16x1xi32> to vector<16xi32>
      %gather3A_952 = tpu.dynamic_gather %add3A_940[%gather3A_951] in [0] : vector<16xf32>, vector<16xi32> -> vector<16xf32>
      %mul3A_953 = arith.constant 16 : i32
      %mul3A_954 = arith.muli %scan3A_826, %mul3A_953 : i32
      %add3A_955 = arith.constant 5120 : i32
      %add3A_956 = arith.addi %add3A_955, %mul3A_954 : i32
      %get3A_957 = arith.constant 5 : i32
      %get3A_958 = arith.index_cast %get3A_957 : i32 to index
      %get3A_959 = arith.index_cast %add3A_956 : i32 to index
      %get3A_960 = tpu.vector_load %arg4[%get3A_958, %get3A_959] {strides = array<i32>} : memref<8x8192xf32, #tpu.memory_space<vmem>>, vector<16xf32>,
      %broadcast_in_dim3A_961 = arith.constant true
      %broadcast_in_dim3A_962 = vector.broadcast %broadcast_in_dim3A_961 : i1 to vector<16xi1>
      %masked_cumsum3A_963 = tpu.scan <sum>, %get3A_960 masked %broadcast_in_dim3A_962 : vector<16xf32>, vector<16xi1> -> vector<16xf32>
      %add3A_964 = arith.addf %masked_cumsum3A_963, %scan3A_832 : vector<16xf32>
      %mul3A_965 = arith.constant 16 : i32
      %mul3A_966 = arith.muli %scan3A_826, %mul3A_965 : i32
      %add3A_967 = arith.constant 5120 : i32
      %add3A_968 = arith.addi %add3A_967, %mul3A_966 : i32
      %swap3A_969 = arith.constant 5 : i32
      %swap3A_970 = arith.index_cast %swap3A_969 : i32 to index
      %swap3A_971 = arith.index_cast %add3A_968 : i32 to index
      %swap3A_972 = tpu.vector_load %arg4[%swap3A_970, %swap3A_971] {strides = array<i32>} : memref<8x8192xf32, #tpu.memory_space<vmem>>, vector<16xf32>,
      tpu.vector_store %arg4[%swap3A_970, %swap3A_971], %add3A_964 {strides = array<i32>} : memref<8x8192xf32, #tpu.memory_space<vmem>>, vector<16xf32>,
      %broadcast_in_dim3A_973 = arith.constant 15 : i32
      %broadcast_in_dim3A_974 = vector.broadcast %broadcast_in_dim3A_973 : i32 to vector<16x1xi32>
      %gather3A_975 = vector.shape_cast %broadcast_in_dim3A_974 : vector<16x1xi32> to vector<16xi32>
      %gather3A_976 = tpu.dynamic_gather %add3A_964[%gather3A_975] in [0] : vector<16xf32>, vector<16xi32> -> vector<16xf32>
      %mul3A_977 = arith.constant 16 : i32
      %mul3A_978 = arith.muli %scan3A_826, %mul3A_977 : i32
      %add3A_979 = arith.constant 5120 : i32
      %add3A_980 = arith.addi %add3A_979, %mul3A_978 : i32
      %get3A_981 = arith.constant 6 : i32
      %get3A_982 = arith.index_cast %get3A_981 : i32 to index
      %get3A_983 = arith.index_cast %add3A_980 : i32 to index
      %get3A_984 = tpu.vector_load %arg4[%get3A_982, %get3A_983] {strides = array<i32>} : memref<8x8192xf32, #tpu.memory_space<vmem>>, vector<16xf32>,
      %broadcast_in_dim3A_985 = arith.constant true
      %broadcast_in_dim3A_986 = vector.broadcast %broadcast_in_dim3A_985 : i1 to vector<16xi1>
      %masked_cumsum3A_987 = tpu.scan <sum>, %get3A_984 masked %broadcast_in_dim3A_986 : vector<16xf32>, vector<16xi1> -> vector<16xf32>
      %add3A_988 = arith.addf %masked_cumsum3A_987, %scan3A_833 : vector<16xf32>
      %mul3A_989 = arith.constant 16 : i32
      %mul3A_990 = arith.muli %scan3A_826, %mul3A_989 : i32
      %add3A_991 = arith.constant 5120 : i32
      %add3A_992 = arith.addi %add3A_991, %mul3A_990 : i32
      %swap3A_993 = arith.constant 6 : i32
      %swap3A_994 = arith.index_cast %swap3A_993 : i32 to index
      %swap3A_995 = arith.index_cast %add3A_992 : i32 to index
      %swap3A_996 = tpu.vector_load %arg4[%swap3A_994, %swap3A_995] {strides = array<i32>} : memref<8x8192xf32, #tpu.memory_space<vmem>>, vector<16xf32>,
      tpu.vector_store %arg4[%swap3A_994, %swap3A_995], %add3A_988 {strides = array<i32>} : memref<8x8192xf32, #tpu.memory_space<vmem>>, vector<16xf32>,
      %broadcast_in_dim3A_997 = arith.constant 15 : i32
      %broadcast_in_dim3A_998 = vector.broadcast %broadcast_in_dim3A_997 : i32 to vector<16x1xi32>
      %gather3A_999 = vector.shape_cast %broadcast_in_dim3A_998 : vector<16x1xi32> to vector<16xi32>
      %gather3A_1000 = tpu.dynamic_gather %add3A_988[%gather3A_999] in [0] : vector<16xf32>, vector<16xi32> -> vector<16xf32>
      %mul3A_1001 = arith.constant 16 : i32
      %mul3A_1002 = arith.muli %scan3A_826, %mul3A_1001 : i32
      %add3A_1003 = arith.constant 5120 : i32
      %add3A_1004 = arith.addi %add3A_1003, %mul3A_1002 : i32
      %get3A_1005 = arith.constant 7 : i32
      %get3A_1006 = arith.index_cast %get3A_1005 : i32 to index
      %get3A_1007 = arith.index_cast %add3A_1004 : i32 to index
      %get3A_1008 = tpu.vector_load %arg4[%get3A_1006, %get3A_1007] {strides = array<i32>} : memref<8x8192xf32, #tpu.memory_space<vmem>>, vector<16xf32>,
      %broadcast_in_dim3A_1009 = arith.constant true
      %broadcast_in_dim3A_1010 = vector.broadcast %broadcast_in_dim3A_1009 : i1 to vector<16xi1>
      %masked_cumsum3A_1011 = tpu.scan <sum>, %get3A_1008 masked %broadcast_in_dim3A_1010 : vector<16xf32>, vector<16xi1> -> vector<16xf32>
      %add3A_1012 = arith.addf %masked_cumsum3A_1011, %scan3A_834 : vector<16xf32>
      %mul3A_1013 = arith.constant 16 : i32
      %mul3A_1014 = arith.muli %scan3A_826, %mul3A_1013 : i32
      %add3A_1015 = arith.constant 5120 : i32
      %add3A_1016 = arith.addi %add3A_1015, %mul3A_1014 : i32
      %swap3A_1017 = arith.constant 7 : i32
      %swap3A_1018 = arith.index_cast %swap3A_1017 : i32 to index
      %swap3A_1019 = arith.index_cast %add3A_1016 : i32 to index
      %swap3A_1020 = tpu.vector_load %arg4[%swap3A_1018, %swap3A_1019] {strides = array<i32>} : memref<8x8192xf32, #tpu.memory_space<vmem>>, vector<16xf32>,
      tpu.vector_store %arg4[%swap3A_1018, %swap3A_1019], %add3A_1012 {strides = array<i32>} : memref<8x8192xf32, #tpu.memory_space<vmem>>, vector<16xf32>,
      %broadcast_in_dim3A_1021 = arith.constant 15 : i32
      %broadcast_in_dim3A_1022 = vector.broadcast %broadcast_in_dim3A_1021 : i32 to vector<16x1xi32>
      %gather3A_1023 = vector.shape_cast %broadcast_in_dim3A_1022 : vector<16x1xi32> to vector<16xi32>
      %gather3A_1024 = tpu.dynamic_gather %add3A_1012[%gather3A_1023] in [0] : vector<16xf32>, vector<16xi32> -> vector<16xf32>
      scf.yield %gather3A_856, %gather3A_880, %gather3A_904, %gather3A_928, %gather3A_952, %gather3A_976, %gather3A_1000, %gather3A_1024 : vector<16xf32>, vector<16xf32>, vector<16xf32>, vector<16xf32>, vector<16xf32>, vector<16xf32>, vector<16xf32>, vector<16xf32>
    }
    %scan3A_686 = arith.constant 64 : i32
    %add3A_687 = arith.constant 5120 : i32
    %add3A_688 = arith.addi %mul3A_34, %add3A_687 : i32
    %dma_start3A_689 = arith.constant 5 : i32
    %dma_start3A_690 = arith.constant 0 : i32
    %dma_start3A_691 = arith.constant 5120 : i32
    %dma_start3A_692 = tpu.memref_slice %arg4[%dma_start3A_690, %dma_start3A_691] : memref<8x8192xf32, #tpu.memory_space<vmem>> -> memref<8x1024xf32, #tpu.memory_space<vmem>>
    %dma_start3A_693 = tpu.memref_slice %arg3[%mul3A_32, %add3A_688] : memref<64x32768xf32, #tpu.memory_space<hbm>> -> memref<8x1024xf32, #tpu.memory_space<hbm>>
    %dma_start3A_694 = tpu.memref_slice %arg9[%dma_start3A_689] : memref<8x!tpu.dma_semaphore, #tpu.memory_space<semaphore_mem>> -> memref<1x!tpu.dma_semaphore, #tpu.memory_space<semaphore_mem>>
    %dma_start3A_695 = tpu.memref_squeeze %dma_start3A_694 : memref<1x!tpu.dma_semaphore, #tpu.memory_space<semaphore_mem>> -> memref<!tpu.dma_semaphore, #tpu.memory_space<semaphore_mem>>
    %dma_start3A_696 = tpu.memref_slice %arg3[%mul3A_32, %add3A_688] : memref<64x32768xf32, #tpu.memory_space<hbm>> -> memref<8x1024xf32, #tpu.memory_space<hbm>>
    %dma_start3A_697 = arith.constant 0 : i32
    %dma_start3A_698 = arith.constant 5120 : i32
    %dma_start3A_699 = tpu.memref_slice %arg4[%dma_start3A_697, %dma_start3A_698] : memref<8x8192xf32, #tpu.memory_space<vmem>> -> memref<8x1024xf32, #tpu.memory_space<vmem>>
    tpu.enqueue_dma source(%dma_start3A_699 : memref<8x1024xf32, #tpu.memory_space<vmem>>) target(%dma_start3A_696 : memref<8x1024xf32, #tpu.memory_space<hbm>>) target_semaphore(%dma_start3A_695 : memref<!tpu.dma_semaphore, #tpu.memory_space<semaphore_mem>>)
    %scan3A_700 = arith.constant 0 : i32
    %scan3A_701 = arith.constant 64 : i32
    %scan3A_702 = arith.addi %scan3A_700, %scan3A_701 : i32
    %scan3A_703 = arith.constant 1 : i32
    %scan3A_704:8 = scf.for %scan3A_826 = %scan3A_700 to %scan3A_702 step %scan3A_703 iter_args(%scan3A_827 = %scan3A_685#0, %scan3A_828 = %scan3A_685#1, %scan3A_829 = %scan3A_685#2, %scan3A_830 = %scan3A_685#3, %scan3A_831 = %scan3A_685#4, %scan3A_832 = %scan3A_685#5, %scan3A_833 = %scan3A_685#6, %scan3A_834 = %scan3A_685#7) -> (vector<16xf32>, vector<16xf32>, vector<16xf32>, vector<16xf32>, vector<16xf32>, vector<16xf32>, vector<16xf32>, vector<16xf32>)  : i32 {
      %mul3A_835 = arith.constant 16 : i32
      %mul3A_836 = arith.muli %scan3A_826, %mul3A_835 : i32
      %add3A_837 = arith.constant 6144 : i32
      %add3A_838 = arith.addi %add3A_837, %mul3A_836 : i32
      %get3A_839 = arith.constant 0 : i32
      %get3A_840 = arith.index_cast %get3A_839 : i32 to index
      %get3A_841 = arith.index_cast %add3A_838 : i32 to index
      %get3A_842 = tpu.vector_load %arg4[%get3A_840, %get3A_841] {strides = array<i32>} : memref<8x8192xf32, #tpu.memory_space<vmem>>, vector<16xf32>,
      %broadcast_in_dim3A_843 = arith.constant true
      %broadcast_in_dim3A_844 = vector.broadcast %broadcast_in_dim3A_843 : i1 to vector<16xi1>
      %masked_cumsum3A = tpu.scan <sum>, %get3A_842 masked %broadcast_in_dim3A_844 : vector<16xf32>, vector<16xi1> -> vector<16xf32>
      %add3A_845 = arith.addf %masked_cumsum3A, %scan3A_827 : vector<16xf32>
      %mul3A_846 = arith.constant 16 : i32
      %mul3A_847 = arith.muli %scan3A_826, %mul3A_846 : i32
      %add3A_848 = arith.constant 6144 : i32
      %add3A_849 = arith.addi %add3A_848, %mul3A_847 : i32
      %swap3A_850 = arith.constant 0 : i32
      %swap3A_851 = arith.index_cast %swap3A_850 : i32 to index
      %swap3A_852 = arith.index_cast %add3A_849 : i32 to index
      %swap3A_853 = tpu.vector_load %arg4[%swap3A_851, %swap3A_852] {strides = array<i32>} : memref<8x8192xf32, #tpu.memory_space<vmem>>, vector<16xf32>,
      tpu.vector_store %arg4[%swap3A_851, %swap3A_852], %add3A_845 {strides = array<i32>} : memref<8x8192xf32, #tpu.memory_space<vmem>>, vector<16xf32>,
      %broadcast_in_dim3A_854 = arith.constant 15 : i32
      %broadcast_in_dim3A_855 = vector.broadcast %broadcast_in_dim3A_854 : i32 to vector<16x1xi32>
      %gather3A = vector.shape_cast %broadcast_in_dim3A_855 : vector<16x1xi32> to vector<16xi32>
      %gather3A_856 = tpu.dynamic_gather %add3A_845[%gather3A] in [0] : vector<16xf32>, vector<16xi32> -> vector<16xf32>
      %mul3A_857 = arith.constant 16 : i32
      %mul3A_858 = arith.muli %scan3A_826, %mul3A_857 : i32
      %add3A_859 = arith.constant 6144 : i32
      %add3A_860 = arith.addi %add3A_859, %mul3A_858 : i32
      %get3A_861 = arith.constant 1 : i32
      %get3A_862 = arith.index_cast %get3A_861 : i32 to index
      %get3A_863 = arith.index_cast %add3A_860 : i32 to index
      %get3A_864 = tpu.vector_load %arg4[%get3A_862, %get3A_863] {strides = array<i32>} : memref<8x8192xf32, #tpu.memory_space<vmem>>, vector<16xf32>,
      %broadcast_in_dim3A_865 = arith.constant true
      %broadcast_in_dim3A_866 = vector.broadcast %broadcast_in_dim3A_865 : i1 to vector<16xi1>
      %masked_cumsum3A_867 = tpu.scan <sum>, %get3A_864 masked %broadcast_in_dim3A_866 : vector<16xf32>, vector<16xi1> -> vector<16xf32>
      %add3A_868 = arith.addf %masked_cumsum3A_867, %scan3A_828 : vector<16xf32>
      %mul3A_869 = arith.constant 16 : i32
      %mul3A_870 = arith.muli %scan3A_826, %mul3A_869 : i32
      %add3A_871 = arith.constant 6144 : i32
      %add3A_872 = arith.addi %add3A_871, %mul3A_870 : i32
      %swap3A_873 = arith.constant 1 : i32
      %swap3A_874 = arith.index_cast %swap3A_873 : i32 to index
      %swap3A_875 = arith.index_cast %add3A_872 : i32 to index
      %swap3A_876 = tpu.vector_load %arg4[%swap3A_874, %swap3A_875] {strides = array<i32>} : memref<8x8192xf32, #tpu.memory_space<vmem>>, vector<16xf32>,
      tpu.vector_store %arg4[%swap3A_874, %swap3A_875], %add3A_868 {strides = array<i32>} : memref<8x8192xf32, #tpu.memory_space<vmem>>, vector<16xf32>,
      %broadcast_in_dim3A_877 = arith.constant 15 : i32
      %broadcast_in_dim3A_878 = vector.broadcast %broadcast_in_dim3A_877 : i32 to vector<16x1xi32>
      %gather3A_879 = vector.shape_cast %broadcast_in_dim3A_878 : vector<16x1xi32> to vector<16xi32>
      %gather3A_880 = tpu.dynamic_gather %add3A_868[%gather3A_879] in [0] : vector<16xf32>, vector<16xi32> -> vector<16xf32>
      %mul3A_881 = arith.constant 16 : i32
      %mul3A_882 = arith.muli %scan3A_826, %mul3A_881 : i32
      %add3A_883 = arith.constant 6144 : i32
      %add3A_884 = arith.addi %add3A_883, %mul3A_882 : i32
      %get3A_885 = arith.constant 2 : i32
      %get3A_886 = arith.index_cast %get3A_885 : i32 to index
      %get3A_887 = arith.index_cast %add3A_884 : i32 to index
      %get3A_888 = tpu.vector_load %arg4[%get3A_886, %get3A_887] {strides = array<i32>} : memref<8x8192xf32, #tpu.memory_space<vmem>>, vector<16xf32>,
      %broadcast_in_dim3A_889 = arith.constant true
      %broadcast_in_dim3A_890 = vector.broadcast %broadcast_in_dim3A_889 : i1 to vector<16xi1>
      %masked_cumsum3A_891 = tpu.scan <sum>, %get3A_888 masked %broadcast_in_dim3A_890 : vector<16xf32>, vector<16xi1> -> vector<16xf32>
      %add3A_892 = arith.addf %masked_cumsum3A_891, %scan3A_829 : vector<16xf32>
      %mul3A_893 = arith.constant 16 : i32
      %mul3A_894 = arith.muli %scan3A_826, %mul3A_893 : i32
      %add3A_895 = arith.constant 6144 : i32
      %add3A_896 = arith.addi %add3A_895, %mul3A_894 : i32
      %swap3A_897 = arith.constant 2 : i32
      %swap3A_898 = arith.index_cast %swap3A_897 : i32 to index
      %swap3A_899 = arith.index_cast %add3A_896 : i32 to index
      %swap3A_900 = tpu.vector_load %arg4[%swap3A_898, %swap3A_899] {strides = array<i32>} : memref<8x8192xf32, #tpu.memory_space<vmem>>, vector<16xf32>,
      tpu.vector_store %arg4[%swap3A_898, %swap3A_899], %add3A_892 {strides = array<i32>} : memref<8x8192xf32, #tpu.memory_space<vmem>>, vector<16xf32>,
      %broadcast_in_dim3A_901 = arith.constant 15 : i32
      %broadcast_in_dim3A_902 = vector.broadcast %broadcast_in_dim3A_901 : i32 to vector<16x1xi32>
      %gather3A_903 = vector.shape_cast %broadcast_in_dim3A_902 : vector<16x1xi32> to vector<16xi32>
      %gather3A_904 = tpu.dynamic_gather %add3A_892[%gather3A_903] in [0] : vector<16xf32>, vector<16xi32> -> vector<16xf32>
      %mul3A_905 = arith.constant 16 : i32
      %mul3A_906 = arith.muli %scan3A_826, %mul3A_905 : i32
      %add3A_907 = arith.constant 6144 : i32
      %add3A_908 = arith.addi %add3A_907, %mul3A_906 : i32
      %get3A_909 = arith.constant 3 : i32
      %get3A_910 = arith.index_cast %get3A_909 : i32 to index
      %get3A_911 = arith.index_cast %add3A_908 : i32 to index
      %get3A_912 = tpu.vector_load %arg4[%get3A_910, %get3A_911] {strides = array<i32>} : memref<8x8192xf32, #tpu.memory_space<vmem>>, vector<16xf32>,
      %broadcast_in_dim3A_913 = arith.constant true
      %broadcast_in_dim3A_914 = vector.broadcast %broadcast_in_dim3A_913 : i1 to vector<16xi1>
      %masked_cumsum3A_915 = tpu.scan <sum>, %get3A_912 masked %broadcast_in_dim3A_914 : vector<16xf32>, vector<16xi1> -> vector<16xf32>
      %add3A_916 = arith.addf %masked_cumsum3A_915, %scan3A_830 : vector<16xf32>
      %mul3A_917 = arith.constant 16 : i32
      %mul3A_918 = arith.muli %scan3A_826, %mul3A_917 : i32
      %add3A_919 = arith.constant 6144 : i32
      %add3A_920 = arith.addi %add3A_919, %mul3A_918 : i32
      %swap3A_921 = arith.constant 3 : i32
      %swap3A_922 = arith.index_cast %swap3A_921 : i32 to index
      %swap3A_923 = arith.index_cast %add3A_920 : i32 to index
      %swap3A_924 = tpu.vector_load %arg4[%swap3A_922, %swap3A_923] {strides = array<i32>} : memref<8x8192xf32, #tpu.memory_space<vmem>>, vector<16xf32>,
      tpu.vector_store %arg4[%swap3A_922, %swap3A_923], %add3A_916 {strides = array<i32>} : memref<8x8192xf32, #tpu.memory_space<vmem>>, vector<16xf32>,
      %broadcast_in_dim3A_925 = arith.constant 15 : i32
      %broadcast_in_dim3A_926 = vector.broadcast %broadcast_in_dim3A_925 : i32 to vector<16x1xi32>
      %gather3A_927 = vector.shape_cast %broadcast_in_dim3A_926 : vector<16x1xi32> to vector<16xi32>
      %gather3A_928 = tpu.dynamic_gather %add3A_916[%gather3A_927] in [0] : vector<16xf32>, vector<16xi32> -> vector<16xf32>
      %mul3A_929 = arith.constant 16 : i32
      %mul3A_930 = arith.muli %scan3A_826, %mul3A_929 : i32
      %add3A_931 = arith.constant 6144 : i32
      %add3A_932 = arith.addi %add3A_931, %mul3A_930 : i32
      %get3A_933 = arith.constant 4 : i32
      %get3A_934 = arith.index_cast %get3A_933 : i32 to index
      %get3A_935 = arith.index_cast %add3A_932 : i32 to index
      %get3A_936 = tpu.vector_load %arg4[%get3A_934, %get3A_935] {strides = array<i32>} : memref<8x8192xf32, #tpu.memory_space<vmem>>, vector<16xf32>,
      %broadcast_in_dim3A_937 = arith.constant true
      %broadcast_in_dim3A_938 = vector.broadcast %broadcast_in_dim3A_937 : i1 to vector<16xi1>
      %masked_cumsum3A_939 = tpu.scan <sum>, %get3A_936 masked %broadcast_in_dim3A_938 : vector<16xf32>, vector<16xi1> -> vector<16xf32>
      %add3A_940 = arith.addf %masked_cumsum3A_939, %scan3A_831 : vector<16xf32>
      %mul3A_941 = arith.constant 16 : i32
      %mul3A_942 = arith.muli %scan3A_826, %mul3A_941 : i32
      %add3A_943 = arith.constant 6144 : i32
      %add3A_944 = arith.addi %add3A_943, %mul3A_942 : i32
      %swap3A_945 = arith.constant 4 : i32
      %swap3A_946 = arith.index_cast %swap3A_945 : i32 to index
      %swap3A_947 = arith.index_cast %add3A_944 : i32 to index
      %swap3A_948 = tpu.vector_load %arg4[%swap3A_946, %swap3A_947] {strides = array<i32>} : memref<8x8192xf32, #tpu.memory_space<vmem>>, vector<16xf32>,
      tpu.vector_store %arg4[%swap3A_946, %swap3A_947], %add3A_940 {strides = array<i32>} : memref<8x8192xf32, #tpu.memory_space<vmem>>, vector<16xf32>,
      %broadcast_in_dim3A_949 = arith.constant 15 : i32
      %broadcast_in_dim3A_950 = vector.broadcast %broadcast_in_dim3A_949 : i32 to vector<16x1xi32>
      %gather3A_951 = vector.shape_cast %broadcast_in_dim3A_950 : vector<16x1xi32> to vector<16xi32>
      %gather3A_952 = tpu.dynamic_gather %add3A_940[%gather3A_951] in [0] : vector<16xf32>, vector<16xi32> -> vector<16xf32>
      %mul3A_953 = arith.constant 16 : i32
      %mul3A_954 = arith.muli %scan3A_826, %mul3A_953 : i32
      %add3A_955 = arith.constant 6144 : i32
      %add3A_956 = arith.addi %add3A_955, %mul3A_954 : i32
      %get3A_957 = arith.constant 5 : i32
      %get3A_958 = arith.index_cast %get3A_957 : i32 to index
      %get3A_959 = arith.index_cast %add3A_956 : i32 to index
      %get3A_960 = tpu.vector_load %arg4[%get3A_958, %get3A_959] {strides = array<i32>} : memref<8x8192xf32, #tpu.memory_space<vmem>>, vector<16xf32>,
      %broadcast_in_dim3A_961 = arith.constant true
      %broadcast_in_dim3A_962 = vector.broadcast %broadcast_in_dim3A_961 : i1 to vector<16xi1>
      %masked_cumsum3A_963 = tpu.scan <sum>, %get3A_960 masked %broadcast_in_dim3A_962 : vector<16xf32>, vector<16xi1> -> vector<16xf32>
      %add3A_964 = arith.addf %masked_cumsum3A_963, %scan3A_832 : vector<16xf32>
      %mul3A_965 = arith.constant 16 : i32
      %mul3A_966 = arith.muli %scan3A_826, %mul3A_965 : i32
      %add3A_967 = arith.constant 6144 : i32
      %add3A_968 = arith.addi %add3A_967, %mul3A_966 : i32
      %swap3A_969 = arith.constant 5 : i32
      %swap3A_970 = arith.index_cast %swap3A_969 : i32 to index
      %swap3A_971 = arith.index_cast %add3A_968 : i32 to index
      %swap3A_972 = tpu.vector_load %arg4[%swap3A_970, %swap3A_971] {strides = array<i32>} : memref<8x8192xf32, #tpu.memory_space<vmem>>, vector<16xf32>,
      tpu.vector_store %arg4[%swap3A_970, %swap3A_971], %add3A_964 {strides = array<i32>} : memref<8x8192xf32, #tpu.memory_space<vmem>>, vector<16xf32>,
      %broadcast_in_dim3A_973 = arith.constant 15 : i32
      %broadcast_in_dim3A_974 = vector.broadcast %broadcast_in_dim3A_973 : i32 to vector<16x1xi32>
      %gather3A_975 = vector.shape_cast %broadcast_in_dim3A_974 : vector<16x1xi32> to vector<16xi32>
      %gather3A_976 = tpu.dynamic_gather %add3A_964[%gather3A_975] in [0] : vector<16xf32>, vector<16xi32> -> vector<16xf32>
      %mul3A_977 = arith.constant 16 : i32
      %mul3A_978 = arith.muli %scan3A_826, %mul3A_977 : i32
      %add3A_979 = arith.constant 6144 : i32
      %add3A_980 = arith.addi %add3A_979, %mul3A_978 : i32
      %get3A_981 = arith.constant 6 : i32
      %get3A_982 = arith.index_cast %get3A_981 : i32 to index
      %get3A_983 = arith.index_cast %add3A_980 : i32 to index
      %get3A_984 = tpu.vector_load %arg4[%get3A_982, %get3A_983] {strides = array<i32>} : memref<8x8192xf32, #tpu.memory_space<vmem>>, vector<16xf32>,
      %broadcast_in_dim3A_985 = arith.constant true
      %broadcast_in_dim3A_986 = vector.broadcast %broadcast_in_dim3A_985 : i1 to vector<16xi1>
      %masked_cumsum3A_987 = tpu.scan <sum>, %get3A_984 masked %broadcast_in_dim3A_986 : vector<16xf32>, vector<16xi1> -> vector<16xf32>
      %add3A_988 = arith.addf %masked_cumsum3A_987, %scan3A_833 : vector<16xf32>
      %mul3A_989 = arith.constant 16 : i32
      %mul3A_990 = arith.muli %scan3A_826, %mul3A_989 : i32
      %add3A_991 = arith.constant 6144 : i32
      %add3A_992 = arith.addi %add3A_991, %mul3A_990 : i32
      %swap3A_993 = arith.constant 6 : i32
      %swap3A_994 = arith.index_cast %swap3A_993 : i32 to index
      %swap3A_995 = arith.index_cast %add3A_992 : i32 to index
      %swap3A_996 = tpu.vector_load %arg4[%swap3A_994, %swap3A_995] {strides = array<i32>} : memref<8x8192xf32, #tpu.memory_space<vmem>>, vector<16xf32>,
      tpu.vector_store %arg4[%swap3A_994, %swap3A_995], %add3A_988 {strides = array<i32>} : memref<8x8192xf32, #tpu.memory_space<vmem>>, vector<16xf32>,
      %broadcast_in_dim3A_997 = arith.constant 15 : i32
      %broadcast_in_dim3A_998 = vector.broadcast %broadcast_in_dim3A_997 : i32 to vector<16x1xi32>
      %gather3A_999 = vector.shape_cast %broadcast_in_dim3A_998 : vector<16x1xi32> to vector<16xi32>
      %gather3A_1000 = tpu.dynamic_gather %add3A_988[%gather3A_999] in [0] : vector<16xf32>, vector<16xi32> -> vector<16xf32>
      %mul3A_1001 = arith.constant 16 : i32
      %mul3A_1002 = arith.muli %scan3A_826, %mul3A_1001 : i32
      %add3A_1003 = arith.constant 6144 : i32
      %add3A_1004 = arith.addi %add3A_1003, %mul3A_1002 : i32
      %get3A_1005 = arith.constant 7 : i32
      %get3A_1006 = arith.index_cast %get3A_1005 : i32 to index
      %get3A_1007 = arith.index_cast %add3A_1004 : i32 to index
      %get3A_1008 = tpu.vector_load %arg4[%get3A_1006, %get3A_1007] {strides = array<i32>} : memref<8x8192xf32, #tpu.memory_space<vmem>>, vector<16xf32>,
      %broadcast_in_dim3A_1009 = arith.constant true
      %broadcast_in_dim3A_1010 = vector.broadcast %broadcast_in_dim3A_1009 : i1 to vector<16xi1>
      %masked_cumsum3A_1011 = tpu.scan <sum>, %get3A_1008 masked %broadcast_in_dim3A_1010 : vector<16xf32>, vector<16xi1> -> vector<16xf32>
      %add3A_1012 = arith.addf %masked_cumsum3A_1011, %scan3A_834 : vector<16xf32>
      %mul3A_1013 = arith.constant 16 : i32
      %mul3A_1014 = arith.muli %scan3A_826, %mul3A_1013 : i32
      %add3A_1015 = arith.constant 6144 : i32
      %add3A_1016 = arith.addi %add3A_1015, %mul3A_1014 : i32
      %swap3A_1017 = arith.constant 7 : i32
      %swap3A_1018 = arith.index_cast %swap3A_1017 : i32 to index
      %swap3A_1019 = arith.index_cast %add3A_1016 : i32 to index
      %swap3A_1020 = tpu.vector_load %arg4[%swap3A_1018, %swap3A_1019] {strides = array<i32>} : memref<8x8192xf32, #tpu.memory_space<vmem>>, vector<16xf32>,
      tpu.vector_store %arg4[%swap3A_1018, %swap3A_1019], %add3A_1012 {strides = array<i32>} : memref<8x8192xf32, #tpu.memory_space<vmem>>, vector<16xf32>,
      %broadcast_in_dim3A_1021 = arith.constant 15 : i32
      %broadcast_in_dim3A_1022 = vector.broadcast %broadcast_in_dim3A_1021 : i32 to vector<16x1xi32>
      %gather3A_1023 = vector.shape_cast %broadcast_in_dim3A_1022 : vector<16x1xi32> to vector<16xi32>
      %gather3A_1024 = tpu.dynamic_gather %add3A_1012[%gather3A_1023] in [0] : vector<16xf32>, vector<16xi32> -> vector<16xf32>
      scf.yield %gather3A_856, %gather3A_880, %gather3A_904, %gather3A_928, %gather3A_952, %gather3A_976, %gather3A_1000, %gather3A_1024 : vector<16xf32>, vector<16xf32>, vector<16xf32>, vector<16xf32>, vector<16xf32>, vector<16xf32>, vector<16xf32>, vector<16xf32>
    }
    %scan3A_705 = arith.constant 64 : i32
    %add3A_706 = arith.constant 6144 : i32
    %add3A_707 = arith.addi %mul3A_34, %add3A_706 : i32
    %dma_start3A_708 = arith.constant 6 : i32
    %dma_start3A_709 = arith.constant 0 : i32
    %dma_start3A_710 = arith.constant 6144 : i32
    %dma_start3A_711 = tpu.memref_slice %arg4[%dma_start3A_709, %dma_start3A_710] : memref<8x8192xf32, #tpu.memory_space<vmem>> -> memref<8x1024xf32, #tpu.memory_space<vmem>>
    %dma_start3A_712 = tpu.memref_slice %arg3[%mul3A_32, %add3A_707] : memref<64x32768xf32, #tpu.memory_space<hbm>> -> memref<8x1024xf32, #tpu.memory_space<hbm>>
    %dma_start3A_713 = tpu.memref_slice %arg9[%dma_start3A_708] : memref<8x!tpu.dma_semaphore, #tpu.memory_space<semaphore_mem>> -> memref<1x!tpu.dma_semaphore, #tpu.memory_space<semaphore_mem>>
    %dma_start3A_714 = tpu.memref_squeeze %dma_start3A_713 : memref<1x!tpu.dma_semaphore, #tpu.memory_space<semaphore_mem>> -> memref<!tpu.dma_semaphore, #tpu.memory_space<semaphore_mem>>
    %dma_start3A_715 = tpu.memref_slice %arg3[%mul3A_32, %add3A_707] : memref<64x32768xf32, #tpu.memory_space<hbm>> -> memref<8x1024xf32, #tpu.memory_space<hbm>>
    %dma_start3A_716 = arith.constant 0 : i32
    %dma_start3A_717 = arith.constant 6144 : i32
    %dma_start3A_718 = tpu.memref_slice %arg4[%dma_start3A_716, %dma_start3A_717] : memref<8x8192xf32, #tpu.memory_space<vmem>> -> memref<8x1024xf32, #tpu.memory_space<vmem>>
    tpu.enqueue_dma source(%dma_start3A_718 : memref<8x1024xf32, #tpu.memory_space<vmem>>) target(%dma_start3A_715 : memref<8x1024xf32, #tpu.memory_space<hbm>>) target_semaphore(%dma_start3A_714 : memref<!tpu.dma_semaphore, #tpu.memory_space<semaphore_mem>>)
    %scan3A_719 = arith.constant 0 : i32
    %scan3A_720 = arith.constant 64 : i32
    %scan3A_721 = arith.addi %scan3A_719, %scan3A_720 : i32
    %scan3A_722 = arith.constant 1 : i32
    %scan3A_723:8 = scf.for %scan3A_826 = %scan3A_719 to %scan3A_721 step %scan3A_722 iter_args(%scan3A_827 = %scan3A_704#0, %scan3A_828 = %scan3A_704#1, %scan3A_829 = %scan3A_704#2, %scan3A_830 = %scan3A_704#3, %scan3A_831 = %scan3A_704#4, %scan3A_832 = %scan3A_704#5, %scan3A_833 = %scan3A_704#6, %scan3A_834 = %scan3A_704#7) -> (vector<16xf32>, vector<16xf32>, vector<16xf32>, vector<16xf32>, vector<16xf32>, vector<16xf32>, vector<16xf32>, vector<16xf32>)  : i32 {
      %mul3A_835 = arith.constant 16 : i32
      %mul3A_836 = arith.muli %scan3A_826, %mul3A_835 : i32
      %add3A_837 = arith.constant 7168 : i32
      %add3A_838 = arith.addi %add3A_837, %mul3A_836 : i32
      %get3A_839 = arith.constant 0 : i32
      %get3A_840 = arith.index_cast %get3A_839 : i32 to index
      %get3A_841 = arith.index_cast %add3A_838 : i32 to index
      %get3A_842 = tpu.vector_load %arg4[%get3A_840, %get3A_841] {strides = array<i32>} : memref<8x8192xf32, #tpu.memory_space<vmem>>, vector<16xf32>,
      %broadcast_in_dim3A_843 = arith.constant true
      %broadcast_in_dim3A_844 = vector.broadcast %broadcast_in_dim3A_843 : i1 to vector<16xi1>
      %masked_cumsum3A = tpu.scan <sum>, %get3A_842 masked %broadcast_in_dim3A_844 : vector<16xf32>, vector<16xi1> -> vector<16xf32>
      %add3A_845 = arith.addf %masked_cumsum3A, %scan3A_827 : vector<16xf32>
      %mul3A_846 = arith.constant 16 : i32
      %mul3A_847 = arith.muli %scan3A_826, %mul3A_846 : i32
      %add3A_848 = arith.constant 7168 : i32
      %add3A_849 = arith.addi %add3A_848, %mul3A_847 : i32
      %swap3A_850 = arith.constant 0 : i32
      %swap3A_851 = arith.index_cast %swap3A_850 : i32 to index
      %swap3A_852 = arith.index_cast %add3A_849 : i32 to index
      %swap3A_853 = tpu.vector_load %arg4[%swap3A_851, %swap3A_852] {strides = array<i32>} : memref<8x8192xf32, #tpu.memory_space<vmem>>, vector<16xf32>,
      tpu.vector_store %arg4[%swap3A_851, %swap3A_852], %add3A_845 {strides = array<i32>} : memref<8x8192xf32, #tpu.memory_space<vmem>>, vector<16xf32>,
      %broadcast_in_dim3A_854 = arith.constant 15 : i32
      %broadcast_in_dim3A_855 = vector.broadcast %broadcast_in_dim3A_854 : i32 to vector<16x1xi32>
      %gather3A = vector.shape_cast %broadcast_in_dim3A_855 : vector<16x1xi32> to vector<16xi32>
      %gather3A_856 = tpu.dynamic_gather %add3A_845[%gather3A] in [0] : vector<16xf32>, vector<16xi32> -> vector<16xf32>
      %mul3A_857 = arith.constant 16 : i32
      %mul3A_858 = arith.muli %scan3A_826, %mul3A_857 : i32
      %add3A_859 = arith.constant 7168 : i32
      %add3A_860 = arith.addi %add3A_859, %mul3A_858 : i32
      %get3A_861 = arith.constant 1 : i32
      %get3A_862 = arith.index_cast %get3A_861 : i32 to index
      %get3A_863 = arith.index_cast %add3A_860 : i32 to index
      %get3A_864 = tpu.vector_load %arg4[%get3A_862, %get3A_863] {strides = array<i32>} : memref<8x8192xf32, #tpu.memory_space<vmem>>, vector<16xf32>,
      %broadcast_in_dim3A_865 = arith.constant true
      %broadcast_in_dim3A_866 = vector.broadcast %broadcast_in_dim3A_865 : i1 to vector<16xi1>
      %masked_cumsum3A_867 = tpu.scan <sum>, %get3A_864 masked %broadcast_in_dim3A_866 : vector<16xf32>, vector<16xi1> -> vector<16xf32>
      %add3A_868 = arith.addf %masked_cumsum3A_867, %scan3A_828 : vector<16xf32>
      %mul3A_869 = arith.constant 16 : i32
      %mul3A_870 = arith.muli %scan3A_826, %mul3A_869 : i32
      %add3A_871 = arith.constant 7168 : i32
      %add3A_872 = arith.addi %add3A_871, %mul3A_870 : i32
      %swap3A_873 = arith.constant 1 : i32
      %swap3A_874 = arith.index_cast %swap3A_873 : i32 to index
      %swap3A_875 = arith.index_cast %add3A_872 : i32 to index
      %swap3A_876 = tpu.vector_load %arg4[%swap3A_874, %swap3A_875] {strides = array<i32>} : memref<8x8192xf32, #tpu.memory_space<vmem>>, vector<16xf32>,
      tpu.vector_store %arg4[%swap3A_874, %swap3A_875], %add3A_868 {strides = array<i32>} : memref<8x8192xf32, #tpu.memory_space<vmem>>, vector<16xf32>,
      %broadcast_in_dim3A_877 = arith.constant 15 : i32
      %broadcast_in_dim3A_878 = vector.broadcast %broadcast_in_dim3A_877 : i32 to vector<16x1xi32>
      %gather3A_879 = vector.shape_cast %broadcast_in_dim3A_878 : vector<16x1xi32> to vector<16xi32>
      %gather3A_880 = tpu.dynamic_gather %add3A_868[%gather3A_879] in [0] : vector<16xf32>, vector<16xi32> -> vector<16xf32>
      %mul3A_881 = arith.constant 16 : i32
      %mul3A_882 = arith.muli %scan3A_826, %mul3A_881 : i32
      %add3A_883 = arith.constant 7168 : i32
      %add3A_884 = arith.addi %add3A_883, %mul3A_882 : i32
      %get3A_885 = arith.constant 2 : i32
      %get3A_886 = arith.index_cast %get3A_885 : i32 to index
      %get3A_887 = arith.index_cast %add3A_884 : i32 to index
      %get3A_888 = tpu.vector_load %arg4[%get3A_886, %get3A_887] {strides = array<i32>} : memref<8x8192xf32, #tpu.memory_space<vmem>>, vector<16xf32>,
      %broadcast_in_dim3A_889 = arith.constant true
      %broadcast_in_dim3A_890 = vector.broadcast %broadcast_in_dim3A_889 : i1 to vector<16xi1>
      %masked_cumsum3A_891 = tpu.scan <sum>, %get3A_888 masked %broadcast_in_dim3A_890 : vector<16xf32>, vector<16xi1> -> vector<16xf32>
      %add3A_892 = arith.addf %masked_cumsum3A_891, %scan3A_829 : vector<16xf32>
      %mul3A_893 = arith.constant 16 : i32
      %mul3A_894 = arith.muli %scan3A_826, %mul3A_893 : i32
      %add3A_895 = arith.constant 7168 : i32
      %add3A_896 = arith.addi %add3A_895, %mul3A_894 : i32
      %swap3A_897 = arith.constant 2 : i32
      %swap3A_898 = arith.index_cast %swap3A_897 : i32 to index
      %swap3A_899 = arith.index_cast %add3A_896 : i32 to index
      %swap3A_900 = tpu.vector_load %arg4[%swap3A_898, %swap3A_899] {strides = array<i32>} : memref<8x8192xf32, #tpu.memory_space<vmem>>, vector<16xf32>,
      tpu.vector_store %arg4[%swap3A_898, %swap3A_899], %add3A_892 {strides = array<i32>} : memref<8x8192xf32, #tpu.memory_space<vmem>>, vector<16xf32>,
      %broadcast_in_dim3A_901 = arith.constant 15 : i32
      %broadcast_in_dim3A_902 = vector.broadcast %broadcast_in_dim3A_901 : i32 to vector<16x1xi32>
      %gather3A_903 = vector.shape_cast %broadcast_in_dim3A_902 : vector<16x1xi32> to vector<16xi32>
      %gather3A_904 = tpu.dynamic_gather %add3A_892[%gather3A_903] in [0] : vector<16xf32>, vector<16xi32> -> vector<16xf32>
      %mul3A_905 = arith.constant 16 : i32
      %mul3A_906 = arith.muli %scan3A_826, %mul3A_905 : i32
      %add3A_907 = arith.constant 7168 : i32
      %add3A_908 = arith.addi %add3A_907, %mul3A_906 : i32
      %get3A_909 = arith.constant 3 : i32
      %get3A_910 = arith.index_cast %get3A_909 : i32 to index
      %get3A_911 = arith.index_cast %add3A_908 : i32 to index
      %get3A_912 = tpu.vector_load %arg4[%get3A_910, %get3A_911] {strides = array<i32>} : memref<8x8192xf32, #tpu.memory_space<vmem>>, vector<16xf32>,
      %broadcast_in_dim3A_913 = arith.constant true
      %broadcast_in_dim3A_914 = vector.broadcast %broadcast_in_dim3A_913 : i1 to vector<16xi1>
      %masked_cumsum3A_915 = tpu.scan <sum>, %get3A_912 masked %broadcast_in_dim3A_914 : vector<16xf32>, vector<16xi1> -> vector<16xf32>
      %add3A_916 = arith.addf %masked_cumsum3A_915, %scan3A_830 : vector<16xf32>
      %mul3A_917 = arith.constant 16 : i32
      %mul3A_918 = arith.muli %scan3A_826, %mul3A_917 : i32
      %add3A_919 = arith.constant 7168 : i32
      %add3A_920 = arith.addi %add3A_919, %mul3A_918 : i32
      %swap3A_921 = arith.constant 3 : i32
      %swap3A_922 = arith.index_cast %swap3A_921 : i32 to index
      %swap3A_923 = arith.index_cast %add3A_920 : i32 to index
      %swap3A_924 = tpu.vector_load %arg4[%swap3A_922, %swap3A_923] {strides = array<i32>} : memref<8x8192xf32, #tpu.memory_space<vmem>>, vector<16xf32>,
      tpu.vector_store %arg4[%swap3A_922, %swap3A_923], %add3A_916 {strides = array<i32>} : memref<8x8192xf32, #tpu.memory_space<vmem>>, vector<16xf32>,
      %broadcast_in_dim3A_925 = arith.constant 15 : i32
      %broadcast_in_dim3A_926 = vector.broadcast %broadcast_in_dim3A_925 : i32 to vector<16x1xi32>
      %gather3A_927 = vector.shape_cast %broadcast_in_dim3A_926 : vector<16x1xi32> to vector<16xi32>
      %gather3A_928 = tpu.dynamic_gather %add3A_916[%gather3A_927] in [0] : vector<16xf32>, vector<16xi32> -> vector<16xf32>
      %mul3A_929 = arith.constant 16 : i32
      %mul3A_930 = arith.muli %scan3A_826, %mul3A_929 : i32
      %add3A_931 = arith.constant 7168 : i32
      %add3A_932 = arith.addi %add3A_931, %mul3A_930 : i32
      %get3A_933 = arith.constant 4 : i32
      %get3A_934 = arith.index_cast %get3A_933 : i32 to index
      %get3A_935 = arith.index_cast %add3A_932 : i32 to index
      %get3A_936 = tpu.vector_load %arg4[%get3A_934, %get3A_935] {strides = array<i32>} : memref<8x8192xf32, #tpu.memory_space<vmem>>, vector<16xf32>,
      %broadcast_in_dim3A_937 = arith.constant true
      %broadcast_in_dim3A_938 = vector.broadcast %broadcast_in_dim3A_937 : i1 to vector<16xi1>
      %masked_cumsum3A_939 = tpu.scan <sum>, %get3A_936 masked %broadcast_in_dim3A_938 : vector<16xf32>, vector<16xi1> -> vector<16xf32>
      %add3A_940 = arith.addf %masked_cumsum3A_939, %scan3A_831 : vector<16xf32>
      %mul3A_941 = arith.constant 16 : i32
      %mul3A_942 = arith.muli %scan3A_826, %mul3A_941 : i32
      %add3A_943 = arith.constant 7168 : i32
      %add3A_944 = arith.addi %add3A_943, %mul3A_942 : i32
      %swap3A_945 = arith.constant 4 : i32
      %swap3A_946 = arith.index_cast %swap3A_945 : i32 to index
      %swap3A_947 = arith.index_cast %add3A_944 : i32 to index
      %swap3A_948 = tpu.vector_load %arg4[%swap3A_946, %swap3A_947] {strides = array<i32>} : memref<8x8192xf32, #tpu.memory_space<vmem>>, vector<16xf32>,
      tpu.vector_store %arg4[%swap3A_946, %swap3A_947], %add3A_940 {strides = array<i32>} : memref<8x8192xf32, #tpu.memory_space<vmem>>, vector<16xf32>,
      %broadcast_in_dim3A_949 = arith.constant 15 : i32
      %broadcast_in_dim3A_950 = vector.broadcast %broadcast_in_dim3A_949 : i32 to vector<16x1xi32>
      %gather3A_951 = vector.shape_cast %broadcast_in_dim3A_950 : vector<16x1xi32> to vector<16xi32>
      %gather3A_952 = tpu.dynamic_gather %add3A_940[%gather3A_951] in [0] : vector<16xf32>, vector<16xi32> -> vector<16xf32>
      %mul3A_953 = arith.constant 16 : i32
      %mul3A_954 = arith.muli %scan3A_826, %mul3A_953 : i32
      %add3A_955 = arith.constant 7168 : i32
      %add3A_956 = arith.addi %add3A_955, %mul3A_954 : i32
      %get3A_957 = arith.constant 5 : i32
      %get3A_958 = arith.index_cast %get3A_957 : i32 to index
      %get3A_959 = arith.index_cast %add3A_956 : i32 to index
      %get3A_960 = tpu.vector_load %arg4[%get3A_958, %get3A_959] {strides = array<i32>} : memref<8x8192xf32, #tpu.memory_space<vmem>>, vector<16xf32>,
      %broadcast_in_dim3A_961 = arith.constant true
      %broadcast_in_dim3A_962 = vector.broadcast %broadcast_in_dim3A_961 : i1 to vector<16xi1>
      %masked_cumsum3A_963 = tpu.scan <sum>, %get3A_960 masked %broadcast_in_dim3A_962 : vector<16xf32>, vector<16xi1> -> vector<16xf32>
      %add3A_964 = arith.addf %masked_cumsum3A_963, %scan3A_832 : vector<16xf32>
      %mul3A_965 = arith.constant 16 : i32
      %mul3A_966 = arith.muli %scan3A_826, %mul3A_965 : i32
      %add3A_967 = arith.constant 7168 : i32
      %add3A_968 = arith.addi %add3A_967, %mul3A_966 : i32
      %swap3A_969 = arith.constant 5 : i32
      %swap3A_970 = arith.index_cast %swap3A_969 : i32 to index
      %swap3A_971 = arith.index_cast %add3A_968 : i32 to index
      %swap3A_972 = tpu.vector_load %arg4[%swap3A_970, %swap3A_971] {strides = array<i32>} : memref<8x8192xf32, #tpu.memory_space<vmem>>, vector<16xf32>,
      tpu.vector_store %arg4[%swap3A_970, %swap3A_971], %add3A_964 {strides = array<i32>} : memref<8x8192xf32, #tpu.memory_space<vmem>>, vector<16xf32>,
      %broadcast_in_dim3A_973 = arith.constant 15 : i32
      %broadcast_in_dim3A_974 = vector.broadcast %broadcast_in_dim3A_973 : i32 to vector<16x1xi32>
      %gather3A_975 = vector.shape_cast %broadcast_in_dim3A_974 : vector<16x1xi32> to vector<16xi32>
      %gather3A_976 = tpu.dynamic_gather %add3A_964[%gather3A_975] in [0] : vector<16xf32>, vector<16xi32> -> vector<16xf32>
      %mul3A_977 = arith.constant 16 : i32
      %mul3A_978 = arith.muli %scan3A_826, %mul3A_977 : i32
      %add3A_979 = arith.constant 7168 : i32
      %add3A_980 = arith.addi %add3A_979, %mul3A_978 : i32
      %get3A_981 = arith.constant 6 : i32
      %get3A_982 = arith.index_cast %get3A_981 : i32 to index
      %get3A_983 = arith.index_cast %add3A_980 : i32 to index
      %get3A_984 = tpu.vector_load %arg4[%get3A_982, %get3A_983] {strides = array<i32>} : memref<8x8192xf32, #tpu.memory_space<vmem>>, vector<16xf32>,
      %broadcast_in_dim3A_985 = arith.constant true
      %broadcast_in_dim3A_986 = vector.broadcast %broadcast_in_dim3A_985 : i1 to vector<16xi1>
      %masked_cumsum3A_987 = tpu.scan <sum>, %get3A_984 masked %broadcast_in_dim3A_986 : vector<16xf32>, vector<16xi1> -> vector<16xf32>
      %add3A_988 = arith.addf %masked_cumsum3A_987, %scan3A_833 : vector<16xf32>
      %mul3A_989 = arith.constant 16 : i32
      %mul3A_990 = arith.muli %scan3A_826, %mul3A_989 : i32
      %add3A_991 = arith.constant 7168 : i32
      %add3A_992 = arith.addi %add3A_991, %mul3A_990 : i32
      %swap3A_993 = arith.constant 6 : i32
      %swap3A_994 = arith.index_cast %swap3A_993 : i32 to index
      %swap3A_995 = arith.index_cast %add3A_992 : i32 to index
      %swap3A_996 = tpu.vector_load %arg4[%swap3A_994, %swap3A_995] {strides = array<i32>} : memref<8x8192xf32, #tpu.memory_space<vmem>>, vector<16xf32>,
      tpu.vector_store %arg4[%swap3A_994, %swap3A_995], %add3A_988 {strides = array<i32>} : memref<8x8192xf32, #tpu.memory_space<vmem>>, vector<16xf32>,
      %broadcast_in_dim3A_997 = arith.constant 15 : i32
      %broadcast_in_dim3A_998 = vector.broadcast %broadcast_in_dim3A_997 : i32 to vector<16x1xi32>
      %gather3A_999 = vector.shape_cast %broadcast_in_dim3A_998 : vector<16x1xi32> to vector<16xi32>
      %gather3A_1000 = tpu.dynamic_gather %add3A_988[%gather3A_999] in [0] : vector<16xf32>, vector<16xi32> -> vector<16xf32>
      %mul3A_1001 = arith.constant 16 : i32
      %mul3A_1002 = arith.muli %scan3A_826, %mul3A_1001 : i32
      %add3A_1003 = arith.constant 7168 : i32
      %add3A_1004 = arith.addi %add3A_1003, %mul3A_1002 : i32
      %get3A_1005 = arith.constant 7 : i32
      %get3A_1006 = arith.index_cast %get3A_1005 : i32 to index
      %get3A_1007 = arith.index_cast %add3A_1004 : i32 to index
      %get3A_1008 = tpu.vector_load %arg4[%get3A_1006, %get3A_1007] {strides = array<i32>} : memref<8x8192xf32, #tpu.memory_space<vmem>>, vector<16xf32>,
      %broadcast_in_dim3A_1009 = arith.constant true
      %broadcast_in_dim3A_1010 = vector.broadcast %broadcast_in_dim3A_1009 : i1 to vector<16xi1>
      %masked_cumsum3A_1011 = tpu.scan <sum>, %get3A_1008 masked %broadcast_in_dim3A_1010 : vector<16xf32>, vector<16xi1> -> vector<16xf32>
      %add3A_1012 = arith.addf %masked_cumsum3A_1011, %scan3A_834 : vector<16xf32>
      %mul3A_1013 = arith.constant 16 : i32
      %mul3A_1014 = arith.muli %scan3A_826, %mul3A_1013 : i32
      %add3A_1015 = arith.constant 7168 : i32
      %add3A_1016 = arith.addi %add3A_1015, %mul3A_1014 : i32
      %swap3A_1017 = arith.constant 7 : i32
      %swap3A_1018 = arith.index_cast %swap3A_1017 : i32 to index
      %swap3A_1019 = arith.index_cast %add3A_1016 : i32 to index
      %swap3A_1020 = tpu.vector_load %arg4[%swap3A_1018, %swap3A_1019] {strides = array<i32>} : memref<8x8192xf32, #tpu.memory_space<vmem>>, vector<16xf32>,
      tpu.vector_store %arg4[%swap3A_1018, %swap3A_1019], %add3A_1012 {strides = array<i32>} : memref<8x8192xf32, #tpu.memory_space<vmem>>, vector<16xf32>,
      %broadcast_in_dim3A_1021 = arith.constant 15 : i32
      %broadcast_in_dim3A_1022 = vector.broadcast %broadcast_in_dim3A_1021 : i32 to vector<16x1xi32>
      %gather3A_1023 = vector.shape_cast %broadcast_in_dim3A_1022 : vector<16x1xi32> to vector<16xi32>
      %gather3A_1024 = tpu.dynamic_gather %add3A_1012[%gather3A_1023] in [0] : vector<16xf32>, vector<16xi32> -> vector<16xf32>
      scf.yield %gather3A_856, %gather3A_880, %gather3A_904, %gather3A_928, %gather3A_952, %gather3A_976, %gather3A_1000, %gather3A_1024 : vector<16xf32>, vector<16xf32>, vector<16xf32>, vector<16xf32>, vector<16xf32>, vector<16xf32>, vector<16xf32>, vector<16xf32>
    }
    %scan3A_724 = arith.constant 64 : i32
    %add3A_725 = arith.constant 7168 : i32
    %add3A_726 = arith.addi %mul3A_34, %add3A_725 : i32
    %dma_start3A_727 = arith.constant 7 : i32
    %dma_start3A_728 = arith.constant 0 : i32
    %dma_start3A_729 = arith.constant 7168 : i32
    %dma_start3A_730 = tpu.memref_slice %arg4[%dma_start3A_728, %dma_start3A_729] : memref<8x8192xf32, #tpu.memory_space<vmem>> -> memref<8x1024xf32, #tpu.memory_space<vmem>>
    %dma_start3A_731 = tpu.memref_slice %arg3[%mul3A_32, %add3A_726] : memref<64x32768xf32, #tpu.memory_space<hbm>> -> memref<8x1024xf32, #tpu.memory_space<hbm>>
    %dma_start3A_732 = tpu.memref_slice %arg9[%dma_start3A_727] : memref<8x!tpu.dma_semaphore, #tpu.memory_space<semaphore_mem>> -> memref<1x!tpu.dma_semaphore, #tpu.memory_space<semaphore_mem>>
    %dma_start3A_733 = tpu.memref_squeeze %dma_start3A_732 : memref<1x!tpu.dma_semaphore, #tpu.memory_space<semaphore_mem>> -> memref<!tpu.dma_semaphore, #tpu.memory_space<semaphore_mem>>
    %dma_start3A_734 = tpu.memref_slice %arg3[%mul3A_32, %add3A_726] : memref<64x32768xf32, #tpu.memory_space<hbm>> -> memref<8x1024xf32, #tpu.memory_space<hbm>>
    %dma_start3A_735 = arith.constant 0 : i32
    %dma_start3A_736 = arith.constant 7168 : i32
    %dma_start3A_737 = tpu.memref_slice %arg4[%dma_start3A_735, %dma_start3A_736] : memref<8x8192xf32, #tpu.memory_space<vmem>> -> memref<8x1024xf32, #tpu.memory_space<vmem>>
    tpu.enqueue_dma source(%dma_start3A_737 : memref<8x1024xf32, #tpu.memory_space<vmem>>) target(%dma_start3A_734 : memref<8x1024xf32, #tpu.memory_space<hbm>>) target_semaphore(%dma_start3A_733 : memref<!tpu.dma_semaphore, #tpu.memory_space<semaphore_mem>>)
    %dma_wait3A_738 = arith.constant 0 : i32
    "tpu.trace_stop"() : () -> ()
    "tpu.trace_start"() <{level = 10 : i32, message = "drain"}> : () -> ()
    %dma_wait3A_739 = arith.constant 0 : i32
    %dma_wait3A_740 = arith.constant 0 : i32
    %dma_wait3A_741 = tpu.memref_slice %arg4[%dma_wait3A_739, %dma_wait3A_740] : memref<8x8192xf32, #tpu.memory_space<vmem>> -> memref<8x1024xf32, #tpu.memory_space<vmem>>
    %dma_wait3A_742 = tpu.memref_slice %arg3[%mul3A_32, %add3A_593] : memref<64x32768xf32, #tpu.memory_space<hbm>> -> memref<8x1024xf32, #tpu.memory_space<hbm>>
    %dma_wait3A_743 = tpu.memref_slice %arg9[%dma_wait3A_738] : memref<8x!tpu.dma_semaphore, #tpu.memory_space<semaphore_mem>> -> memref<1x!tpu.dma_semaphore, #tpu.memory_space<semaphore_mem>>
    %dma_wait3A_744 = tpu.memref_squeeze %dma_wait3A_743 : memref<1x!tpu.dma_semaphore, #tpu.memory_space<semaphore_mem>> -> memref<!tpu.dma_semaphore, #tpu.memory_space<semaphore_mem>>
    %dma_wait3A_745 = tpu.memref_slice %arg3[%mul3A_32, %add3A_593] : memref<64x32768xf32, #tpu.memory_space<hbm>> -> memref<8x1024xf32, #tpu.memory_space<hbm>>
    %dma_wait3A_746 = arith.constant 0 : i32
    %dma_wait3A_747 = arith.constant 0 : i32
    %dma_wait3A_748 = tpu.memref_slice %arg4[%dma_wait3A_746, %dma_wait3A_747] : memref<8x8192xf32, #tpu.memory_space<vmem>> -> memref<8x1024xf32, #tpu.memory_space<vmem>>
    tpu.wait_dma2 semaphore(%dma_wait3A_744 : memref<!tpu.dma_semaphore, #tpu.memory_space<semaphore_mem>>) src(%dma_wait3A_748 : memref<8x1024xf32, #tpu.memory_space<vmem>>) dst(%dma_wait3A_745 : memref<8x1024xf32, #tpu.memory_space<hbm>>)
    %dma_wait3A_749 = arith.constant 1 : i32
    %dma_wait3A_750 = arith.constant 0 : i32
    %dma_wait3A_751 = arith.constant 1024 : i32
    %dma_wait3A_752 = tpu.memref_slice %arg4[%dma_wait3A_750, %dma_wait3A_751] : memref<8x8192xf32, #tpu.memory_space<vmem>> -> memref<8x1024xf32, #tpu.memory_space<vmem>>
    %dma_wait3A_753 = tpu.memref_slice %arg3[%mul3A_32, %add3A_612] : memref<64x32768xf32, #tpu.memory_space<hbm>> -> memref<8x1024xf32, #tpu.memory_space<hbm>>
    %dma_wait3A_754 = tpu.memref_slice %arg9[%dma_wait3A_749] : memref<8x!tpu.dma_semaphore, #tpu.memory_space<semaphore_mem>> -> memref<1x!tpu.dma_semaphore, #tpu.memory_space<semaphore_mem>>
    %dma_wait3A_755 = tpu.memref_squeeze %dma_wait3A_754 : memref<1x!tpu.dma_semaphore, #tpu.memory_space<semaphore_mem>> -> memref<!tpu.dma_semaphore, #tpu.memory_space<semaphore_mem>>
    %dma_wait3A_756 = tpu.memref_slice %arg3[%mul3A_32, %add3A_612] : memref<64x32768xf32, #tpu.memory_space<hbm>> -> memref<8x1024xf32, #tpu.memory_space<hbm>>
    %dma_wait3A_757 = arith.constant 0 : i32
    %dma_wait3A_758 = arith.constant 1024 : i32
    %dma_wait3A_759 = tpu.memref_slice %arg4[%dma_wait3A_757, %dma_wait3A_758] : memref<8x8192xf32, #tpu.memory_space<vmem>> -> memref<8x1024xf32, #tpu.memory_space<vmem>>
    tpu.wait_dma2 semaphore(%dma_wait3A_755 : memref<!tpu.dma_semaphore, #tpu.memory_space<semaphore_mem>>) src(%dma_wait3A_759 : memref<8x1024xf32, #tpu.memory_space<vmem>>) dst(%dma_wait3A_756 : memref<8x1024xf32, #tpu.memory_space<hbm>>)
    %dma_wait3A_760 = arith.constant 2 : i32
    %dma_wait3A_761 = arith.constant 0 : i32
    %dma_wait3A_762 = arith.constant 2048 : i32
    %dma_wait3A_763 = tpu.memref_slice %arg4[%dma_wait3A_761, %dma_wait3A_762] : memref<8x8192xf32, #tpu.memory_space<vmem>> -> memref<8x1024xf32, #tpu.memory_space<vmem>>
    %dma_wait3A_764 = tpu.memref_slice %arg3[%mul3A_32, %add3A_631] : memref<64x32768xf32, #tpu.memory_space<hbm>> -> memref<8x1024xf32, #tpu.memory_space<hbm>>
    %dma_wait3A_765 = tpu.memref_slice %arg9[%dma_wait3A_760] : memref<8x!tpu.dma_semaphore, #tpu.memory_space<semaphore_mem>> -> memref<1x!tpu.dma_semaphore, #tpu.memory_space<semaphore_mem>>
    %dma_wait3A_766 = tpu.memref_squeeze %dma_wait3A_765 : memref<1x!tpu.dma_semaphore, #tpu.memory_space<semaphore_mem>> -> memref<!tpu.dma_semaphore, #tpu.memory_space<semaphore_mem>>
    %dma_wait3A_767 = tpu.memref_slice %arg3[%mul3A_32, %add3A_631] : memref<64x32768xf32, #tpu.memory_space<hbm>> -> memref<8x1024xf32, #tpu.memory_space<hbm>>
    %dma_wait3A_768 = arith.constant 0 : i32
    %dma_wait3A_769 = arith.constant 2048 : i32
    %dma_wait3A_770 = tpu.memref_slice %arg4[%dma_wait3A_768, %dma_wait3A_769] : memref<8x8192xf32, #tpu.memory_space<vmem>> -> memref<8x1024xf32, #tpu.memory_space<vmem>>
    tpu.wait_dma2 semaphore(%dma_wait3A_766 : memref<!tpu.dma_semaphore, #tpu.memory_space<semaphore_mem>>) src(%dma_wait3A_770 : memref<8x1024xf32, #tpu.memory_space<vmem>>) dst(%dma_wait3A_767 : memref<8x1024xf32, #tpu.memory_space<hbm>>)
    %dma_wait3A_771 = arith.constant 3 : i32
    %dma_wait3A_772 = arith.constant 0 : i32
    %dma_wait3A_773 = arith.constant 3072 : i32
    %dma_wait3A_774 = tpu.memref_slice %arg4[%dma_wait3A_772, %dma_wait3A_773] : memref<8x8192xf32, #tpu.memory_space<vmem>> -> memref<8x1024xf32, #tpu.memory_space<vmem>>
    %dma_wait3A_775 = tpu.memref_slice %arg3[%mul3A_32, %add3A_650] : memref<64x32768xf32, #tpu.memory_space<hbm>> -> memref<8x1024xf32, #tpu.memory_space<hbm>>
    %dma_wait3A_776 = tpu.memref_slice %arg9[%dma_wait3A_771] : memref<8x!tpu.dma_semaphore, #tpu.memory_space<semaphore_mem>> -> memref<1x!tpu.dma_semaphore, #tpu.memory_space<semaphore_mem>>
    %dma_wait3A_777 = tpu.memref_squeeze %dma_wait3A_776 : memref<1x!tpu.dma_semaphore, #tpu.memory_space<semaphore_mem>> -> memref<!tpu.dma_semaphore, #tpu.memory_space<semaphore_mem>>
    %dma_wait3A_778 = tpu.memref_slice %arg3[%mul3A_32, %add3A_650] : memref<64x32768xf32, #tpu.memory_space<hbm>> -> memref<8x1024xf32, #tpu.memory_space<hbm>>
    %dma_wait3A_779 = arith.constant 0 : i32
    %dma_wait3A_780 = arith.constant 3072 : i32
    %dma_wait3A_781 = tpu.memref_slice %arg4[%dma_wait3A_779, %dma_wait3A_780] : memref<8x8192xf32, #tpu.memory_space<vmem>> -> memref<8x1024xf32, #tpu.memory_space<vmem>>
    tpu.wait_dma2 semaphore(%dma_wait3A_777 : memref<!tpu.dma_semaphore, #tpu.memory_space<semaphore_mem>>) src(%dma_wait3A_781 : memref<8x1024xf32, #tpu.memory_space<vmem>>) dst(%dma_wait3A_778 : memref<8x1024xf32, #tpu.memory_space<hbm>>)
    %dma_wait3A_782 = arith.constant 4 : i32
    %dma_wait3A_783 = arith.constant 0 : i32
    %dma_wait3A_784 = arith.constant 4096 : i32
    %dma_wait3A_785 = tpu.memref_slice %arg4[%dma_wait3A_783, %dma_wait3A_784] : memref<8x8192xf32, #tpu.memory_space<vmem>> -> memref<8x1024xf32, #tpu.memory_space<vmem>>
    %dma_wait3A_786 = tpu.memref_slice %arg3[%mul3A_32, %add3A_669] : memref<64x32768xf32, #tpu.memory_space<hbm>> -> memref<8x1024xf32, #tpu.memory_space<hbm>>
    %dma_wait3A_787 = tpu.memref_slice %arg9[%dma_wait3A_782] : memref<8x!tpu.dma_semaphore, #tpu.memory_space<semaphore_mem>> -> memref<1x!tpu.dma_semaphore, #tpu.memory_space<semaphore_mem>>
    %dma_wait3A_788 = tpu.memref_squeeze %dma_wait3A_787 : memref<1x!tpu.dma_semaphore, #tpu.memory_space<semaphore_mem>> -> memref<!tpu.dma_semaphore, #tpu.memory_space<semaphore_mem>>
    %dma_wait3A_789 = tpu.memref_slice %arg3[%mul3A_32, %add3A_669] : memref<64x32768xf32, #tpu.memory_space<hbm>> -> memref<8x1024xf32, #tpu.memory_space<hbm>>
    %dma_wait3A_790 = arith.constant 0 : i32
    %dma_wait3A_791 = arith.constant 4096 : i32
    %dma_wait3A_792 = tpu.memref_slice %arg4[%dma_wait3A_790, %dma_wait3A_791] : memref<8x8192xf32, #tpu.memory_space<vmem>> -> memref<8x1024xf32, #tpu.memory_space<vmem>>
    tpu.wait_dma2 semaphore(%dma_wait3A_788 : memref<!tpu.dma_semaphore, #tpu.memory_space<semaphore_mem>>) src(%dma_wait3A_792 : memref<8x1024xf32, #tpu.memory_space<vmem>>) dst(%dma_wait3A_789 : memref<8x1024xf32, #tpu.memory_space<hbm>>)
    %dma_wait3A_793 = arith.constant 5 : i32
    %dma_wait3A_794 = arith.constant 0 : i32
    %dma_wait3A_795 = arith.constant 5120 : i32
    %dma_wait3A_796 = tpu.memref_slice %arg4[%dma_wait3A_794, %dma_wait3A_795] : memref<8x8192xf32, #tpu.memory_space<vmem>> -> memref<8x1024xf32, #tpu.memory_space<vmem>>
    %dma_wait3A_797 = tpu.memref_slice %arg3[%mul3A_32, %add3A_688] : memref<64x32768xf32, #tpu.memory_space<hbm>> -> memref<8x1024xf32, #tpu.memory_space<hbm>>
    %dma_wait3A_798 = tpu.memref_slice %arg9[%dma_wait3A_793] : memref<8x!tpu.dma_semaphore, #tpu.memory_space<semaphore_mem>> -> memref<1x!tpu.dma_semaphore, #tpu.memory_space<semaphore_mem>>
    %dma_wait3A_799 = tpu.memref_squeeze %dma_wait3A_798 : memref<1x!tpu.dma_semaphore, #tpu.memory_space<semaphore_mem>> -> memref<!tpu.dma_semaphore, #tpu.memory_space<semaphore_mem>>
    %dma_wait3A_800 = tpu.memref_slice %arg3[%mul3A_32, %add3A_688] : memref<64x32768xf32, #tpu.memory_space<hbm>> -> memref<8x1024xf32, #tpu.memory_space<hbm>>
    %dma_wait3A_801 = arith.constant 0 : i32
    %dma_wait3A_802 = arith.constant 5120 : i32
    %dma_wait3A_803 = tpu.memref_slice %arg4[%dma_wait3A_801, %dma_wait3A_802] : memref<8x8192xf32, #tpu.memory_space<vmem>> -> memref<8x1024xf32, #tpu.memory_space<vmem>>
    tpu.wait_dma2 semaphore(%dma_wait3A_799 : memref<!tpu.dma_semaphore, #tpu.memory_space<semaphore_mem>>) src(%dma_wait3A_803 : memref<8x1024xf32, #tpu.memory_space<vmem>>) dst(%dma_wait3A_800 : memref<8x1024xf32, #tpu.memory_space<hbm>>)
    %dma_wait3A_804 = arith.constant 6 : i32
    %dma_wait3A_805 = arith.constant 0 : i32
    %dma_wait3A_806 = arith.constant 6144 : i32
    %dma_wait3A_807 = tpu.memref_slice %arg4[%dma_wait3A_805, %dma_wait3A_806] : memref<8x8192xf32, #tpu.memory_space<vmem>> -> memref<8x1024xf32, #tpu.memory_space<vmem>>
    %dma_wait3A_808 = tpu.memref_slice %arg3[%mul3A_32, %add3A_707] : memref<64x32768xf32, #tpu.memory_space<hbm>> -> memref<8x1024xf32, #tpu.memory_space<hbm>>
    %dma_wait3A_809 = tpu.memref_slice %arg9[%dma_wait3A_804] : memref<8x!tpu.dma_semaphore, #tpu.memory_space<semaphore_mem>> -> memref<1x!tpu.dma_semaphore, #tpu.memory_space<semaphore_mem>>
    %dma_wait3A_810 = tpu.memref_squeeze %dma_wait3A_809 : memref<1x!tpu.dma_semaphore, #tpu.memory_space<semaphore_mem>> -> memref<!tpu.dma_semaphore, #tpu.memory_space<semaphore_mem>>
    %dma_wait3A_811 = tpu.memref_slice %arg3[%mul3A_32, %add3A_707] : memref<64x32768xf32, #tpu.memory_space<hbm>> -> memref<8x1024xf32, #tpu.memory_space<hbm>>
    %dma_wait3A_812 = arith.constant 0 : i32
    %dma_wait3A_813 = arith.constant 6144 : i32
    %dma_wait3A_814 = tpu.memref_slice %arg4[%dma_wait3A_812, %dma_wait3A_813] : memref<8x8192xf32, #tpu.memory_space<vmem>> -> memref<8x1024xf32, #tpu.memory_space<vmem>>
    tpu.wait_dma2 semaphore(%dma_wait3A_810 : memref<!tpu.dma_semaphore, #tpu.memory_space<semaphore_mem>>) src(%dma_wait3A_814 : memref<8x1024xf32, #tpu.memory_space<vmem>>) dst(%dma_wait3A_811 : memref<8x1024xf32, #tpu.memory_space<hbm>>)
    %dma_wait3A_815 = arith.constant 7 : i32
    %dma_wait3A_816 = arith.constant 0 : i32
    %dma_wait3A_817 = arith.constant 7168 : i32
    %dma_wait3A_818 = tpu.memref_slice %arg4[%dma_wait3A_816, %dma_wait3A_817] : memref<8x8192xf32, #tpu.memory_space<vmem>> -> memref<8x1024xf32, #tpu.memory_space<vmem>>
    %dma_wait3A_819 = tpu.memref_slice %arg3[%mul3A_32, %add3A_726] : memref<64x32768xf32, #tpu.memory_space<hbm>> -> memref<8x1024xf32, #tpu.memory_space<hbm>>
    %dma_wait3A_820 = tpu.memref_slice %arg9[%dma_wait3A_815] : memref<8x!tpu.dma_semaphore, #tpu.memory_space<semaphore_mem>> -> memref<1x!tpu.dma_semaphore, #tpu.memory_space<semaphore_mem>>
    %dma_wait3A_821 = tpu.memref_squeeze %dma_wait3A_820 : memref<1x!tpu.dma_semaphore, #tpu.memory_space<semaphore_mem>> -> memref<!tpu.dma_semaphore, #tpu.memory_space<semaphore_mem>>
    %dma_wait3A_822 = tpu.memref_slice %arg3[%mul3A_32, %add3A_726] : memref<64x32768xf32, #tpu.memory_space<hbm>> -> memref<8x1024xf32, #tpu.memory_space<hbm>>
    %dma_wait3A_823 = arith.constant 0 : i32
    %dma_wait3A_824 = arith.constant 7168 : i32
    %dma_wait3A_825 = tpu.memref_slice %arg4[%dma_wait3A_823, %dma_wait3A_824] : memref<8x8192xf32, #tpu.memory_space<vmem>> -> memref<8x1024xf32, #tpu.memory_space<vmem>>
    tpu.wait_dma2 semaphore(%dma_wait3A_821 : memref<!tpu.dma_semaphore, #tpu.memory_space<semaphore_mem>>) src(%dma_wait3A_825 : memref<8x1024xf32, #tpu.memory_space<vmem>>) dst(%dma_wait3A_822 : memref<8x1024xf32, #tpu.memory_space<hbm>>)
    "tpu.trace_stop"() : () -> ()
    return
  }
}

</mosaic_0001>

<sc_bundles>
// kernel: kernel.3.cloned.1.call-start
scs
__scs_entry_jumppad:
0x0: {  	(pc) =	sbr.rel $0x88, $3  }
0x1: {  	(tag) =	ssettag $0x0;
	lr =	simm.s32 $0x1  }
0x2: {  	[smem:$0x3FA0] =	sst lr;
	_ =	strace $0xD0000000  }
0x3: {  	_ = 	snop  }
0x4: {  	_ = 	snop  }
0x5: {  	_ = 	snop  }
0x6: {  	_ = 	snop  }
0x7: {  	_ = 	snop  }
__scs_overlays_trampoline_lowered:
0x8: {  	[smem:$0x3FAF] =	sst s0  }
0x9: {  	[smem:$0x3FB0] =	sst s1  }
0xa: {  	[smem:$0x3FB1] =	sst s2  }
0xb: {  	[smem:$0x3FB2] =	sst s3  }
0xc: {  	[smem:$0x3FB3] =	sst s4  }
0xd: {  	[smem:$0x3FB4] =	sst s5  }
0xe: {  	[smem:$0x3FB5] =	sst s6  }
0xf: {  	[smem:$0x3FB6] =	sst s7  }
0x10: {  	[smem:$0x3FB7] =	sst s8  }
0x11: {  	[smem:$0x3FB8] =	sst s9;
	s0 =	simm.s32 @!p0 $0x0  }
0x12: {  	s1 =	sld [smem:$0x3F9E];
	s0 =	simm.s32 @p0 $0x1  }
0x13: {  	[smem:$0x3FB9] =	sst s0;
	s0 =	simm.s32 @!p1 $0x0  }
0x14: {  	s2 =	sld [smem:$0x3F9D];
	s0 =	simm.s32 @p1 $0x1  }
0x15: {  	[smem:$0x3FBA] =	sst s0;
	s0 =	simm.s32 @!p2 $0x0  }
0x16: {  	s3 =	sld [smem:$0x3FDB];
	s0 =	simm.s32 @p2 $0x1  }
0x17: {  	s4 =	simm.s32 $0x1BF5;
	[smem:$0x3FBC] =	sst s0  }
0x18: {  	s0 =	sld [smem:$0x3F9F];
	_ =	swait.ge [sflag:s4], $0x0  }
0x19: {  	s7 =	sld [smem:$0x3FA0]  }
0x1a: {  	s8 =	sadd.s32 $0xFFFFE003, lr  }
0x1b: {  	s9 =	sadd.s32 $0xFFFFFEF7, lr;
	s5 =	simm.s32 $0xFFFFFFFF;
	p2 =	slt.u32 s8, $0xFFFFF086  }
0x1c: {  	p1 =	slt.u32 s9, $0xF7A;
	s5 =	simm.s32 @!p2 $0x0  }
0x1d: {  	s5 =	simm.s32 @p1 $0x1;
	p0 =	seq.s32 s7, s2  }
0x1e: {  	s7 =	smul.u32 @!p0 $0xF7A, s2;
	p2 =	seq.s32 @!p0 s5, $0x0  }
0x1f: {  	s9 =	smul.u32 $0xF7A, s1;
	s8 =	simm.s32 @!p0 $0x1BF5;
	p2 =	por !p2, p0  }
0x20: {  	[sflag:s8] =	ssyncset.s32 @!p0 $0xFFFFF086;
	s6 =	sadd.s32 @!p0 s3, s7;
	s7 =	simm.s32 @!p0 $0x108  }
0x21: {  	s3 =	sadd.s32 s3, s9;
	s6 =	sadd.s32 @!p0 $0x88, s6;
	s7 =	simm.s32 @p2 $0x1082  }
0x22: {  	[simem:s7], [sflag:s8] =	dma.local @!p0 [hbm:s6], $0xF7A  }
0x23: {  	s9 =	sor.u32 $0xD0000000, s2;
	s6 =	simm.s32 $0x108;
	_ =	swait.ge @!p0 [sflag:s8], $0x0  }
0x24: {  	s3 =	sadd.s32 $0x88, s3;
	s6 =	simm.s32 @!p1 $0x1082;
	[sflag:s4] =	ssyncset.s32 $0xFFFFF086  }
0x25: {  	[simem:s6], [sflag:s4] =	dma.local [hbm:s3], $0xF7A  }
0x26: {  	[smem:$0x3FA0] =	sst s1;
	(tag) =	ssettag s2;
	_ =	strace s9  }
0x27: {  	s1 =	sld [smem:$0x3FB0]  }
0x28: {  	s2 =	sld [smem:$0x3FB1]  }
0x29: {  	s4 =	sld [smem:$0x3FB3]  }
0x2a: {  	p0 =	seq.s32 s5, $0x0;
	s5 =	sld [smem:$0x3FB4]  }
0x2b: {  	s6 =	sld [smem:$0x3FB5]  }
0x2c: {  	s7 =	sld [smem:$0x3FB6]  }
0x2d: {  	s3 =	simm.s32 $0x108;
	s8 =	sld [smem:$0x3FB7]  }
0x2e: {  	s3 =	simm.s32 @!p0 $0x1082;
	s9 =	sld [smem:$0x3FB8]  }
0x2f: {  	lr =	sadd.s32 s0, s3;
	s0 =	sld [smem:$0x3FAF]  }
0x30: {  	s3 =	sld [smem:$0x3FB2]  }
0x31: {  	[smem:$0x3FBB] =	sst s10  }
0x32: {  	s10 =	sld [smem:$0x3FB9];
	_ =	sdelay $0x3  }
0x33: {  	p0 =	seq.s32 s10, $0x1;
	s10 =	sld [smem:$0x3FBB];
	_ =	sdelay $0x3  }
0x34: {  	[smem:$0x3FBB] =	sst s10  }
0x35: {  	s10 =	sld [smem:$0x3FBA];
	_ =	sdelay $0x3  }
0x36: {  	p1 =	seq.s32 s10, $0x1;
	s10 =	sld [smem:$0x3FBB];
	_ =	sdelay $0x3  }
0x37: {  	[smem:$0x3FBB] =	sst s10  }
0x38: {  	s10 =	sld [smem:$0x3FBC]  }
0x39: {  	_ = 	snop;
	(pc) =	sbr.ind lr, $3  }
0x3a: {  	_ = 	snop  }
0x3b: {  	_ = 	snop  }
0x3c: {  	p2 =	seq.s32 s10, $0x1;
	s10 =	sld [smem:$0x3FBB]  }
0x3d: {  	_ =	shalt  }
0x3e: {  	_ =	shalt  }
0x3f: {  	_ =	shalt  }
0x40: {  	_ =	shalt  }
0x41: {  	_ =	shalt  }
0x42: {  	_ =	shalt  }
0x43: {  	_ =	shalt  }
0x44: {  	_ =	shalt  }
0x45: {  	_ =	shalt  }
0x46: {  	_ =	shalt  }
0x47: {  	_ =	shalt  }
0x48: {  	_ =	shalt  }
0x49: {  	_ =	shalt  }
0x4a: {  	_ =	shalt  }
0x4b: {  	_ =	shalt  }
0x4c: {  	_ =	shalt  }
0x4d: {  	_ =	shalt  }
0x4e: {  	_ =	shalt  }
0x4f: {  	_ =	shalt  }
0x50: {  	_ =	shalt  }
0x51: {  	_ =	shalt  }
0x52: {  	_ =	shalt  }
0x53: {  	_ =	shalt  }
0x54: {  	_ =	shalt  }
0x55: {  	_ =	shalt  }
0x56: {  	_ =	shalt  }
0x57: {  	_ =	shalt  }
0x58: {  	_ =	shalt  }
0x59: {  	_ =	shalt  }
0x5a: {  	_ =	shalt  }
0x5b: {  	_ =	shalt  }
0x5c: {  	_ =	shalt  }
0x5d: {  	_ =	shalt  }
0x5e: {  	_ =	shalt  }
0x5f: {  	_ =	shalt  }
0x60: {  	_ =	shalt  }
0x61: {  	_ =	shalt  }
0x62: {  	_ =	shalt  }
0x63: {  	_ =	shalt  }
0x64: {  	_ =	shalt  }
0x65: {  	_ =	shalt  }
0x66: {  	_ =	shalt  }
0x67: {  	_ =	shalt  }
0x68: {  	_ =	shalt  }
0x69: {  	_ =	shalt  }
0x6a: {  	_ =	shalt  }
0x6b: {  	_ =	shalt  }
0x6c: {  	_ =	shalt  }
0x6d: {  	_ =	shalt  }
0x6e: {  	_ =	shalt  }
0x6f: {  	_ =	shalt  }
0x70: {  	_ =	shalt  }
0x71: {  	_ =	shalt  }
0x72: {  	_ =	shalt  }
0x73: {  	_ =	shalt  }
0x74: {  	_ =	shalt  }
0x75: {  	_ =	shalt  }
0x76: {  	_ =	shalt  }
0x77: {  	_ =	shalt  }
0x78: {  	_ =	shalt  }
0x79: {  	_ =	shalt  }
0x7a: {  	_ =	shalt  }
0x7b: {  	_ =	shalt  }
0x7c: {  	_ =	shalt  }
0x7d: {  	_ =	shalt  }
0x7e: {  	_ =	shalt  }
0x7f: {  	_ =	shalt  }
0x80: {  	_ =	shalt  }
0x81: {  	_ =	shalt  }
0x82: {  	_ =	shalt  }
0x83: {  	_ =	shalt  }
0x84: {  	_ =	shalt  }
0x85: {  	_ =	shalt  }
0x86: {  	_ =	shalt  }
0x87: {  	_ =	shalt  }
.Lfunc_end0:
.L_simem_size_0:
called_computation_lowered:
.L_overlay_start_0:
0x88: {  	s2 =	sld [smem:$0x3FD9]  }
0x89: {  	s3 =	sld [smem:$0x3FFE];
	_ =	sdelay $0x1  }
0x8a: {  	s1 =	srdreg.scid  }
0x8b: {  	s0 =	sand.u32 $0x1, s1  }
0x8c: {  	s18 =	sshll.u32 s0, $0xA;
	s2 =	sadd.s32 s3, s2  }
0x8d: {  	s2 =	sadd.s32 s2, s18  }
0x8e: {  	[smem:$0x3FC7] =	sst s2  }
0x8f: {  	_ = 	snop  }
0x90: {  	s2 =	sld [smem:$0x3FC9]  }
0x91: {  	s19 =	sld [smem:$0x3FD0];
	(tm) =	ssettm $0x1  }
0x92: {  	s4 =	sld [smem:$0x3FFB];
	_ =	sdelay $0x3  }
0x93: {  	_ =	strace s4  }
0x94: {  	s4 =	sld [smem:$0x3FFC];
	_ =	sdelay $0x3  }
0x95: {  	_ =	strace s4  }
0x96: {  	s4 =	sld [smem:$0x3FFD];
	_ =	sdelay $0x3  }
0x97: {  	_ =	strace s4  }
0x98: {  	_ =	strace $0x8FFFFFFF  }
0x99: {  	s20 =	sld [smem:$0x3FDB];
	_ =	sdelay $0x1  }
0x9a: {  	s5 =	simm.s32 $_scs_section_size  }
0x9b: {  	s6 =	simm.s32 $_size__tile_overlayer_lowered;
	s7 =	simm.s32 $_tile_overlayer_lowered  }
0x9c: {  	s23 =	simm.s32 $0x1BFF;
	s22 =	sshll.u32 s7, $0x1;
	s4 =	sadd.s32 s5, s20  }
0x9d: {  	s8 =	simm.s32 $0x0;
	s21 =	sshll.u32 s6, $0x1;
	s6 =	sadd.s32 s22, s4  }
0x9e: {  	[timem:s8], [sflag:s23] =	dma.local [hbm:s6], s21  }
0x9f: {  	_ =	swait.ge [sflag:s23], s21  }
0xa0: {  	s5 =	ssub.s32 $0x0, s21;
	[sflag:s23] =	ssyncset.done $0x0  }
0xa1: {  	[sflag:s23] =	ssyncadd.s32 s5;
	_ =	sdelay $0x1  }
0xa2: {  	s24 =	simm.s32 $0x1B8B  }
0xa3: {  	_ =	swait.ge [sflag:s24], $0x1  }
0xa4: {  	[sflag:s24] =	ssyncset.done $0x0  }
0xa5: {  	s25 =	simm.s32 $0x1B8E;
	[sflag:s24] =	ssyncadd.s32 $0xFFFFFFFF  }
0xa6: {  	s26 =	simm.s32 $execute0_lowered;
	[smem:$0x3FD2] =	sst s25  }
0xa7: {  	s5 =	sshll.u32 s26, $0x1;
	_ =	strace $0x80000046;
	[dreg:$0x1] =	wrdreg $0xFFFFFFFF  }
0xa8: {  	s28 =	simm.s32 $_size_execute0_lowered;
	s4 =	sadd.s32 s4, s5;
	[dreg:$0x0] =	wrdreg $0x0  }
0xa9: {  	s5 =	sshll.u32 s28, $0x1;
	[dreg:$0x2] =	wrdreg s4  }
0xaa: {  	[dreg:$0x3] =	wrdreg s5  }
0xab: {  	[dreg:$0x4] =	wrdreg $0xC0  }
0xac: {  	_ =	task [dreg:s8], $0x5FFFF  }
0xad: {  	[dreg:$0x1] =	wrdreg $0xFFFFFFFF  }
0xae: {  	[dreg:$0x0] =	wrdreg $0x60  }
0xaf: {  	[dreg:$0x2] =	wrdreg s2  }
0xb0: {  	[dreg:$0x3] =	wrdreg s19  }
0xb1: {  	[dreg:$0x4] =	wrdreg $0x110000  }
0xb2: {  	[dreg:$0x5] =	wrdreg $0x9  }
0xb3: {  	_ =	task.clear_ibuf [dreg:s8], $0x6FFFF;
	_ =	strace $0x90000046  }
0xb4: {  	s29 =	simm.s32 $0x9;
	_ =	strace $0x8000004C  }
0xb5: {  	_ =	swait.ge [sflag:s29], $0x1  }
0xb6: {  	[sflag:s29] =	ssyncadd.s32 $0xFFFFFFFF  }
0xb7: {  	_ =	strace $0x9000004C  }
0xb8: {  	_ =	sfence  }
0xb9: {  	s30 =	sld [smem:$0x0];
	_ =	sdelay $0x2  }
0xba: {  	s31 =	sshll.u32 s1, $0xD;
	s1 =	sshrl.u32 s1, $0x2  }
0xbb: {  	s3 =	sand.u32 $0x4000, s31;
	s1 =	sadd.s32 s1, s30  }
0xbc: {  	s0 =	sor.u32 s3, s0;
	s1 =	sshll.u32 s1, $0x11  }
0xbd: {  	s0 =	sor.u32 s1, s0  }
0xbe: {  	s0 =	sadd.s32 $0x8F2B, s0  }
0xbf: {  	[sflag:s0] =	ssyncadd.remote.s32 $0x1  }
0xc0: {  	_ =	sfence.sel $0xFFFF  }
0xc1: {  	[dreg:$0x0] =	wrdreg $0xFFFFFFFF;
	(pc) =	sbr.abs _section_cstart, $3  }
0xc2: {  	[dreg:$0x1] =	wrdreg $0xFFFFFFFF  }
0xc3: {  	_ =	task.clear_ibuf [dreg:s8], $0x2FFFF;
	_ =	strace $0x9FFFFFFF  }
0xc4: {  	(tm) =	ssettm $0x7FFFFFFF  }
0xc5: {  	_ =	shalt  }
tec
execute0_lowered:
.L_overlay_start_1:
0x0: {  	(tag) =	ssettag $0x1  }
0x1: {  	s0 =	rddreg [dreg:$0x0]  }
0x2: {  	s1 =	rddreg [dreg:$0x1]  }
0x3: {  	s3 =	rddreg [dreg:$0x2]  }
0x4: {  	s4 =	srdreg.scid;
	s14 =	stileid.u32  }
0x5: {  	s2 =	simm.s32 $0x0;
	s28 =	simm.f32 $1.000000000e+00;
	s29 =	simm.f32 $1.000000000e+00  }
0x6: {  	s30 =	simm.s32 $0x1;
	s31 =	simm.s32 $0x2;
	s4 =	sand.u32 $0x1, s4  }
0x7: {  	s5 =	sshrl.u32 s14, $0x2;
	s6 =	sand.u32 $0x3, s14;
	[smem:$0x7FF] =	sst s2  }
0x8: {  	s14 =	sshll.u32 s14, $0xA;
	s7 =	sshll.u32 s4, $0x11;
	s8 =	sshll.u32 s5, $0xF  }
0x9: {  	s4 =	ssub.s32 $0x2, s4;
	s9 =	sshll.u32 s6, $0xD;
	_ =	strace $0x80000047  }
0xa: {  	s14 =	sadd.s32 s14, s3;
	s5 =	sshll.u32 s5, $0xC;
	p0 =	sne.s32 s6, $0x0  }
0xb: {  	s7 =	sor.u32 s7, s8;
	s15 =	sshrl.u32 s4, $0x1;
	[dreg:$0xa] =	wrdreg s14  }
0xc: {  	s3 =	sadd.s32 s5, s3;
	s14 =	simm.f32 $1.000000000e+00;
	s5 =	simm.s32 $0x7  }
0xd: {  	s8 =	simm.s32 $0xB;
	s7 =	sor.u32 s9, s7;
	s4 =	ssub.s32 s4, s15  }
0xe: {  	[dreg:$0xb] =	wrdreg s3;
	s14 =	simm.s32 @!p0 $0x0;
	p0 =	sgt.u32 s6, $0x1  }
0xf: {  	s3 =	simm.s32 $0x5;
	s16 =	sor.u32 $0x400, s7;
	s9 =	sadd.s32 s0, s7  }
0x10: {  	s18 =	sor.u32 $0x800, s7;
	s19 =	sor.u32 $0xC00, s7;
	s11 =	sor.u32 $0x1000, s7  }
0x11: {  	s21 =	sor.u32 $0x1400, s7;
	s22 =	sor.u32 $0x1800, s7;
	s15 =	sor.u32 $0x1C00, s7  }
0x12: {  	s28 =	simm.s32 @!p0 $0x0;
	p0 =	seq.s32 s6, $0x3;
	s24 =	sadd.s32 s1, s7  }
0x13: {  	s6 =	simm.s32 $0x8;
	s7 =	simm.s32 $0x11;
	[dreg:$0x4] =	wrdreg s9  }
0x14: {  	s17 =	sadd.s32 s0, s16;
	s10 =	sadd.s32 s0, s18;
	[dreg:$0xe] =	wrdreg s24  }
0x15: {  	s12 =	sadd.s32 s0, s19;
	s20 =	sadd.s32 s0, s11;
	[dreg:$0x5] =	wrdreg s17  }
0x16: {  	s13 =	sadd.s32 s0, s21;
	s23 =	sadd.s32 s0, s22;
	[dreg:$0x6] =	wrdreg s10  }
0x17: {  	s0 =	sadd.s32 s0, s15;
	s29 =	simm.s32 @!p0 $0x0;
	[dreg:$0x7] =	wrdreg s12  }
0x18: {  	s25 =	sadd.s32 s1, s16;
	s26 =	sadd.s32 s1, s18;
	[dreg:$0x8] =	wrdreg s20  }
0x19: {  	s16 =	sadd.s32 s1, s19;
	s18 =	sadd.s32 s1, s21;
	[dreg:$0x9] =	wrdreg s13  }
0x1a: {  	s19 =	sadd.s32 s1, s22;
	s21 =	smax.u32 s4, $0x1;
	[dreg:$0xc] =	wrdreg s23  }
0x1b: {  	s4 =	simm.s32 $0x6;
	s22 =	simm.s32 $0x9;
	[dreg:$0xd] =	wrdreg s0  }
0x1c: {  	s24 =	simm.s32 $0xC;
	v1 =	vmov s28;
	s28 =	simm.s32 $0xF;
	[dreg:$0xf] =	wrdreg s25  }
0x1d: {  	s9 =	simm.s32 $0x10;
	[dreg:$0x10] =	wrdreg s26;
	s17 =	sadd.s32 s1, s11  }
0x1e: {  	s20 =	sadd.s32 s1, s15;
	s15 =	simm.s32 $0x2000;
	s12 =	simm.s32 $0xE000  }
0x1f: {  	s0 =	simm.s32 $0x3;
	s1 =	simm.s32 $0x4;
	s23 =	simm.s32 $0xA  }
0x20: {  	v3 =	vimm.s32 $0xF;
	v0 =	vmov s14;
	s25 =	simm.s32 $0xD;
	s26 =	simm.s32 $0xE;
	v2 =	vmov s29;
	s29 =	simm.s32 $0x0  }
.LBB2_1:
0x21: {  	s10 =	rddreg [dreg:$0x4]  }
0x22: {  	[tilespmem:s2], [sflag:$0x1] =	stream.linear.gather [hbm4b:s10+s2], $0x2000, $0x38;
	[tilespmem:$0x11400] =	vst v63  }
0x23: {  	s11 =	rddreg [dreg:$0x5]  }
0x24: {  	[tilespmem:s15], [sflag:$0x2] =	stream.linear.gather [hbm4b:s11+s2], $0x2000, $0x38;
	[tilespmem:$0x11400] =	vst v63  }
0x25: {  	s13 =	rddreg [dreg:$0x6];
	s11 =	simm.s32 $0x4000  }
0x26: {  	[tilespmem:s11], [sflag:$0x3] =	stream.linear.gather [hbm4b:s13+s2], $0x2000, $0x38;
	[tilespmem:$0x11400] =	vst v63  }
0x27: {  	s14 =	rddreg [dreg:$0x7];
	s15 =	simm.s32 $0x6000  }
0x28: {  	[tilespmem:s15], [sflag:$0x4] =	stream.linear.gather [hbm4b:s14+s2], $0x2000, $0x38;
	[tilespmem:$0x11400] =	vst v63  }
0x29: {  	s11 =	rddreg [dreg:$0x8];
	s13 =	simm.s32 $0x8000  }
0x2a: {  	[tilespmem:s13], [sflag:$0x5] =	stream.linear.gather [hbm4b:s11+s2], $0x2000, $0x38;
	[tilespmem:$0x11400] =	vst v63  }
0x2b: {  	s14 =	rddreg [dreg:$0x9];
	s15 =	simm.s32 $0xA000  }
0x2c: {  	[tilespmem:s15], [sflag:$0x6] =	stream.linear.gather [hbm4b:s14+s2], $0x2000, $0x38;
	[tilespmem:$0x11400] =	vst v63  }
0x2d: {  	s13 =	rddreg [dreg:$0xc];
	s14 =	simm.s32 $0xC000  }
0x2e: {  	[tilespmem:s14], [sflag:$0x7] =	stream.linear.gather [hbm4b:s13+s2], $0x2000, $0x38;
	[tilespmem:$0x11400] =	vst v63  }
0x2f: {  	s15 =	rddreg [dreg:$0xd]  }
0x30: {  	[tilespmem:s12], [sflag:$0x8] =	stream.linear.gather [hbm4b:s15+s2], $0x2000, $0x38;
	[tilespmem:$0x11400] =	vst v63  }
0x31: {  	_ =	strace $0x80000048  }
0x32: {  	_ =	swait.ge [sflag:s30], $0x2000  }
0x33: {  	s11 =	sor.u32 s2, s2;
	s14 =	sand.u32 $0x1C00, s2;
	[sflag:s30] =	ssyncset.done $0x0  }
0x34: {  	s13 =	sor.u32 $0x380, s11;
	s12 =	sand.u32 $0x70, s2;
	[sflag:s30] =	ssyncadd.s32 $0xFFFFE000  }
0x35: {  	s10 =	sor.u32 s12, s14;
	v4 =	vld [tilespmem:s13+$0x0]  }
0x36: {  	v5 =	vld [tilespmem:s10+$0x0]  }
0x37: {  	v11 =	vld [tilespmem:s10+$0x80]  }
0x38: {  	v10 =	vld [tilespmem:s10+$0x100]  }
0x39: {  	v6 =	vimm.f32 $0.0e+00;
	v9 =	vimm.f32 $0.0e+00;
	s11 =	simm.s32 $0x80;
	v8 =	vld [tilespmem:s10+$0x180]  }
0x3a: {  	v7 =	vimm.f32 $0.0e+00;
	v14 =	vimm.f32 $0.0e+00;
	v12 =	vimm.f32 $0.0e+00;
	s15 =	simm.s32 $0x10;
	s14 =	sand.u32 $0x1C00, s11;
	v15 =	vld [tilespmem:s10+$0x200]  }
0x3b: {  	v13 =	vimm.f32 $0.0e+00;
	s12 =	simm.s32 $0x20;
	s13 =	sand.u32 $0x70, s15;
	s15 =	sor.u32 s11, s15;
	v16 =	vld [tilespmem:s10+$0x280];
	v4 =	vadd.f32 v4, v6;
	v5 =	vadd.f32 v5, v6  }
.LBB2_2:
0x3c: {  	p0 =	sne.s32 s12, $0x3F0;
	s15 =	sor.u32 $0x380, s15;
	v6 =	vadd.f32 v11, v6;
	v17 =	vld [tilespmem:s10+$0x300];
	s10 =	sor.u32 s13, s14  }
0x3d: {  	v18 =	vld [tilespmem:s15+$0x0];
	v9 =	vadd.f32 v10, v9  }
0x3e: {  	v19 =	vld [tilespmem:s10+$0x0];
	v7 =	vadd.f32 v8, v7  }
.Ltmp0:
0x3f: {  	v11 =	vld [tilespmem:s10+$0x80];
	v14 =	vadd.f32 v15, v14;
	(pc) =	sbr.rel @p0 .LBB2_2-.Ltmp0, $4  }
0x40: {  	v10 =	vld [tilespmem:s10+$0x100];
	v12 =	vadd.f32 v16, v12  }
0x41: {  	v8 =	vld [tilespmem:s10+$0x180];
	v13 =	vadd.f32 v17, v13  }
0x42: {  	s13 =	sand.u32 $0x70, s12;
	s11 =	sadd.s32 $0x80, s11;
	v15 =	vld [tilespmem:s10+$0x200];
	v4 =	vadd.f32 v18, v4  }
0x43: {  	s14 =	sand.u32 $0x1C00, s11;
	s15 =	sor.u32 s11, s12;
	s12 =	sadd.s32 $0x10, s12;
	v5 =	vadd.f32 v19, v5;
	v16 =	vld [tilespmem:s10+$0x280]  }
0x44: {  	s11 =	sor.u32 $0x380, s15;
	v17 =	vld [tilespmem:s10+$0x300]  }
0x45: {  	s13 =	sor.u32 s13, s14;
	v18 =	vld [tilespmem:s11+$0x0]  }
0x46: {  	v19 =	vld [tilespmem:s13+$0x0]  }
0x47: {  	v20 =	vld [tilespmem:s13+$0x80]  }
0x48: {  	v21 =	vld [tilespmem:s13+$0x100]  }
0x49: {  	v22 =	vld [tilespmem:s13+$0x180]  }
0x4a: {  	v23 =	vld [tilespmem:s13+$0x200]  }
0x4b: {  	v24 =	vld [tilespmem:s13+$0x280]  }
0x4c: {  	s14 =	simm.s32 $0x0;
	v25 =	vld [tilespmem:s13+$0x300];
	_ =	swait.ge [sflag:s31], $0x2000  }
0x4d: {  	s15 =	sand.u32 $0x70, s14;
	s10 =	sand.u32 $0x1C00, s14;
	[sflag:s31] =	ssyncset.done $0x0  }
0x4e: {  	v6 =	vadd.f32 v11, v6;
	v9 =	vadd.f32 v10, v9;
	s10 =	sor.u32 s15, s10;
	[sflag:s31] =	ssyncadd.s32 $0xFFFFE000  }
0x4f: {  	v7 =	vadd.f32 v8, v7;
	v10 =	vadd.f32 v15, v14;
	v11 =	vld [tilespmem:s10+$0x2380]  }
0x50: {  	v15 =	vadd.f32 v16, v12;
	v16 =	vadd.f32 v17, v13;
	v17 =	vld [tilespmem:s10+$0x2000]  }
0x51: {  	v12 =	vld [tilespmem:s10+$0x2080];
	v18 =	vadd.f32 v18, v4;
	v19 =	vadd.f32 v19, v5  }
0x52: {  	v13 =	vld [tilespmem:s10+$0x2100];
	v8 =	vadd.f32 v20, v6;
	v9 =	vadd.f32 v21, v9  }
0x53: {  	v14 =	vld [tilespmem:s10+$0x2180];
	v4 =	vadd.f32 v22, v7;
	v5 =	vadd.f32 v23, v10  }
0x54: {  	s12 =	simm.s32 $0x10;
	s11 =	simm.s32 $0x80;
	v6 =	vadd.f32 v24, v15;
	v15 =	vld [tilespmem:s10+$0x2200];
	v7 =	vadd.f32 v25, v16  }
0x55: {  	s13 =	sand.u32 $0x70, s12;
	s12 =	simm.s32 $0x20;
	s14 =	sand.u32 $0x1C00, s11;
	v16 =	vld [tilespmem:s10+$0x2280];
	v10 =	vadd.f32 v11, v18;
	v11 =	vadd.f32 v17, v19  }
.LBB2_4:
0x56: {  	p0 =	sne.s32 s12, $0x3F0;
	v8 =	vadd.f32 v12, v8;
	v17 =	vld [tilespmem:s10+$0x2300];
	s10 =	sor.u32 s13, s14  }
0x57: {  	v18 =	vld [tilespmem:s10+$0x2380];
	v9 =	vadd.f32 v13, v9  }
0x58: {  	v19 =	vld [tilespmem:s10+$0x2000];
	v4 =	vadd.f32 v14, v4  }
.Ltmp1:
0x59: {  	v12 =	vld [tilespmem:s10+$0x2080];
	v5 =	vadd.f32 v15, v5;
	(pc) =	sbr.rel @p0 .LBB2_4-.Ltmp1, $4  }
0x5a: {  	v13 =	vld [tilespmem:s10+$0x2100];
	v6 =	vadd.f32 v16, v6  }
0x5b: {  	v14 =	vld [tilespmem:s10+$0x2180];
	v7 =	vadd.f32 v17, v7  }
0x5c: {  	s11 =	sadd.s32 $0x80, s11;
	v15 =	vld [tilespmem:s10+$0x2200];
	v10 =	vadd.f32 v18, v10  }
0x5d: {  	s13 =	sand.u32 $0x70, s12;
	s12 =	sadd.s32 $0x10, s12;
	s14 =	sand.u32 $0x1C00, s11;
	v11 =	vadd.f32 v19, v11;
	v16 =	vld [tilespmem:s10+$0x2280]  }
0x5e: {  	s11 =	sor.u32 s13, s14;
	v17 =	vld [tilespmem:s10+$0x2300]  }
0x5f: {  	v18 =	vld [tilespmem:s11+$0x2380]  }
0x60: {  	v19 =	vld [tilespmem:s11+$0x2000]  }
0x61: {  	v20 =	vld [tilespmem:s11+$0x2080]  }
0x62: {  	v21 =	vld [tilespmem:s11+$0x2100]  }
0x63: {  	v22 =	vld [tilespmem:s11+$0x2180]  }
0x64: {  	v23 =	vld [tilespmem:s11+$0x2200]  }
0x65: {  	v24 =	vld [tilespmem:s11+$0x2280]  }
0x66: {  	s14 =	simm.s32 $0x0;
	v25 =	vld [tilespmem:s11+$0x2300];
	_ =	swait.ge [sflag:s0], $0x2000  }
0x67: {  	s15 =	sand.u32 $0x70, s14;
	s10 =	sand.u32 $0x1C00, s14;
	[sflag:s0] =	ssyncset.done $0x0  }
0x68: {  	v8 =	vadd.f32 v12, v8;
	v9 =	vadd.f32 v13, v9;
	s10 =	sor.u32 s15, s10;
	[sflag:s0] =	ssyncadd.s32 $0xFFFFE000  }
0x69: {  	v4 =	vadd.f32 v14, v4;
	v5 =	vadd.f32 v15, v5;
	v26 =	vld [tilespmem:s10+$0x4380]  }
0x6a: {  	v6 =	vadd.f32 v16, v6;
	v16 =	vld [tilespmem:s10+$0x4000];
	v7 =	vadd.f32 v17, v7  }
0x6b: {  	v12 =	vld [tilespmem:s10+$0x4080];
	v10 =	vadd.f32 v18, v10;
	v11 =	vadd.f32 v19, v11  }
0x6c: {  	v13 =	vld [tilespmem:s10+$0x4100];
	v8 =	vadd.f32 v20, v8;
	v9 =	vadd.f32 v21, v9  }
0x6d: {  	s12 =	simm.s32 $0x10;
	v14 =	vld [tilespmem:s10+$0x4180];
	v4 =	vadd.f32 v22, v4;
	v5 =	vadd.f32 v23, v5  }
0x6e: {  	s11 =	simm.s32 $0x80;
	s13 =	sand.u32 $0x70, s12;
	v15 =	vld [tilespmem:s10+$0x4200];
	v6 =	vadd.f32 v24, v6;
	v7 =	vadd.f32 v25, v7  }
0x6f: {  	s12 =	simm.s32 $0x20;
	s14 =	sand.u32 $0x1C00, s11;
	s15 =	simm.s32 $0x2000;
	v10 =	vadd.f32 v26, v10;
	v11 =	vadd.f32 v16, v11;
	v16 =	vld [tilespmem:s10+$0x4280]  }
.LBB2_6:
0x70: {  	p0 =	sne.s32 s12, $0x3F0;
	v8 =	vadd.f32 v12, v8;
	v17 =	vld [tilespmem:s10+$0x4300];
	s10 =	sor.u32 s13, s14  }
0x71: {  	v18 =	vld [tilespmem:s10+$0x4380];
	v9 =	vadd.f32 v13, v9  }
0x72: {  	v19 =	vld [tilespmem:s10+$0x4000];
	v4 =	vadd.f32 v14, v4  }
.Ltmp2:
0x73: {  	v12 =	vld [tilespmem:s10+$0x4080];
	v5 =	vadd.f32 v15, v5;
	(pc) =	sbr.rel @p0 .LBB2_6-.Ltmp2, $4  }
0x74: {  	v13 =	vld [tilespmem:s10+$0x4100];
	v6 =	vadd.f32 v16, v6  }
0x75: {  	v14 =	vld [tilespmem:s10+$0x4180];
	v7 =	vadd.f32 v17, v7  }
0x76: {  	s11 =	sadd.s32 $0x80, s11;
	v15 =	vld [tilespmem:s10+$0x4200];
	v10 =	vadd.f32 v18, v10  }
0x77: {  	s13 =	sand.u32 $0x70, s12;
	s12 =	sadd.s32 $0x10, s12;
	s14 =	sand.u32 $0x1C00, s11;
	v11 =	vadd.f32 v19, v11;
	v16 =	vld [tilespmem:s10+$0x4280]  }
0x78: {  	s11 =	sor.u32 s13, s14;
	v17 =	vld [tilespmem:s10+$0x4300]  }
0x79: {  	v18 =	vld [tilespmem:s11+$0x4380]  }
0x7a: {  	v19 =	vld [tilespmem:s11+$0x4000]  }
0x7b: {  	v20 =	vld [tilespmem:s11+$0x4080]  }
0x7c: {  	v21 =	vld [tilespmem:s11+$0x4100]  }
0x7d: {  	v22 =	vld [tilespmem:s11+$0x4180]  }
0x7e: {  	v23 =	vld [tilespmem:s11+$0x4200]  }
0x7f: {  	v24 =	vld [tilespmem:s11+$0x4280]  }
0x80: {  	s13 =	simm.s32 $0x0;
	v25 =	vld [tilespmem:s11+$0x4300];
	_ =	swait.ge [sflag:s1], $0x2000  }
0x81: {  	s14 =	sand.u32 $0x70, s13;
	s10 =	sand.u32 $0x1C00, s13;
	[sflag:s1] =	ssyncset.done $0x0  }
0x82: {  	v8 =	vadd.f32 v12, v8;
	v9 =	vadd.f32 v13, v9;
	s10 =	sor.u32 s14, s10;
	[sflag:s1] =	ssyncadd.s32 $0xFFFFE000  }
0x83: {  	v4 =	vadd.f32 v14, v4;
	v5 =	vadd.f32 v15, v5;
	v26 =	vld [tilespmem:s10+$0x6380]  }
0x84: {  	v6 =	vadd.f32 v16, v6;
	v16 =	vld [tilespmem:s10+$0x6000];
	v7 =	vadd.f32 v17, v7  }
0x85: {  	v12 =	vld [tilespmem:s10+$0x6080];
	v10 =	vadd.f32 v18, v10;
	v11 =	vadd.f32 v19, v11  }
0x86: {  	v13 =	vld [tilespmem:s10+$0x6100];
	v8 =	vadd.f32 v20, v8;
	v9 =	vadd.f32 v21, v9  }
0x87: {  	v14 =	vld [tilespmem:s10+$0x6180];
	v4 =	vadd.f32 v22, v4;
	v5 =	vadd.f32 v23, v5  }
0x88: {  	s12 =	simm.s32 $0x10;
	s11 =	simm.s32 $0x80;
	v15 =	vld [tilespmem:s10+$0x6200];
	v6 =	vadd.f32 v24, v6;
	v7 =	vadd.f32 v25, v7  }
0x89: {  	s13 =	sand.u32 $0x70, s12;
	s12 =	simm.s32 $0x20;
	s14 =	sand.u32 $0x1C00, s11;
	v10 =	vadd.f32 v26, v10;
	v11 =	vadd.f32 v16, v11;
	v16 =	vld [tilespmem:s10+$0x6280]  }
.LBB2_8:
0x8a: {  	p0 =	sne.s32 s12, $0x3F0;
	v8 =	vadd.f32 v12, v8;
	v17 =	vld [tilespmem:s10+$0x6300];
	s10 =	sor.u32 s13, s14  }
0x8b: {  	v18 =	vld [tilespmem:s10+$0x6380];
	v9 =	vadd.f32 v13, v9  }
0x8c: {  	v19 =	vld [tilespmem:s10+$0x6000];
	v4 =	vadd.f32 v14, v4  }
.Ltmp3:
0x8d: {  	v12 =	vld [tilespmem:s10+$0x6080];
	v5 =	vadd.f32 v15, v5;
	(pc) =	sbr.rel @p0 .LBB2_8-.Ltmp3, $4  }
0x8e: {  	v13 =	vld [tilespmem:s10+$0x6100];
	v6 =	vadd.f32 v16, v6  }
0x8f: {  	v14 =	vld [tilespmem:s10+$0x6180];
	v7 =	vadd.f32 v17, v7  }
0x90: {  	s11 =	sadd.s32 $0x80, s11;
	v15 =	vld [tilespmem:s10+$0x6200];
	v10 =	vadd.f32 v18, v10  }
0x91: {  	s13 =	sand.u32 $0x70, s12;
	s12 =	sadd.s32 $0x10, s12;
	s14 =	sand.u32 $0x1C00, s11;
	v11 =	vadd.f32 v19, v11;
	v16 =	vld [tilespmem:s10+$0x6280]  }
0x92: {  	s11 =	sor.u32 s13, s14;
	v17 =	vld [tilespmem:s10+$0x6300]  }
0x93: {  	v18 =	vld [tilespmem:s11+$0x6380]  }
0x94: {  	v19 =	vld [tilespmem:s11+$0x6000]  }
0x95: {  	v20 =	vld [tilespmem:s11+$0x6080]  }
0x96: {  	v21 =	vld [tilespmem:s11+$0x6100]  }
0x97: {  	v22 =	vld [tilespmem:s11+$0x6180]  }
0x98: {  	v23 =	vld [tilespmem:s11+$0x6200]  }
0x99: {  	v24 =	vld [tilespmem:s11+$0x6280]  }
0x9a: {  	s13 =	simm.s32 $0x0;
	v25 =	vld [tilespmem:s11+$0x6300];
	_ =	swait.ge [sflag:s3], $0x2000  }
0x9b: {  	s14 =	sand.u32 $0x70, s13;
	s10 =	sand.u32 $0x1C00, s13;
	[sflag:s3] =	ssyncset.done $0x0  }
0x9c: {  	v8 =	vadd.f32 v12, v8;
	v9 =	vadd.f32 v13, v9;
	s10 =	sor.u32 s14, s10;
	[sflag:s3] =	ssyncadd.s32 $0xFFFFE000  }
0x9d: {  	v4 =	vadd.f32 v14, v4;
	v5 =	vadd.f32 v15, v5;
	v26 =	vld [tilespmem:s10+$0x8380]  }
0x9e: {  	v6 =	vadd.f32 v16, v6;
	v16 =	vld [tilespmem:s10+$0x8000];
	v7 =	vadd.f32 v17, v7  }
0x9f: {  	v12 =	vld [tilespmem:s10+$0x8080];
	v10 =	vadd.f32 v18, v10;
	v11 =	vadd.f32 v19, v11  }
0xa0: {  	v13 =	vld [tilespmem:s10+$0x8100];
	v8 =	vadd.f32 v20, v8;
	v9 =	vadd.f32 v21, v9  }
0xa1: {  	v14 =	vld [tilespmem:s10+$0x8180];
	v4 =	vadd.f32 v22, v4;
	v5 =	vadd.f32 v23, v5  }
0xa2: {  	s12 =	simm.s32 $0x10;
	s11 =	simm.s32 $0x80;
	v15 =	vld [tilespmem:s10+$0x8200];
	v6 =	vadd.f32 v24, v6;
	v7 =	vadd.f32 v25, v7  }
0xa3: {  	s13 =	sand.u32 $0x70, s12;
	s12 =	simm.s32 $0x20;
	s14 =	sand.u32 $0x1C00, s11;
	v10 =	vadd.f32 v26, v10;
	v11 =	vadd.f32 v16, v11;
	v16 =	vld [tilespmem:s10+$0x8280]  }
.LBB2_10:
0xa4: {  	p0 =	sne.s32 s12, $0x3F0;
	v8 =	vadd.f32 v12, v8;
	v17 =	vld [tilespmem:s10+$0x8300];
	s10 =	sor.u32 s13, s14  }
0xa5: {  	v18 =	vld [tilespmem:s10+$0x8380];
	v9 =	vadd.f32 v13, v9  }
0xa6: {  	v19 =	vld [tilespmem:s10+$0x8000];
	v4 =	vadd.f32 v14, v4  }
.Ltmp4:
0xa7: {  	v12 =	vld [tilespmem:s10+$0x8080];
	v5 =	vadd.f32 v15, v5;
	(pc) =	sbr.rel @p0 .LBB2_10-.Ltmp4, $4  }
0xa8: {  	v13 =	vld [tilespmem:s10+$0x8100];
	v6 =	vadd.f32 v16, v6  }
0xa9: {  	v14 =	vld [tilespmem:s10+$0x8180];
	v7 =	vadd.f32 v17, v7  }
0xaa: {  	s11 =	sadd.s32 $0x80, s11;
	v15 =	vld [tilespmem:s10+$0x8200];
	v10 =	vadd.f32 v18, v10  }
0xab: {  	s13 =	sand.u32 $0x70, s12;
	s12 =	sadd.s32 $0x10, s12;
	s14 =	sand.u32 $0x1C00, s11;
	v11 =	vadd.f32 v19, v11;
	v16 =	vld [tilespmem:s10+$0x8280]  }
0xac: {  	s11 =	sor.u32 s13, s14;
	v17 =	vld [tilespmem:s10+$0x8300]  }
0xad: {  	v18 =	vld [tilespmem:s11+$0x8380]  }
0xae: {  	v19 =	vld [tilespmem:s11+$0x8000]  }
0xaf: {  	v20 =	vld [tilespmem:s11+$0x8080]  }
0xb0: {  	v21 =	vld [tilespmem:s11+$0x8100]  }
0xb1: {  	v22 =	vld [tilespmem:s11+$0x8180]  }
0xb2: {  	v23 =	vld [tilespmem:s11+$0x8200]  }
0xb3: {  	v24 =	vld [tilespmem:s11+$0x8280]  }
0xb4: {  	s13 =	simm.s32 $0x0;
	v25 =	vld [tilespmem:s11+$0x8300];
	_ =	swait.ge [sflag:s4], $0x2000  }
0xb5: {  	s14 =	sand.u32 $0x70, s13;
	s10 =	sand.u32 $0x1C00, s13;
	[sflag:s4] =	ssyncset.done $0x0  }
0xb6: {  	v8 =	vadd.f32 v12, v8;
	v9 =	vadd.f32 v13, v9;
	s10 =	sor.u32 s14, s10;
	[sflag:s4] =	ssyncadd.s32 $0xFFFFE000  }
0xb7: {  	v4 =	vadd.f32 v14, v4;
	v5 =	vadd.f32 v15, v5;
	v26 =	vld [tilespmem:s10+$0xA380]  }
0xb8: {  	v6 =	vadd.f32 v16, v6;
	v16 =	vld [tilespmem:s10+$0xA000];
	v7 =	vadd.f32 v17, v7  }
0xb9: {  	v12 =	vld [tilespmem:s10+$0xA080];
	v10 =	vadd.f32 v18, v10;
	v11 =	vadd.f32 v19, v11  }
0xba: {  	v13 =	vld [tilespmem:s10+$0xA100];
	v8 =	vadd.f32 v20, v8;
	v9 =	vadd.f32 v21, v9  }
0xbb: {  	v14 =	vld [tilespmem:s10+$0xA180];
	v4 =	vadd.f32 v22, v4;
	v5 =	vadd.f32 v23, v5  }
0xbc: {  	s12 =	simm.s32 $0x10;
	s11 =	simm.s32 $0x80;
	v15 =	vld [tilespmem:s10+$0xA200];
	v6 =	vadd.f32 v24, v6;
	v7 =	vadd.f32 v25, v7  }
0xbd: {  	s13 =	sand.u32 $0x70, s12;
	s12 =	simm.s32 $0x20;
	s14 =	sand.u32 $0x1C00, s11;
	v10 =	vadd.f32 v26, v10;
	v11 =	vadd.f32 v16, v11;
	v16 =	vld [tilespmem:s10+$0xA280]  }
.LBB2_12:
0xbe: {  	p0 =	sne.s32 s12, $0x3F0;
	v8 =	vadd.f32 v12, v8;
	v17 =	vld [tilespmem:s10+$0xA300];
	s10 =	sor.u32 s13, s14  }
0xbf: {  	v18 =	vld [tilespmem:s10+$0xA380];
	v9 =	vadd.f32 v13, v9  }
0xc0: {  	v19 =	vld [tilespmem:s10+$0xA000];
	v4 =	vadd.f32 v14, v4  }
.Ltmp5:
0xc1: {  	v12 =	vld [tilespmem:s10+$0xA080];
	v5 =	vadd.f32 v15, v5;
	(pc) =	sbr.rel @p0 .LBB2_12-.Ltmp5, $4  }
0xc2: {  	v13 =	vld [tilespmem:s10+$0xA100];
	v6 =	vadd.f32 v16, v6  }
0xc3: {  	v14 =	vld [tilespmem:s10+$0xA180];
	v7 =	vadd.f32 v17, v7  }
0xc4: {  	s11 =	sadd.s32 $0x80, s11;
	v15 =	vld [tilespmem:s10+$0xA200];
	v10 =	vadd.f32 v18, v10  }
0xc5: {  	s13 =	sand.u32 $0x70, s12;
	s12 =	sadd.s32 $0x10, s12;
	s14 =	sand.u32 $0x1C00, s11;
	v11 =	vadd.f32 v19, v11;
	v16 =	vld [tilespmem:s10+$0xA280]  }
0xc6: {  	s11 =	sor.u32 s13, s14;
	v17 =	vld [tilespmem:s10+$0xA300]  }
0xc7: {  	v18 =	vld [tilespmem:s11+$0xA380]  }
0xc8: {  	v19 =	vld [tilespmem:s11+$0xA000]  }
0xc9: {  	v20 =	vld [tilespmem:s11+$0xA080]  }
0xca: {  	v21 =	vld [tilespmem:s11+$0xA100]  }
0xcb: {  	v22 =	vld [tilespmem:s11+$0xA180]  }
0xcc: {  	v23 =	vld [tilespmem:s11+$0xA200]  }
0xcd: {  	v24 =	vld [tilespmem:s11+$0xA280]  }
0xce: {  	s13 =	simm.s32 $0x0;
	v25 =	vld [tilespmem:s11+$0xA300];
	_ =	swait.ge [sflag:s5], $0x2000  }
0xcf: {  	s14 =	sand.u32 $0x70, s13;
	s10 =	sand.u32 $0x1C00, s13;
	[sflag:s5] =	ssyncset.done $0x0  }
0xd0: {  	v8 =	vadd.f32 v12, v8;
	v9 =	vadd.f32 v13, v9;
	s10 =	sor.u32 s14, s10;
	[sflag:s5] =	ssyncadd.s32 $0xFFFFE000  }
0xd1: {  	v4 =	vadd.f32 v14, v4;
	v5 =	vadd.f32 v15, v5;
	v26 =	vld [tilespmem:s10+$0xC380]  }
0xd2: {  	v6 =	vadd.f32 v16, v6;
	v16 =	vld [tilespmem:s10+$0xC000];
	v7 =	vadd.f32 v17, v7  }
0xd3: {  	v12 =	vld [tilespmem:s10+$0xC080];
	v10 =	vadd.f32 v18, v10;
	v11 =	vadd.f32 v19, v11  }
0xd4: {  	v13 =	vld [tilespmem:s10+$0xC100];
	v8 =	vadd.f32 v20, v8;
	v9 =	vadd.f32 v21, v9  }
0xd5: {  	v14 =	vld [tilespmem:s10+$0xC180];
	v4 =	vadd.f32 v22, v4;
	v5 =	vadd.f32 v23, v5  }
0xd6: {  	s12 =	simm.s32 $0x10;
	s11 =	simm.s32 $0x80;
	v15 =	vld [tilespmem:s10+$0xC200];
	v6 =	vadd.f32 v24, v6;
	v7 =	vadd.f32 v25, v7  }
0xd7: {  	s13 =	sand.u32 $0x70, s12;
	s12 =	simm.s32 $0x20;
	s14 =	sand.u32 $0x1C00, s11;
	v10 =	vadd.f32 v26, v10;
	v11 =	vadd.f32 v16, v11;
	v16 =	vld [tilespmem:s10+$0xC280]  }
.LBB2_14:
0xd8: {  	p0 =	sne.s32 s12, $0x3F0;
	v8 =	vadd.f32 v12, v8;
	v17 =	vld [tilespmem:s10+$0xC300];
	s10 =	sor.u32 s13, s14  }
0xd9: {  	v18 =	vld [tilespmem:s10+$0xC380];
	v9 =	vadd.f32 v13, v9  }
0xda: {  	v19 =	vld [tilespmem:s10+$0xC000];
	v4 =	vadd.f32 v14, v4  }
.Ltmp6:
0xdb: {  	v12 =	vld [tilespmem:s10+$0xC080];
	v5 =	vadd.f32 v15, v5;
	(pc) =	sbr.rel @p0 .LBB2_14-.Ltmp6, $4  }
0xdc: {  	v13 =	vld [tilespmem:s10+$0xC100];
	v6 =	vadd.f32 v16, v6  }
0xdd: {  	v14 =	vld [tilespmem:s10+$0xC180];
	v7 =	vadd.f32 v17, v7  }
0xde: {  	s11 =	sadd.s32 $0x80, s11;
	v15 =	vld [tilespmem:s10+$0xC200];
	v10 =	vadd.f32 v18, v10  }
0xdf: {  	s13 =	sand.u32 $0x70, s12;
	s12 =	sadd.s32 $0x10, s12;
	s14 =	sand.u32 $0x1C00, s11;
	v11 =	vadd.f32 v19, v11;
	v16 =	vld [tilespmem:s10+$0xC280]  }
0xe0: {  	s11 =	sor.u32 s13, s14;
	v17 =	vld [tilespmem:s10+$0xC300]  }
0xe1: {  	v18 =	vld [tilespmem:s11+$0xC380]  }
0xe2: {  	v19 =	vld [tilespmem:s11+$0xC000]  }
0xe3: {  	v20 =	vld [tilespmem:s11+$0xC080]  }
0xe4: {  	v21 =	vld [tilespmem:s11+$0xC100]  }
0xe5: {  	v22 =	vld [tilespmem:s11+$0xC180]  }
0xe6: {  	v23 =	vld [tilespmem:s11+$0xC200]  }
0xe7: {  	v24 =	vld [tilespmem:s11+$0xC280]  }
0xe8: {  	s13 =	simm.s32 $0x0;
	v25 =	vld [tilespmem:s11+$0xC300];
	_ =	swait.ge [sflag:s6], $0x2000  }
0xe9: {  	s14 =	sand.u32 $0x70, s13;
	s10 =	sand.u32 $0x1C00, s13;
	[sflag:s6] =	ssyncset.done $0x0  }
0xea: {  	v8 =	vadd.f32 v12, v8;
	v9 =	vadd.f32 v13, v9;
	s10 =	sor.u32 s14, s10;
	[sflag:s6] =	ssyncadd.s32 $0xFFFFE000  }
0xeb: {  	v4 =	vadd.f32 v14, v4;
	v5 =	vadd.f32 v15, v5;
	v15 =	vld [tilespmem:s10+$0xE380]  }
0xec: {  	v6 =	vadd.f32 v16, v6;
	v16 =	vld [tilespmem:s10+$0xE000];
	v14 =	vadd.f32 v17, v7  }
0xed: {  	v13 =	vld [tilespmem:s10+$0xE080];
	v17 =	vadd.f32 v18, v10;
	v18 =	vadd.f32 v19, v11  }
0xee: {  	v10 =	vadd.f32 v20, v8;
	v9 =	vadd.f32 v21, v9;
	v11 =	vld [tilespmem:s10+$0xE100]  }
0xef: {  	v12 =	vld [tilespmem:s10+$0xE180];
	v8 =	vadd.f32 v22, v4;
	v7 =	vadd.f32 v23, v5  }
0xf0: {  	s12 =	simm.s32 $0x10;
	s11 =	simm.s32 $0x80;
	v6 =	vadd.f32 v24, v6;
	v5 =	vadd.f32 v25, v14;
	v14 =	vld [tilespmem:s10+$0xE200]  }
0xf1: {  	s13 =	sand.u32 $0x70, s12;
	s12 =	simm.s32 $0x20;
	s14 =	sand.u32 $0x1C00, s11;
	v4 =	vadd.f32 v15, v17;
	v15 =	vadd.f32 v16, v18;
	v16 =	vld [tilespmem:s10+$0xE280]  }
.LBB2_16:
0xf2: {  	p0 =	sne.s32 s12, $0x3F0;
	v10 =	vadd.f32 v13, v10;
	v17 =	vld [tilespmem:s10+$0xE300];
	s10 =	sor.u32 s13, s14  }
0xf3: {  	v18 =	vld [tilespmem:s10+$0xE380];
	v9 =	vadd.f32 v11, v9  }
0xf4: {  	v19 =	vld [tilespmem:s10+$0xE000];
	v8 =	vadd.f32 v12, v8  }
.Ltmp7:
0xf5: {  	v13 =	vld [tilespmem:s10+$0xE080];
	v7 =	vadd.f32 v14, v7;
	(pc) =	sbr.rel @p0 .LBB2_16-.Ltmp7, $4  }
0xf6: {  	v11 =	vld [tilespmem:s10+$0xE100];
	v6 =	vadd.f32 v16, v6  }
0xf7: {  	v12 =	vld [tilespmem:s10+$0xE180];
	v5 =	vadd.f32 v17, v5  }
0xf8: {  	s11 =	sadd.s32 $0x80, s11;
	v14 =	vld [tilespmem:s10+$0xE200];
	v4 =	vadd.f32 v18, v4  }
0xf9: {  	s13 =	sand.u32 $0x70, s12;
	s12 =	sadd.s32 $0x10, s12;
	s14 =	sand.u32 $0x1C00, s11;
	v15 =	vadd.f32 v19, v15;
	v16 =	vld [tilespmem:s10+$0xE280]  }
0xfa: {  	s11 =	sor.u32 s13, s14;
	v17 =	vld [tilespmem:s10+$0xE300]  }
0xfb: {  	v18 =	vld [tilespmem:s11+$0xE380]  }
0xfc: {  	v19 =	vld [tilespmem:s11+$0xE000]  }
0xfd: {  	v20 =	vld [tilespmem:s11+$0xE080]  }
0xfe: {  	v21 =	vld [tilespmem:s11+$0xE100]  }
0xff: {  	v22 =	vld [tilespmem:s11+$0xE180]  }
0x100: {  	v23 =	vld [tilespmem:s11+$0xE200]  }
0x101: {  	v10 =	vadd.f32 v13, v10;
	v24 =	vld [tilespmem:s11+$0xE280]  }
0x102: {  	v36 =	vld [tilespmem:s11+$0xE300];
	v9 =	vadd.f32 v11, v9;
	_ =	strace $0x90000048;
	v11 =	vadd.f32 v19, v15  }
0x103: {  	v8 =	vadd.f32 v12, v8;
	_ =	strace $0x80000049;
	v10 =	vadd.f32 v20, v10  }
0x104: {  	v7 =	vadd.f32 v14, v7;
	v9 =	vadd.f32 v21, v9;
	(xrf2) =	vadd.scan.msk.f32 $0xffff, v11  }
0x105: {  	v6 =	vadd.f32 v16, v6;
	v8 =	vadd.f32 v22, v8;
	(xrf2) =	vadd.scan.msk.f32 $0xffff, v10  }
0x106: {  	v5 =	vadd.f32 v17, v5;
	v7 =	vadd.f32 v23, v7;
	(xrf2) =	vadd.scan.msk.f32 $0xffff, v9  }
0x107: {  	v6 =	vadd.f32 v24, v6;
	(xrf2) =	vadd.scan.msk.f32 $0xffff, v8  }
0x108: {  	v5 =	vadd.f32 v36, v5;
	(xrf2) =	vadd.scan.msk.f32 $0xffff, v7  }
0x109: {  	v4 =	vadd.f32 v18, v4;
	(xrf2) =	vadd.scan.msk.f32 $0xffff, v6  }
0x10a: {  	(xrf2) =	vadd.scan.msk.f32 $0xffff, v5  }
0x10b: {  	(xrf2) =	vadd.scan.msk.f32 $0xffff, v4;
	_ =	sdelay $0x2  }
0x10c: {  	v4, _, _ =	vpop (xrf2)  }
0x10d: {  	v5, _, _ =	vpop (xrf2);
	v4 =	vbroadcast v4, $0xF  }
0x10e: {  	v6, _, _ =	vpop (xrf2);
	v5 =	vbroadcast v5, $0xF  }
0x10f: {  	v7, _, _ =	vpop (xrf2);
	[tilespmem:$0x10000] =	vst v4;
	v4 =	vbroadcast v6, $0xF  }
0x110: {  	v6, _, _ =	vpop (xrf2);
	[tilespmem:$0x10080] =	vst v5;
	v5 =	vbroadcast v7, $0xF  }
0x111: {  	v7, _, _ =	vpop (xrf2);
	[tilespmem:$0x10100] =	vst v4;
	v4 =	vbroadcast v6, $0xF  }
0x112: {  	v6, _, _ =	vpop (xrf2);
	[tilespmem:$0x10180] =	vst v5;
	v5 =	vbroadcast v7, $0xF  }
0x113: {  	[tilespmem:$0x10200] =	vst v4;
	v4 =	vbroadcast v6, $0xF;
	v6, _, _ =	vpop (xrf2)  }
0x114: {  	[tilespmem:$0x10280] =	vst v5;
	v5 =	vbroadcast v6, $0xF  }
0x115: {  	[tilespmem:$0x10300] =	vst v4  }
0x116: {  	s12 =	simm.s32 $0x10000;
	s11 =	rddreg [dreg:$0xa];
	[tilespmem:$0x10380] =	vst v5  }
0x117: {  	[spmem:s11] =	stream.linear.scatter [tilespmem:s12], [sflag:$0x11], $0x400, $0x200038;
	[tilespmem:$0x11400] =	vst v63  }
0x118: {  	_ =	swait.ge [sflag:s7], $0x400  }
0x119: {  	[sflag:s7] =	ssyncset.done $0x0  }
0x11a: {  	[sflag:s7] =	ssyncadd.s32 $0xFFFFFC00  }
0x11b: {  	[bflag:$0x0] =	sbarrier.arrive $0xFFFF  }
0x11c: {  	s14 =	simm.s32 $0x10400;
	s13 =	rddreg [dreg:$0xb]  }
0x11d: {  	[tilespmem:s14], [sflag:$0x11] =	stream.linear.gather [spmem:s13], $0xC00, $0x200038;
	[tilespmem:$0x11400] =	vst v63  }
0x11e: {  	_ =	swait.ge [sflag:s7], $0xC00  }
0x11f: {  	[sflag:s7] =	ssyncset.done $0x0  }
0x120: {  	[sflag:s7] =	ssyncadd.s32 $0xFFFFF400  }
0x121: {  	v4 =	vld [tilespmem:$0x10400]  }
0x122: {  	v5 =	vld [tilespmem:$0x10480]  }
0x123: {  	v6 =	vld [tilespmem:$0x10500]  }
0x124: {  	v7 =	vld [tilespmem:$0x10580]  }
0x125: {  	v8 =	vld [tilespmem:$0x10600]  }
0x126: {  	v9 =	vld [tilespmem:$0x10680]  }
0x127: {  	v10 =	vld [tilespmem:$0x10700]  }
0x128: {  	v11 =	vld [tilespmem:$0x10780]  }
0x129: {  	v37 =	vld [tilespmem:$0x10800]  }
0x12a: {  	v38 =	vld [tilespmem:$0x10880]  }
0x12b: {  	v39 =	vld [tilespmem:$0x10900]  }
0x12c: {  	v40 =	vld [tilespmem:$0x10980]  }
0x12d: {  	v42 =	vld [tilespmem:$0x10A80];
	v4 =	vmul.f32 v4, v0;
	v5 =	vmul.f32 v5, v0  }
0x12e: {  	v44 =	vld [tilespmem:$0x10B80];
	v6 =	vmul.f32 v6, v0;
	v7 =	vmul.f32 v7, v0  }
0x12f: {  	v45 =	vld [tilespmem:$0x10C00];
	v8 =	vmul.f32 v8, v0;
	v9 =	vmul.f32 v9, v0  }
0x130: {  	v46 =	vld [tilespmem:$0x10C80];
	v12 =	vmul.f32 v37, v1;
	v13 =	vmul.f32 v38, v1  }
0x131: {  	v41 =	vld [tilespmem:$0x10A00];
	v10 =	vmul.f32 v10, v0;
	v48 =	vmul.f32 v39, v1  }
0x132: {  	v49 =	vld [tilespmem:$0x10D80];
	v11 =	vmul.f32 v11, v0;
	v50 =	vmul.f32 v40, v1  }
0x133: {  	v43 =	vld [tilespmem:$0x10B00];
	v53 =	vmul.f32 v42, v1;
	v55 =	vmul.f32 v44, v1  }
0x134: {  	v52 =	vld [tilespmem:$0x10E80];
	v57 =	vmul.f32 v45, v2;
	v4 =	vadd.f32 $-1.000000000e+00, v4;
	v6 =	vadd.f32 $-1.000000000e+00, v6  }
0x135: {  	v47 =	vld [tilespmem:$0x10D00];
	v58 =	vmul.f32 v46, v2;
	v5 =	vadd.f32 $-1.000000000e+00, v5;
	v8 =	vadd.f32 $-1.000000000e+00, v8  }
0x136: {  	v56 =	vld [tilespmem:$0x10F80];
	v4 =	vadd.f32 v12, v4;
	v12 =	vadd.f32 v48, v6;
	v6 =	vmul.f32 v41, v1  }
0x137: {  	v51 =	vld [tilespmem:$0x10E00];
	v60 =	vmul.f32 v49, v2;
	v7 =	vadd.f32 $-1.000000000e+00, v7;
	v9 =	vadd.f32 $-1.000000000e+00, v9  }
0x138: {  	v54 =	vld [tilespmem:$0x10F00];
	v10 =	vadd.f32 $-1.000000000e+00, v10;
	v8 =	vadd.f32 v6, v8;
	v6 =	vmul.f32 v43, v1  }
0x139: {  	v61 =	vmul.f32 v52, v2;
	v11 =	vadd.f32 $-1.000000000e+00, v11;
	v5 =	vadd.f32 v13, v5  }
0x13a: {  	v7 =	vadd.f32 v50, v7;
	v59 =	vadd.f32 v6, v10;
	v10 =	vmul.f32 v47, v2  }
0x13b: {  	v63 =	vmul.f32 v56, v2;
	v9 =	vadd.f32 v53, v9;
	v11 =	vadd.f32 v55, v11  }
0x13c: {  	v6 =	vadd.f32 v58, v5;
	v5 =	vadd.f32 v10, v12;
	v10 =	vmul.f32 v51, v2  }
0x13d: {  	v62 =	vmul.f32 v54, v2;
	v4 =	vadd.f32 v57, v4;
	v7 =	vadd.f32 v60, v7  }
0x13e: {  	_ =	strace $0x90000049;
	v11 =	vadd.f32 v63, v11;
	v10 =	vadd.f32 v10, v8  }
0x13f: {  	s10 =	simm.s32 $0x0;
	s11 =	simm.s32 $0x0;
	_ =	strace $0x8000004A;
	v8 =	vadd.f32 v61, v9;
	v9 =	vadd.f32 v62, v59  }
.LBB2_18:
0x140: {  	s12 =	sand.u32 $0x70, s11;
	s13 =	sand.u32 $0x1C00, s10  }
0x141: {  	s12 =	sor.u32 s12, s13  }
0x142: {  	v12 =	vld [tilespmem:s12+$0x0]  }
0x143: {  	v13 =	vld [tilespmem:s12+$0x80]  }
0x144: {  	v14 =	vld [tilespmem:s12+$0x100]  }
0x145: {  	v15 =	vld [tilespmem:s12+$0x180]  }
0x146: {  	v16 =	vld [tilespmem:s12+$0x200]  }
0x147: {  	v54 =	vld [tilespmem:s12+$0x280];
	(xrf2) =	vadd.scan.msk.f32 $0xffff, v12  }
0x148: {  	v55 =	vld [tilespmem:s12+$0x300];
	(xrf2) =	vadd.scan.msk.f32 $0xffff, v13  }
0x149: {  	(xrf2) =	vadd.scan.msk.f32 $0xffff, v14  }
0x14a: {  	(xrf2) =	vadd.scan.msk.f32 $0xffff, v15  }
0x14b: {  	(xrf2) =	vadd.scan.msk.f32 $0xffff, v16  }
0x14c: {  	(xrf2) =	vadd.scan.msk.f32 $0xffff, v54  }
0x14d: {  	(xrf2) =	vadd.scan.msk.f32 $0xffff, v55;
	_ =	sdelay $0x3  }
0x14e: {  	v56, _, _ =	vpop (xrf2)  }
0x14f: {  	v57, _, _ =	vpop (xrf2);
	v4 =	vadd.f32 v56, v4  }
0x150: {  	v58, _, _ =	vpop (xrf2);
	v6 =	vadd.f32 v57, v6  }
0x151: {  	v59, _, _ =	vpop (xrf2);
	[tilespmem:s12+$0x0] =	vst v4;
	v5 =	vadd.f32 v58, v5  }
0x152: {  	v60, _, _ =	vpop (xrf2);
	[tilespmem:s12+$0x80] =	vst v6;
	v7 =	vadd.f32 v59, v7  }
0x153: {  	v61, _, _ =	vpop (xrf2);
	v10 =	vadd.f32 v60, v10;
	[tilespmem:s12+$0x100] =	vst v5  }
0x154: {  	[tilespmem:s12+$0x180] =	vst v7;
	v8 =	vadd.f32 v61, v8;
	v62, _, _ =	vpop (xrf2)  }
0x155: {  	[tilespmem:s12+$0x200] =	vst v10;
	v9 =	vadd.f32 v62, v9  }
0x156: {  	s14 =	sor.u32 s10, s11;
	[tilespmem:s12+$0x280] =	vst v8  }
0x157: {  	s14 =	sor.u32 $0x380, s14;
	[tilespmem:s12+$0x300] =	vst v9  }
0x158: {  	v63 =	vld [tilespmem:s14+$0x0];
	_ =	sdelay $0x4  }
0x159: {  	(xrf2) =	vadd.scan.msk.f32 $0xffff, v63;
	_ =	sdelay $0x7  }
0x15a: {  	p0 =	sne.s32 s11, $0x3F0  }
.Ltmp8:
0x15b: {  	_ = 	snop;
	(pc) =	sbr.rel @p0 .LBB2_18-.Ltmp8, $4  }
0x15c: {  	v4 =	vperm.xlane v4, v3;
	v6 =	vperm.xlane v6, v3;
	v12, _, _ =	vpop (xrf2)  }
0x15d: {  	v5 =	vperm.xlane v5, v3;
	v7 =	vperm.xlane v7, v3;
	v11 =	vadd.f32 v12, v11  }
0x15e: {  	v10 =	vperm.xlane v10, v3;
	v8 =	vperm.xlane v8, v3  }
0x15f: {  	s10 =	sadd.s32 $0x80, s10;
	s11 =	sadd.s32 $0x10, s11;
	v9 =	vperm.xlane v9, v3;
	[tilespmem:s14+$0x0] =	vst v11;
	v11 =	vperm.xlane v11, v3  }
0x160: {  	s11 =	simm.s32 $0x0;
	s10 =	rddreg [dreg:$0xe]  }
0x161: {  	[hbm4b:s10+s11] =	stream.linear.scatter [tilespmem:s11], [sflag:$0x9], $0x2000, $0x200038;
	[tilespmem:$0x11400] =	vst v63  }
0x162: {  	s14 =	sand.u32 $0x70, s11;
	s12 =	sand.u32 $0x1C00, s11  }
0x163: {  	s10 =	sor.u32 s14, s12  }
0x164: {  	v12 =	vld [tilespmem:s10+$0x2380];
	_ =	sdelay $0x4  }
0x165: {  	(xrf2) =	vadd.scan.msk.f32 $0xffff, v12;
	v12 =	vld [tilespmem:s10+$0x2200];
	_ =	sdelay $0x2  }
0x166: {  	v13 =	vld [tilespmem:s10+$0x2300];
	_ =	sdelay $0x1  }
0x167: {  	(xrf2) =	vadd.scan.msk.f32 $0xffff, v12  }
0x168: {  	v14 =	vld [tilespmem:s10+$0x2180];
	_ =	sdelay $0x1  }
0x169: {  	v15 =	vld [tilespmem:s10+$0x2080];
	(xrf2) =	vadd.scan.msk.f32 $0xffff, v13;
	_ =	sdelay $0x2  }
0x16a: {  	(xrf2) =	vadd.scan.msk.f32 $0xffff, v14  }
0x16b: {  	v13 =	vld [tilespmem:s10+$0x2280];
	v14, _, _ =	vpop (xrf2)  }
0x16c: {  	s12 =	simm.s32 $0x10;
	v12 =	vld [tilespmem:s10+$0x2100];
	(xrf2) =	vadd.scan.msk.f32 $0xffff, v15;
	v11 =	vadd.f32 v14, v11  }
.LBB2_20:
0x16d: {  	p0 =	sne.s32 s12, $0x3F0  }
0x16e: {  	s11 =	sadd.s32 $0x80, s11;
	v14, _, _ =	vpop (xrf2);
	s13 =	smov.u32 s12;
	s12 =	sadd.s32 $0x10, s12  }
0x16f: {  	_ = 	snop  }
0x170: {  	[tilespmem:s10+$0x2380] =	vst v11;
	(xrf2) =	vadd.scan.msk.f32 $0xffff, v13  }
0x171: {  	v16 =	vadd.f32 v14, v10;
	v13 =	vld [tilespmem:s10+$0x2000];
	v10, _, _ =	vpop (xrf2)  }
0x172: {  	s13 =	sand.u32 $0x70, s13;
	s14 =	sand.u32 $0x1C00, s11;
	v11 =	vperm.xlane v11, v3;
	v15 =	vadd.f32 v10, v9  }
0x173: {  	s13 =	sor.u32 s13, s14;
	v10 =	vperm.xlane v16, v3;
	(xrf2) =	vadd.scan.msk.f32 $0xffff, v12  }
0x174: {  	v12 =	vld [tilespmem:s13+$0x2380];
	[tilespmem:s10+$0x2200] =	vst v16;
	v9 =	vperm.xlane v15, v3;
	v14, _, _ =	vpop (xrf2)  }
0x175: {  	v16 =	vld [tilespmem:s13+$0x2200];
	[tilespmem:s10+$0x2300] =	vst v15  }
0x176: {  	v7 =	vadd.f32 v14, v7;
	(xrf2) =	vadd.scan.msk.f32 $0xffff, v13  }
0x177: {  	v13, _, _ =	vpop (xrf2)  }
0x178: {  	[tilespmem:s10+$0x2180] =	vst v7;
	v7 =	vperm.xlane v7, v3  }
0x179: {  	v14 =	vld [tilespmem:s13+$0x2180];
	(xrf2) =	vadd.scan.msk.f32 $0xffff, v12  }
0x17a: {  	v12 =	vld [tilespmem:s13+$0x2300];
	v15, _, _ =	vpop (xrf2);
	_ =	sdelay $0x1  }
0x17b: {  	v6 =	vadd.f32 v13, v6;
	(xrf2) =	vadd.scan.msk.f32 $0xffff, v16  }
0x17c: {  	v8 =	vadd.f32 v15, v8;
	v13, _, _ =	vpop (xrf2)  }
0x17d: {  	[tilespmem:s10+$0x2080] =	vst v6;
	v6 =	vperm.xlane v6, v3  }
0x17e: {  	v5 =	vadd.f32 v13, v5;
	v15 =	vld [tilespmem:s13+$0x2080];
	(xrf2) =	vadd.scan.msk.f32 $0xffff, v12;
	[tilespmem:s10+$0x2280] =	vst v8;
	v8 =	vperm.xlane v8, v3  }
0x17f: {  	v12, _, _ =	vpop (xrf2)  }
.Ltmp9:
0x180: {  	v4 =	vadd.f32 v12, v4;
	[tilespmem:s10+$0x2100] =	vst v5;
	v5 =	vperm.xlane v5, v3;
	(pc) =	sbr.rel @p0 .LBB2_20-.Ltmp9, $4  }
0x181: {  	v13 =	vld [tilespmem:s13+$0x2280];
	(xrf2) =	vadd.scan.msk.f32 $0xffff, v14  }
0x182: {  	v14, _, _ =	vpop (xrf2);
	[tilespmem:s10+$0x2000] =	vst v4;
	v4 =	vperm.xlane v4, v3;
	s10 =	smov.u32 s13  }
0x183: {  	v12 =	vld [tilespmem:s10+$0x2100];
	v11 =	vadd.f32 v14, v11  }
0x184: {  	(xrf2) =	vadd.scan.msk.f32 $0xffff, v15  }
0x185: {  	v14 =	vld [tilespmem:s10+$0x2000];
	_ =	sdelay $0x2  }
0x186: {  	(xrf2) =	vadd.scan.msk.f32 $0xffff, v13  }
0x187: {  	(xrf2) =	vadd.scan.msk.f32 $0xffff, v12  }
0x188: {  	(xrf2) =	vadd.scan.msk.f32 $0xffff, v14;
	_ =	sdelay $0x3  }
0x189: {  	v12, _, _ =	vpop (xrf2)  }
0x18a: {  	v13, _, _ =	vpop (xrf2);
	v10 =	vadd.f32 v12, v10  }
0x18b: {  	[tilespmem:s10+$0x2380] =	vst v11;
	v13 =	vadd.f32 v13, v9;
	v12, _, _ =	vpop (xrf2)  }
0x18c: {  	[tilespmem:s10+$0x2200] =	vst v10;
	v7 =	vadd.f32 v12, v7;
	v9, _, _ =	vpop (xrf2)  }
0x18d: {  	[tilespmem:s10+$0x2300] =	vst v13;
	v14 =	vadd.f32 v9, v6;
	v12, _, _ =	vpop (xrf2)  }
0x18e: {  	[tilespmem:s10+$0x2180] =	vst v7;
	v8 =	vadd.f32 v12, v8;
	v6, _, _ =	vpop (xrf2)  }
0x18f: {  	[tilespmem:s10+$0x2080] =	vst v14;
	v5 =	vadd.f32 v6, v5;
	v6, _, _ =	vpop (xrf2)  }
0x190: {  	s11 =	simm.s32 $0x0;
	[tilespmem:s10+$0x2280] =	vst v8;
	v15 =	vadd.f32 v6, v4  }
0x191: {  	s14 =	sand.u32 $0x70, s11;
	s12 =	sand.u32 $0x1C00, s11;
	[tilespmem:s10+$0x2100] =	vst v5  }
0x192: {  	s13 =	rddreg [dreg:$0xf];
	[tilespmem:s10+$0x2000] =	vst v15;
	s10 =	sor.u32 s14, s12  }
0x193: {  	[hbm4b:s13+s11] =	stream.linear.scatter [tilespmem:s15], [sflag:$0xA], $0x2000, $0x200038;
	[tilespmem:$0x11400] =	vst v63  }
0x194: {  	v4 =	vld [tilespmem:s10+$0x4380];
	_ =	sdelay $0x4  }
0x195: {  	(xrf2) =	vadd.scan.msk.f32 $0xffff, v4;
	v4 =	vld [tilespmem:s10+$0x4200];
	_ =	sdelay $0x2  }
0x196: {  	v12 =	vld [tilespmem:s10+$0x4300];
	_ =	sdelay $0x1  }
0x197: {  	(xrf2) =	vadd.scan.msk.f32 $0xffff, v4  }
0x198: {  	v16 =	vld [tilespmem:s10+$0x4180];
	_ =	sdelay $0x1  }
0x199: {  	v17 =	vld [tilespmem:s10+$0x4080];
	(xrf2) =	vadd.scan.msk.f32 $0xffff, v12;
	_ =	sdelay $0x1  }
0x19a: {  	v11 =	vperm.xlane v11, v3;
	v9 =	vperm.xlane v10, v3  }
0x19b: {  	v10 =	vperm.xlane v13, v3;
	v8 =	vperm.xlane v8, v3;
	(xrf2) =	vadd.scan.msk.f32 $0xffff, v16  }
0x19c: {  	v6 =	vperm.xlane v7, v3;
	v4 =	vperm.xlane v14, v3;
	v12 =	vld [tilespmem:s10+$0x4280];
	v14, _, _ =	vpop (xrf2)  }
0x19d: {  	v7 =	vperm.xlane v5, v3;
	v5 =	vperm.xlane v15, v3;
	s12 =	simm.s32 $0x10;
	v13 =	vld [tilespmem:s10+$0x4100];
	(xrf2) =	vadd.scan.msk.f32 $0xffff, v17;
	v11 =	vadd.f32 v14, v11  }
.LBB2_22:
0x19e: {  	p0 =	sne.s32 s12, $0x3F0  }
0x19f: {  	s11 =	sadd.s32 $0x80, s11;
	v14, _, _ =	vpop (xrf2);
	s13 =	smov.u32 s12;
	s12 =	sadd.s32 $0x10, s12  }
0x1a0: {  	_ = 	snop  }
0x1a1: {  	[tilespmem:s10+$0x4380] =	vst v11;
	(xrf2) =	vadd.scan.msk.f32 $0xffff, v12  }
0x1a2: {  	v16 =	vadd.f32 v14, v9;
	v12 =	vld [tilespmem:s10+$0x4000];
	v9, _, _ =	vpop (xrf2)  }
0x1a3: {  	s13 =	sand.u32 $0x70, s13;
	s14 =	sand.u32 $0x1C00, s11;
	v11 =	vperm.xlane v11, v3;
	v15 =	vadd.f32 v9, v10  }
0x1a4: {  	s13 =	sor.u32 s13, s14;
	v9 =	vperm.xlane v16, v3;
	(xrf2) =	vadd.scan.msk.f32 $0xffff, v13  }
0x1a5: {  	v13 =	vld [tilespmem:s13+$0x4380];
	[tilespmem:s10+$0x4200] =	vst v16;
	v10 =	vperm.xlane v15, v3;
	v14, _, _ =	vpop (xrf2)  }
0x1a6: {  	v16 =	vld [tilespmem:s13+$0x4200];
	[tilespmem:s10+$0x4300] =	vst v15  }
0x1a7: {  	v6 =	vadd.f32 v14, v6;
	(xrf2) =	vadd.scan.msk.f32 $0xffff, v12  }
0x1a8: {  	v12, _, _ =	vpop (xrf2)  }
0x1a9: {  	[tilespmem:s10+$0x4180] =	vst v6;
	v6 =	vperm.xlane v6, v3  }
0x1aa: {  	v14 =	vld [tilespmem:s13+$0x4180];
	(xrf2) =	vadd.scan.msk.f32 $0xffff, v13  }
0x1ab: {  	v13 =	vld [tilespmem:s13+$0x4300];
	v15, _, _ =	vpop (xrf2);
	_ =	sdelay $0x1  }
0x1ac: {  	v4 =	vadd.f32 v12, v4;
	(xrf2) =	vadd.scan.msk.f32 $0xffff, v16  }
0x1ad: {  	v8 =	vadd.f32 v15, v8;
	v12, _, _ =	vpop (xrf2)  }
0x1ae: {  	[tilespmem:s10+$0x4080] =	vst v4;
	v4 =	vperm.xlane v4, v3  }
0x1af: {  	v7 =	vadd.f32 v12, v7;
	v15 =	vld [tilespmem:s13+$0x4080];
	(xrf2) =	vadd.scan.msk.f32 $0xffff, v13;
	[tilespmem:s10+$0x4280] =	vst v8;
	v8 =	vperm.xlane v8, v3  }
0x1b0: {  	v12, _, _ =	vpop (xrf2)  }
.Ltmp10:
0x1b1: {  	v5 =	vadd.f32 v12, v5;
	[tilespmem:s10+$0x4100] =	vst v7;
	v7 =	vperm.xlane v7, v3;
	(pc) =	sbr.rel @p0 .LBB2_22-.Ltmp10, $4  }
0x1b2: {  	v12 =	vld [tilespmem:s13+$0x4280];
	(xrf2) =	vadd.scan.msk.f32 $0xffff, v14  }
0x1b3: {  	v14, _, _ =	vpop (xrf2);
	[tilespmem:s10+$0x4000] =	vst v5;
	v5 =	vperm.xlane v5, v3;
	s10 =	smov.u32 s13  }
0x1b4: {  	v13 =	vld [tilespmem:s10+$0x4100];
	v11 =	vadd.f32 v14, v11  }
0x1b5: {  	(xrf2) =	vadd.scan.msk.f32 $0xffff, v15  }
0x1b6: {  	v14 =	vld [tilespmem:s10+$0x4000];
	_ =	sdelay $0x2  }
0x1b7: {  	(xrf2) =	vadd.scan.msk.f32 $0xffff, v12  }
0x1b8: {  	(xrf2) =	vadd.scan.msk.f32 $0xffff, v13  }
0x1b9: {  	(xrf2) =	vadd.scan.msk.f32 $0xffff, v14;
	_ =	sdelay $0x3  }
0x1ba: {  	v12, _, _ =	vpop (xrf2)  }
0x1bb: {  	v9 =	vadd.f32 v12, v9;
	v13, _, _ =	vpop (xrf2)  }
0x1bc: {  	[tilespmem:s10+$0x4380] =	vst v11;
	v10 =	vadd.f32 v13, v10;
	v12, _, _ =	vpop (xrf2)  }
0x1bd: {  	[tilespmem:s10+$0x4200] =	vst v9;
	v6 =	vadd.f32 v12, v6;
	v12, _, _ =	vpop (xrf2)  }
0x1be: {  	[tilespmem:s10+$0x4300] =	vst v10;
	v4 =	vadd.f32 v12, v4;
	v13, _, _ =	vpop (xrf2)  }
0x1bf: {  	[tilespmem:s10+$0x4180] =	vst v6;
	v8 =	vadd.f32 v13, v8;
	v12, _, _ =	vpop (xrf2)  }
0x1c0: {  	[tilespmem:s10+$0x4080] =	vst v4;
	v7 =	vadd.f32 v12, v7;
	v12, _, _ =	vpop (xrf2)  }
0x1c1: {  	[tilespmem:s10+$0x4280] =	vst v8;
	v5 =	vadd.f32 v12, v5  }
0x1c2: {  	[tilespmem:s10+$0x4100] =	vst v7  }
0x1c3: {  	s11 =	simm.s32 $0x0;
	s14 =	rddreg [dreg:$0x10];
	s12 =	simm.s32 $0x4000;
	[tilespmem:s10+$0x4000] =	vst v5  }
0x1c4: {  	[hbm4b:s14+s11] =	stream.linear.scatter [tilespmem:s12], [sflag:$0xB], $0x2000, $0x200038;
	[tilespmem:$0x11400] =	vst v63  }
0x1c5: {  	s13 =	sand.u32 $0x70, s11;
	s14 =	sand.u32 $0x1C00, s11  }
0x1c6: {  	s10 =	sor.u32 s13, s14  }
0x1c7: {  	v12 =	vld [tilespmem:s10+$0x6380];
	_ =	sdelay $0x4  }
0x1c8: {  	(xrf2) =	vadd.scan.msk.f32 $0xffff, v12;
	v12 =	vld [tilespmem:s10+$0x6200];
	_ =	sdelay $0x2  }
0x1c9: {  	v13 =	vld [tilespmem:s10+$0x6300];
	_ =	sdelay $0x1  }
0x1ca: {  	(xrf2) =	vadd.scan.msk.f32 $0xffff, v12  }
0x1cb: {  	v14 =	vld [tilespmem:s10+$0x6180];
	_ =	sdelay $0x1  }
0x1cc: {  	v15 =	vld [tilespmem:s10+$0x6080];
	(xrf2) =	vadd.scan.msk.f32 $0xffff, v13;
	_ =	sdelay $0x1  }
0x1cd: {  	v11 =	vperm.xlane v11, v3;
	v9 =	vperm.xlane v9, v3  }
0x1ce: {  	v10 =	vperm.xlane v10, v3;
	v6 =	vperm.xlane v6, v3;
	(xrf2) =	vadd.scan.msk.f32 $0xffff, v14  }
0x1cf: {  	v4 =	vperm.xlane v4, v3;
	v8 =	vperm.xlane v8, v3;
	v12 =	vld [tilespmem:s10+$0x6280];
	v14, _, _ =	vpop (xrf2)  }
0x1d0: {  	v7 =	vperm.xlane v7, v3;
	v5 =	vperm.xlane v5, v3;
	s12 =	simm.s32 $0x10;
	v13 =	vld [tilespmem:s10+$0x6100];
	(xrf2) =	vadd.scan.msk.f32 $0xffff, v15;
	v11 =	vadd.f32 v14, v11  }
.LBB2_24:
0x1d1: {  	p0 =	sne.s32 s12, $0x3F0  }
0x1d2: {  	s11 =	sadd.s32 $0x80, s11;
	v14, _, _ =	vpop (xrf2);
	s13 =	smov.u32 s12;
	s12 =	sadd.s32 $0x10, s12  }
0x1d3: {  	_ = 	snop  }
0x1d4: {  	[tilespmem:s10+$0x6380] =	vst v11;
	(xrf2) =	vadd.scan.msk.f32 $0xffff, v12  }
0x1d5: {  	v16 =	vadd.f32 v14, v9;
	v12 =	vld [tilespmem:s10+$0x6000];
	v9, _, _ =	vpop (xrf2)  }
0x1d6: {  	s13 =	sand.u32 $0x70, s13;
	s14 =	sand.u32 $0x1C00, s11;
	v11 =	vperm.xlane v11, v3;
	v15 =	vadd.f32 v9, v10  }
0x1d7: {  	s13 =	sor.u32 s13, s14;
	v9 =	vperm.xlane v16, v3;
	(xrf2) =	vadd.scan.msk.f32 $0xffff, v13  }
0x1d8: {  	v13 =	vld [tilespmem:s13+$0x6380];
	[tilespmem:s10+$0x6200] =	vst v16;
	v10 =	vperm.xlane v15, v3;
	v14, _, _ =	vpop (xrf2)  }
0x1d9: {  	v16 =	vld [tilespmem:s13+$0x6200];
	[tilespmem:s10+$0x6300] =	vst v15  }
0x1da: {  	v6 =	vadd.f32 v14, v6;
	(xrf2) =	vadd.scan.msk.f32 $0xffff, v12  }
0x1db: {  	v12, _, _ =	vpop (xrf2)  }
0x1dc: {  	[tilespmem:s10+$0x6180] =	vst v6;
	v6 =	vperm.xlane v6, v3  }
0x1dd: {  	v14 =	vld [tilespmem:s13+$0x6180];
	(xrf2) =	vadd.scan.msk.f32 $0xffff, v13  }
0x1de: {  	v13 =	vld [tilespmem:s13+$0x6300];
	v15, _, _ =	vpop (xrf2);
	_ =	sdelay $0x1  }
0x1df: {  	v4 =	vadd.f32 v12, v4;
	(xrf2) =	vadd.scan.msk.f32 $0xffff, v16  }
0x1e0: {  	v8 =	vadd.f32 v15, v8;
	v12, _, _ =	vpop (xrf2)  }
0x1e1: {  	[tilespmem:s10+$0x6080] =	vst v4;
	v4 =	vperm.xlane v4, v3  }
0x1e2: {  	v7 =	vadd.f32 v12, v7;
	v15 =	vld [tilespmem:s13+$0x6080];
	(xrf2) =	vadd.scan.msk.f32 $0xffff, v13;
	[tilespmem:s10+$0x6280] =	vst v8;
	v8 =	vperm.xlane v8, v3  }
0x1e3: {  	v12, _, _ =	vpop (xrf2)  }
.Ltmp11:
0x1e4: {  	v5 =	vadd.f32 v12, v5;
	[tilespmem:s10+$0x6100] =	vst v7;
	v7 =	vperm.xlane v7, v3;
	(pc) =	sbr.rel @p0 .LBB2_24-.Ltmp11, $4  }
0x1e5: {  	v12 =	vld [tilespmem:s13+$0x6280];
	(xrf2) =	vadd.scan.msk.f32 $0xffff, v14  }
0x1e6: {  	v14, _, _ =	vpop (xrf2);
	[tilespmem:s10+$0x6000] =	vst v5;
	v5 =	vperm.xlane v5, v3;
	s10 =	smov.u32 s13  }
0x1e7: {  	v13 =	vld [tilespmem:s10+$0x6100];
	v11 =	vadd.f32 v14, v11  }
0x1e8: {  	(xrf2) =	vadd.scan.msk.f32 $0xffff, v15  }
0x1e9: {  	v14 =	vld [tilespmem:s10+$0x6000];
	_ =	sdelay $0x2  }
0x1ea: {  	(xrf2) =	vadd.scan.msk.f32 $0xffff, v12  }
0x1eb: {  	(xrf2) =	vadd.scan.msk.f32 $0xffff, v13  }
0x1ec: {  	(xrf2) =	vadd.scan.msk.f32 $0xffff, v14;
	_ =	sdelay $0x3  }
0x1ed: {  	v12, _, _ =	vpop (xrf2)  }
0x1ee: {  	v9 =	vadd.f32 v12, v9;
	v13, _, _ =	vpop (xrf2)  }
0x1ef: {  	[tilespmem:s10+$0x6380] =	vst v11;
	v10 =	vadd.f32 v13, v10;
	v12, _, _ =	vpop (xrf2)  }
0x1f0: {  	[tilespmem:s10+$0x6200] =	vst v9;
	v6 =	vadd.f32 v12, v6;
	v12, _, _ =	vpop (xrf2)  }
0x1f1: {  	[tilespmem:s10+$0x6300] =	vst v10;
	v4 =	vadd.f32 v12, v4;
	v13, _, _ =	vpop (xrf2)  }
0x1f2: {  	[tilespmem:s10+$0x6180] =	vst v6;
	v8 =	vadd.f32 v13, v8;
	v12, _, _ =	vpop (xrf2)  }
0x1f3: {  	[tilespmem:s10+$0x6080] =	vst v4;
	v7 =	vadd.f32 v12, v7;
	v12, _, _ =	vpop (xrf2)  }
0x1f4: {  	s11 =	simm.s32 $0x0;
	[tilespmem:s10+$0x6280] =	vst v8;
	v5 =	vadd.f32 v12, v5  }
0x1f5: {  	s14 =	sand.u32 $0x70, s11;
	s12 =	sand.u32 $0x1C00, s11;
	[tilespmem:s10+$0x6100] =	vst v7  }
0x1f6: {  	s13 =	simm.s32 $0x6000;
	[tilespmem:s10+$0x6000] =	vst v5;
	s10 =	sor.u32 s14, s12  }
0x1f7: {  	[hbm4b:s16+s11] =	stream.linear.scatter [tilespmem:s13], [sflag:$0xC], $0x2000, $0x200038;
	[tilespmem:$0x11400] =	vst v63  }
0x1f8: {  	v12 =	vld [tilespmem:s10+$0x8380];
	_ =	sdelay $0x4  }
0x1f9: {  	(xrf2) =	vadd.scan.msk.f32 $0xffff, v12;
	v12 =	vld [tilespmem:s10+$0x8200];
	_ =	sdelay $0x2  }
0x1fa: {  	v13 =	vld [tilespmem:s10+$0x8300];
	_ =	sdelay $0x1  }
0x1fb: {  	(xrf2) =	vadd.scan.msk.f32 $0xffff, v12  }
0x1fc: {  	v14 =	vld [tilespmem:s10+$0x8180];
	_ =	sdelay $0x1  }
0x1fd: {  	v15 =	vld [tilespmem:s10+$0x8080];
	(xrf2) =	vadd.scan.msk.f32 $0xffff, v13;
	_ =	sdelay $0x1  }
0x1fe: {  	v11 =	vperm.xlane v11, v3;
	v9 =	vperm.xlane v9, v3  }
0x1ff: {  	v10 =	vperm.xlane v10, v3;
	v6 =	vperm.xlane v6, v3;
	(xrf2) =	vadd.scan.msk.f32 $0xffff, v14  }
0x200: {  	v4 =	vperm.xlane v4, v3;
	v8 =	vperm.xlane v8, v3;
	v12 =	vld [tilespmem:s10+$0x8280];
	v14, _, _ =	vpop (xrf2)  }
0x201: {  	v7 =	vperm.xlane v7, v3;
	v5 =	vperm.xlane v5, v3;
	s12 =	simm.s32 $0x10;
	v13 =	vld [tilespmem:s10+$0x8100];
	(xrf2) =	vadd.scan.msk.f32 $0xffff, v15;
	v11 =	vadd.f32 v14, v11  }
.LBB2_26:
0x202: {  	p0 =	sne.s32 s12, $0x3F0  }
0x203: {  	s11 =	sadd.s32 $0x80, s11;
	v14, _, _ =	vpop (xrf2);
	s13 =	smov.u32 s12;
	s12 =	sadd.s32 $0x10, s12  }
0x204: {  	_ = 	snop  }
0x205: {  	[tilespmem:s10+$0x8380] =	vst v11;
	(xrf2) =	vadd.scan.msk.f32 $0xffff, v12  }
0x206: {  	v16 =	vadd.f32 v14, v9;
	v12 =	vld [tilespmem:s10+$0x8000];
	v9, _, _ =	vpop (xrf2)  }
0x207: {  	s13 =	sand.u32 $0x70, s13;
	s14 =	sand.u32 $0x1C00, s11;
	v11 =	vperm.xlane v11, v3;
	v15 =	vadd.f32 v9, v10  }
0x208: {  	s13 =	sor.u32 s13, s14;
	v9 =	vperm.xlane v16, v3;
	(xrf2) =	vadd.scan.msk.f32 $0xffff, v13  }
0x209: {  	v13 =	vld [tilespmem:s13+$0x8380];
	[tilespmem:s10+$0x8200] =	vst v16;
	v10 =	vperm.xlane v15, v3;
	v14, _, _ =	vpop (xrf2)  }
0x20a: {  	v16 =	vld [tilespmem:s13+$0x8200];
	[tilespmem:s10+$0x8300] =	vst v15  }
0x20b: {  	v6 =	vadd.f32 v14, v6;
	(xrf2) =	vadd.scan.msk.f32 $0xffff, v12  }
0x20c: {  	v12, _, _ =	vpop (xrf2)  }
0x20d: {  	[tilespmem:s10+$0x8180] =	vst v6;
	v6 =	vperm.xlane v6, v3  }
0x20e: {  	v14 =	vld [tilespmem:s13+$0x8180];
	(xrf2) =	vadd.scan.msk.f32 $0xffff, v13  }
0x20f: {  	v13 =	vld [tilespmem:s13+$0x8300];
	v15, _, _ =	vpop (xrf2);
	_ =	sdelay $0x1  }
0x210: {  	v4 =	vadd.f32 v12, v4;
	(xrf2) =	vadd.scan.msk.f32 $0xffff, v16  }
0x211: {  	v8 =	vadd.f32 v15, v8;
	v12, _, _ =	vpop (xrf2)  }
0x212: {  	[tilespmem:s10+$0x8080] =	vst v4;
	v4 =	vperm.xlane v4, v3  }
0x213: {  	v7 =	vadd.f32 v12, v7;
	v15 =	vld [tilespmem:s13+$0x8080];
	(xrf2) =	vadd.scan.msk.f32 $0xffff, v13;
	[tilespmem:s10+$0x8280] =	vst v8;
	v8 =	vperm.xlane v8, v3  }
0x214: {  	v12, _, _ =	vpop (xrf2)  }
.Ltmp12:
0x215: {  	v5 =	vadd.f32 v12, v5;
	[tilespmem:s10+$0x8100] =	vst v7;
	v7 =	vperm.xlane v7, v3;
	(pc) =	sbr.rel @p0 .LBB2_26-.Ltmp12, $4  }
0x216: {  	v12 =	vld [tilespmem:s13+$0x8280];
	(xrf2) =	vadd.scan.msk.f32 $0xffff, v14  }
0x217: {  	v14, _, _ =	vpop (xrf2);
	[tilespmem:s10+$0x8000] =	vst v5;
	v5 =	vperm.xlane v5, v3;
	s10 =	smov.u32 s13  }
0x218: {  	v13 =	vld [tilespmem:s10+$0x8100];
	v11 =	vadd.f32 v14, v11  }
0x219: {  	(xrf2) =	vadd.scan.msk.f32 $0xffff, v15  }
0x21a: {  	v14 =	vld [tilespmem:s10+$0x8000];
	_ =	sdelay $0x2  }
0x21b: {  	(xrf2) =	vadd.scan.msk.f32 $0xffff, v12  }
0x21c: {  	(xrf2) =	vadd.scan.msk.f32 $0xffff, v13  }
0x21d: {  	(xrf2) =	vadd.scan.msk.f32 $0xffff, v14;
	_ =	sdelay $0x3  }
0x21e: {  	v12, _, _ =	vpop (xrf2)  }
0x21f: {  	v9 =	vadd.f32 v12, v9;
	v13, _, _ =	vpop (xrf2)  }
0x220: {  	[tilespmem:s10+$0x8380] =	vst v11;
	v10 =	vadd.f32 v13, v10;
	v12, _, _ =	vpop (xrf2)  }
0x221: {  	[tilespmem:s10+$0x8200] =	vst v9;
	v6 =	vadd.f32 v12, v6;
	v12, _, _ =	vpop (xrf2)  }
0x222: {  	[tilespmem:s10+$0x8300] =	vst v10;
	v4 =	vadd.f32 v12, v4;
	v13, _, _ =	vpop (xrf2)  }
0x223: {  	[tilespmem:s10+$0x8180] =	vst v6;
	v8 =	vadd.f32 v13, v8;
	v12, _, _ =	vpop (xrf2)  }
0x224: {  	[tilespmem:s10+$0x8080] =	vst v4;
	v7 =	vadd.f32 v12, v7;
	v12, _, _ =	vpop (xrf2)  }
0x225: {  	s11 =	simm.s32 $0x0;
	[tilespmem:s10+$0x8280] =	vst v8;
	v5 =	vadd.f32 v12, v5  }
0x226: {  	s14 =	sand.u32 $0x70, s11;
	s12 =	sand.u32 $0x1C00, s11;
	[tilespmem:s10+$0x8100] =	vst v7  }
0x227: {  	s13 =	simm.s32 $0x8000;
	[tilespmem:s10+$0x8000] =	vst v5;
	s10 =	sor.u32 s14, s12  }
0x228: {  	[hbm4b:s17+s11] =	stream.linear.scatter [tilespmem:s13], [sflag:$0xD], $0x2000, $0x200038;
	[tilespmem:$0x11400] =	vst v63  }
0x229: {  	v12 =	vld [tilespmem:s10+$0xA380];
	_ =	sdelay $0x4  }
0x22a: {  	(xrf2) =	vadd.scan.msk.f32 $0xffff, v12;
	v12 =	vld [tilespmem:s10+$0xA200];
	_ =	sdelay $0x2  }
0x22b: {  	v13 =	vld [tilespmem:s10+$0xA300];
	_ =	sdelay $0x1  }
0x22c: {  	(xrf2) =	vadd.scan.msk.f32 $0xffff, v12  }
0x22d: {  	v14 =	vld [tilespmem:s10+$0xA180];
	_ =	sdelay $0x1  }
0x22e: {  	v15 =	vld [tilespmem:s10+$0xA080];
	(xrf2) =	vadd.scan.msk.f32 $0xffff, v13;
	_ =	sdelay $0x1  }
0x22f: {  	v11 =	vperm.xlane v11, v3;
	v9 =	vperm.xlane v9, v3  }
0x230: {  	v10 =	vperm.xlane v10, v3;
	v6 =	vperm.xlane v6, v3;
	(xrf2) =	vadd.scan.msk.f32 $0xffff, v14  }
0x231: {  	v4 =	vperm.xlane v4, v3;
	v8 =	vperm.xlane v8, v3;
	v12 =	vld [tilespmem:s10+$0xA280];
	v14, _, _ =	vpop (xrf2)  }
0x232: {  	v7 =	vperm.xlane v7, v3;
	v5 =	vperm.xlane v5, v3;
	s12 =	simm.s32 $0x10;
	v13 =	vld [tilespmem:s10+$0xA100];
	(xrf2) =	vadd.scan.msk.f32 $0xffff, v15;
	v11 =	vadd.f32 v14, v11  }
.LBB2_28:
0x233: {  	p0 =	sne.s32 s12, $0x3F0  }
0x234: {  	s11 =	sadd.s32 $0x80, s11;
	v14, _, _ =	vpop (xrf2);
	s13 =	smov.u32 s12;
	s12 =	sadd.s32 $0x10, s12  }
0x235: {  	_ = 	snop  }
0x236: {  	[tilespmem:s10+$0xA380] =	vst v11;
	(xrf2) =	vadd.scan.msk.f32 $0xffff, v12  }
0x237: {  	v16 =	vadd.f32 v14, v9;
	v12 =	vld [tilespmem:s10+$0xA000];
	v9, _, _ =	vpop (xrf2)  }
0x238: {  	s13 =	sand.u32 $0x70, s13;
	s14 =	sand.u32 $0x1C00, s11;
	v11 =	vperm.xlane v11, v3;
	v15 =	vadd.f32 v9, v10  }
0x239: {  	s13 =	sor.u32 s13, s14;
	v9 =	vperm.xlane v16, v3;
	(xrf2) =	vadd.scan.msk.f32 $0xffff, v13  }
0x23a: {  	v13 =	vld [tilespmem:s13+$0xA380];
	[tilespmem:s10+$0xA200] =	vst v16;
	v10 =	vperm.xlane v15, v3;
	v14, _, _ =	vpop (xrf2)  }
0x23b: {  	v16 =	vld [tilespmem:s13+$0xA200];
	[tilespmem:s10+$0xA300] =	vst v15  }
0x23c: {  	v6 =	vadd.f32 v14, v6;
	(xrf2) =	vadd.scan.msk.f32 $0xffff, v12  }
0x23d: {  	v12, _, _ =	vpop (xrf2)  }
0x23e: {  	[tilespmem:s10+$0xA180] =	vst v6;
	v6 =	vperm.xlane v6, v3  }
0x23f: {  	v14 =	vld [tilespmem:s13+$0xA180];
	(xrf2) =	vadd.scan.msk.f32 $0xffff, v13  }
0x240: {  	v13 =	vld [tilespmem:s13+$0xA300];
	v15, _, _ =	vpop (xrf2);
	_ =	sdelay $0x1  }
0x241: {  	v4 =	vadd.f32 v12, v4;
	(xrf2) =	vadd.scan.msk.f32 $0xffff, v16  }
0x242: {  	v8 =	vadd.f32 v15, v8;
	v12, _, _ =	vpop (xrf2)  }
0x243: {  	[tilespmem:s10+$0xA080] =	vst v4;
	v4 =	vperm.xlane v4, v3  }
0x244: {  	v7 =	vadd.f32 v12, v7;
	v15 =	vld [tilespmem:s13+$0xA080];
	(xrf2) =	vadd.scan.msk.f32 $0xffff, v13;
	[tilespmem:s10+$0xA280] =	vst v8;
	v8 =	vperm.xlane v8, v3  }
0x245: {  	v12, _, _ =	vpop (xrf2)  }
.Ltmp13:
0x246: {  	v5 =	vadd.f32 v12, v5;
	[tilespmem:s10+$0xA100] =	vst v7;
	v7 =	vperm.xlane v7, v3;
	(pc) =	sbr.rel @p0 .LBB2_28-.Ltmp13, $4  }
0x247: {  	v12 =	vld [tilespmem:s13+$0xA280];
	(xrf2) =	vadd.scan.msk.f32 $0xffff, v14  }
0x248: {  	v14, _, _ =	vpop (xrf2);
	[tilespmem:s10+$0xA000] =	vst v5;
	v5 =	vperm.xlane v5, v3;
	s10 =	smov.u32 s13  }
0x249: {  	v13 =	vld [tilespmem:s10+$0xA100];
	v11 =	vadd.f32 v14, v11  }
0x24a: {  	(xrf2) =	vadd.scan.msk.f32 $0xffff, v15  }
0x24b: {  	v14 =	vld [tilespmem:s10+$0xA000];
	_ =	sdelay $0x2  }
0x24c: {  	(xrf2) =	vadd.scan.msk.f32 $0xffff, v12  }
0x24d: {  	(xrf2) =	vadd.scan.msk.f32 $0xffff, v13  }
0x24e: {  	(xrf2) =	vadd.scan.msk.f32 $0xffff, v14;
	_ =	sdelay $0x3  }
0x24f: {  	v12, _, _ =	vpop (xrf2)  }
0x250: {  	v9 =	vadd.f32 v12, v9;
	v13, _, _ =	vpop (xrf2)  }
0x251: {  	[tilespmem:s10+$0xA380] =	vst v11;
	v10 =	vadd.f32 v13, v10;
	v12, _, _ =	vpop (xrf2)  }
0x252: {  	[tilespmem:s10+$0xA200] =	vst v9;
	v6 =	vadd.f32 v12, v6;
	v12, _, _ =	vpop (xrf2)  }
0x253: {  	[tilespmem:s10+$0xA300] =	vst v10;
	v4 =	vadd.f32 v12, v4;
	v13, _, _ =	vpop (xrf2)  }
0x254: {  	[tilespmem:s10+$0xA180] =	vst v6;
	v8 =	vadd.f32 v13, v8;
	v12, _, _ =	vpop (xrf2)  }
0x255: {  	[tilespmem:s10+$0xA080] =	vst v4;
	v7 =	vadd.f32 v12, v7;
	v12, _, _ =	vpop (xrf2)  }
0x256: {  	s11 =	simm.s32 $0x0;
	[tilespmem:s10+$0xA280] =	vst v8;
	v5 =	vadd.f32 v12, v5  }
0x257: {  	s14 =	sand.u32 $0x70, s11;
	s12 =	sand.u32 $0x1C00, s11;
	[tilespmem:s10+$0xA100] =	vst v7  }
0x258: {  	s13 =	simm.s32 $0xA000;
	[tilespmem:s10+$0xA000] =	vst v5;
	s10 =	sor.u32 s14, s12  }
0x259: {  	[hbm4b:s18+s11] =	stream.linear.scatter [tilespmem:s13], [sflag:$0xE], $0x2000, $0x200038;
	[tilespmem:$0x11400] =	vst v63  }
0x25a: {  	v12 =	vld [tilespmem:s10+$0xC380];
	_ =	sdelay $0x4  }
0x25b: {  	(xrf2) =	vadd.scan.msk.f32 $0xffff, v12;
	v12 =	vld [tilespmem:s10+$0xC200];
	_ =	sdelay $0x2  }
0x25c: {  	v13 =	vld [tilespmem:s10+$0xC300];
	_ =	sdelay $0x1  }
0x25d: {  	(xrf2) =	vadd.scan.msk.f32 $0xffff, v12  }
0x25e: {  	v14 =	vld [tilespmem:s10+$0xC180];
	_ =	sdelay $0x1  }
0x25f: {  	v15 =	vld [tilespmem:s10+$0xC080];
	(xrf2) =	vadd.scan.msk.f32 $0xffff, v13;
	_ =	sdelay $0x1  }
0x260: {  	v11 =	vperm.xlane v11, v3;
	v9 =	vperm.xlane v9, v3  }
0x261: {  	v10 =	vperm.xlane v10, v3;
	v6 =	vperm.xlane v6, v3;
	(xrf2) =	vadd.scan.msk.f32 $0xffff, v14  }
0x262: {  	v4 =	vperm.xlane v4, v3;
	v8 =	vperm.xlane v8, v3;
	v12 =	vld [tilespmem:s10+$0xC280];
	v14, _, _ =	vpop (xrf2)  }
0x263: {  	v7 =	vperm.xlane v7, v3;
	v5 =	vperm.xlane v5, v3;
	s12 =	simm.s32 $0x10;
	v13 =	vld [tilespmem:s10+$0xC100];
	(xrf2) =	vadd.scan.msk.f32 $0xffff, v15;
	v11 =	vadd.f32 v14, v11  }
.LBB2_30:
0x264: {  	p0 =	sne.s32 s12, $0x3F0  }
0x265: {  	s11 =	sadd.s32 $0x80, s11;
	v14, _, _ =	vpop (xrf2);
	s13 =	smov.u32 s12;
	s12 =	sadd.s32 $0x10, s12  }
0x266: {  	_ = 	snop  }
0x267: {  	[tilespmem:s10+$0xC380] =	vst v11;
	(xrf2) =	vadd.scan.msk.f32 $0xffff, v12  }
0x268: {  	v16 =	vadd.f32 v14, v9;
	v12 =	vld [tilespmem:s10+$0xC000];
	v9, _, _ =	vpop (xrf2)  }
0x269: {  	s13 =	sand.u32 $0x70, s13;
	s14 =	sand.u32 $0x1C00, s11;
	v11 =	vperm.xlane v11, v3;
	v15 =	vadd.f32 v9, v10  }
0x26a: {  	s13 =	sor.u32 s13, s14;
	v9 =	vperm.xlane v16, v3;
	(xrf2) =	vadd.scan.msk.f32 $0xffff, v13  }
0x26b: {  	v13 =	vld [tilespmem:s13+$0xC380];
	[tilespmem:s10+$0xC200] =	vst v16;
	v10 =	vperm.xlane v15, v3;
	v14, _, _ =	vpop (xrf2)  }
0x26c: {  	v16 =	vld [tilespmem:s13+$0xC200];
	[tilespmem:s10+$0xC300] =	vst v15  }
0x26d: {  	v6 =	vadd.f32 v14, v6;
	(xrf2) =	vadd.scan.msk.f32 $0xffff, v12  }
0x26e: {  	v12, _, _ =	vpop (xrf2)  }
0x26f: {  	[tilespmem:s10+$0xC180] =	vst v6;
	v6 =	vperm.xlane v6, v3  }
0x270: {  	v14 =	vld [tilespmem:s13+$0xC180];
	(xrf2) =	vadd.scan.msk.f32 $0xffff, v13  }
0x271: {  	v13 =	vld [tilespmem:s13+$0xC300];
	v15, _, _ =	vpop (xrf2);
	_ =	sdelay $0x1  }
0x272: {  	v4 =	vadd.f32 v12, v4;
	(xrf2) =	vadd.scan.msk.f32 $0xffff, v16  }
0x273: {  	v8 =	vadd.f32 v15, v8;
	v12, _, _ =	vpop (xrf2)  }
0x274: {  	[tilespmem:s10+$0xC080] =	vst v4;
	v4 =	vperm.xlane v4, v3  }
0x275: {  	v7 =	vadd.f32 v12, v7;
	v15 =	vld [tilespmem:s13+$0xC080];
	(xrf2) =	vadd.scan.msk.f32 $0xffff, v13;
	[tilespmem:s10+$0xC280] =	vst v8;
	v8 =	vperm.xlane v8, v3  }
0x276: {  	v12, _, _ =	vpop (xrf2)  }
.Ltmp14:
0x277: {  	v5 =	vadd.f32 v12, v5;
	[tilespmem:s10+$0xC100] =	vst v7;
	v7 =	vperm.xlane v7, v3;
	(pc) =	sbr.rel @p0 .LBB2_30-.Ltmp14, $4  }
0x278: {  	v12 =	vld [tilespmem:s13+$0xC280];
	(xrf2) =	vadd.scan.msk.f32 $0xffff, v14  }
0x279: {  	v14, _, _ =	vpop (xrf2);
	[tilespmem:s10+$0xC000] =	vst v5;
	v5 =	vperm.xlane v5, v3;
	s10 =	smov.u32 s13  }
0x27a: {  	v13 =	vld [tilespmem:s10+$0xC100];
	v11 =	vadd.f32 v14, v11  }
0x27b: {  	(xrf2) =	vadd.scan.msk.f32 $0xffff, v15  }
0x27c: {  	v14 =	vld [tilespmem:s10+$0xC000];
	_ =	sdelay $0x2  }
0x27d: {  	(xrf2) =	vadd.scan.msk.f32 $0xffff, v12  }
0x27e: {  	(xrf2) =	vadd.scan.msk.f32 $0xffff, v13  }
0x27f: {  	(xrf2) =	vadd.scan.msk.f32 $0xffff, v14;
	_ =	sdelay $0x3  }
0x280: {  	v12, _, _ =	vpop (xrf2)  }
0x281: {  	v9 =	vadd.f32 v12, v9;
	v13, _, _ =	vpop (xrf2)  }
0x282: {  	[tilespmem:s10+$0xC380] =	vst v11;
	v10 =	vadd.f32 v13, v10;
	v12, _, _ =	vpop (xrf2)  }
0x283: {  	[tilespmem:s10+$0xC200] =	vst v9;
	v6 =	vadd.f32 v12, v6;
	v12, _, _ =	vpop (xrf2)  }
0x284: {  	[tilespmem:s10+$0xC300] =	vst v10;
	v4 =	vadd.f32 v12, v4;
	v13, _, _ =	vpop (xrf2)  }
0x285: {  	[tilespmem:s10+$0xC180] =	vst v6;
	v8 =	vadd.f32 v13, v8;
	v12, _, _ =	vpop (xrf2)  }
0x286: {  	[tilespmem:s10+$0xC080] =	vst v4;
	v7 =	vadd.f32 v12, v7;
	v12, _, _ =	vpop (xrf2)  }
0x287: {  	s11 =	simm.s32 $0x0;
	[tilespmem:s10+$0xC280] =	vst v8;
	v5 =	vadd.f32 v12, v5  }
0x288: {  	s14 =	sand.u32 $0x70, s11;
	s12 =	sand.u32 $0x1C00, s11;
	[tilespmem:s10+$0xC100] =	vst v7  }
0x289: {  	s13 =	simm.s32 $0xC000;
	[tilespmem:s10+$0xC000] =	vst v5;
	s10 =	sor.u32 s14, s12  }
0x28a: {  	[hbm4b:s19+s11] =	stream.linear.scatter [tilespmem:s13], [sflag:$0xF], $0x2000, $0x200038;
	[tilespmem:$0x11400] =	vst v63  }
0x28b: {  	v12 =	vld [tilespmem:s10+$0xE380];
	_ =	sdelay $0x4  }
0x28c: {  	(xrf2) =	vadd.scan.msk.f32 $0xffff, v12;
	v12 =	vld [tilespmem:s10+$0xE200];
	_ =	sdelay $0x2  }
0x28d: {  	v13 =	vld [tilespmem:s10+$0xE300];
	_ =	sdelay $0x1  }
0x28e: {  	(xrf2) =	vadd.scan.msk.f32 $0xffff, v12  }
0x28f: {  	v14 =	vld [tilespmem:s10+$0xE180];
	_ =	sdelay $0x1  }
0x290: {  	v15 =	vld [tilespmem:s10+$0xE080];
	(xrf2) =	vadd.scan.msk.f32 $0xffff, v13;
	_ =	sdelay $0x1  }
0x291: {  	v16 =	vperm.xlane v11, v3;
	v9 =	vperm.xlane v9, v3  }
0x292: {  	v10 =	vperm.xlane v10, v3;
	v6 =	vperm.xlane v6, v3;
	(xrf2) =	vadd.scan.msk.f32 $0xffff, v14  }
0x293: {  	v4 =	vperm.xlane v4, v3;
	v8 =	vperm.xlane v8, v3;
	v11 =	vld [tilespmem:s10+$0xE280];
	v13, _, _ =	vpop (xrf2)  }
0x294: {  	v7 =	vperm.xlane v7, v3;
	v5 =	vperm.xlane v5, v3;
	s12 =	simm.s32 $0x10;
	v12 =	vld [tilespmem:s10+$0xE100];
	(xrf2) =	vadd.scan.msk.f32 $0xffff, v15;
	v13 =	vadd.f32 v13, v16  }
.LBB2_32:
0x295: {  	p0 =	sne.s32 s12, $0x3F0  }
0x296: {  	s11 =	sadd.s32 $0x80, s11;
	v14, _, _ =	vpop (xrf2);
	s13 =	smov.u32 s12;
	s12 =	sadd.s32 $0x10, s12  }
0x297: {  	_ = 	snop  }
0x298: {  	[tilespmem:s10+$0xE380] =	vst v13;
	(xrf2) =	vadd.scan.msk.f32 $0xffff, v11  }
0x299: {  	v16 =	vadd.f32 v14, v9;
	v11 =	vld [tilespmem:s10+$0xE000];
	v9, _, _ =	vpop (xrf2)  }
0x29a: {  	s13 =	sand.u32 $0x70, s13;
	s14 =	sand.u32 $0x1C00, s11;
	v13 =	vperm.xlane v13, v3;
	v15 =	vadd.f32 v9, v10  }
0x29b: {  	s13 =	sor.u32 s13, s14;
	v9 =	vperm.xlane v16, v3;
	(xrf2) =	vadd.scan.msk.f32 $0xffff, v12  }
0x29c: {  	v12 =	vld [tilespmem:s13+$0xE380];
	[tilespmem:s10+$0xE200] =	vst v16;
	v10 =	vperm.xlane v15, v3;
	v14, _, _ =	vpop (xrf2)  }
0x29d: {  	v16 =	vld [tilespmem:s13+$0xE200];
	[tilespmem:s10+$0xE300] =	vst v15  }
0x29e: {  	v6 =	vadd.f32 v14, v6;
	(xrf2) =	vadd.scan.msk.f32 $0xffff, v11  }
0x29f: {  	v11, _, _ =	vpop (xrf2)  }
0x2a0: {  	[tilespmem:s10+$0xE180] =	vst v6;
	v6 =	vperm.xlane v6, v3  }
0x2a1: {  	v14 =	vld [tilespmem:s13+$0xE180];
	(xrf2) =	vadd.scan.msk.f32 $0xffff, v12  }
0x2a2: {  	v12 =	vld [tilespmem:s13+$0xE300];
	v15, _, _ =	vpop (xrf2);
	_ =	sdelay $0x1  }
0x2a3: {  	v4 =	vadd.f32 v11, v4;
	(xrf2) =	vadd.scan.msk.f32 $0xffff, v16  }
0x2a4: {  	v8 =	vadd.f32 v15, v8;
	v11, _, _ =	vpop (xrf2)  }
0x2a5: {  	[tilespmem:s10+$0xE080] =	vst v4;
	v4 =	vperm.xlane v4, v3  }
0x2a6: {  	v7 =	vadd.f32 v11, v7;
	v15 =	vld [tilespmem:s13+$0xE080];
	(xrf2) =	vadd.scan.msk.f32 $0xffff, v12;
	[tilespmem:s10+$0xE280] =	vst v8;
	v8 =	vperm.xlane v8, v3  }
0x2a7: {  	v11, _, _ =	vpop (xrf2)  }
.Ltmp15:
0x2a8: {  	v5 =	vadd.f32 v11, v5;
	[tilespmem:s10+$0xE100] =	vst v7;
	v7 =	vperm.xlane v7, v3;
	(pc) =	sbr.rel @p0 .LBB2_32-.Ltmp15, $4  }
0x2a9: {  	v11 =	vld [tilespmem:s13+$0xE280];
	(xrf2) =	vadd.scan.msk.f32 $0xffff, v14  }
0x2aa: {  	v14, _, _ =	vpop (xrf2);
	[tilespmem:s10+$0xE000] =	vst v5;
	v5 =	vperm.xlane v5, v3;
	s10 =	smov.u32 s13  }
0x2ab: {  	v12 =	vld [tilespmem:s10+$0xE100];
	v13 =	vadd.f32 v14, v13  }
0x2ac: {  	(xrf2) =	vadd.scan.msk.f32 $0xffff, v15  }
0x2ad: {  	v55 =	vld [tilespmem:s10+$0xE000];
	_ =	sdelay $0x2  }
0x2ae: {  	(xrf2) =	vadd.scan.msk.f32 $0xffff, v11  }
0x2af: {  	(xrf2) =	vadd.scan.msk.f32 $0xffff, v12  }
0x2b0: {  	(xrf2) =	vadd.scan.msk.f32 $0xffff, v55;
	_ =	sdelay $0x3  }
0x2b1: {  	v56, _, _ =	vpop (xrf2)  }
0x2b2: {  	v9 =	vadd.f32 v56, v9;
	v57, _, _ =	vpop (xrf2)  }
0x2b3: {  	[tilespmem:s10+$0xE380] =	vst v13;
	v10 =	vadd.f32 v57, v10;
	v58, _, _ =	vpop (xrf2)  }
0x2b4: {  	[tilespmem:s10+$0xE200] =	vst v9;
	v6 =	vadd.f32 v58, v6;
	v59, _, _ =	vpop (xrf2)  }
0x2b5: {  	[tilespmem:s10+$0xE300] =	vst v10;
	v4 =	vadd.f32 v59, v4;
	v60, _, _ =	vpop (xrf2)  }
0x2b6: {  	[tilespmem:s10+$0xE180] =	vst v6;
	v61 =	vadd.f32 v60, v8;
	v62, _, _ =	vpop (xrf2)  }
0x2b7: {  	[tilespmem:s10+$0xE080] =	vst v4;
	v4 =	vadd.f32 v62, v7;
	v63, _, _ =	vpop (xrf2)  }
0x2b8: {  	[tilespmem:s10+$0xE280] =	vst v61;
	v5 =	vadd.f32 v63, v5  }
0x2b9: {  	[tilespmem:s10+$0xE100] =	vst v4  }
0x2ba: {  	s12 =	simm.s32 $0xE000;
	[tilespmem:s10+$0xE000] =	vst v5  }
0x2bb: {  	[hbm4b:s20+s2] =	stream.linear.scatter [tilespmem:s12], [sflag:$0x10], $0x2000, $0x200038;
	[tilespmem:$0x11400] =	vst v63  }
0x2bc: {  	_ =	strace $0x9000004A  }
0x2bd: {  	_ =	strace $0x8000004B  }
0x2be: {  	_ =	swait.ge [sflag:s22], $0x2000  }
0x2bf: {  	[sflag:s22] =	ssyncset.done $0x0  }
0x2c0: {  	[sflag:s22] =	ssyncadd.s32 $0xFFFFE000  }
0x2c1: {  	_ =	swait.ge [sflag:s23], $0x2000  }
0x2c2: {  	[sflag:s23] =	ssyncset.done $0x0  }
0x2c3: {  	[sflag:s23] =	ssyncadd.s32 $0xFFFFE000  }
0x2c4: {  	_ =	swait.ge [sflag:s8], $0x2000  }
0x2c5: {  	[sflag:s8] =	ssyncset.done $0x0  }
0x2c6: {  	[sflag:s8] =	ssyncadd.s32 $0xFFFFE000  }
0x2c7: {  	_ =	swait.ge [sflag:s24], $0x2000  }
0x2c8: {  	[sflag:s24] =	ssyncset.done $0x0  }
0x2c9: {  	[sflag:s24] =	ssyncadd.s32 $0xFFFFE000  }
0x2ca: {  	_ =	swait.ge [sflag:s25], $0x2000  }
0x2cb: {  	[sflag:s25] =	ssyncset.done $0x0  }
0x2cc: {  	[sflag:s25] =	ssyncadd.s32 $0xFFFFE000  }
0x2cd: {  	_ =	swait.ge [sflag:s26], $0x2000  }
0x2ce: {  	[sflag:s26] =	ssyncset.done $0x0  }
0x2cf: {  	[sflag:s26] =	ssyncadd.s32 $0xFFFFE000  }
0x2d0: {  	s29 =	sadd.s32 $0x1, s29;
	_ =	swait.ge [sflag:s28], $0x2000  }
0x2d1: {  	p0 =	sne.s32 s29, s21;
	[sflag:s28] =	ssyncset.done $0x0  }
.Ltmp16:
0x2d2: {  	[sflag:s28] =	ssyncadd.s32 $0xFFFFE000;
	(pc) =	sbr.rel @p0 .LBB2_1-.Ltmp16, $4  }
0x2d3: {  	_ =	swait.ge [sflag:s9], $0x2000  }
0x2d4: {  	[sflag:s9] =	ssyncset.done $0x0  }
0x2d5: {  	[sflag:s9] =	ssyncadd.s32 $0xFFFFE000  }
0x2d6: {  	_ =	strace $0x9000004B  }
0x2d7: {  	_ =	sfence.sel $0x180000  }
0x2d8: {  	[bflag:$0x0] =	sbarrier.arrive $0xFFFF  }
0x2d9: {  	_ =	strace $0x90000047  }
0x2da: {  	s0 =	stileid.u32;
	[bflag:$0x2] =	sbarrier.arrive $0xFFFF  }
0x2db: {  	p0 =	sne.s32 s0, $0x0;
	s0 =	rddreg [dreg:$0x3]  }
0x2dc: {  	s0 =	sadd.s32 @!p0 $0x100000, s0  }
0x2dd: {  	[sflag:s0] =	ssyncadd.tile.s32 @!p0 $0x1;
	_ =	shalt  }
.Lfunc_end2:
_tile_overlayer_lowered:
.L_overlay_start_2:
0x2de: {  	(tag) =	ssettag $0x2  }
0x2df: {  	s0 =	rddreg [dreg:$0x0];
	s2 =	stileid.u32  }
0x2e0: {  	s1 =	rddreg [dreg:$0x1];
	p0 =	sne.s32 s2, $0x0  }
0x2e1: {  	s3 =	rddreg [dreg:$0x2];
	[bflag:$0x3] =	sbarrier.arrive $0xFFFF;
	s2 =	simm.s32 @!p0 $0x1C11  }
0x2e2: {  	[timem:s3], [sflag:s2] =	dma.local @!p0 [hbm:s0], s1  }
0x2e3: {  	s0 =	simm.s32 @!p0 $0x11  }
0x2e4: {  	_ =	swait.ge @!p0 [sflag:s0], s1  }
0x2e5: {  	s1 =	ssub.s32 @!p0 $0x0, s1;
	[sflag:s0] =	ssyncset.done @!p0 $0x0  }
0x2e6: {  	[sflag:s0] =	ssyncadd.s32 @!p0 s1  }
0x2e7: {  	[bflag:$0x3] =	sbarrier.arrive $0xFFFF  }
0x2e8: {  	_ =	shalt  }

</sc_bundles>
